<compile_context>
chip_gen: v7x
topology: tpu7x:2x2x1
jax: 0.10.2.dev20260603
libtpu: 0.0.44.dev20260713+nightly
codegen_flags: <defaults>
</compile_context>

<pallas_src>
import jax
import jax.numpy as jnp
from jax import lax
from jax.experimental import pallas as pl
from jax.experimental.pallas import tpu as pltpu
from jax.experimental.pallas import tpu_sc as plsc

N_NODES = 10000
D = 128
E = 320000
NC = 2
NS = 16
NW = NC * NS
EPW = E // NW
B = 80
NCHUNK = EPW // B
NJ = D // 16
ROWBLK = 2000


def _pack_words(lo, hi):
    l16 = lax.bitcast_convert_type(lo.astype(jnp.bfloat16), jnp.uint16).astype(jnp.uint32)
    h16 = lax.bitcast_convert_type(hi.astype(jnp.bfloat16), jnp.uint16).astype(jnp.uint32)
    w32 = lax.bitcast_convert_type(jnp.left_shift(h16, 16) | l16, jnp.float32)
    return jnp.concatenate([w32, w32], axis=1)


def _prescale_body(sa_ref, sb_ref, da_ref, db_ref, wa_ref, wb_ref, os_ref, od_ref):
    os_ref[...] = _pack_words(sa_ref[...] * wa_ref[...], sb_ref[...] * wb_ref[...])
    od_ref[...] = _pack_words(da_ref[...], db_ref[...])


def _prescale(h_src, h_dst, w):
    HD = D // 2
    rb = pl.BlockSpec((ROWBLK, HD), lambda i: (i, 0))
    wb = pl.BlockSpec((1, HD), lambda i: (0, 0))
    ob = pl.BlockSpec((ROWBLK, D), lambda i: (i, 0))
    return pl.pallas_call(
        _prescale_body,
        grid=(N_NODES // ROWBLK,),
        in_specs=[rb, rb, rb, rb, wb, wb],
        out_specs=[ob, ob],
        out_shape=[
            jax.ShapeDtypeStruct((N_NODES, D), jnp.float32),
            jax.ShapeDtypeStruct((N_NODES, D), jnp.float32),
        ],
    )(h_src[:, :HD], h_src[:, HD:], h_dst[:, :HD], h_dst[:, HD:],
      w[:HD].reshape(1, HD), w[HD:].reshape(1, HD))


def _sc_body(hs, hd, isrc, idst, out,
             idxs_v, idxd_v, out_v, s0, t0, s1, t1, m_v, sem0, sem1):
    c = lax.axis_index("c")
    s = lax.axis_index("s")
    wid = s * NC + c
    base = wid * EPW
    pltpu.sync_copy(isrc.at[pl.ds(base, EPW)], idxs_v)
    pltpu.sync_copy(idst.at[pl.ds(base, EPW)], idxd_v)

    def start(i, sb, tb, sem):
        pltpu.async_copy(hs.at[idxs_v.at[pl.ds(i * B, B)]], sb, sem)
        pltpu.async_copy(hd.at[idxd_v.at[pl.ds(i * B, B)]], tb, sem)

    def drain(sb, tb, sem):
        pltpu.make_async_copy(hs.at[idxs_v.at[pl.ds(0, B)]], sb, sem).wait()
        pltpu.make_async_copy(hd.at[idxd_v.at[pl.ds(0, B)]], tb, sem).wait()

    iot16 = lax.iota(jnp.int32, 16) * 16

    def compute(i, sb, tb):
        def group(g, _):
            e0 = g * 16
            accs = []
            for e in range(16):
                r = e0 + e
                parts = []
                for q in range(4):
                    sq = plsc.bitcast(sb[r, pl.ds(q * 16, 16)], jnp.bfloat16)
                    tq = plsc.bitcast(tb[r, pl.ds(q * 16, 16)], jnp.bfloat16)
                    lo, hi = plsc.unpack(sq * tq, format=plsc.PackFormat.INTERLEAVED)
                    parts.append(lo + hi)
                accs.append((parts[0] + parts[1]) + (parts[2] + parts[3]))
            for e in range(16):
                m_v[pl.ds(e * 16, 16)] = accs[e]
            cols = [plsc.load_gather(m_v, [iot16 + l]) for l in range(16)]
            while len(cols) > 1:
                cols = [a + b for a, b in zip(cols[::2], cols[1::2])]
            out_v[pl.dslice(i * B + e0, 16)] = cols[0]
            return 0

        lax.fori_loop(0, B // 16, group, 0)

    start(0, s0, t0, sem0)

    def outer(k, _):
        i0 = 2 * k
        start(i0 + 1, s1, t1, sem1)
        drain(s0, t0, sem0)
        compute(i0, s0, t0)

        @pl.when(i0 + 2 < NCHUNK)
        def _():
            start(i0 + 2, s0, t0, sem0)

        drain(s1, t1, sem1)
        compute(i0 + 1, s1, t1)
        return 0

    lax.fori_loop(0, (NCHUNK - 1) // 2, outer, 0)
    drain(s0, t0, sem0)
    compute(NCHUNK - 1, s0, t0)

    pltpu.sync_copy(out_v, out.at[pl.ds(base, EPW)])


def kernel(h_src, h_dst, edge_label_index, W):
    w = W[0]
    isrc = edge_label_index[0].astype(jnp.int32)
    idst = edge_label_index[1].astype(jnp.int32)
    hsw, hdw = _prescale(h_src, h_dst, w)
    mesh = plsc.VectorSubcoreMesh(
        core_axis_name="c", subcore_axis_name="s", num_cores=NC, num_subcores=NS
    )
    fn = pl.kernel(
        _sc_body,
        out_type=jax.ShapeDtypeStruct((E,), jnp.float32),
        mesh=mesh,
        compiler_params=pltpu.CompilerParams(needs_layout_passes=False),
        scratch_types=[
            pltpu.VMEM((EPW,), jnp.int32),
            pltpu.VMEM((EPW,), jnp.int32),
            pltpu.VMEM((EPW,), jnp.float32),
            pltpu.VMEM((B, D), jnp.float32),
            pltpu.VMEM((B, D), jnp.float32),
            pltpu.VMEM((B, D), jnp.float32),
            pltpu.VMEM((B, D), jnp.float32),
            pltpu.VMEM((256,), jnp.float32),
            pltpu.SemaphoreType.DMA,
            pltpu.SemaphoreType.DMA,
        ],
    )
    return fn(hsw, hdw, isrc, idst)

# --- scband reference (transcript-rebuilt; emitter-appended) ---
"""Pipeline reference for scband-predictor-70626442215719 (READ-ONLY COPY).

The authoritative reference and input builder live on the scoring server;
editing this copy changes nothing except your own understanding.
"""

import jax, jax.numpy as jnp
import numpy as np

N_NODES = 10000
D = 128
E = 320000
N_RELS = 6
REL_IDX = 0


def setup_inputs(seed: int = 0) -> dict:
    key = jax.random.key(seed)
    k1, k2, k3, k4 = jax.random.split(key, 4)
    h_src = jax.random.normal(k1, (N_NODES, D), dtype=jnp.float32)
    h_dst = jax.random.normal(k2, (N_NODES, D), dtype=jnp.float32)
    edge_label_index = jax.random.randint(k3, (2, E), 0, N_NODES, dtype=jnp.int64 if jax.config.jax_enable_x64 else jnp.int32)
    W = jax.random.normal(k4, (N_RELS, D), dtype=jnp.float32)
    return {"h_src": h_src, "h_dst": h_dst, "edge_label_index": edge_label_index, "W": W}


def reference(h_src, h_dst, edge_label_index, W):
    # DistMult-style edge scoring, faithful to Predictor.forward (pretrain branch):
    # gather source / destination node embeddings by edge_label_index,
    # look up relation embedding, elementwise product, sum over feature dim.
    src_h = jnp.take(h_src, edge_label_index[0], axis=0)
    dst_h = jnp.take(h_dst, edge_label_index[1], axis=0)
    rel_emb = W[REL_IDX]
    score = jnp.sum(src_h * rel_emb * dst_h, axis=1)
    return score

if __name__ == "__main__":
    import jax
    _d = setup_inputs()
    print(jax.jit(kernel)(*tuple(_d.values())))

</pallas_src>

<mosaic_0001>
#map = affine_map<(d0, d1) -> (0, 0)>
#map1 = affine_map<(d0, d1) -> (0)>
module attributes {stable_mosaic.version = 14 : i64} {
  func.func @_sc_body(%arg0: i32, %arg1: i32, %arg2: memref<10000x128xf32, #tpu.memory_space<hbm>>, %arg3: memref<10000x128xf32, #tpu.memory_space<hbm>>, %arg4: memref<320000xi32, #tpu.memory_space<hbm>>, %arg5: memref<320000xi32, #tpu.memory_space<hbm>>, %arg6: memref<320000xf32, #tpu.memory_space<hbm>>, %arg7: memref<10000xi32, #tpu.memory_space<vmem>>, %arg8: memref<10000xi32, #tpu.memory_space<vmem>>, %arg9: memref<10000xf32, #tpu.memory_space<vmem>>, %arg10: memref<80x128xf32, #tpu.memory_space<vmem>>, %arg11: memref<80x128xf32, #tpu.memory_space<vmem>>, %arg12: memref<80x128xf32, #tpu.memory_space<vmem>>, %arg13: memref<80x128xf32, #tpu.memory_space<vmem>>, %arg14: memref<256xf32, #tpu.memory_space<vmem>>, %arg15: memref<!tpu.dma_semaphore, #tpu.memory_space<semaphore_mem>>, %arg16: memref<!tpu.dma_semaphore, #tpu.memory_space<semaphore_mem>>) attributes {dimension_semantics = [#tpu.dimension_semantics<core_parallel>, #tpu.dimension_semantics<subcore_parallel>], iteration_bounds = array<i64: 2, 16>, scalar_prefetch = 0 : i64, scratch_operands = 10 : i64, tpu.core_type = #tpu.core_type<sc_vector_subcore>, window_params = [{transform_indices = #map}, {transform_indices = #map}, {transform_indices = #map1}, {transform_indices = #map1}, {transform_indices = #map1}]} {
    %mul3A = arith.constant 2 : i32
    %mul3A_0 = arith.muli %arg1, %mul3A : i32
    %add3A = arith.addi %mul3A_0, %arg0 : i32
    %mul3A_1 = arith.constant 10000 : i32
    %mul3A_2 = arith.muli %add3A, %mul3A_1 : i32
    "tpu.region"() ({
      %run_scoped3A = tpu.sem_alloc : memref<!tpu.dma_semaphore, #tpu.memory_space<semaphore_mem>>
      %dma_start3A_37 = tpu.memref_slice %arg4[%mul3A_2] : memref<320000xi32, #tpu.memory_space<hbm>> -> memref<10000xi32, #tpu.memory_space<hbm>>
      %dma_start3A_38 = tpu.memref_slice %arg4[%mul3A_2] : memref<320000xi32, #tpu.memory_space<hbm>> -> memref<10000xi32, #tpu.memory_space<hbm>>
      tpu.enqueue_dma source(%dma_start3A_38 : memref<10000xi32, #tpu.memory_space<hbm>>) target(%arg7 : memref<10000xi32, #tpu.memory_space<vmem>>) target_semaphore(%run_scoped3A : memref<!tpu.dma_semaphore, #tpu.memory_space<semaphore_mem>>)
      %dma_wait3A_39 = tpu.memref_slice %arg4[%mul3A_2] : memref<320000xi32, #tpu.memory_space<hbm>> -> memref<10000xi32, #tpu.memory_space<hbm>>
      %dma_wait3A_40 = tpu.memref_slice %arg4[%mul3A_2] : memref<320000xi32, #tpu.memory_space<hbm>> -> memref<10000xi32, #tpu.memory_space<hbm>>
      tpu.wait_dma2 semaphore(%run_scoped3A : memref<!tpu.dma_semaphore, #tpu.memory_space<semaphore_mem>>) src(%dma_wait3A_40 : memref<10000xi32, #tpu.memory_space<hbm>>) dst(%arg7 : memref<10000xi32, #tpu.memory_space<vmem>>)
      tpu.yield
    }) : () -> ()
    "tpu.region"() ({
      %run_scoped3A = tpu.sem_alloc : memref<!tpu.dma_semaphore, #tpu.memory_space<semaphore_mem>>
      %dma_start3A_37 = tpu.memref_slice %arg5[%mul3A_2] : memref<320000xi32, #tpu.memory_space<hbm>> -> memref<10000xi32, #tpu.memory_space<hbm>>
      %dma_start3A_38 = tpu.memref_slice %arg5[%mul3A_2] : memref<320000xi32, #tpu.memory_space<hbm>> -> memref<10000xi32, #tpu.memory_space<hbm>>
      tpu.enqueue_dma source(%dma_start3A_38 : memref<10000xi32, #tpu.memory_space<hbm>>) target(%arg8 : memref<10000xi32, #tpu.memory_space<vmem>>) target_semaphore(%run_scoped3A : memref<!tpu.dma_semaphore, #tpu.memory_space<semaphore_mem>>)
      %dma_wait3A_39 = tpu.memref_slice %arg5[%mul3A_2] : memref<320000xi32, #tpu.memory_space<hbm>> -> memref<10000xi32, #tpu.memory_space<hbm>>
      %dma_wait3A_40 = tpu.memref_slice %arg5[%mul3A_2] : memref<320000xi32, #tpu.memory_space<hbm>> -> memref<10000xi32, #tpu.memory_space<hbm>>
      tpu.wait_dma2 semaphore(%run_scoped3A : memref<!tpu.dma_semaphore, #tpu.memory_space<semaphore_mem>>) src(%dma_wait3A_40 : memref<10000xi32, #tpu.memory_space<hbm>>) dst(%arg8 : memref<10000xi32, #tpu.memory_space<vmem>>)
      tpu.yield
    }) : () -> ()
    %iota3A = tpu.iota {dimensions = array<i32: 0>} : vector<16xi32>
    %mul3A_3 = arith.constant 16 : i32
    %mul3A_4 = vector.broadcast %mul3A_3 : i32 to vector<16xi32>
    %mul3A_5 = arith.muli %iota3A, %mul3A_4 : vector<16xi32>
    %dma_start3A = arith.constant 0 : i32
    %dma_start3A_6 = tpu.memref_slice %arg7[%dma_start3A] : memref<10000xi32, #tpu.memory_space<vmem>> -> memref<80xi32, #tpu.memory_space<vmem>>
    %dma_start3A_7 = arith.constant 0 : i32
    %dma_start3A_8 = arith.constant 0 : i32
    %dma_start3A_9 = tpu.memref_slice %arg2[%dma_start3A_7, %dma_start3A_8] : memref<10000x128xf32, #tpu.memory_space<hbm>> -> memref<10000x128xf32, #tpu.memory_space<hbm>>
    tpu.enqueue_indirect_dma source(%dma_start3A_9 : memref<10000x128xf32, #tpu.memory_space<hbm>>) target(%arg10 : memref<80x128xf32, #tpu.memory_space<vmem>>) offsets(%dma_start3A_6 : memref<80xi32, #tpu.memory_space<vmem>>) semaphore(%arg15 : memref<!tpu.dma_semaphore, #tpu.memory_space<semaphore_mem>>)
    %dma_start3A_10 = arith.constant 0 : i32
    %dma_start3A_11 = tpu.memref_slice %arg8[%dma_start3A_10] : memref<10000xi32, #tpu.memory_space<vmem>> -> memref<80xi32, #tpu.memory_space<vmem>>
    %dma_start3A_12 = arith.constant 0 : i32
    %dma_start3A_13 = arith.constant 0 : i32
    %dma_start3A_14 = tpu.memref_slice %arg3[%dma_start3A_12, %dma_start3A_13] : memref<10000x128xf32, #tpu.memory_space<hbm>> -> memref<10000x128xf32, #tpu.memory_space<hbm>>
    tpu.enqueue_indirect_dma source(%dma_start3A_14 : memref<10000x128xf32, #tpu.memory_space<hbm>>) target(%arg11 : memref<80x128xf32, #tpu.memory_space<vmem>>) offsets(%dma_start3A_11 : memref<80xi32, #tpu.memory_space<vmem>>) semaphore(%arg15 : memref<!tpu.dma_semaphore, #tpu.memory_space<semaphore_mem>>)
    %scan3A = arith.constant 0 : i32
    %scan3A_15 = arith.constant 0 : i32
    %scan3A_16 = arith.constant 62 : i32
    %scan3A_17 = arith.addi %scan3A_15, %scan3A_16 : i32
    %scan3A_18 = arith.constant 1 : i32
    %scan3A_19 = scf.for %scan3A_37 = %scan3A_15 to %scan3A_17 step %scan3A_18 iter_args(%scan3A_38 = %scan3A) -> (i32)  : i32 {
      %mul3A_39 = arith.constant 2 : i32
      %mul3A_40 = arith.muli %mul3A_39, %scan3A_37 : i32
      %add3A_41 = arith.constant 1 : i32
      %add3A_42 = arith.addi %mul3A_40, %add3A_41 : i32
      %mul3A_43 = arith.constant 80 : i32
      %mul3A_44 = arith.muli %add3A_42, %mul3A_43 : i32
      %dma_start3A_45 = tpu.memref_slice %arg7[%mul3A_44] : memref<10000xi32, #tpu.memory_space<vmem>> -> memref<80xi32, #tpu.memory_space<vmem>>
      %dma_start3A_46 = arith.constant 0 : i32
      %dma_start3A_47 = arith.constant 0 : i32
      %dma_start3A_48 = tpu.memref_slice %arg2[%dma_start3A_46, %dma_start3A_47] : memref<10000x128xf32, #tpu.memory_space<hbm>> -> memref<10000x128xf32, #tpu.memory_space<hbm>>
      tpu.enqueue_indirect_dma source(%dma_start3A_48 : memref<10000x128xf32, #tpu.memory_space<hbm>>) target(%arg12 : memref<80x128xf32, #tpu.memory_space<vmem>>) offsets(%dma_start3A_45 : memref<80xi32, #tpu.memory_space<vmem>>) semaphore(%arg16 : memref<!tpu.dma_semaphore, #tpu.memory_space<semaphore_mem>>)
      %mul3A_49 = arith.constant 80 : i32
      %mul3A_50 = arith.muli %add3A_42, %mul3A_49 : i32
      %dma_start3A_51 = tpu.memref_slice %arg8[%mul3A_50] : memref<10000xi32, #tpu.memory_space<vmem>> -> memref<80xi32, #tpu.memory_space<vmem>>
      %dma_start3A_52 = arith.constant 0 : i32
      %dma_start3A_53 = arith.constant 0 : i32
      %dma_start3A_54 = tpu.memref_slice %arg3[%dma_start3A_52, %dma_start3A_53] : memref<10000x128xf32, #tpu.memory_space<hbm>> -> memref<10000x128xf32, #tpu.memory_space<hbm>>
      tpu.enqueue_indirect_dma source(%dma_start3A_54 : memref<10000x128xf32, #tpu.memory_space<hbm>>) target(%arg13 : memref<80x128xf32, #tpu.memory_space<vmem>>) offsets(%dma_start3A_51 : memref<80xi32, #tpu.memory_space<vmem>>) semaphore(%arg16 : memref<!tpu.dma_semaphore, #tpu.memory_space<semaphore_mem>>)
      %dma_wait3A_55 = arith.constant 0 : i32
      %dma_wait3A_56 = tpu.memref_slice %arg7[%dma_wait3A_55] : memref<10000xi32, #tpu.memory_space<vmem>> -> memref<80xi32, #tpu.memory_space<vmem>>
      %dma_wait3A_57 = arith.constant 0 : i32
      %dma_wait3A_58 = arith.constant 0 : i32
      %dma_wait3A_59 = tpu.memref_slice %arg2[%dma_wait3A_57, %dma_wait3A_58] : memref<10000x128xf32, #tpu.memory_space<hbm>> -> memref<10000x128xf32, #tpu.memory_space<hbm>>
      tpu.wait_indirect_dma semaphore(%arg15 : memref<!tpu.dma_semaphore, #tpu.memory_space<semaphore_mem>>) src(%dma_wait3A_59 : memref<10000x128xf32, #tpu.memory_space<hbm>>) dst(%arg10 : memref<80x128xf32, #tpu.memory_space<vmem>>)
      %dma_wait3A_60 = arith.constant 0 : i32
      %dma_wait3A_61 = tpu.memref_slice %arg8[%dma_wait3A_60] : memref<10000xi32, #tpu.memory_space<vmem>> -> memref<80xi32, #tpu.memory_space<vmem>>
      %dma_wait3A_62 = arith.constant 0 : i32
      %dma_wait3A_63 = arith.constant 0 : i32
      %dma_wait3A_64 = tpu.memref_slice %arg3[%dma_wait3A_62, %dma_wait3A_63] : memref<10000x128xf32, #tpu.memory_space<hbm>> -> memref<10000x128xf32, #tpu.memory_space<hbm>>
      tpu.wait_indirect_dma semaphore(%arg15 : memref<!tpu.dma_semaphore, #tpu.memory_space<semaphore_mem>>) src(%dma_wait3A_64 : memref<10000x128xf32, #tpu.memory_space<hbm>>) dst(%arg11 : memref<80x128xf32, #tpu.memory_space<vmem>>)
      %scan3A_65 = arith.constant 0 : i32
      %scan3A_66 = arith.constant 0 : i32
      %scan3A_67 = arith.constant 5 : i32
      %scan3A_68 = arith.addi %scan3A_66, %scan3A_67 : i32
      %scan3A_69 = arith.constant 1 : i32
      %scan3A_70 = scf.for %scan3A_96 = %scan3A_66 to %scan3A_68 step %scan3A_69 iter_args(%scan3A_97 = %scan3A_65) -> (i32)  : i32 {
        %mul3A_98 = arith.constant 16 : i32
        %mul3A_99 = arith.muli %scan3A_96, %mul3A_98 : i32
        %add3A_100 = arith.constant 0 : i32
        %add3A_101 = arith.addi %mul3A_99, %add3A_100 : i32
        %get3A = arith.index_cast %add3A_101 : i32 to index
        %get3A_102 = arith.constant 0 : index
        %get3A_103 = tpu.vector_load %arg10[%get3A, %get3A_102] {strides = array<i32>} : memref<80x128xf32, #tpu.memory_space<vmem>>, vector<16xf32>,
        %bitcast3A = vector.bitcast %get3A_103 : vector<16xf32> to vector<32xbf16>
        %get3A_104 = arith.index_cast %add3A_101 : i32 to index
        %get3A_105 = arith.constant 0 : index
        %get3A_106 = tpu.vector_load %arg11[%get3A_104, %get3A_105] {strides = array<i32>} : memref<80x128xf32, #tpu.memory_space<vmem>>, vector<16xf32>,
        %bitcast3A_107 = vector.bitcast %get3A_106 : vector<16xf32> to vector<32xbf16>
        %mul3A_108 = arith.mulf %bitcast3A, %bitcast3A_107 : vector<32xbf16>
        %unpack3A = tpu.unpack_subelements %mul3A_108, 0 {pack_format = #tpu.pack_format<interleaved>} : vector<32xbf16> -> vector<16xf32>
        %unpack3A_109 = tpu.unpack_subelements %mul3A_108, 1 {pack_format = #tpu.pack_format<interleaved>} : vector<32xbf16> -> vector<16xf32>
        %add3A_110 = arith.addf %unpack3A, %unpack3A_109 : vector<16xf32>
        %get3A_111 = arith.index_cast %add3A_101 : i32 to index
        %get3A_112 = arith.constant 16 : index
        %get3A_113 = tpu.vector_load %arg10[%get3A_111, %get3A_112] {strides = array<i32>} : memref<80x128xf32, #tpu.memory_space<vmem>>, vector<16xf32>,
        %bitcast3A_114 = vector.bitcast %get3A_113 : vector<16xf32> to vector<32xbf16>
        %get3A_115 = arith.index_cast %add3A_101 : i32 to index
        %get3A_116 = arith.constant 16 : index
        %get3A_117 = tpu.vector_load %arg11[%get3A_115, %get3A_116] {strides = array<i32>} : memref<80x128xf32, #tpu.memory_space<vmem>>, vector<16xf32>,
        %bitcast3A_118 = vector.bitcast %get3A_117 : vector<16xf32> to vector<32xbf16>
        %mul3A_119 = arith.mulf %bitcast3A_114, %bitcast3A_118 : vector<32xbf16>
        %unpack3A_120 = tpu.unpack_subelements %mul3A_119, 0 {pack_format = #tpu.pack_format<interleaved>} : vector<32xbf16> -> vector<16xf32>
        %unpack3A_121 = tpu.unpack_subelements %mul3A_119, 1 {pack_format = #tpu.pack_format<interleaved>} : vector<32xbf16> -> vector<16xf32>
        %add3A_122 = arith.addf %unpack3A_120, %unpack3A_121 : vector<16xf32>
        %get3A_123 = arith.index_cast %add3A_101 : i32 to index
        %get3A_124 = arith.constant 32 : index
        %get3A_125 = tpu.vector_load %arg10[%get3A_123, %get3A_124] {strides = array<i32>} : memref<80x128xf32, #tpu.memory_space<vmem>>, vector<16xf32>,
        %bitcast3A_126 = vector.bitcast %get3A_125 : vector<16xf32> to vector<32xbf16>
        %get3A_127 = arith.index_cast %add3A_101 : i32 to index
        %get3A_128 = arith.constant 32 : index
        %get3A_129 = tpu.vector_load %arg11[%get3A_127, %get3A_128] {strides = array<i32>} : memref<80x128xf32, #tpu.memory_space<vmem>>, vector<16xf32>,
        %bitcast3A_130 = vector.bitcast %get3A_129 : vector<16xf32> to vector<32xbf16>
        %mul3A_131 = arith.mulf %bitcast3A_126, %bitcast3A_130 : vector<32xbf16>
        %unpack3A_132 = tpu.unpack_subelements %mul3A_131, 0 {pack_format = #tpu.pack_format<interleaved>} : vector<32xbf16> -> vector<16xf32>
        %unpack3A_133 = tpu.unpack_subelements %mul3A_131, 1 {pack_format = #tpu.pack_format<interleaved>} : vector<32xbf16> -> vector<16xf32>
        %add3A_134 = arith.addf %unpack3A_132, %unpack3A_133 : vector<16xf32>
        %get3A_135 = arith.index_cast %add3A_101 : i32 to index
        %get3A_136 = arith.constant 48 : index
        %get3A_137 = tpu.vector_load %arg10[%get3A_135, %get3A_136] {strides = array<i32>} : memref<80x128xf32, #tpu.memory_space<vmem>>, vector<16xf32>,
        %bitcast3A_138 = vector.bitcast %get3A_137 : vector<16xf32> to vector<32xbf16>
        %get3A_139 = arith.index_cast %add3A_101 : i32 to index
        %get3A_140 = arith.constant 48 : index
        %get3A_141 = tpu.vector_load %arg11[%get3A_139, %get3A_140] {strides = array<i32>} : memref<80x128xf32, #tpu.memory_space<vmem>>, vector<16xf32>,
        %bitcast3A_142 = vector.bitcast %get3A_141 : vector<16xf32> to vector<32xbf16>
        %mul3A_143 = arith.mulf %bitcast3A_138, %bitcast3A_142 : vector<32xbf16>
        %unpack3A_144 = tpu.unpack_subelements %mul3A_143, 0 {pack_format = #tpu.pack_format<interleaved>} : vector<32xbf16> -> vector<16xf32>
        %unpack3A_145 = tpu.unpack_subelements %mul3A_143, 1 {pack_format = #tpu.pack_format<interleaved>} : vector<32xbf16> -> vector<16xf32>
        %add3A_146 = arith.addf %unpack3A_144, %unpack3A_145 : vector<16xf32>
        %add3A_147 = arith.addf %add3A_110, %add3A_122 : vector<16xf32>
        %add3A_148 = arith.addf %add3A_134, %add3A_146 : vector<16xf32>
        %add3A_149 = arith.addf %add3A_147, %add3A_148 : vector<16xf32>
        %add3A_150 = arith.constant 1 : i32
        %add3A_151 = arith.addi %mul3A_99, %add3A_150 : i32
        %get3A_152 = arith.index_cast %add3A_151 : i32 to index
        %get3A_153 = arith.constant 0 : index
        %get3A_154 = tpu.vector_load %arg10[%get3A_152, %get3A_153] {strides = array<i32>} : memref<80x128xf32, #tpu.memory_space<vmem>>, vector<16xf32>,
        %bitcast3A_155 = vector.bitcast %get3A_154 : vector<16xf32> to vector<32xbf16>
        %get3A_156 = arith.index_cast %add3A_151 : i32 to index
        %get3A_157 = arith.constant 0 : index
        %get3A_158 = tpu.vector_load %arg11[%get3A_156, %get3A_157] {strides = array<i32>} : memref<80x128xf32, #tpu.memory_space<vmem>>, vector<16xf32>,
        %bitcast3A_159 = vector.bitcast %get3A_158 : vector<16xf32> to vector<32xbf16>
        %mul3A_160 = arith.mulf %bitcast3A_155, %bitcast3A_159 : vector<32xbf16>
        %unpack3A_161 = tpu.unpack_subelements %mul3A_160, 0 {pack_format = #tpu.pack_format<interleaved>} : vector<32xbf16> -> vector<16xf32>
        %unpack3A_162 = tpu.unpack_subelements %mul3A_160, 1 {pack_format = #tpu.pack_format<interleaved>} : vector<32xbf16> -> vector<16xf32>
        %add3A_163 = arith.addf %unpack3A_161, %unpack3A_162 : vector<16xf32>
        %get3A_164 = arith.index_cast %add3A_151 : i32 to index
        %get3A_165 = arith.constant 16 : index
        %get3A_166 = tpu.vector_load %arg10[%get3A_164, %get3A_165] {strides = array<i32>} : memref<80x128xf32, #tpu.memory_space<vmem>>, vector<16xf32>,
        %bitcast3A_167 = vector.bitcast %get3A_166 : vector<16xf32> to vector<32xbf16>
        %get3A_168 = arith.index_cast %add3A_151 : i32 to index
        %get3A_169 = arith.constant 16 : index
        %get3A_170 = tpu.vector_load %arg11[%get3A_168, %get3A_169] {strides = array<i32>} : memref<80x128xf32, #tpu.memory_space<vmem>>, vector<16xf32>,
        %bitcast3A_171 = vector.bitcast %get3A_170 : vector<16xf32> to vector<32xbf16>
        %mul3A_172 = arith.mulf %bitcast3A_167, %bitcast3A_171 : vector<32xbf16>
        %unpack3A_173 = tpu.unpack_subelements %mul3A_172, 0 {pack_format = #tpu.pack_format<interleaved>} : vector<32xbf16> -> vector<16xf32>
        %unpack3A_174 = tpu.unpack_subelements %mul3A_172, 1 {pack_format = #tpu.pack_format<interleaved>} : vector<32xbf16> -> vector<16xf32>
        %add3A_175 = arith.addf %unpack3A_173, %unpack3A_174 : vector<16xf32>
        %get3A_176 = arith.index_cast %add3A_151 : i32 to index
        %get3A_177 = arith.constant 32 : index
        %get3A_178 = tpu.vector_load %arg10[%get3A_176, %get3A_177] {strides = array<i32>} : memref<80x128xf32, #tpu.memory_space<vmem>>, vector<16xf32>,
        %bitcast3A_179 = vector.bitcast %get3A_178 : vector<16xf32> to vector<32xbf16>
        %get3A_180 = arith.index_cast %add3A_151 : i32 to index
        %get3A_181 = arith.constant 32 : index
        %get3A_182 = tpu.vector_load %arg11[%get3A_180, %get3A_181] {strides = array<i32>} : memref<80x128xf32, #tpu.memory_space<vmem>>, vector<16xf32>,
        %bitcast3A_183 = vector.bitcast %get3A_182 : vector<16xf32> to vector<32xbf16>
        %mul3A_184 = arith.mulf %bitcast3A_179, %bitcast3A_183 : vector<32xbf16>
        %unpack3A_185 = tpu.unpack_subelements %mul3A_184, 0 {pack_format = #tpu.pack_format<interleaved>} : vector<32xbf16> -> vector<16xf32>
        %unpack3A_186 = tpu.unpack_subelements %mul3A_184, 1 {pack_format = #tpu.pack_format<interleaved>} : vector<32xbf16> -> vector<16xf32>
        %add3A_187 = arith.addf %unpack3A_185, %unpack3A_186 : vector<16xf32>
        %get3A_188 = arith.index_cast %add3A_151 : i32 to index
        %get3A_189 = arith.constant 48 : index
        %get3A_190 = tpu.vector_load %arg10[%get3A_188, %get3A_189] {strides = array<i32>} : memref<80x128xf32, #tpu.memory_space<vmem>>, vector<16xf32>,
        %bitcast3A_191 = vector.bitcast %get3A_190 : vector<16xf32> to vector<32xbf16>
        %get3A_192 = arith.index_cast %add3A_151 : i32 to index
        %get3A_193 = arith.constant 48 : index
        %get3A_194 = tpu.vector_load %arg11[%get3A_192, %get3A_193] {strides = array<i32>} : memref<80x128xf32, #tpu.memory_space<vmem>>, vector<16xf32>,
        %bitcast3A_195 = vector.bitcast %get3A_194 : vector<16xf32> to vector<32xbf16>
        %mul3A_196 = arith.mulf %bitcast3A_191, %bitcast3A_195 : vector<32xbf16>
        %unpack3A_197 = tpu.unpack_subelements %mul3A_196, 0 {pack_format = #tpu.pack_format<interleaved>} : vector<32xbf16> -> vector<16xf32>
        %unpack3A_198 = tpu.unpack_subelements %mul3A_196, 1 {pack_format = #tpu.pack_format<interleaved>} : vector<32xbf16> -> vector<16xf32>
        %add3A_199 = arith.addf %unpack3A_197, %unpack3A_198 : vector<16xf32>
        %add3A_200 = arith.addf %add3A_163, %add3A_175 : vector<16xf32>
        %add3A_201 = arith.addf %add3A_187, %add3A_199 : vector<16xf32>
        %add3A_202 = arith.addf %add3A_200, %add3A_201 : vector<16xf32>
        %add3A_203 = arith.constant 2 : i32
        %add3A_204 = arith.addi %mul3A_99, %add3A_203 : i32
        %get3A_205 = arith.index_cast %add3A_204 : i32 to index
        %get3A_206 = arith.constant 0 : index
        %get3A_207 = tpu.vector_load %arg10[%get3A_205, %get3A_206] {strides = array<i32>} : memref<80x128xf32, #tpu.memory_space<vmem>>, vector<16xf32>,
        %bitcast3A_208 = vector.bitcast %get3A_207 : vector<16xf32> to vector<32xbf16>
        %get3A_209 = arith.index_cast %add3A_204 : i32 to index
        %get3A_210 = arith.constant 0 : index
        %get3A_211 = tpu.vector_load %arg11[%get3A_209, %get3A_210] {strides = array<i32>} : memref<80x128xf32, #tpu.memory_space<vmem>>, vector<16xf32>,
        %bitcast3A_212 = vector.bitcast %get3A_211 : vector<16xf32> to vector<32xbf16>
        %mul3A_213 = arith.mulf %bitcast3A_208, %bitcast3A_212 : vector<32xbf16>
        %unpack3A_214 = tpu.unpack_subelements %mul3A_213, 0 {pack_format = #tpu.pack_format<interleaved>} : vector<32xbf16> -> vector<16xf32>
        %unpack3A_215 = tpu.unpack_subelements %mul3A_213, 1 {pack_format = #tpu.pack_format<interleaved>} : vector<32xbf16> -> vector<16xf32>
        %add3A_216 = arith.addf %unpack3A_214, %unpack3A_215 : vector<16xf32>
        %get3A_217 = arith.index_cast %add3A_204 : i32 to index
        %get3A_218 = arith.constant 16 : index
        %get3A_219 = tpu.vector_load %arg10[%get3A_217, %get3A_218] {strides = array<i32>} : memref<80x128xf32, #tpu.memory_space<vmem>>, vector<16xf32>,
        %bitcast3A_220 = vector.bitcast %get3A_219 : vector<16xf32> to vector<32xbf16>
        %get3A_221 = arith.index_cast %add3A_204 : i32 to index
        %get3A_222 = arith.constant 16 : index
        %get3A_223 = tpu.vector_load %arg11[%get3A_221, %get3A_222] {strides = array<i32>} : memref<80x128xf32, #tpu.memory_space<vmem>>, vector<16xf32>,
        %bitcast3A_224 = vector.bitcast %get3A_223 : vector<16xf32> to vector<32xbf16>
        %mul3A_225 = arith.mulf %bitcast3A_220, %bitcast3A_224 : vector<32xbf16>
        %unpack3A_226 = tpu.unpack_subelements %mul3A_225, 0 {pack_format = #tpu.pack_format<interleaved>} : vector<32xbf16> -> vector<16xf32>
        %unpack3A_227 = tpu.unpack_subelements %mul3A_225, 1 {pack_format = #tpu.pack_format<interleaved>} : vector<32xbf16> -> vector<16xf32>
        %add3A_228 = arith.addf %unpack3A_226, %unpack3A_227 : vector<16xf32>
        %get3A_229 = arith.index_cast %add3A_204 : i32 to index
        %get3A_230 = arith.constant 32 : index
        %get3A_231 = tpu.vector_load %arg10[%get3A_229, %get3A_230] {strides = array<i32>} : memref<80x128xf32, #tpu.memory_space<vmem>>, vector<16xf32>,
        %bitcast3A_232 = vector.bitcast %get3A_231 : vector<16xf32> to vector<32xbf16>
        %get3A_233 = arith.index_cast %add3A_204 : i32 to index
        %get3A_234 = arith.constant 32 : index
        %get3A_235 = tpu.vector_load %arg11[%get3A_233, %get3A_234] {strides = array<i32>} : memref<80x128xf32, #tpu.memory_space<vmem>>, vector<16xf32>,
        %bitcast3A_236 = vector.bitcast %get3A_235 : vector<16xf32> to vector<32xbf16>
        %mul3A_237 = arith.mulf %bitcast3A_232, %bitcast3A_236 : vector<32xbf16>
        %unpack3A_238 = tpu.unpack_subelements %mul3A_237, 0 {pack_format = #tpu.pack_format<interleaved>} : vector<32xbf16> -> vector<16xf32>
        %unpack3A_239 = tpu.unpack_subelements %mul3A_237, 1 {pack_format = #tpu.pack_format<interleaved>} : vector<32xbf16> -> vector<16xf32>
        %add3A_240 = arith.addf %unpack3A_238, %unpack3A_239 : vector<16xf32>
        %get3A_241 = arith.index_cast %add3A_204 : i32 to index
        %get3A_242 = arith.constant 48 : index
        %get3A_243 = tpu.vector_load %arg10[%get3A_241, %get3A_242] {strides = array<i32>} : memref<80x128xf32, #tpu.memory_space<vmem>>, vector<16xf32>,
        %bitcast3A_244 = vector.bitcast %get3A_243 : vector<16xf32> to vector<32xbf16>
        %get3A_245 = arith.index_cast %add3A_204 : i32 to index
        %get3A_246 = arith.constant 48 : index
        %get3A_247 = tpu.vector_load %arg11[%get3A_245, %get3A_246] {strides = array<i32>} : memref<80x128xf32, #tpu.memory_space<vmem>>, vector<16xf32>,
        %bitcast3A_248 = vector.bitcast %get3A_247 : vector<16xf32> to vector<32xbf16>
        %mul3A_249 = arith.mulf %bitcast3A_244, %bitcast3A_248 : vector<32xbf16>
        %unpack3A_250 = tpu.unpack_subelements %mul3A_249, 0 {pack_format = #tpu.pack_format<interleaved>} : vector<32xbf16> -> vector<16xf32>
        %unpack3A_251 = tpu.unpack_subelements %mul3A_249, 1 {pack_format = #tpu.pack_format<interleaved>} : vector<32xbf16> -> vector<16xf32>
        %add3A_252 = arith.addf %unpack3A_250, %unpack3A_251 : vector<16xf32>
        %add3A_253 = arith.addf %add3A_216, %add3A_228 : vector<16xf32>
        %add3A_254 = arith.addf %add3A_240, %add3A_252 : vector<16xf32>
        %add3A_255 = arith.addf %add3A_253, %add3A_254 : vector<16xf32>
        %add3A_256 = arith.constant 3 : i32
        %add3A_257 = arith.addi %mul3A_99, %add3A_256 : i32
        %get3A_258 = arith.index_cast %add3A_257 : i32 to index
        %get3A_259 = arith.constant 0 : index
        %get3A_260 = tpu.vector_load %arg10[%get3A_258, %get3A_259] {strides = array<i32>} : memref<80x128xf32, #tpu.memory_space<vmem>>, vector<16xf32>,
        %bitcast3A_261 = vector.bitcast %get3A_260 : vector<16xf32> to vector<32xbf16>
        %get3A_262 = arith.index_cast %add3A_257 : i32 to index
        %get3A_263 = arith.constant 0 : index
        %get3A_264 = tpu.vector_load %arg11[%get3A_262, %get3A_263] {strides = array<i32>} : memref<80x128xf32, #tpu.memory_space<vmem>>, vector<16xf32>,
        %bitcast3A_265 = vector.bitcast %get3A_264 : vector<16xf32> to vector<32xbf16>
        %mul3A_266 = arith.mulf %bitcast3A_261, %bitcast3A_265 : vector<32xbf16>
        %unpack3A_267 = tpu.unpack_subelements %mul3A_266, 0 {pack_format = #tpu.pack_format<interleaved>} : vector<32xbf16> -> vector<16xf32>
        %unpack3A_268 = tpu.unpack_subelements %mul3A_266, 1 {pack_format = #tpu.pack_format<interleaved>} : vector<32xbf16> -> vector<16xf32>
        %add3A_269 = arith.addf %unpack3A_267, %unpack3A_268 : vector<16xf32>
        %get3A_270 = arith.index_cast %add3A_257 : i32 to index
        %get3A_271 = arith.constant 16 : index
        %get3A_272 = tpu.vector_load %arg10[%get3A_270, %get3A_271] {strides = array<i32>} : memref<80x128xf32, #tpu.memory_space<vmem>>, vector<16xf32>,
        %bitcast3A_273 = vector.bitcast %get3A_272 : vector<16xf32> to vector<32xbf16>
        %get3A_274 = arith.index_cast %add3A_257 : i32 to index
        %get3A_275 = arith.constant 16 : index
        %get3A_276 = tpu.vector_load %arg11[%get3A_274, %get3A_275] {strides = array<i32>} : memref<80x128xf32, #tpu.memory_space<vmem>>, vector<16xf32>,
        %bitcast3A_277 = vector.bitcast %get3A_276 : vector<16xf32> to vector<32xbf16>
        %mul3A_278 = arith.mulf %bitcast3A_273, %bitcast3A_277 : vector<32xbf16>
        %unpack3A_279 = tpu.unpack_subelements %mul3A_278, 0 {pack_format = #tpu.pack_format<interleaved>} : vector<32xbf16> -> vector<16xf32>
        %unpack3A_280 = tpu.unpack_subelements %mul3A_278, 1 {pack_format = #tpu.pack_format<interleaved>} : vector<32xbf16> -> vector<16xf32>
        %add3A_281 = arith.addf %unpack3A_279, %unpack3A_280 : vector<16xf32>
        %get3A_282 = arith.index_cast %add3A_257 : i32 to index
        %get3A_283 = arith.constant 32 : index
        %get3A_284 = tpu.vector_load %arg10[%get3A_282, %get3A_283] {strides = array<i32>} : memref<80x128xf32, #tpu.memory_space<vmem>>, vector<16xf32>,
        %bitcast3A_285 = vector.bitcast %get3A_284 : vector<16xf32> to vector<32xbf16>
        %get3A_286 = arith.index_cast %add3A_257 : i32 to index
        %get3A_287 = arith.constant 32 : index
        %get3A_288 = tpu.vector_load %arg11[%get3A_286, %get3A_287] {strides = array<i32>} : memref<80x128xf32, #tpu.memory_space<vmem>>, vector<16xf32>,
        %bitcast3A_289 = vector.bitcast %get3A_288 : vector<16xf32> to vector<32xbf16>
        %mul3A_290 = arith.mulf %bitcast3A_285, %bitcast3A_289 : vector<32xbf16>
        %unpack3A_291 = tpu.unpack_subelements %mul3A_290, 0 {pack_format = #tpu.pack_format<interleaved>} : vector<32xbf16> -> vector<16xf32>
        %unpack3A_292 = tpu.unpack_subelements %mul3A_290, 1 {pack_format = #tpu.pack_format<interleaved>} : vector<32xbf16> -> vector<16xf32>
        %add3A_293 = arith.addf %unpack3A_291, %unpack3A_292 : vector<16xf32>
        %get3A_294 = arith.index_cast %add3A_257 : i32 to index
        %get3A_295 = arith.constant 48 : index
        %get3A_296 = tpu.vector_load %arg10[%get3A_294, %get3A_295] {strides = array<i32>} : memref<80x128xf32, #tpu.memory_space<vmem>>, vector<16xf32>,
        %bitcast3A_297 = vector.bitcast %get3A_296 : vector<16xf32> to vector<32xbf16>
        %get3A_298 = arith.index_cast %add3A_257 : i32 to index
        %get3A_299 = arith.constant 48 : index
        %get3A_300 = tpu.vector_load %arg11[%get3A_298, %get3A_299] {strides = array<i32>} : memref<80x128xf32, #tpu.memory_space<vmem>>, vector<16xf32>,
        %bitcast3A_301 = vector.bitcast %get3A_300 : vector<16xf32> to vector<32xbf16>
        %mul3A_302 = arith.mulf %bitcast3A_297, %bitcast3A_301 : vector<32xbf16>
        %unpack3A_303 = tpu.unpack_subelements %mul3A_302, 0 {pack_format = #tpu.pack_format<interleaved>} : vector<32xbf16> -> vector<16xf32>
        %unpack3A_304 = tpu.unpack_subelements %mul3A_302, 1 {pack_format = #tpu.pack_format<interleaved>} : vector<32xbf16> -> vector<16xf32>
        %add3A_305 = arith.addf %unpack3A_303, %unpack3A_304 : vector<16xf32>
        %add3A_306 = arith.addf %add3A_269, %add3A_281 : vector<16xf32>
        %add3A_307 = arith.addf %add3A_293, %add3A_305 : vector<16xf32>
        %add3A_308 = arith.addf %add3A_306, %add3A_307 : vector<16xf32>
        %add3A_309 = arith.constant 4 : i32
        %add3A_310 = arith.addi %mul3A_99, %add3A_309 : i32
        %get3A_311 = arith.index_cast %add3A_310 : i32 to index
        %get3A_312 = arith.constant 0 : index
        %get3A_313 = tpu.vector_load %arg10[%get3A_311, %get3A_312] {strides = array<i32>} : memref<80x128xf32, #tpu.memory_space<vmem>>, vector<16xf32>,
        %bitcast3A_314 = vector.bitcast %get3A_313 : vector<16xf32> to vector<32xbf16>
        %get3A_315 = arith.index_cast %add3A_310 : i32 to index
        %get3A_316 = arith.constant 0 : index
        %get3A_317 = tpu.vector_load %arg11[%get3A_315, %get3A_316] {strides = array<i32>} : memref<80x128xf32, #tpu.memory_space<vmem>>, vector<16xf32>,
        %bitcast3A_318 = vector.bitcast %get3A_317 : vector<16xf32> to vector<32xbf16>
        %mul3A_319 = arith.mulf %bitcast3A_314, %bitcast3A_318 : vector<32xbf16>
        %unpack3A_320 = tpu.unpack_subelements %mul3A_319, 0 {pack_format = #tpu.pack_format<interleaved>} : vector<32xbf16> -> vector<16xf32>
        %unpack3A_321 = tpu.unpack_subelements %mul3A_319, 1 {pack_format = #tpu.pack_format<interleaved>} : vector<32xbf16> -> vector<16xf32>
        %add3A_322 = arith.addf %unpack3A_320, %unpack3A_321 : vector<16xf32>
        %get3A_323 = arith.index_cast %add3A_310 : i32 to index
        %get3A_324 = arith.constant 16 : index
        %get3A_325 = tpu.vector_load %arg10[%get3A_323, %get3A_324] {strides = array<i32>} : memref<80x128xf32, #tpu.memory_space<vmem>>, vector<16xf32>,
        %bitcast3A_326 = vector.bitcast %get3A_325 : vector<16xf32> to vector<32xbf16>
        %get3A_327 = arith.index_cast %add3A_310 : i32 to index
        %get3A_328 = arith.constant 16 : index
        %get3A_329 = tpu.vector_load %arg11[%get3A_327, %get3A_328] {strides = array<i32>} : memref<80x128xf32, #tpu.memory_space<vmem>>, vector<16xf32>,
        %bitcast3A_330 = vector.bitcast %get3A_329 : vector<16xf32> to vector<32xbf16>
        %mul3A_331 = arith.mulf %bitcast3A_326, %bitcast3A_330 : vector<32xbf16>
        %unpack3A_332 = tpu.unpack_subelements %mul3A_331, 0 {pack_format = #tpu.pack_format<interleaved>} : vector<32xbf16> -> vector<16xf32>
        %unpack3A_333 = tpu.unpack_subelements %mul3A_331, 1 {pack_format = #tpu.pack_format<interleaved>} : vector<32xbf16> -> vector<16xf32>
        %add3A_334 = arith.addf %unpack3A_332, %unpack3A_333 : vector<16xf32>
        %get3A_335 = arith.index_cast %add3A_310 : i32 to index
        %get3A_336 = arith.constant 32 : index
        %get3A_337 = tpu.vector_load %arg10[%get3A_335, %get3A_336] {strides = array<i32>} : memref<80x128xf32, #tpu.memory_space<vmem>>, vector<16xf32>,
        %bitcast3A_338 = vector.bitcast %get3A_337 : vector<16xf32> to vector<32xbf16>
        %get3A_339 = arith.index_cast %add3A_310 : i32 to index
        %get3A_340 = arith.constant 32 : index
        %get3A_341 = tpu.vector_load %arg11[%get3A_339, %get3A_340] {strides = array<i32>} : memref<80x128xf32, #tpu.memory_space<vmem>>, vector<16xf32>,
        %bitcast3A_342 = vector.bitcast %get3A_341 : vector<16xf32> to vector<32xbf16>
        %mul3A_343 = arith.mulf %bitcast3A_338, %bitcast3A_342 : vector<32xbf16>
        %unpack3A_344 = tpu.unpack_subelements %mul3A_343, 0 {pack_format = #tpu.pack_format<interleaved>} : vector<32xbf16> -> vector<16xf32>
        %unpack3A_345 = tpu.unpack_subelements %mul3A_343, 1 {pack_format = #tpu.pack_format<interleaved>} : vector<32xbf16> -> vector<16xf32>
        %add3A_346 = arith.addf %unpack3A_344, %unpack3A_345 : vector<16xf32>
        %get3A_347 = arith.index_cast %add3A_310 : i32 to index
        %get3A_348 = arith.constant 48 : index
        %get3A_349 = tpu.vector_load %arg10[%get3A_347, %get3A_348] {strides = array<i32>} : memref<80x128xf32, #tpu.memory_space<vmem>>, vector<16xf32>,
        %bitcast3A_350 = vector.bitcast %get3A_349 : vector<16xf32> to vector<32xbf16>
        %get3A_351 = arith.index_cast %add3A_310 : i32 to index
        %get3A_352 = arith.constant 48 : index
        %get3A_353 = tpu.vector_load %arg11[%get3A_351, %get3A_352] {strides = array<i32>} : memref<80x128xf32, #tpu.memory_space<vmem>>, vector<16xf32>,
        %bitcast3A_354 = vector.bitcast %get3A_353 : vector<16xf32> to vector<32xbf16>
        %mul3A_355 = arith.mulf %bitcast3A_350, %bitcast3A_354 : vector<32xbf16>
        %unpack3A_356 = tpu.unpack_subelements %mul3A_355, 0 {pack_format = #tpu.pack_format<interleaved>} : vector<32xbf16> -> vector<16xf32>
        %unpack3A_357 = tpu.unpack_subelements %mul3A_355, 1 {pack_format = #tpu.pack_format<interleaved>} : vector<32xbf16> -> vector<16xf32>
        %add3A_358 = arith.addf %unpack3A_356, %unpack3A_357 : vector<16xf32>
        %add3A_359 = arith.addf %add3A_322, %add3A_334 : vector<16xf32>
        %add3A_360 = arith.addf %add3A_346, %add3A_358 : vector<16xf32>
        %add3A_361 = arith.addf %add3A_359, %add3A_360 : vector<16xf32>
        %add3A_362 = arith.constant 5 : i32
        %add3A_363 = arith.addi %mul3A_99, %add3A_362 : i32
        %get3A_364 = arith.index_cast %add3A_363 : i32 to index
        %get3A_365 = arith.constant 0 : index
        %get3A_366 = tpu.vector_load %arg10[%get3A_364, %get3A_365] {strides = array<i32>} : memref<80x128xf32, #tpu.memory_space<vmem>>, vector<16xf32>,
        %bitcast3A_367 = vector.bitcast %get3A_366 : vector<16xf32> to vector<32xbf16>
        %get3A_368 = arith.index_cast %add3A_363 : i32 to index
        %get3A_369 = arith.constant 0 : index
        %get3A_370 = tpu.vector_load %arg11[%get3A_368, %get3A_369] {strides = array<i32>} : memref<80x128xf32, #tpu.memory_space<vmem>>, vector<16xf32>,
        %bitcast3A_371 = vector.bitcast %get3A_370 : vector<16xf32> to vector<32xbf16>
        %mul3A_372 = arith.mulf %bitcast3A_367, %bitcast3A_371 : vector<32xbf16>
        %unpack3A_373 = tpu.unpack_subelements %mul3A_372, 0 {pack_format = #tpu.pack_format<interleaved>} : vector<32xbf16> -> vector<16xf32>
        %unpack3A_374 = tpu.unpack_subelements %mul3A_372, 1 {pack_format = #tpu.pack_format<interleaved>} : vector<32xbf16> -> vector<16xf32>
        %add3A_375 = arith.addf %unpack3A_373, %unpack3A_374 : vector<16xf32>
        %get3A_376 = arith.index_cast %add3A_363 : i32 to index
        %get3A_377 = arith.constant 16 : index
        %get3A_378 = tpu.vector_load %arg10[%get3A_376, %get3A_377] {strides = array<i32>} : memref<80x128xf32, #tpu.memory_space<vmem>>, vector<16xf32>,
        %bitcast3A_379 = vector.bitcast %get3A_378 : vector<16xf32> to vector<32xbf16>
        %get3A_380 = arith.index_cast %add3A_363 : i32 to index
        %get3A_381 = arith.constant 16 : index
        %get3A_382 = tpu.vector_load %arg11[%get3A_380, %get3A_381] {strides = array<i32>} : memref<80x128xf32, #tpu.memory_space<vmem>>, vector<16xf32>,
        %bitcast3A_383 = vector.bitcast %get3A_382 : vector<16xf32> to vector<32xbf16>
        %mul3A_384 = arith.mulf %bitcast3A_379, %bitcast3A_383 : vector<32xbf16>
        %unpack3A_385 = tpu.unpack_subelements %mul3A_384, 0 {pack_format = #tpu.pack_format<interleaved>} : vector<32xbf16> -> vector<16xf32>
        %unpack3A_386 = tpu.unpack_subelements %mul3A_384, 1 {pack_format = #tpu.pack_format<interleaved>} : vector<32xbf16> -> vector<16xf32>
        %add3A_387 = arith.addf %unpack3A_385, %unpack3A_386 : vector<16xf32>
        %get3A_388 = arith.index_cast %add3A_363 : i32 to index
        %get3A_389 = arith.constant 32 : index
        %get3A_390 = tpu.vector_load %arg10[%get3A_388, %get3A_389] {strides = array<i32>} : memref<80x128xf32, #tpu.memory_space<vmem>>, vector<16xf32>,
        %bitcast3A_391 = vector.bitcast %get3A_390 : vector<16xf32> to vector<32xbf16>
        %get3A_392 = arith.index_cast %add3A_363 : i32 to index
        %get3A_393 = arith.constant 32 : index
        %get3A_394 = tpu.vector_load %arg11[%get3A_392, %get3A_393] {strides = array<i32>} : memref<80x128xf32, #tpu.memory_space<vmem>>, vector<16xf32>,
        %bitcast3A_395 = vector.bitcast %get3A_394 : vector<16xf32> to vector<32xbf16>
        %mul3A_396 = arith.mulf %bitcast3A_391, %bitcast3A_395 : vector<32xbf16>
        %unpack3A_397 = tpu.unpack_subelements %mul3A_396, 0 {pack_format = #tpu.pack_format<interleaved>} : vector<32xbf16> -> vector<16xf32>
        %unpack3A_398 = tpu.unpack_subelements %mul3A_396, 1 {pack_format = #tpu.pack_format<interleaved>} : vector<32xbf16> -> vector<16xf32>
        %add3A_399 = arith.addf %unpack3A_397, %unpack3A_398 : vector<16xf32>
        %get3A_400 = arith.index_cast %add3A_363 : i32 to index
        %get3A_401 = arith.constant 48 : index
        %get3A_402 = tpu.vector_load %arg10[%get3A_400, %get3A_401] {strides = array<i32>} : memref<80x128xf32, #tpu.memory_space<vmem>>, vector<16xf32>,
        %bitcast3A_403 = vector.bitcast %get3A_402 : vector<16xf32> to vector<32xbf16>
        %get3A_404 = arith.index_cast %add3A_363 : i32 to index
        %get3A_405 = arith.constant 48 : index
        %get3A_406 = tpu.vector_load %arg11[%get3A_404, %get3A_405] {strides = array<i32>} : memref<80x128xf32, #tpu.memory_space<vmem>>, vector<16xf32>,
        %bitcast3A_407 = vector.bitcast %get3A_406 : vector<16xf32> to vector<32xbf16>
        %mul3A_408 = arith.mulf %bitcast3A_403, %bitcast3A_407 : vector<32xbf16>
        %unpack3A_409 = tpu.unpack_subelements %mul3A_408, 0 {pack_format = #tpu.pack_format<interleaved>} : vector<32xbf16> -> vector<16xf32>
        %unpack3A_410 = tpu.unpack_subelements %mul3A_408, 1 {pack_format = #tpu.pack_format<interleaved>} : vector<32xbf16> -> vector<16xf32>
        %add3A_411 = arith.addf %unpack3A_409, %unpack3A_410 : vector<16xf32>
        %add3A_412 = arith.addf %add3A_375, %add3A_387 : vector<16xf32>
        %add3A_413 = arith.addf %add3A_399, %add3A_411 : vector<16xf32>
        %add3A_414 = arith.addf %add3A_412, %add3A_413 : vector<16xf32>
        %add3A_415 = arith.constant 6 : i32
        %add3A_416 = arith.addi %mul3A_99, %add3A_415 : i32
        %get3A_417 = arith.index_cast %add3A_416 : i32 to index
        %get3A_418 = arith.constant 0 : index
        %get3A_419 = tpu.vector_load %arg10[%get3A_417, %get3A_418] {strides = array<i32>} : memref<80x128xf32, #tpu.memory_space<vmem>>, vector<16xf32>,
        %bitcast3A_420 = vector.bitcast %get3A_419 : vector<16xf32> to vector<32xbf16>
        %get3A_421 = arith.index_cast %add3A_416 : i32 to index
        %get3A_422 = arith.constant 0 : index
        %get3A_423 = tpu.vector_load %arg11[%get3A_421, %get3A_422] {strides = array<i32>} : memref<80x128xf32, #tpu.memory_space<vmem>>, vector<16xf32>,
        %bitcast3A_424 = vector.bitcast %get3A_423 : vector<16xf32> to vector<32xbf16>
        %mul3A_425 = arith.mulf %bitcast3A_420, %bitcast3A_424 : vector<32xbf16>
        %unpack3A_426 = tpu.unpack_subelements %mul3A_425, 0 {pack_format = #tpu.pack_format<interleaved>} : vector<32xbf16> -> vector<16xf32>
        %unpack3A_427 = tpu.unpack_subelements %mul3A_425, 1 {pack_format = #tpu.pack_format<interleaved>} : vector<32xbf16> -> vector<16xf32>
        %add3A_428 = arith.addf %unpack3A_426, %unpack3A_427 : vector<16xf32>
        %get3A_429 = arith.index_cast %add3A_416 : i32 to index
        %get3A_430 = arith.constant 16 : index
        %get3A_431 = tpu.vector_load %arg10[%get3A_429, %get3A_430] {strides = array<i32>} : memref<80x128xf32, #tpu.memory_space<vmem>>, vector<16xf32>,
        %bitcast3A_432 = vector.bitcast %get3A_431 : vector<16xf32> to vector<32xbf16>
        %get3A_433 = arith.index_cast %add3A_416 : i32 to index
        %get3A_434 = arith.constant 16 : index
        %get3A_435 = tpu.vector_load %arg11[%get3A_433, %get3A_434] {strides = array<i32>} : memref<80x128xf32, #tpu.memory_space<vmem>>, vector<16xf32>,
        %bitcast3A_436 = vector.bitcast %get3A_435 : vector<16xf32> to vector<32xbf16>
        %mul3A_437 = arith.mulf %bitcast3A_432, %bitcast3A_436 : vector<32xbf16>
        %unpack3A_438 = tpu.unpack_subelements %mul3A_437, 0 {pack_format = #tpu.pack_format<interleaved>} : vector<32xbf16> -> vector<16xf32>
        %unpack3A_439 = tpu.unpack_subelements %mul3A_437, 1 {pack_format = #tpu.pack_format<interleaved>} : vector<32xbf16> -> vector<16xf32>
        %add3A_440 = arith.addf %unpack3A_438, %unpack3A_439 : vector<16xf32>
        %get3A_441 = arith.index_cast %add3A_416 : i32 to index
        %get3A_442 = arith.constant 32 : index
        %get3A_443 = tpu.vector_load %arg10[%get3A_441, %get3A_442] {strides = array<i32>} : memref<80x128xf32, #tpu.memory_space<vmem>>, vector<16xf32>,
        %bitcast3A_444 = vector.bitcast %get3A_443 : vector<16xf32> to vector<32xbf16>
        %get3A_445 = arith.index_cast %add3A_416 : i32 to index
        %get3A_446 = arith.constant 32 : index
        %get3A_447 = tpu.vector_load %arg11[%get3A_445, %get3A_446] {strides = array<i32>} : memref<80x128xf32, #tpu.memory_space<vmem>>, vector<16xf32>,
        %bitcast3A_448 = vector.bitcast %get3A_447 : vector<16xf32> to vector<32xbf16>
        %mul3A_449 = arith.mulf %bitcast3A_444, %bitcast3A_448 : vector<32xbf16>
        %unpack3A_450 = tpu.unpack_subelements %mul3A_449, 0 {pack_format = #tpu.pack_format<interleaved>} : vector<32xbf16> -> vector<16xf32>
        %unpack3A_451 = tpu.unpack_subelements %mul3A_449, 1 {pack_format = #tpu.pack_format<interleaved>} : vector<32xbf16> -> vector<16xf32>
        %add3A_452 = arith.addf %unpack3A_450, %unpack3A_451 : vector<16xf32>
        %get3A_453 = arith.index_cast %add3A_416 : i32 to index
        %get3A_454 = arith.constant 48 : index
        %get3A_455 = tpu.vector_load %arg10[%get3A_453, %get3A_454] {strides = array<i32>} : memref<80x128xf32, #tpu.memory_space<vmem>>, vector<16xf32>,
        %bitcast3A_456 = vector.bitcast %get3A_455 : vector<16xf32> to vector<32xbf16>
        %get3A_457 = arith.index_cast %add3A_416 : i32 to index
        %get3A_458 = arith.constant 48 : index
        %get3A_459 = tpu.vector_load %arg11[%get3A_457, %get3A_458] {strides = array<i32>} : memref<80x128xf32, #tpu.memory_space<vmem>>, vector<16xf32>,
        %bitcast3A_460 = vector.bitcast %get3A_459 : vector<16xf32> to vector<32xbf16>
        %mul3A_461 = arith.mulf %bitcast3A_456, %bitcast3A_460 : vector<32xbf16>
        %unpack3A_462 = tpu.unpack_subelements %mul3A_461, 0 {pack_format = #tpu.pack_format<interleaved>} : vector<32xbf16> -> vector<16xf32>
        %unpack3A_463 = tpu.unpack_subelements %mul3A_461, 1 {pack_format = #tpu.pack_format<interleaved>} : vector<32xbf16> -> vector<16xf32>
        %add3A_464 = arith.addf %unpack3A_462, %unpack3A_463 : vector<16xf32>
        %add3A_465 = arith.addf %add3A_428, %add3A_440 : vector<16xf32>
        %add3A_466 = arith.addf %add3A_452, %add3A_464 : vector<16xf32>
        %add3A_467 = arith.addf %add3A_465, %add3A_466 : vector<16xf32>
        %add3A_468 = arith.constant 7 : i32
        %add3A_469 = arith.addi %mul3A_99, %add3A_468 : i32
        %get3A_470 = arith.index_cast %add3A_469 : i32 to index
        %get3A_471 = arith.constant 0 : index
        %get3A_472 = tpu.vector_load %arg10[%get3A_470, %get3A_471] {strides = array<i32>} : memref<80x128xf32, #tpu.memory_space<vmem>>, vector<16xf32>,
        %bitcast3A_473 = vector.bitcast %get3A_472 : vector<16xf32> to vector<32xbf16>
        %get3A_474 = arith.index_cast %add3A_469 : i32 to index
        %get3A_475 = arith.constant 0 : index
        %get3A_476 = tpu.vector_load %arg11[%get3A_474, %get3A_475] {strides = array<i32>} : memref<80x128xf32, #tpu.memory_space<vmem>>, vector<16xf32>,
        %bitcast3A_477 = vector.bitcast %get3A_476 : vector<16xf32> to vector<32xbf16>
        %mul3A_478 = arith.mulf %bitcast3A_473, %bitcast3A_477 : vector<32xbf16>
        %unpack3A_479 = tpu.unpack_subelements %mul3A_478, 0 {pack_format = #tpu.pack_format<interleaved>} : vector<32xbf16> -> vector<16xf32>
        %unpack3A_480 = tpu.unpack_subelements %mul3A_478, 1 {pack_format = #tpu.pack_format<interleaved>} : vector<32xbf16> -> vector<16xf32>
        %add3A_481 = arith.addf %unpack3A_479, %unpack3A_480 : vector<16xf32>
        %get3A_482 = arith.index_cast %add3A_469 : i32 to index
        %get3A_483 = arith.constant 16 : index
        %get3A_484 = tpu.vector_load %arg10[%get3A_482, %get3A_483] {strides = array<i32>} : memref<80x128xf32, #tpu.memory_space<vmem>>, vector<16xf32>,
        %bitcast3A_485 = vector.bitcast %get3A_484 : vector<16xf32> to vector<32xbf16>
        %get3A_486 = arith.index_cast %add3A_469 : i32 to index
        %get3A_487 = arith.constant 16 : index
        %get3A_488 = tpu.vector_load %arg11[%get3A_486, %get3A_487] {strides = array<i32>} : memref<80x128xf32, #tpu.memory_space<vmem>>, vector<16xf32>,
        %bitcast3A_489 = vector.bitcast %get3A_488 : vector<16xf32> to vector<32xbf16>
        %mul3A_490 = arith.mulf %bitcast3A_485, %bitcast3A_489 : vector<32xbf16>
        %unpack3A_491 = tpu.unpack_subelements %mul3A_490, 0 {pack_format = #tpu.pack_format<interleaved>} : vector<32xbf16> -> vector<16xf32>
        %unpack3A_492 = tpu.unpack_subelements %mul3A_490, 1 {pack_format = #tpu.pack_format<interleaved>} : vector<32xbf16> -> vector<16xf32>
        %add3A_493 = arith.addf %unpack3A_491, %unpack3A_492 : vector<16xf32>
        %get3A_494 = arith.index_cast %add3A_469 : i32 to index
        %get3A_495 = arith.constant 32 : index
        %get3A_496 = tpu.vector_load %arg10[%get3A_494, %get3A_495] {strides = array<i32>} : memref<80x128xf32, #tpu.memory_space<vmem>>, vector<16xf32>,
        %bitcast3A_497 = vector.bitcast %get3A_496 : vector<16xf32> to vector<32xbf16>
        %get3A_498 = arith.index_cast %add3A_469 : i32 to index
        %get3A_499 = arith.constant 32 : index
        %get3A_500 = tpu.vector_load %arg11[%get3A_498, %get3A_499] {strides = array<i32>} : memref<80x128xf32, #tpu.memory_space<vmem>>, vector<16xf32>,
        %bitcast3A_501 = vector.bitcast %get3A_500 : vector<16xf32> to vector<32xbf16>
        %mul3A_502 = arith.mulf %bitcast3A_497, %bitcast3A_501 : vector<32xbf16>
        %unpack3A_503 = tpu.unpack_subelements %mul3A_502, 0 {pack_format = #tpu.pack_format<interleaved>} : vector<32xbf16> -> vector<16xf32>
        %unpack3A_504 = tpu.unpack_subelements %mul3A_502, 1 {pack_format = #tpu.pack_format<interleaved>} : vector<32xbf16> -> vector<16xf32>
        %add3A_505 = arith.addf %unpack3A_503, %unpack3A_504 : vector<16xf32>
        %get3A_506 = arith.index_cast %add3A_469 : i32 to index
        %get3A_507 = arith.constant 48 : index
        %get3A_508 = tpu.vector_load %arg10[%get3A_506, %get3A_507] {strides = array<i32>} : memref<80x128xf32, #tpu.memory_space<vmem>>, vector<16xf32>,
        %bitcast3A_509 = vector.bitcast %get3A_508 : vector<16xf32> to vector<32xbf16>
        %get3A_510 = arith.index_cast %add3A_469 : i32 to index
        %get3A_511 = arith.constant 48 : index
        %get3A_512 = tpu.vector_load %arg11[%get3A_510, %get3A_511] {strides = array<i32>} : memref<80x128xf32, #tpu.memory_space<vmem>>, vector<16xf32>,
        %bitcast3A_513 = vector.bitcast %get3A_512 : vector<16xf32> to vector<32xbf16>
        %mul3A_514 = arith.mulf %bitcast3A_509, %bitcast3A_513 : vector<32xbf16>
        %unpack3A_515 = tpu.unpack_subelements %mul3A_514, 0 {pack_format = #tpu.pack_format<interleaved>} : vector<32xbf16> -> vector<16xf32>
        %unpack3A_516 = tpu.unpack_subelements %mul3A_514, 1 {pack_format = #tpu.pack_format<interleaved>} : vector<32xbf16> -> vector<16xf32>
        %add3A_517 = arith.addf %unpack3A_515, %unpack3A_516 : vector<16xf32>
        %add3A_518 = arith.addf %add3A_481, %add3A_493 : vector<16xf32>
        %add3A_519 = arith.addf %add3A_505, %add3A_517 : vector<16xf32>
        %add3A_520 = arith.addf %add3A_518, %add3A_519 : vector<16xf32>
        %add3A_521 = arith.constant 8 : i32
        %add3A_522 = arith.addi %mul3A_99, %add3A_521 : i32
        %get3A_523 = arith.index_cast %add3A_522 : i32 to index
        %get3A_524 = arith.constant 0 : index
        %get3A_525 = tpu.vector_load %arg10[%get3A_523, %get3A_524] {strides = array<i32>} : memref<80x128xf32, #tpu.memory_space<vmem>>, vector<16xf32>,
        %bitcast3A_526 = vector.bitcast %get3A_525 : vector<16xf32> to vector<32xbf16>
        %get3A_527 = arith.index_cast %add3A_522 : i32 to index
        %get3A_528 = arith.constant 0 : index
        %get3A_529 = tpu.vector_load %arg11[%get3A_527, %get3A_528] {strides = array<i32>} : memref<80x128xf32, #tpu.memory_space<vmem>>, vector<16xf32>,
        %bitcast3A_530 = vector.bitcast %get3A_529 : vector<16xf32> to vector<32xbf16>
        %mul3A_531 = arith.mulf %bitcast3A_526, %bitcast3A_530 : vector<32xbf16>
        %unpack3A_532 = tpu.unpack_subelements %mul3A_531, 0 {pack_format = #tpu.pack_format<interleaved>} : vector<32xbf16> -> vector<16xf32>
        %unpack3A_533 = tpu.unpack_subelements %mul3A_531, 1 {pack_format = #tpu.pack_format<interleaved>} : vector<32xbf16> -> vector<16xf32>
        %add3A_534 = arith.addf %unpack3A_532, %unpack3A_533 : vector<16xf32>
        %get3A_535 = arith.index_cast %add3A_522 : i32 to index
        %get3A_536 = arith.constant 16 : index
        %get3A_537 = tpu.vector_load %arg10[%get3A_535, %get3A_536] {strides = array<i32>} : memref<80x128xf32, #tpu.memory_space<vmem>>, vector<16xf32>,
        %bitcast3A_538 = vector.bitcast %get3A_537 : vector<16xf32> to vector<32xbf16>
        %get3A_539 = arith.index_cast %add3A_522 : i32 to index
        %get3A_540 = arith.constant 16 : index
        %get3A_541 = tpu.vector_load %arg11[%get3A_539, %get3A_540] {strides = array<i32>} : memref<80x128xf32, #tpu.memory_space<vmem>>, vector<16xf32>,
        %bitcast3A_542 = vector.bitcast %get3A_541 : vector<16xf32> to vector<32xbf16>
        %mul3A_543 = arith.mulf %bitcast3A_538, %bitcast3A_542 : vector<32xbf16>
        %unpack3A_544 = tpu.unpack_subelements %mul3A_543, 0 {pack_format = #tpu.pack_format<interleaved>} : vector<32xbf16> -> vector<16xf32>
        %unpack3A_545 = tpu.unpack_subelements %mul3A_543, 1 {pack_format = #tpu.pack_format<interleaved>} : vector<32xbf16> -> vector<16xf32>
        %add3A_546 = arith.addf %unpack3A_544, %unpack3A_545 : vector<16xf32>
        %get3A_547 = arith.index_cast %add3A_522 : i32 to index
        %get3A_548 = arith.constant 32 : index
        %get3A_549 = tpu.vector_load %arg10[%get3A_547, %get3A_548] {strides = array<i32>} : memref<80x128xf32, #tpu.memory_space<vmem>>, vector<16xf32>,
        %bitcast3A_550 = vector.bitcast %get3A_549 : vector<16xf32> to vector<32xbf16>
        %get3A_551 = arith.index_cast %add3A_522 : i32 to index
        %get3A_552 = arith.constant 32 : index
        %get3A_553 = tpu.vector_load %arg11[%get3A_551, %get3A_552] {strides = array<i32>} : memref<80x128xf32, #tpu.memory_space<vmem>>, vector<16xf32>,
        %bitcast3A_554 = vector.bitcast %get3A_553 : vector<16xf32> to vector<32xbf16>
        %mul3A_555 = arith.mulf %bitcast3A_550, %bitcast3A_554 : vector<32xbf16>
        %unpack3A_556 = tpu.unpack_subelements %mul3A_555, 0 {pack_format = #tpu.pack_format<interleaved>} : vector<32xbf16> -> vector<16xf32>
        %unpack3A_557 = tpu.unpack_subelements %mul3A_555, 1 {pack_format = #tpu.pack_format<interleaved>} : vector<32xbf16> -> vector<16xf32>
        %add3A_558 = arith.addf %unpack3A_556, %unpack3A_557 : vector<16xf32>
        %get3A_559 = arith.index_cast %add3A_522 : i32 to index
        %get3A_560 = arith.constant 48 : index
        %get3A_561 = tpu.vector_load %arg10[%get3A_559, %get3A_560] {strides = array<i32>} : memref<80x128xf32, #tpu.memory_space<vmem>>, vector<16xf32>,
        %bitcast3A_562 = vector.bitcast %get3A_561 : vector<16xf32> to vector<32xbf16>
        %get3A_563 = arith.index_cast %add3A_522 : i32 to index
        %get3A_564 = arith.constant 48 : index
        %get3A_565 = tpu.vector_load %arg11[%get3A_563, %get3A_564] {strides = array<i32>} : memref<80x128xf32, #tpu.memory_space<vmem>>, vector<16xf32>,
        %bitcast3A_566 = vector.bitcast %get3A_565 : vector<16xf32> to vector<32xbf16>
        %mul3A_567 = arith.mulf %bitcast3A_562, %bitcast3A_566 : vector<32xbf16>
        %unpack3A_568 = tpu.unpack_subelements %mul3A_567, 0 {pack_format = #tpu.pack_format<interleaved>} : vector<32xbf16> -> vector<16xf32>
        %unpack3A_569 = tpu.unpack_subelements %mul3A_567, 1 {pack_format = #tpu.pack_format<interleaved>} : vector<32xbf16> -> vector<16xf32>
        %add3A_570 = arith.addf %unpack3A_568, %unpack3A_569 : vector<16xf32>
        %add3A_571 = arith.addf %add3A_534, %add3A_546 : vector<16xf32>
        %add3A_572 = arith.addf %add3A_558, %add3A_570 : vector<16xf32>
        %add3A_573 = arith.addf %add3A_571, %add3A_572 : vector<16xf32>
        %add3A_574 = arith.constant 9 : i32
        %add3A_575 = arith.addi %mul3A_99, %add3A_574 : i32
        %get3A_576 = arith.index_cast %add3A_575 : i32 to index
        %get3A_577 = arith.constant 0 : index
        %get3A_578 = tpu.vector_load %arg10[%get3A_576, %get3A_577] {strides = array<i32>} : memref<80x128xf32, #tpu.memory_space<vmem>>, vector<16xf32>,
        %bitcast3A_579 = vector.bitcast %get3A_578 : vector<16xf32> to vector<32xbf16>
        %get3A_580 = arith.index_cast %add3A_575 : i32 to index
        %get3A_581 = arith.constant 0 : index
        %get3A_582 = tpu.vector_load %arg11[%get3A_580, %get3A_581] {strides = array<i32>} : memref<80x128xf32, #tpu.memory_space<vmem>>, vector<16xf32>,
        %bitcast3A_583 = vector.bitcast %get3A_582 : vector<16xf32> to vector<32xbf16>
        %mul3A_584 = arith.mulf %bitcast3A_579, %bitcast3A_583 : vector<32xbf16>
        %unpack3A_585 = tpu.unpack_subelements %mul3A_584, 0 {pack_format = #tpu.pack_format<interleaved>} : vector<32xbf16> -> vector<16xf32>
        %unpack3A_586 = tpu.unpack_subelements %mul3A_584, 1 {pack_format = #tpu.pack_format<interleaved>} : vector<32xbf16> -> vector<16xf32>
        %add3A_587 = arith.addf %unpack3A_585, %unpack3A_586 : vector<16xf32>
        %get3A_588 = arith.index_cast %add3A_575 : i32 to index
        %get3A_589 = arith.constant 16 : index
        %get3A_590 = tpu.vector_load %arg10[%get3A_588, %get3A_589] {strides = array<i32>} : memref<80x128xf32, #tpu.memory_space<vmem>>, vector<16xf32>,
        %bitcast3A_591 = vector.bitcast %get3A_590 : vector<16xf32> to vector<32xbf16>
        %get3A_592 = arith.index_cast %add3A_575 : i32 to index
        %get3A_593 = arith.constant 16 : index
        %get3A_594 = tpu.vector_load %arg11[%get3A_592, %get3A_593] {strides = array<i32>} : memref<80x128xf32, #tpu.memory_space<vmem>>, vector<16xf32>,
        %bitcast3A_595 = vector.bitcast %get3A_594 : vector<16xf32> to vector<32xbf16>
        %mul3A_596 = arith.mulf %bitcast3A_591, %bitcast3A_595 : vector<32xbf16>
        %unpack3A_597 = tpu.unpack_subelements %mul3A_596, 0 {pack_format = #tpu.pack_format<interleaved>} : vector<32xbf16> -> vector<16xf32>
        %unpack3A_598 = tpu.unpack_subelements %mul3A_596, 1 {pack_format = #tpu.pack_format<interleaved>} : vector<32xbf16> -> vector<16xf32>
        %add3A_599 = arith.addf %unpack3A_597, %unpack3A_598 : vector<16xf32>
        %get3A_600 = arith.index_cast %add3A_575 : i32 to index
        %get3A_601 = arith.constant 32 : index
        %get3A_602 = tpu.vector_load %arg10[%get3A_600, %get3A_601] {strides = array<i32>} : memref<80x128xf32, #tpu.memory_space<vmem>>, vector<16xf32>,
        %bitcast3A_603 = vector.bitcast %get3A_602 : vector<16xf32> to vector<32xbf16>
        %get3A_604 = arith.index_cast %add3A_575 : i32 to index
        %get3A_605 = arith.constant 32 : index
        %get3A_606 = tpu.vector_load %arg11[%get3A_604, %get3A_605] {strides = array<i32>} : memref<80x128xf32, #tpu.memory_space<vmem>>, vector<16xf32>,
        %bitcast3A_607 = vector.bitcast %get3A_606 : vector<16xf32> to vector<32xbf16>
        %mul3A_608 = arith.mulf %bitcast3A_603, %bitcast3A_607 : vector<32xbf16>
        %unpack3A_609 = tpu.unpack_subelements %mul3A_608, 0 {pack_format = #tpu.pack_format<interleaved>} : vector<32xbf16> -> vector<16xf32>
        %unpack3A_610 = tpu.unpack_subelements %mul3A_608, 1 {pack_format = #tpu.pack_format<interleaved>} : vector<32xbf16> -> vector<16xf32>
        %add3A_611 = arith.addf %unpack3A_609, %unpack3A_610 : vector<16xf32>
        %get3A_612 = arith.index_cast %add3A_575 : i32 to index
        %get3A_613 = arith.constant 48 : index
        %get3A_614 = tpu.vector_load %arg10[%get3A_612, %get3A_613] {strides = array<i32>} : memref<80x128xf32, #tpu.memory_space<vmem>>, vector<16xf32>,
        %bitcast3A_615 = vector.bitcast %get3A_614 : vector<16xf32> to vector<32xbf16>
        %get3A_616 = arith.index_cast %add3A_575 : i32 to index
        %get3A_617 = arith.constant 48 : index
        %get3A_618 = tpu.vector_load %arg11[%get3A_616, %get3A_617] {strides = array<i32>} : memref<80x128xf32, #tpu.memory_space<vmem>>, vector<16xf32>,
        %bitcast3A_619 = vector.bitcast %get3A_618 : vector<16xf32> to vector<32xbf16>
        %mul3A_620 = arith.mulf %bitcast3A_615, %bitcast3A_619 : vector<32xbf16>
        %unpack3A_621 = tpu.unpack_subelements %mul3A_620, 0 {pack_format = #tpu.pack_format<interleaved>} : vector<32xbf16> -> vector<16xf32>
        %unpack3A_622 = tpu.unpack_subelements %mul3A_620, 1 {pack_format = #tpu.pack_format<interleaved>} : vector<32xbf16> -> vector<16xf32>
        %add3A_623 = arith.addf %unpack3A_621, %unpack3A_622 : vector<16xf32>
        %add3A_624 = arith.addf %add3A_587, %add3A_599 : vector<16xf32>
        %add3A_625 = arith.addf %add3A_611, %add3A_623 : vector<16xf32>
        %add3A_626 = arith.addf %add3A_624, %add3A_625 : vector<16xf32>
        %add3A_627 = arith.constant 10 : i32
        %add3A_628 = arith.addi %mul3A_99, %add3A_627 : i32
        %get3A_629 = arith.index_cast %add3A_628 : i32 to index
        %get3A_630 = arith.constant 0 : index
        %get3A_631 = tpu.vector_load %arg10[%get3A_629, %get3A_630] {strides = array<i32>} : memref<80x128xf32, #tpu.memory_space<vmem>>, vector<16xf32>,
        %bitcast3A_632 = vector.bitcast %get3A_631 : vector<16xf32> to vector<32xbf16>
        %get3A_633 = arith.index_cast %add3A_628 : i32 to index
        %get3A_634 = arith.constant 0 : index
        %get3A_635 = tpu.vector_load %arg11[%get3A_633, %get3A_634] {strides = array<i32>} : memref<80x128xf32, #tpu.memory_space<vmem>>, vector<16xf32>,
        %bitcast3A_636 = vector.bitcast %get3A_635 : vector<16xf32> to vector<32xbf16>
        %mul3A_637 = arith.mulf %bitcast3A_632, %bitcast3A_636 : vector<32xbf16>
        %unpack3A_638 = tpu.unpack_subelements %mul3A_637, 0 {pack_format = #tpu.pack_format<interleaved>} : vector<32xbf16> -> vector<16xf32>
        %unpack3A_639 = tpu.unpack_subelements %mul3A_637, 1 {pack_format = #tpu.pack_format<interleaved>} : vector<32xbf16> -> vector<16xf32>
        %add3A_640 = arith.addf %unpack3A_638, %unpack3A_639 : vector<16xf32>
        %get3A_641 = arith.index_cast %add3A_628 : i32 to index
        %get3A_642 = arith.constant 16 : index
        %get3A_643 = tpu.vector_load %arg10[%get3A_641, %get3A_642] {strides = array<i32>} : memref<80x128xf32, #tpu.memory_space<vmem>>, vector<16xf32>,
        %bitcast3A_644 = vector.bitcast %get3A_643 : vector<16xf32> to vector<32xbf16>
        %get3A_645 = arith.index_cast %add3A_628 : i32 to index
        %get3A_646 = arith.constant 16 : index
        %get3A_647 = tpu.vector_load %arg11[%get3A_645, %get3A_646] {strides = array<i32>} : memref<80x128xf32, #tpu.memory_space<vmem>>, vector<16xf32>,
        %bitcast3A_648 = vector.bitcast %get3A_647 : vector<16xf32> to vector<32xbf16>
        %mul3A_649 = arith.mulf %bitcast3A_644, %bitcast3A_648 : vector<32xbf16>
        %unpack3A_650 = tpu.unpack_subelements %mul3A_649, 0 {pack_format = #tpu.pack_format<interleaved>} : vector<32xbf16> -> vector<16xf32>
        %unpack3A_651 = tpu.unpack_subelements %mul3A_649, 1 {pack_format = #tpu.pack_format<interleaved>} : vector<32xbf16> -> vector<16xf32>
        %add3A_652 = arith.addf %unpack3A_650, %unpack3A_651 : vector<16xf32>
        %get3A_653 = arith.index_cast %add3A_628 : i32 to index
        %get3A_654 = arith.constant 32 : index
        %get3A_655 = tpu.vector_load %arg10[%get3A_653, %get3A_654] {strides = array<i32>} : memref<80x128xf32, #tpu.memory_space<vmem>>, vector<16xf32>,
        %bitcast3A_656 = vector.bitcast %get3A_655 : vector<16xf32> to vector<32xbf16>
        %get3A_657 = arith.index_cast %add3A_628 : i32 to index
        %get3A_658 = arith.constant 32 : index
        %get3A_659 = tpu.vector_load %arg11[%get3A_657, %get3A_658] {strides = array<i32>} : memref<80x128xf32, #tpu.memory_space<vmem>>, vector<16xf32>,
        %bitcast3A_660 = vector.bitcast %get3A_659 : vector<16xf32> to vector<32xbf16>
        %mul3A_661 = arith.mulf %bitcast3A_656, %bitcast3A_660 : vector<32xbf16>
        %unpack3A_662 = tpu.unpack_subelements %mul3A_661, 0 {pack_format = #tpu.pack_format<interleaved>} : vector<32xbf16> -> vector<16xf32>
        %unpack3A_663 = tpu.unpack_subelements %mul3A_661, 1 {pack_format = #tpu.pack_format<interleaved>} : vector<32xbf16> -> vector<16xf32>
        %add3A_664 = arith.addf %unpack3A_662, %unpack3A_663 : vector<16xf32>
        %get3A_665 = arith.index_cast %add3A_628 : i32 to index
        %get3A_666 = arith.constant 48 : index
        %get3A_667 = tpu.vector_load %arg10[%get3A_665, %get3A_666] {strides = array<i32>} : memref<80x128xf32, #tpu.memory_space<vmem>>, vector<16xf32>,
        %bitcast3A_668 = vector.bitcast %get3A_667 : vector<16xf32> to vector<32xbf16>
        %get3A_669 = arith.index_cast %add3A_628 : i32 to index
        %get3A_670 = arith.constant 48 : index
        %get3A_671 = tpu.vector_load %arg11[%get3A_669, %get3A_670] {strides = array<i32>} : memref<80x128xf32, #tpu.memory_space<vmem>>, vector<16xf32>,
        %bitcast3A_672 = vector.bitcast %get3A_671 : vector<16xf32> to vector<32xbf16>
        %mul3A_673 = arith.mulf %bitcast3A_668, %bitcast3A_672 : vector<32xbf16>
        %unpack3A_674 = tpu.unpack_subelements %mul3A_673, 0 {pack_format = #tpu.pack_format<interleaved>} : vector<32xbf16> -> vector<16xf32>
        %unpack3A_675 = tpu.unpack_subelements %mul3A_673, 1 {pack_format = #tpu.pack_format<interleaved>} : vector<32xbf16> -> vector<16xf32>
        %add3A_676 = arith.addf %unpack3A_674, %unpack3A_675 : vector<16xf32>
        %add3A_677 = arith.addf %add3A_640, %add3A_652 : vector<16xf32>
        %add3A_678 = arith.addf %add3A_664, %add3A_676 : vector<16xf32>
        %add3A_679 = arith.addf %add3A_677, %add3A_678 : vector<16xf32>
        %add3A_680 = arith.constant 11 : i32
        %add3A_681 = arith.addi %mul3A_99, %add3A_680 : i32
        %get3A_682 = arith.index_cast %add3A_681 : i32 to index
        %get3A_683 = arith.constant 0 : index
        %get3A_684 = tpu.vector_load %arg10[%get3A_682, %get3A_683] {strides = array<i32>} : memref<80x128xf32, #tpu.memory_space<vmem>>, vector<16xf32>,
        %bitcast3A_685 = vector.bitcast %get3A_684 : vector<16xf32> to vector<32xbf16>
        %get3A_686 = arith.index_cast %add3A_681 : i32 to index
        %get3A_687 = arith.constant 0 : index
        %get3A_688 = tpu.vector_load %arg11[%get3A_686, %get3A_687] {strides = array<i32>} : memref<80x128xf32, #tpu.memory_space<vmem>>, vector<16xf32>,
        %bitcast3A_689 = vector.bitcast %get3A_688 : vector<16xf32> to vector<32xbf16>
        %mul3A_690 = arith.mulf %bitcast3A_685, %bitcast3A_689 : vector<32xbf16>
        %unpack3A_691 = tpu.unpack_subelements %mul3A_690, 0 {pack_format = #tpu.pack_format<interleaved>} : vector<32xbf16> -> vector<16xf32>
        %unpack3A_692 = tpu.unpack_subelements %mul3A_690, 1 {pack_format = #tpu.pack_format<interleaved>} : vector<32xbf16> -> vector<16xf32>
        %add3A_693 = arith.addf %unpack3A_691, %unpack3A_692 : vector<16xf32>
        %get3A_694 = arith.index_cast %add3A_681 : i32 to index
        %get3A_695 = arith.constant 16 : index
        %get3A_696 = tpu.vector_load %arg10[%get3A_694, %get3A_695] {strides = array<i32>} : memref<80x128xf32, #tpu.memory_space<vmem>>, vector<16xf32>,
        %bitcast3A_697 = vector.bitcast %get3A_696 : vector<16xf32> to vector<32xbf16>
        %get3A_698 = arith.index_cast %add3A_681 : i32 to index
        %get3A_699 = arith.constant 16 : index
        %get3A_700 = tpu.vector_load %arg11[%get3A_698, %get3A_699] {strides = array<i32>} : memref<80x128xf32, #tpu.memory_space<vmem>>, vector<16xf32>,
        %bitcast3A_701 = vector.bitcast %get3A_700 : vector<16xf32> to vector<32xbf16>
        %mul3A_702 = arith.mulf %bitcast3A_697, %bitcast3A_701 : vector<32xbf16>
        %unpack3A_703 = tpu.unpack_subelements %mul3A_702, 0 {pack_format = #tpu.pack_format<interleaved>} : vector<32xbf16> -> vector<16xf32>
        %unpack3A_704 = tpu.unpack_subelements %mul3A_702, 1 {pack_format = #tpu.pack_format<interleaved>} : vector<32xbf16> -> vector<16xf32>
        %add3A_705 = arith.addf %unpack3A_703, %unpack3A_704 : vector<16xf32>
        %get3A_706 = arith.index_cast %add3A_681 : i32 to index
        %get3A_707 = arith.constant 32 : index
        %get3A_708 = tpu.vector_load %arg10[%get3A_706, %get3A_707] {strides = array<i32>} : memref<80x128xf32, #tpu.memory_space<vmem>>, vector<16xf32>,
        %bitcast3A_709 = vector.bitcast %get3A_708 : vector<16xf32> to vector<32xbf16>
        %get3A_710 = arith.index_cast %add3A_681 : i32 to index
        %get3A_711 = arith.constant 32 : index
        %get3A_712 = tpu.vector_load %arg11[%get3A_710, %get3A_711] {strides = array<i32>} : memref<80x128xf32, #tpu.memory_space<vmem>>, vector<16xf32>,
        %bitcast3A_713 = vector.bitcast %get3A_712 : vector<16xf32> to vector<32xbf16>
        %mul3A_714 = arith.mulf %bitcast3A_709, %bitcast3A_713 : vector<32xbf16>
        %unpack3A_715 = tpu.unpack_subelements %mul3A_714, 0 {pack_format = #tpu.pack_format<interleaved>} : vector<32xbf16> -> vector<16xf32>
        %unpack3A_716 = tpu.unpack_subelements %mul3A_714, 1 {pack_format = #tpu.pack_format<interleaved>} : vector<32xbf16> -> vector<16xf32>
        %add3A_717 = arith.addf %unpack3A_715, %unpack3A_716 : vector<16xf32>
        %get3A_718 = arith.index_cast %add3A_681 : i32 to index
        %get3A_719 = arith.constant 48 : index
        %get3A_720 = tpu.vector_load %arg10[%get3A_718, %get3A_719] {strides = array<i32>} : memref<80x128xf32, #tpu.memory_space<vmem>>, vector<16xf32>,
        %bitcast3A_721 = vector.bitcast %get3A_720 : vector<16xf32> to vector<32xbf16>
        %get3A_722 = arith.index_cast %add3A_681 : i32 to index
        %get3A_723 = arith.constant 48 : index
        %get3A_724 = tpu.vector_load %arg11[%get3A_722, %get3A_723] {strides = array<i32>} : memref<80x128xf32, #tpu.memory_space<vmem>>, vector<16xf32>,
        %bitcast3A_725 = vector.bitcast %get3A_724 : vector<16xf32> to vector<32xbf16>
        %mul3A_726 = arith.mulf %bitcast3A_721, %bitcast3A_725 : vector<32xbf16>
        %unpack3A_727 = tpu.unpack_subelements %mul3A_726, 0 {pack_format = #tpu.pack_format<interleaved>} : vector<32xbf16> -> vector<16xf32>
        %unpack3A_728 = tpu.unpack_subelements %mul3A_726, 1 {pack_format = #tpu.pack_format<interleaved>} : vector<32xbf16> -> vector<16xf32>
        %add3A_729 = arith.addf %unpack3A_727, %unpack3A_728 : vector<16xf32>
        %add3A_730 = arith.addf %add3A_693, %add3A_705 : vector<16xf32>
        %add3A_731 = arith.addf %add3A_717, %add3A_729 : vector<16xf32>
        %add3A_732 = arith.addf %add3A_730, %add3A_731 : vector<16xf32>
        %add3A_733 = arith.constant 12 : i32
        %add3A_734 = arith.addi %mul3A_99, %add3A_733 : i32
        %get3A_735 = arith.index_cast %add3A_734 : i32 to index
        %get3A_736 = arith.constant 0 : index
        %get3A_737 = tpu.vector_load %arg10[%get3A_735, %get3A_736] {strides = array<i32>} : memref<80x128xf32, #tpu.memory_space<vmem>>, vector<16xf32>,
        %bitcast3A_738 = vector.bitcast %get3A_737 : vector<16xf32> to vector<32xbf16>
        %get3A_739 = arith.index_cast %add3A_734 : i32 to index
        %get3A_740 = arith.constant 0 : index
        %get3A_741 = tpu.vector_load %arg11[%get3A_739, %get3A_740] {strides = array<i32>} : memref<80x128xf32, #tpu.memory_space<vmem>>, vector<16xf32>,
        %bitcast3A_742 = vector.bitcast %get3A_741 : vector<16xf32> to vector<32xbf16>
        %mul3A_743 = arith.mulf %bitcast3A_738, %bitcast3A_742 : vector<32xbf16>
        %unpack3A_744 = tpu.unpack_subelements %mul3A_743, 0 {pack_format = #tpu.pack_format<interleaved>} : vector<32xbf16> -> vector<16xf32>
        %unpack3A_745 = tpu.unpack_subelements %mul3A_743, 1 {pack_format = #tpu.pack_format<interleaved>} : vector<32xbf16> -> vector<16xf32>
        %add3A_746 = arith.addf %unpack3A_744, %unpack3A_745 : vector<16xf32>
        %get3A_747 = arith.index_cast %add3A_734 : i32 to index
        %get3A_748 = arith.constant 16 : index
        %get3A_749 = tpu.vector_load %arg10[%get3A_747, %get3A_748] {strides = array<i32>} : memref<80x128xf32, #tpu.memory_space<vmem>>, vector<16xf32>,
        %bitcast3A_750 = vector.bitcast %get3A_749 : vector<16xf32> to vector<32xbf16>
        %get3A_751 = arith.index_cast %add3A_734 : i32 to index
        %get3A_752 = arith.constant 16 : index
        %get3A_753 = tpu.vector_load %arg11[%get3A_751, %get3A_752] {strides = array<i32>} : memref<80x128xf32, #tpu.memory_space<vmem>>, vector<16xf32>,
        %bitcast3A_754 = vector.bitcast %get3A_753 : vector<16xf32> to vector<32xbf16>
        %mul3A_755 = arith.mulf %bitcast3A_750, %bitcast3A_754 : vector<32xbf16>
        %unpack3A_756 = tpu.unpack_subelements %mul3A_755, 0 {pack_format = #tpu.pack_format<interleaved>} : vector<32xbf16> -> vector<16xf32>
        %unpack3A_757 = tpu.unpack_subelements %mul3A_755, 1 {pack_format = #tpu.pack_format<interleaved>} : vector<32xbf16> -> vector<16xf32>
        %add3A_758 = arith.addf %unpack3A_756, %unpack3A_757 : vector<16xf32>
        %get3A_759 = arith.index_cast %add3A_734 : i32 to index
        %get3A_760 = arith.constant 32 : index
        %get3A_761 = tpu.vector_load %arg10[%get3A_759, %get3A_760] {strides = array<i32>} : memref<80x128xf32, #tpu.memory_space<vmem>>, vector<16xf32>,
        %bitcast3A_762 = vector.bitcast %get3A_761 : vector<16xf32> to vector<32xbf16>
        %get3A_763 = arith.index_cast %add3A_734 : i32 to index
        %get3A_764 = arith.constant 32 : index
        %get3A_765 = tpu.vector_load %arg11[%get3A_763, %get3A_764] {strides = array<i32>} : memref<80x128xf32, #tpu.memory_space<vmem>>, vector<16xf32>,
        %bitcast3A_766 = vector.bitcast %get3A_765 : vector<16xf32> to vector<32xbf16>
        %mul3A_767 = arith.mulf %bitcast3A_762, %bitcast3A_766 : vector<32xbf16>
        %unpack3A_768 = tpu.unpack_subelements %mul3A_767, 0 {pack_format = #tpu.pack_format<interleaved>} : vector<32xbf16> -> vector<16xf32>
        %unpack3A_769 = tpu.unpack_subelements %mul3A_767, 1 {pack_format = #tpu.pack_format<interleaved>} : vector<32xbf16> -> vector<16xf32>
        %add3A_770 = arith.addf %unpack3A_768, %unpack3A_769 : vector<16xf32>
        %get3A_771 = arith.index_cast %add3A_734 : i32 to index
        %get3A_772 = arith.constant 48 : index
        %get3A_773 = tpu.vector_load %arg10[%get3A_771, %get3A_772] {strides = array<i32>} : memref<80x128xf32, #tpu.memory_space<vmem>>, vector<16xf32>,
        %bitcast3A_774 = vector.bitcast %get3A_773 : vector<16xf32> to vector<32xbf16>
        %get3A_775 = arith.index_cast %add3A_734 : i32 to index
        %get3A_776 = arith.constant 48 : index
        %get3A_777 = tpu.vector_load %arg11[%get3A_775, %get3A_776] {strides = array<i32>} : memref<80x128xf32, #tpu.memory_space<vmem>>, vector<16xf32>,
        %bitcast3A_778 = vector.bitcast %get3A_777 : vector<16xf32> to vector<32xbf16>
        %mul3A_779 = arith.mulf %bitcast3A_774, %bitcast3A_778 : vector<32xbf16>
        %unpack3A_780 = tpu.unpack_subelements %mul3A_779, 0 {pack_format = #tpu.pack_format<interleaved>} : vector<32xbf16> -> vector<16xf32>
        %unpack3A_781 = tpu.unpack_subelements %mul3A_779, 1 {pack_format = #tpu.pack_format<interleaved>} : vector<32xbf16> -> vector<16xf32>
        %add3A_782 = arith.addf %unpack3A_780, %unpack3A_781 : vector<16xf32>
        %add3A_783 = arith.addf %add3A_746, %add3A_758 : vector<16xf32>
        %add3A_784 = arith.addf %add3A_770, %add3A_782 : vector<16xf32>
        %add3A_785 = arith.addf %add3A_783, %add3A_784 : vector<16xf32>
        %add3A_786 = arith.constant 13 : i32
        %add3A_787 = arith.addi %mul3A_99, %add3A_786 : i32
        %get3A_788 = arith.index_cast %add3A_787 : i32 to index
        %get3A_789 = arith.constant 0 : index
        %get3A_790 = tpu.vector_load %arg10[%get3A_788, %get3A_789] {strides = array<i32>} : memref<80x128xf32, #tpu.memory_space<vmem>>, vector<16xf32>,
        %bitcast3A_791 = vector.bitcast %get3A_790 : vector<16xf32> to vector<32xbf16>
        %get3A_792 = arith.index_cast %add3A_787 : i32 to index
        %get3A_793 = arith.constant 0 : index
        %get3A_794 = tpu.vector_load %arg11[%get3A_792, %get3A_793] {strides = array<i32>} : memref<80x128xf32, #tpu.memory_space<vmem>>, vector<16xf32>,
        %bitcast3A_795 = vector.bitcast %get3A_794 : vector<16xf32> to vector<32xbf16>
        %mul3A_796 = arith.mulf %bitcast3A_791, %bitcast3A_795 : vector<32xbf16>
        %unpack3A_797 = tpu.unpack_subelements %mul3A_796, 0 {pack_format = #tpu.pack_format<interleaved>} : vector<32xbf16> -> vector<16xf32>
        %unpack3A_798 = tpu.unpack_subelements %mul3A_796, 1 {pack_format = #tpu.pack_format<interleaved>} : vector<32xbf16> -> vector<16xf32>
        %add3A_799 = arith.addf %unpack3A_797, %unpack3A_798 : vector<16xf32>
        %get3A_800 = arith.index_cast %add3A_787 : i32 to index
        %get3A_801 = arith.constant 16 : index
        %get3A_802 = tpu.vector_load %arg10[%get3A_800, %get3A_801] {strides = array<i32>} : memref<80x128xf32, #tpu.memory_space<vmem>>, vector<16xf32>,
        %bitcast3A_803 = vector.bitcast %get3A_802 : vector<16xf32> to vector<32xbf16>
        %get3A_804 = arith.index_cast %add3A_787 : i32 to index
        %get3A_805 = arith.constant 16 : index
        %get3A_806 = tpu.vector_load %arg11[%get3A_804, %get3A_805] {strides = array<i32>} : memref<80x128xf32, #tpu.memory_space<vmem>>, vector<16xf32>,
        %bitcast3A_807 = vector.bitcast %get3A_806 : vector<16xf32> to vector<32xbf16>
        %mul3A_808 = arith.mulf %bitcast3A_803, %bitcast3A_807 : vector<32xbf16>
        %unpack3A_809 = tpu.unpack_subelements %mul3A_808, 0 {pack_format = #tpu.pack_format<interleaved>} : vector<32xbf16> -> vector<16xf32>
        %unpack3A_810 = tpu.unpack_subelements %mul3A_808, 1 {pack_format = #tpu.pack_format<interleaved>} : vector<32xbf16> -> vector<16xf32>
        %add3A_811 = arith.addf %unpack3A_809, %unpack3A_810 : vector<16xf32>
        %get3A_812 = arith.index_cast %add3A_787 : i32 to index
        %get3A_813 = arith.constant 32 : index
        %get3A_814 = tpu.vector_load %arg10[%get3A_812, %get3A_813] {strides = array<i32>} : memref<80x128xf32, #tpu.memory_space<vmem>>, vector<16xf32>,
        %bitcast3A_815 = vector.bitcast %get3A_814 : vector<16xf32> to vector<32xbf16>
        %get3A_816 = arith.index_cast %add3A_787 : i32 to index
        %get3A_817 = arith.constant 32 : index
        %get3A_818 = tpu.vector_load %arg11[%get3A_816, %get3A_817] {strides = array<i32>} : memref<80x128xf32, #tpu.memory_space<vmem>>, vector<16xf32>,
        %bitcast3A_819 = vector.bitcast %get3A_818 : vector<16xf32> to vector<32xbf16>
        %mul3A_820 = arith.mulf %bitcast3A_815, %bitcast3A_819 : vector<32xbf16>
        %unpack3A_821 = tpu.unpack_subelements %mul3A_820, 0 {pack_format = #tpu.pack_format<interleaved>} : vector<32xbf16> -> vector<16xf32>
        %unpack3A_822 = tpu.unpack_subelements %mul3A_820, 1 {pack_format = #tpu.pack_format<interleaved>} : vector<32xbf16> -> vector<16xf32>
        %add3A_823 = arith.addf %unpack3A_821, %unpack3A_822 : vector<16xf32>
        %get3A_824 = arith.index_cast %add3A_787 : i32 to index
        %get3A_825 = arith.constant 48 : index
        %get3A_826 = tpu.vector_load %arg10[%get3A_824, %get3A_825] {strides = array<i32>} : memref<80x128xf32, #tpu.memory_space<vmem>>, vector<16xf32>,
        %bitcast3A_827 = vector.bitcast %get3A_826 : vector<16xf32> to vector<32xbf16>
        %get3A_828 = arith.index_cast %add3A_787 : i32 to index
        %get3A_829 = arith.constant 48 : index
        %get3A_830 = tpu.vector_load %arg11[%get3A_828, %get3A_829] {strides = array<i32>} : memref<80x128xf32, #tpu.memory_space<vmem>>, vector<16xf32>,
        %bitcast3A_831 = vector.bitcast %get3A_830 : vector<16xf32> to vector<32xbf16>
        %mul3A_832 = arith.mulf %bitcast3A_827, %bitcast3A_831 : vector<32xbf16>
        %unpack3A_833 = tpu.unpack_subelements %mul3A_832, 0 {pack_format = #tpu.pack_format<interleaved>} : vector<32xbf16> -> vector<16xf32>
        %unpack3A_834 = tpu.unpack_subelements %mul3A_832, 1 {pack_format = #tpu.pack_format<interleaved>} : vector<32xbf16> -> vector<16xf32>
        %add3A_835 = arith.addf %unpack3A_833, %unpack3A_834 : vector<16xf32>
        %add3A_836 = arith.addf %add3A_799, %add3A_811 : vector<16xf32>
        %add3A_837 = arith.addf %add3A_823, %add3A_835 : vector<16xf32>
        %add3A_838 = arith.addf %add3A_836, %add3A_837 : vector<16xf32>
        %add3A_839 = arith.constant 14 : i32
        %add3A_840 = arith.addi %mul3A_99, %add3A_839 : i32
        %get3A_841 = arith.index_cast %add3A_840 : i32 to index
        %get3A_842 = arith.constant 0 : index
        %get3A_843 = tpu.vector_load %arg10[%get3A_841, %get3A_842] {strides = array<i32>} : memref<80x128xf32, #tpu.memory_space<vmem>>, vector<16xf32>,
        %bitcast3A_844 = vector.bitcast %get3A_843 : vector<16xf32> to vector<32xbf16>
        %get3A_845 = arith.index_cast %add3A_840 : i32 to index
        %get3A_846 = arith.constant 0 : index
        %get3A_847 = tpu.vector_load %arg11[%get3A_845, %get3A_846] {strides = array<i32>} : memref<80x128xf32, #tpu.memory_space<vmem>>, vector<16xf32>,
        %bitcast3A_848 = vector.bitcast %get3A_847 : vector<16xf32> to vector<32xbf16>
        %mul3A_849 = arith.mulf %bitcast3A_844, %bitcast3A_848 : vector<32xbf16>
        %unpack3A_850 = tpu.unpack_subelements %mul3A_849, 0 {pack_format = #tpu.pack_format<interleaved>} : vector<32xbf16> -> vector<16xf32>
        %unpack3A_851 = tpu.unpack_subelements %mul3A_849, 1 {pack_format = #tpu.pack_format<interleaved>} : vector<32xbf16> -> vector<16xf32>
        %add3A_852 = arith.addf %unpack3A_850, %unpack3A_851 : vector<16xf32>
        %get3A_853 = arith.index_cast %add3A_840 : i32 to index
        %get3A_854 = arith.constant 16 : index
        %get3A_855 = tpu.vector_load %arg10[%get3A_853, %get3A_854] {strides = array<i32>} : memref<80x128xf32, #tpu.memory_space<vmem>>, vector<16xf32>,
        %bitcast3A_856 = vector.bitcast %get3A_855 : vector<16xf32> to vector<32xbf16>
        %get3A_857 = arith.index_cast %add3A_840 : i32 to index
        %get3A_858 = arith.constant 16 : index
        %get3A_859 = tpu.vector_load %arg11[%get3A_857, %get3A_858] {strides = array<i32>} : memref<80x128xf32, #tpu.memory_space<vmem>>, vector<16xf32>,
        %bitcast3A_860 = vector.bitcast %get3A_859 : vector<16xf32> to vector<32xbf16>
        %mul3A_861 = arith.mulf %bitcast3A_856, %bitcast3A_860 : vector<32xbf16>
        %unpack3A_862 = tpu.unpack_subelements %mul3A_861, 0 {pack_format = #tpu.pack_format<interleaved>} : vector<32xbf16> -> vector<16xf32>
        %unpack3A_863 = tpu.unpack_subelements %mul3A_861, 1 {pack_format = #tpu.pack_format<interleaved>} : vector<32xbf16> -> vector<16xf32>
        %add3A_864 = arith.addf %unpack3A_862, %unpack3A_863 : vector<16xf32>
        %get3A_865 = arith.index_cast %add3A_840 : i32 to index
        %get3A_866 = arith.constant 32 : index
        %get3A_867 = tpu.vector_load %arg10[%get3A_865, %get3A_866] {strides = array<i32>} : memref<80x128xf32, #tpu.memory_space<vmem>>, vector<16xf32>,
        %bitcast3A_868 = vector.bitcast %get3A_867 : vector<16xf32> to vector<32xbf16>
        %get3A_869 = arith.index_cast %add3A_840 : i32 to index
        %get3A_870 = arith.constant 32 : index
        %get3A_871 = tpu.vector_load %arg11[%get3A_869, %get3A_870] {strides = array<i32>} : memref<80x128xf32, #tpu.memory_space<vmem>>, vector<16xf32>,
        %bitcast3A_872 = vector.bitcast %get3A_871 : vector<16xf32> to vector<32xbf16>
        %mul3A_873 = arith.mulf %bitcast3A_868, %bitcast3A_872 : vector<32xbf16>
        %unpack3A_874 = tpu.unpack_subelements %mul3A_873, 0 {pack_format = #tpu.pack_format<interleaved>} : vector<32xbf16> -> vector<16xf32>
        %unpack3A_875 = tpu.unpack_subelements %mul3A_873, 1 {pack_format = #tpu.pack_format<interleaved>} : vector<32xbf16> -> vector<16xf32>
        %add3A_876 = arith.addf %unpack3A_874, %unpack3A_875 : vector<16xf32>
        %get3A_877 = arith.index_cast %add3A_840 : i32 to index
        %get3A_878 = arith.constant 48 : index
        %get3A_879 = tpu.vector_load %arg10[%get3A_877, %get3A_878] {strides = array<i32>} : memref<80x128xf32, #tpu.memory_space<vmem>>, vector<16xf32>,
        %bitcast3A_880 = vector.bitcast %get3A_879 : vector<16xf32> to vector<32xbf16>
        %get3A_881 = arith.index_cast %add3A_840 : i32 to index
        %get3A_882 = arith.constant 48 : index
        %get3A_883 = tpu.vector_load %arg11[%get3A_881, %get3A_882] {strides = array<i32>} : memref<80x128xf32, #tpu.memory_space<vmem>>, vector<16xf32>,
        %bitcast3A_884 = vector.bitcast %get3A_883 : vector<16xf32> to vector<32xbf16>
        %mul3A_885 = arith.mulf %bitcast3A_880, %bitcast3A_884 : vector<32xbf16>
        %unpack3A_886 = tpu.unpack_subelements %mul3A_885, 0 {pack_format = #tpu.pack_format<interleaved>} : vector<32xbf16> -> vector<16xf32>
        %unpack3A_887 = tpu.unpack_subelements %mul3A_885, 1 {pack_format = #tpu.pack_format<interleaved>} : vector<32xbf16> -> vector<16xf32>
        %add3A_888 = arith.addf %unpack3A_886, %unpack3A_887 : vector<16xf32>
        %add3A_889 = arith.addf %add3A_852, %add3A_864 : vector<16xf32>
        %add3A_890 = arith.addf %add3A_876, %add3A_888 : vector<16xf32>
        %add3A_891 = arith.addf %add3A_889, %add3A_890 : vector<16xf32>
        %add3A_892 = arith.constant 15 : i32
        %add3A_893 = arith.addi %mul3A_99, %add3A_892 : i32
        %get3A_894 = arith.index_cast %add3A_893 : i32 to index
        %get3A_895 = arith.constant 0 : index
        %get3A_896 = tpu.vector_load %arg10[%get3A_894, %get3A_895] {strides = array<i32>} : memref<80x128xf32, #tpu.memory_space<vmem>>, vector<16xf32>,
        %bitcast3A_897 = vector.bitcast %get3A_896 : vector<16xf32> to vector<32xbf16>
        %get3A_898 = arith.index_cast %add3A_893 : i32 to index
        %get3A_899 = arith.constant 0 : index
        %get3A_900 = tpu.vector_load %arg11[%get3A_898, %get3A_899] {strides = array<i32>} : memref<80x128xf32, #tpu.memory_space<vmem>>, vector<16xf32>,
        %bitcast3A_901 = vector.bitcast %get3A_900 : vector<16xf32> to vector<32xbf16>
        %mul3A_902 = arith.mulf %bitcast3A_897, %bitcast3A_901 : vector<32xbf16>
        %unpack3A_903 = tpu.unpack_subelements %mul3A_902, 0 {pack_format = #tpu.pack_format<interleaved>} : vector<32xbf16> -> vector<16xf32>
        %unpack3A_904 = tpu.unpack_subelements %mul3A_902, 1 {pack_format = #tpu.pack_format<interleaved>} : vector<32xbf16> -> vector<16xf32>
        %add3A_905 = arith.addf %unpack3A_903, %unpack3A_904 : vector<16xf32>
        %get3A_906 = arith.index_cast %add3A_893 : i32 to index
        %get3A_907 = arith.constant 16 : index
        %get3A_908 = tpu.vector_load %arg10[%get3A_906, %get3A_907] {strides = array<i32>} : memref<80x128xf32, #tpu.memory_space<vmem>>, vector<16xf32>,
        %bitcast3A_909 = vector.bitcast %get3A_908 : vector<16xf32> to vector<32xbf16>
        %get3A_910 = arith.index_cast %add3A_893 : i32 to index
        %get3A_911 = arith.constant 16 : index
        %get3A_912 = tpu.vector_load %arg11[%get3A_910, %get3A_911] {strides = array<i32>} : memref<80x128xf32, #tpu.memory_space<vmem>>, vector<16xf32>,
        %bitcast3A_913 = vector.bitcast %get3A_912 : vector<16xf32> to vector<32xbf16>
        %mul3A_914 = arith.mulf %bitcast3A_909, %bitcast3A_913 : vector<32xbf16>
        %unpack3A_915 = tpu.unpack_subelements %mul3A_914, 0 {pack_format = #tpu.pack_format<interleaved>} : vector<32xbf16> -> vector<16xf32>
        %unpack3A_916 = tpu.unpack_subelements %mul3A_914, 1 {pack_format = #tpu.pack_format<interleaved>} : vector<32xbf16> -> vector<16xf32>
        %add3A_917 = arith.addf %unpack3A_915, %unpack3A_916 : vector<16xf32>
        %get3A_918 = arith.index_cast %add3A_893 : i32 to index
        %get3A_919 = arith.constant 32 : index
        %get3A_920 = tpu.vector_load %arg10[%get3A_918, %get3A_919] {strides = array<i32>} : memref<80x128xf32, #tpu.memory_space<vmem>>, vector<16xf32>,
        %bitcast3A_921 = vector.bitcast %get3A_920 : vector<16xf32> to vector<32xbf16>
        %get3A_922 = arith.index_cast %add3A_893 : i32 to index
        %get3A_923 = arith.constant 32 : index
        %get3A_924 = tpu.vector_load %arg11[%get3A_922, %get3A_923] {strides = array<i32>} : memref<80x128xf32, #tpu.memory_space<vmem>>, vector<16xf32>,
        %bitcast3A_925 = vector.bitcast %get3A_924 : vector<16xf32> to vector<32xbf16>
        %mul3A_926 = arith.mulf %bitcast3A_921, %bitcast3A_925 : vector<32xbf16>
        %unpack3A_927 = tpu.unpack_subelements %mul3A_926, 0 {pack_format = #tpu.pack_format<interleaved>} : vector<32xbf16> -> vector<16xf32>
        %unpack3A_928 = tpu.unpack_subelements %mul3A_926, 1 {pack_format = #tpu.pack_format<interleaved>} : vector<32xbf16> -> vector<16xf32>
        %add3A_929 = arith.addf %unpack3A_927, %unpack3A_928 : vector<16xf32>
        %get3A_930 = arith.index_cast %add3A_893 : i32 to index
        %get3A_931 = arith.constant 48 : index
        %get3A_932 = tpu.vector_load %arg10[%get3A_930, %get3A_931] {strides = array<i32>} : memref<80x128xf32, #tpu.memory_space<vmem>>, vector<16xf32>,
        %bitcast3A_933 = vector.bitcast %get3A_932 : vector<16xf32> to vector<32xbf16>
        %get3A_934 = arith.index_cast %add3A_893 : i32 to index
        %get3A_935 = arith.constant 48 : index
        %get3A_936 = tpu.vector_load %arg11[%get3A_934, %get3A_935] {strides = array<i32>} : memref<80x128xf32, #tpu.memory_space<vmem>>, vector<16xf32>,
        %bitcast3A_937 = vector.bitcast %get3A_936 : vector<16xf32> to vector<32xbf16>
        %mul3A_938 = arith.mulf %bitcast3A_933, %bitcast3A_937 : vector<32xbf16>
        %unpack3A_939 = tpu.unpack_subelements %mul3A_938, 0 {pack_format = #tpu.pack_format<interleaved>} : vector<32xbf16> -> vector<16xf32>
        %unpack3A_940 = tpu.unpack_subelements %mul3A_938, 1 {pack_format = #tpu.pack_format<interleaved>} : vector<32xbf16> -> vector<16xf32>
        %add3A_941 = arith.addf %unpack3A_939, %unpack3A_940 : vector<16xf32>
        %add3A_942 = arith.addf %add3A_905, %add3A_917 : vector<16xf32>
        %add3A_943 = arith.addf %add3A_929, %add3A_941 : vector<16xf32>
        %add3A_944 = arith.addf %add3A_942, %add3A_943 : vector<16xf32>
        %swap3A = arith.constant 0 : index
        %swap3A_945 = tpu.vector_load %arg14[%swap3A] {strides = array<i32>} : memref<256xf32, #tpu.memory_space<vmem>>, vector<16xf32>,
        tpu.vector_store %arg14[%swap3A], %add3A_149 {strides = array<i32>} : memref<256xf32, #tpu.memory_space<vmem>>, vector<16xf32>,
        %swap3A_946 = arith.constant 16 : index
        %swap3A_947 = tpu.vector_load %arg14[%swap3A_946] {strides = array<i32>} : memref<256xf32, #tpu.memory_space<vmem>>, vector<16xf32>,
        tpu.vector_store %arg14[%swap3A_946], %add3A_202 {strides = array<i32>} : memref<256xf32, #tpu.memory_space<vmem>>, vector<16xf32>,
        %swap3A_948 = arith.constant 32 : index
        %swap3A_949 = tpu.vector_load %arg14[%swap3A_948] {strides = array<i32>} : memref<256xf32, #tpu.memory_space<vmem>>, vector<16xf32>,
        tpu.vector_store %arg14[%swap3A_948], %add3A_255 {strides = array<i32>} : memref<256xf32, #tpu.memory_space<vmem>>, vector<16xf32>,
        %swap3A_950 = arith.constant 48 : index
        %swap3A_951 = tpu.vector_load %arg14[%swap3A_950] {strides = array<i32>} : memref<256xf32, #tpu.memory_space<vmem>>, vector<16xf32>,
        tpu.vector_store %arg14[%swap3A_950], %add3A_308 {strides = array<i32>} : memref<256xf32, #tpu.memory_space<vmem>>, vector<16xf32>,
        %swap3A_952 = arith.constant 64 : index
        %swap3A_953 = tpu.vector_load %arg14[%swap3A_952] {strides = array<i32>} : memref<256xf32, #tpu.memory_space<vmem>>, vector<16xf32>,
        tpu.vector_store %arg14[%swap3A_952], %add3A_361 {strides = array<i32>} : memref<256xf32, #tpu.memory_space<vmem>>, vector<16xf32>,
        %swap3A_954 = arith.constant 80 : index
        %swap3A_955 = tpu.vector_load %arg14[%swap3A_954] {strides = array<i32>} : memref<256xf32, #tpu.memory_space<vmem>>, vector<16xf32>,
        tpu.vector_store %arg14[%swap3A_954], %add3A_414 {strides = array<i32>} : memref<256xf32, #tpu.memory_space<vmem>>, vector<16xf32>,
        %swap3A_956 = arith.constant 96 : index
        %swap3A_957 = tpu.vector_load %arg14[%swap3A_956] {strides = array<i32>} : memref<256xf32, #tpu.memory_space<vmem>>, vector<16xf32>,
        tpu.vector_store %arg14[%swap3A_956], %add3A_467 {strides = array<i32>} : memref<256xf32, #tpu.memory_space<vmem>>, vector<16xf32>,
        %swap3A_958 = arith.constant 112 : index
        %swap3A_959 = tpu.vector_load %arg14[%swap3A_958] {strides = array<i32>} : memref<256xf32, #tpu.memory_space<vmem>>, vector<16xf32>,
        tpu.vector_store %arg14[%swap3A_958], %add3A_520 {strides = array<i32>} : memref<256xf32, #tpu.memory_space<vmem>>, vector<16xf32>,
        %swap3A_960 = arith.constant 128 : index
        %swap3A_961 = tpu.vector_load %arg14[%swap3A_960] {strides = array<i32>} : memref<256xf32, #tpu.memory_space<vmem>>, vector<16xf32>,
        tpu.vector_store %arg14[%swap3A_960], %add3A_573 {strides = array<i32>} : memref<256xf32, #tpu.memory_space<vmem>>, vector<16xf32>,
        %swap3A_962 = arith.constant 144 : index
        %swap3A_963 = tpu.vector_load %arg14[%swap3A_962] {strides = array<i32>} : memref<256xf32, #tpu.memory_space<vmem>>, vector<16xf32>,
        tpu.vector_store %arg14[%swap3A_962], %add3A_626 {strides = array<i32>} : memref<256xf32, #tpu.memory_space<vmem>>, vector<16xf32>,
        %swap3A_964 = arith.constant 160 : index
        %swap3A_965 = tpu.vector_load %arg14[%swap3A_964] {strides = array<i32>} : memref<256xf32, #tpu.memory_space<vmem>>, vector<16xf32>,
        tpu.vector_store %arg14[%swap3A_964], %add3A_679 {strides = array<i32>} : memref<256xf32, #tpu.memory_space<vmem>>, vector<16xf32>,
        %swap3A_966 = arith.constant 176 : index
        %swap3A_967 = tpu.vector_load %arg14[%swap3A_966] {strides = array<i32>} : memref<256xf32, #tpu.memory_space<vmem>>, vector<16xf32>,
        tpu.vector_store %arg14[%swap3A_966], %add3A_732 {strides = array<i32>} : memref<256xf32, #tpu.memory_space<vmem>>, vector<16xf32>,
        %swap3A_968 = arith.constant 192 : index
        %swap3A_969 = tpu.vector_load %arg14[%swap3A_968] {strides = array<i32>} : memref<256xf32, #tpu.memory_space<vmem>>, vector<16xf32>,
        tpu.vector_store %arg14[%swap3A_968], %add3A_785 {strides = array<i32>} : memref<256xf32, #tpu.memory_space<vmem>>, vector<16xf32>,
        %swap3A_970 = arith.constant 208 : index
        %swap3A_971 = tpu.vector_load %arg14[%swap3A_970] {strides = array<i32>} : memref<256xf32, #tpu.memory_space<vmem>>, vector<16xf32>,
        tpu.vector_store %arg14[%swap3A_970], %add3A_838 {strides = array<i32>} : memref<256xf32, #tpu.memory_space<vmem>>, vector<16xf32>,
        %swap3A_972 = arith.constant 224 : index
        %swap3A_973 = tpu.vector_load %arg14[%swap3A_972] {strides = array<i32>} : memref<256xf32, #tpu.memory_space<vmem>>, vector<16xf32>,
        tpu.vector_store %arg14[%swap3A_972], %add3A_891 {strides = array<i32>} : memref<256xf32, #tpu.memory_space<vmem>>, vector<16xf32>,
        %swap3A_974 = arith.constant 240 : index
        %swap3A_975 = tpu.vector_load %arg14[%swap3A_974] {strides = array<i32>} : memref<256xf32, #tpu.memory_space<vmem>>, vector<16xf32>,
        tpu.vector_store %arg14[%swap3A_974], %add3A_944 {strides = array<i32>} : memref<256xf32, #tpu.memory_space<vmem>>, vector<16xf32>,
        %add3A_976 = arith.constant 0 : i32
        %add3A_977 = vector.broadcast %add3A_976 : i32 to vector<16xi32>
        %add3A_978 = arith.addi %mul3A_5, %add3A_977 : vector<16xi32>
        %gather3A = tpu.vector_load_idx %arg14[%add3A_978] : memref<256xf32, #tpu.memory_space<vmem>>[vector<16xi32>], vector<16xf32>,
        %add3A_979 = arith.constant 1 : i32
        %add3A_980 = vector.broadcast %add3A_979 : i32 to vector<16xi32>
        %add3A_981 = arith.addi %mul3A_5, %add3A_980 : vector<16xi32>
        %gather3A_982 = tpu.vector_load_idx %arg14[%add3A_981] : memref<256xf32, #tpu.memory_space<vmem>>[vector<16xi32>], vector<16xf32>,
        %add3A_983 = arith.constant 2 : i32
        %add3A_984 = vector.broadcast %add3A_983 : i32 to vector<16xi32>
        %add3A_985 = arith.addi %mul3A_5, %add3A_984 : vector<16xi32>
        %gather3A_986 = tpu.vector_load_idx %arg14[%add3A_985] : memref<256xf32, #tpu.memory_space<vmem>>[vector<16xi32>], vector<16xf32>,
        %add3A_987 = arith.constant 3 : i32
        %add3A_988 = vector.broadcast %add3A_987 : i32 to vector<16xi32>
        %add3A_989 = arith.addi %mul3A_5, %add3A_988 : vector<16xi32>
        %gather3A_990 = tpu.vector_load_idx %arg14[%add3A_989] : memref<256xf32, #tpu.memory_space<vmem>>[vector<16xi32>], vector<16xf32>,
        %add3A_991 = arith.constant 4 : i32
        %add3A_992 = vector.broadcast %add3A_991 : i32 to vector<16xi32>
        %add3A_993 = arith.addi %mul3A_5, %add3A_992 : vector<16xi32>
        %gather3A_994 = tpu.vector_load_idx %arg14[%add3A_993] : memref<256xf32, #tpu.memory_space<vmem>>[vector<16xi32>], vector<16xf32>,
        %add3A_995 = arith.constant 5 : i32
        %add3A_996 = vector.broadcast %add3A_995 : i32 to vector<16xi32>
        %add3A_997 = arith.addi %mul3A_5, %add3A_996 : vector<16xi32>
        %gather3A_998 = tpu.vector_load_idx %arg14[%add3A_997] : memref<256xf32, #tpu.memory_space<vmem>>[vector<16xi32>], vector<16xf32>,
        %add3A_999 = arith.constant 6 : i32
        %add3A_1000 = vector.broadcast %add3A_999 : i32 to vector<16xi32>
        %add3A_1001 = arith.addi %mul3A_5, %add3A_1000 : vector<16xi32>
        %gather3A_1002 = tpu.vector_load_idx %arg14[%add3A_1001] : memref<256xf32, #tpu.memory_space<vmem>>[vector<16xi32>], vector<16xf32>,
        %add3A_1003 = arith.constant 7 : i32
        %add3A_1004 = vector.broadcast %add3A_1003 : i32 to vector<16xi32>
        %add3A_1005 = arith.addi %mul3A_5, %add3A_1004 : vector<16xi32>
        %gather3A_1006 = tpu.vector_load_idx %arg14[%add3A_1005] : memref<256xf32, #tpu.memory_space<vmem>>[vector<16xi32>], vector<16xf32>,
        %add3A_1007 = arith.constant 8 : i32
        %add3A_1008 = vector.broadcast %add3A_1007 : i32 to vector<16xi32>
        %add3A_1009 = arith.addi %mul3A_5, %add3A_1008 : vector<16xi32>
        %gather3A_1010 = tpu.vector_load_idx %arg14[%add3A_1009] : memref<256xf32, #tpu.memory_space<vmem>>[vector<16xi32>], vector<16xf32>,
        %add3A_1011 = arith.constant 9 : i32
        %add3A_1012 = vector.broadcast %add3A_1011 : i32 to vector<16xi32>
        %add3A_1013 = arith.addi %mul3A_5, %add3A_1012 : vector<16xi32>
        %gather3A_1014 = tpu.vector_load_idx %arg14[%add3A_1013] : memref<256xf32, #tpu.memory_space<vmem>>[vector<16xi32>], vector<16xf32>,
        %add3A_1015 = arith.constant 10 : i32
        %add3A_1016 = vector.broadcast %add3A_1015 : i32 to vector<16xi32>
        %add3A_1017 = arith.addi %mul3A_5, %add3A_1016 : vector<16xi32>
        %gather3A_1018 = tpu.vector_load_idx %arg14[%add3A_1017] : memref<256xf32, #tpu.memory_space<vmem>>[vector<16xi32>], vector<16xf32>,
        %add3A_1019 = arith.constant 11 : i32
        %add3A_1020 = vector.broadcast %add3A_1019 : i32 to vector<16xi32>
        %add3A_1021 = arith.addi %mul3A_5, %add3A_1020 : vector<16xi32>
        %gather3A_1022 = tpu.vector_load_idx %arg14[%add3A_1021] : memref<256xf32, #tpu.memory_space<vmem>>[vector<16xi32>], vector<16xf32>,
        %add3A_1023 = arith.constant 12 : i32
        %add3A_1024 = vector.broadcast %add3A_1023 : i32 to vector<16xi32>
        %add3A_1025 = arith.addi %mul3A_5, %add3A_1024 : vector<16xi32>
        %gather3A_1026 = tpu.vector_load_idx %arg14[%add3A_1025] : memref<256xf32, #tpu.memory_space<vmem>>[vector<16xi32>], vector<16xf32>,
        %add3A_1027 = arith.constant 13 : i32
        %add3A_1028 = vector.broadcast %add3A_1027 : i32 to vector<16xi32>
        %add3A_1029 = arith.addi %mul3A_5, %add3A_1028 : vector<16xi32>
        %gather3A_1030 = tpu.vector_load_idx %arg14[%add3A_1029] : memref<256xf32, #tpu.memory_space<vmem>>[vector<16xi32>], vector<16xf32>,
        %add3A_1031 = arith.constant 14 : i32
        %add3A_1032 = vector.broadcast %add3A_1031 : i32 to vector<16xi32>
        %add3A_1033 = arith.addi %mul3A_5, %add3A_1032 : vector<16xi32>
        %gather3A_1034 = tpu.vector_load_idx %arg14[%add3A_1033] : memref<256xf32, #tpu.memory_space<vmem>>[vector<16xi32>], vector<16xf32>,
        %add3A_1035 = arith.constant 15 : i32
        %add3A_1036 = vector.broadcast %add3A_1035 : i32 to vector<16xi32>
        %add3A_1037 = arith.addi %mul3A_5, %add3A_1036 : vector<16xi32>
        %gather3A_1038 = tpu.vector_load_idx %arg14[%add3A_1037] : memref<256xf32, #tpu.memory_space<vmem>>[vector<16xi32>], vector<16xf32>,
        %add3A_1039 = arith.addf %gather3A, %gather3A_982 : vector<16xf32>
        %add3A_1040 = arith.addf %gather3A_986, %gather3A_990 : vector<16xf32>
        %add3A_1041 = arith.addf %gather3A_994, %gather3A_998 : vector<16xf32>
        %add3A_1042 = arith.addf %gather3A_1002, %gather3A_1006 : vector<16xf32>
        %add3A_1043 = arith.addf %gather3A_1010, %gather3A_1014 : vector<16xf32>
        %add3A_1044 = arith.addf %gather3A_1018, %gather3A_1022 : vector<16xf32>
        %add3A_1045 = arith.addf %gather3A_1026, %gather3A_1030 : vector<16xf32>
        %add3A_1046 = arith.addf %gather3A_1034, %gather3A_1038 : vector<16xf32>
        %add3A_1047 = arith.addf %add3A_1039, %add3A_1040 : vector<16xf32>
        %add3A_1048 = arith.addf %add3A_1041, %add3A_1042 : vector<16xf32>
        %add3A_1049 = arith.addf %add3A_1043, %add3A_1044 : vector<16xf32>
        %add3A_1050 = arith.addf %add3A_1045, %add3A_1046 : vector<16xf32>
        %add3A_1051 = arith.addf %add3A_1047, %add3A_1048 : vector<16xf32>
        %add3A_1052 = arith.addf %add3A_1049, %add3A_1050 : vector<16xf32>
        %add3A_1053 = arith.addf %add3A_1051, %add3A_1052 : vector<16xf32>
        %mul3A_1054 = arith.constant 80 : i32
        %mul3A_1055 = arith.muli %mul3A_40, %mul3A_1054 : i32
        %add3A_1056 = arith.addi %mul3A_1055, %mul3A_99 : i32
        %swap3A_1057 = arith.index_cast %add3A_1056 : i32 to index
        %swap3A_1058 = tpu.vector_load %arg9[%swap3A_1057] {strides = array<i32>} : memref<10000xf32, #tpu.memory_space<vmem>>, vector<16xf32>,
        tpu.vector_store %arg9[%swap3A_1057], %add3A_1053 {strides = array<i32>} : memref<10000xf32, #tpu.memory_space<vmem>>, vector<16xf32>,
        %scan3A_1059 = arith.constant 0 : i32
        scf.yield %scan3A_1059 : i32
      }
      %scan3A_71 = arith.constant 5 : i32
      %add3A_72 = arith.constant 2 : i32
      %add3A_73 = arith.addi %mul3A_40, %add3A_72 : i32
      %lt3A = arith.constant 125 : i32
      %lt3A_74 = arith.cmpi slt, %add3A_73, %lt3A : i32
      %convert_element_type3A = arith.extui %lt3A_74 : i1 to i32
      %cond3A = arith.constant 0 : i32
      %cond3A_75 = arith.cmpi ne, %convert_element_type3A, %cond3A : i32
      scf.if %cond3A_75 {
        %add3A_96 = arith.constant 2 : i32
        %add3A_97 = arith.addi %mul3A_40, %add3A_96 : i32
        %mul3A_98 = arith.constant 80 : i32
        %mul3A_99 = arith.muli %add3A_97, %mul3A_98 : i32
        %dma_start3A_100 = tpu.memref_slice %arg7[%mul3A_99] : memref<10000xi32, #tpu.memory_space<vmem>> -> memref<80xi32, #tpu.memory_space<vmem>>
        %dma_start3A_101 = arith.constant 0 : i32
        %dma_start3A_102 = arith.constant 0 : i32
        %dma_start3A_103 = tpu.memref_slice %arg2[%dma_start3A_101, %dma_start3A_102] : memref<10000x128xf32, #tpu.memory_space<hbm>> -> memref<10000x128xf32, #tpu.memory_space<hbm>>
        tpu.enqueue_indirect_dma source(%dma_start3A_103 : memref<10000x128xf32, #tpu.memory_space<hbm>>) target(%arg10 : memref<80x128xf32, #tpu.memory_space<vmem>>) offsets(%dma_start3A_100 : memref<80xi32, #tpu.memory_space<vmem>>) semaphore(%arg15 : memref<!tpu.dma_semaphore, #tpu.memory_space<semaphore_mem>>)
        %mul3A_104 = arith.constant 80 : i32
        %mul3A_105 = arith.muli %add3A_97, %mul3A_104 : i32
        %dma_start3A_106 = tpu.memref_slice %arg8[%mul3A_105] : memref<10000xi32, #tpu.memory_space<vmem>> -> memref<80xi32, #tpu.memory_space<vmem>>
        %dma_start3A_107 = arith.constant 0 : i32
        %dma_start3A_108 = arith.constant 0 : i32
        %dma_start3A_109 = tpu.memref_slice %arg3[%dma_start3A_107, %dma_start3A_108] : memref<10000x128xf32, #tpu.memory_space<hbm>> -> memref<10000x128xf32, #tpu.memory_space<hbm>>
        tpu.enqueue_indirect_dma source(%dma_start3A_109 : memref<10000x128xf32, #tpu.memory_space<hbm>>) target(%arg11 : memref<80x128xf32, #tpu.memory_space<vmem>>) offsets(%dma_start3A_106 : memref<80xi32, #tpu.memory_space<vmem>>) semaphore(%arg15 : memref<!tpu.dma_semaphore, #tpu.memory_space<semaphore_mem>>)
      } else {
      }
      %dma_wait3A_76 = arith.constant 0 : i32
      %dma_wait3A_77 = tpu.memref_slice %arg7[%dma_wait3A_76] : memref<10000xi32, #tpu.memory_space<vmem>> -> memref<80xi32, #tpu.memory_space<vmem>>
      %dma_wait3A_78 = arith.constant 0 : i32
      %dma_wait3A_79 = arith.constant 0 : i32
      %dma_wait3A_80 = tpu.memref_slice %arg2[%dma_wait3A_78, %dma_wait3A_79] : memref<10000x128xf32, #tpu.memory_space<hbm>> -> memref<10000x128xf32, #tpu.memory_space<hbm>>
      tpu.wait_indirect_dma semaphore(%arg16 : memref<!tpu.dma_semaphore, #tpu.memory_space<semaphore_mem>>) src(%dma_wait3A_80 : memref<10000x128xf32, #tpu.memory_space<hbm>>) dst(%arg12 : memref<80x128xf32, #tpu.memory_space<vmem>>)
      %dma_wait3A_81 = arith.constant 0 : i32
      %dma_wait3A_82 = tpu.memref_slice %arg8[%dma_wait3A_81] : memref<10000xi32, #tpu.memory_space<vmem>> -> memref<80xi32, #tpu.memory_space<vmem>>
      %dma_wait3A_83 = arith.constant 0 : i32
      %dma_wait3A_84 = arith.constant 0 : i32
      %dma_wait3A_85 = tpu.memref_slice %arg3[%dma_wait3A_83, %dma_wait3A_84] : memref<10000x128xf32, #tpu.memory_space<hbm>> -> memref<10000x128xf32, #tpu.memory_space<hbm>>
      tpu.wait_indirect_dma semaphore(%arg16 : memref<!tpu.dma_semaphore, #tpu.memory_space<semaphore_mem>>) src(%dma_wait3A_85 : memref<10000x128xf32, #tpu.memory_space<hbm>>) dst(%arg13 : memref<80x128xf32, #tpu.memory_space<vmem>>)
      %add3A_86 = arith.constant 1 : i32
      %add3A_87 = arith.addi %mul3A_40, %add3A_86 : i32
      %scan3A_88 = arith.constant 0 : i32
      %scan3A_89 = arith.constant 0 : i32
      %scan3A_90 = arith.constant 5 : i32
      %scan3A_91 = arith.addi %scan3A_89, %scan3A_90 : i32
      %scan3A_92 = arith.constant 1 : i32
      %scan3A_93 = scf.for %scan3A_96 = %scan3A_89 to %scan3A_91 step %scan3A_92 iter_args(%scan3A_97 = %scan3A_88) -> (i32)  : i32 {
        %mul3A_98 = arith.constant 16 : i32
        %mul3A_99 = arith.muli %scan3A_96, %mul3A_98 : i32
        %add3A_100 = arith.constant 0 : i32
        %add3A_101 = arith.addi %mul3A_99, %add3A_100 : i32
        %get3A = arith.index_cast %add3A_101 : i32 to index
        %get3A_102 = arith.constant 0 : index
        %get3A_103 = tpu.vector_load %arg12[%get3A, %get3A_102] {strides = array<i32>} : memref<80x128xf32, #tpu.memory_space<vmem>>, vector<16xf32>,
        %bitcast3A = vector.bitcast %get3A_103 : vector<16xf32> to vector<32xbf16>
        %get3A_104 = arith.index_cast %add3A_101 : i32 to index
        %get3A_105 = arith.constant 0 : index
        %get3A_106 = tpu.vector_load %arg13[%get3A_104, %get3A_105] {strides = array<i32>} : memref<80x128xf32, #tpu.memory_space<vmem>>, vector<16xf32>,
        %bitcast3A_107 = vector.bitcast %get3A_106 : vector<16xf32> to vector<32xbf16>
        %mul3A_108 = arith.mulf %bitcast3A, %bitcast3A_107 : vector<32xbf16>
        %unpack3A = tpu.unpack_subelements %mul3A_108, 0 {pack_format = #tpu.pack_format<interleaved>} : vector<32xbf16> -> vector<16xf32>
        %unpack3A_109 = tpu.unpack_subelements %mul3A_108, 1 {pack_format = #tpu.pack_format<interleaved>} : vector<32xbf16> -> vector<16xf32>
        %add3A_110 = arith.addf %unpack3A, %unpack3A_109 : vector<16xf32>
        %get3A_111 = arith.index_cast %add3A_101 : i32 to index
        %get3A_112 = arith.constant 16 : index
        %get3A_113 = tpu.vector_load %arg12[%get3A_111, %get3A_112] {strides = array<i32>} : memref<80x128xf32, #tpu.memory_space<vmem>>, vector<16xf32>,
        %bitcast3A_114 = vector.bitcast %get3A_113 : vector<16xf32> to vector<32xbf16>
        %get3A_115 = arith.index_cast %add3A_101 : i32 to index
        %get3A_116 = arith.constant 16 : index
        %get3A_117 = tpu.vector_load %arg13[%get3A_115, %get3A_116] {strides = array<i32>} : memref<80x128xf32, #tpu.memory_space<vmem>>, vector<16xf32>,
        %bitcast3A_118 = vector.bitcast %get3A_117 : vector<16xf32> to vector<32xbf16>
        %mul3A_119 = arith.mulf %bitcast3A_114, %bitcast3A_118 : vector<32xbf16>
        %unpack3A_120 = tpu.unpack_subelements %mul3A_119, 0 {pack_format = #tpu.pack_format<interleaved>} : vector<32xbf16> -> vector<16xf32>
        %unpack3A_121 = tpu.unpack_subelements %mul3A_119, 1 {pack_format = #tpu.pack_format<interleaved>} : vector<32xbf16> -> vector<16xf32>
        %add3A_122 = arith.addf %unpack3A_120, %unpack3A_121 : vector<16xf32>
        %get3A_123 = arith.index_cast %add3A_101 : i32 to index
        %get3A_124 = arith.constant 32 : index
        %get3A_125 = tpu.vector_load %arg12[%get3A_123, %get3A_124] {strides = array<i32>} : memref<80x128xf32, #tpu.memory_space<vmem>>, vector<16xf32>,
        %bitcast3A_126 = vector.bitcast %get3A_125 : vector<16xf32> to vector<32xbf16>
        %get3A_127 = arith.index_cast %add3A_101 : i32 to index
        %get3A_128 = arith.constant 32 : index
        %get3A_129 = tpu.vector_load %arg13[%get3A_127, %get3A_128] {strides = array<i32>} : memref<80x128xf32, #tpu.memory_space<vmem>>, vector<16xf32>,
        %bitcast3A_130 = vector.bitcast %get3A_129 : vector<16xf32> to vector<32xbf16>
        %mul3A_131 = arith.mulf %bitcast3A_126, %bitcast3A_130 : vector<32xbf16>
        %unpack3A_132 = tpu.unpack_subelements %mul3A_131, 0 {pack_format = #tpu.pack_format<interleaved>} : vector<32xbf16> -> vector<16xf32>
        %unpack3A_133 = tpu.unpack_subelements %mul3A_131, 1 {pack_format = #tpu.pack_format<interleaved>} : vector<32xbf16> -> vector<16xf32>
        %add3A_134 = arith.addf %unpack3A_132, %unpack3A_133 : vector<16xf32>
        %get3A_135 = arith.index_cast %add3A_101 : i32 to index
        %get3A_136 = arith.constant 48 : index
        %get3A_137 = tpu.vector_load %arg12[%get3A_135, %get3A_136] {strides = array<i32>} : memref<80x128xf32, #tpu.memory_space<vmem>>, vector<16xf32>,
        %bitcast3A_138 = vector.bitcast %get3A_137 : vector<16xf32> to vector<32xbf16>
        %get3A_139 = arith.index_cast %add3A_101 : i32 to index
        %get3A_140 = arith.constant 48 : index
        %get3A_141 = tpu.vector_load %arg13[%get3A_139, %get3A_140] {strides = array<i32>} : memref<80x128xf32, #tpu.memory_space<vmem>>, vector<16xf32>,
        %bitcast3A_142 = vector.bitcast %get3A_141 : vector<16xf32> to vector<32xbf16>
        %mul3A_143 = arith.mulf %bitcast3A_138, %bitcast3A_142 : vector<32xbf16>
        %unpack3A_144 = tpu.unpack_subelements %mul3A_143, 0 {pack_format = #tpu.pack_format<interleaved>} : vector<32xbf16> -> vector<16xf32>
        %unpack3A_145 = tpu.unpack_subelements %mul3A_143, 1 {pack_format = #tpu.pack_format<interleaved>} : vector<32xbf16> -> vector<16xf32>
        %add3A_146 = arith.addf %unpack3A_144, %unpack3A_145 : vector<16xf32>
        %add3A_147 = arith.addf %add3A_110, %add3A_122 : vector<16xf32>
        %add3A_148 = arith.addf %add3A_134, %add3A_146 : vector<16xf32>
        %add3A_149 = arith.addf %add3A_147, %add3A_148 : vector<16xf32>
        %add3A_150 = arith.constant 1 : i32
        %add3A_151 = arith.addi %mul3A_99, %add3A_150 : i32
        %get3A_152 = arith.index_cast %add3A_151 : i32 to index
        %get3A_153 = arith.constant 0 : index
        %get3A_154 = tpu.vector_load %arg12[%get3A_152, %get3A_153] {strides = array<i32>} : memref<80x128xf32, #tpu.memory_space<vmem>>, vector<16xf32>,
        %bitcast3A_155 = vector.bitcast %get3A_154 : vector<16xf32> to vector<32xbf16>
        %get3A_156 = arith.index_cast %add3A_151 : i32 to index
        %get3A_157 = arith.constant 0 : index
        %get3A_158 = tpu.vector_load %arg13[%get3A_156, %get3A_157] {strides = array<i32>} : memref<80x128xf32, #tpu.memory_space<vmem>>, vector<16xf32>,
        %bitcast3A_159 = vector.bitcast %get3A_158 : vector<16xf32> to vector<32xbf16>
        %mul3A_160 = arith.mulf %bitcast3A_155, %bitcast3A_159 : vector<32xbf16>
        %unpack3A_161 = tpu.unpack_subelements %mul3A_160, 0 {pack_format = #tpu.pack_format<interleaved>} : vector<32xbf16> -> vector<16xf32>
        %unpack3A_162 = tpu.unpack_subelements %mul3A_160, 1 {pack_format = #tpu.pack_format<interleaved>} : vector<32xbf16> -> vector<16xf32>
        %add3A_163 = arith.addf %unpack3A_161, %unpack3A_162 : vector<16xf32>
        %get3A_164 = arith.index_cast %add3A_151 : i32 to index
        %get3A_165 = arith.constant 16 : index
        %get3A_166 = tpu.vector_load %arg12[%get3A_164, %get3A_165] {strides = array<i32>} : memref<80x128xf32, #tpu.memory_space<vmem>>, vector<16xf32>,
        %bitcast3A_167 = vector.bitcast %get3A_166 : vector<16xf32> to vector<32xbf16>
        %get3A_168 = arith.index_cast %add3A_151 : i32 to index
        %get3A_169 = arith.constant 16 : index
        %get3A_170 = tpu.vector_load %arg13[%get3A_168, %get3A_169] {strides = array<i32>} : memref<80x128xf32, #tpu.memory_space<vmem>>, vector<16xf32>,
        %bitcast3A_171 = vector.bitcast %get3A_170 : vector<16xf32> to vector<32xbf16>
        %mul3A_172 = arith.mulf %bitcast3A_167, %bitcast3A_171 : vector<32xbf16>
        %unpack3A_173 = tpu.unpack_subelements %mul3A_172, 0 {pack_format = #tpu.pack_format<interleaved>} : vector<32xbf16> -> vector<16xf32>
        %unpack3A_174 = tpu.unpack_subelements %mul3A_172, 1 {pack_format = #tpu.pack_format<interleaved>} : vector<32xbf16> -> vector<16xf32>
        %add3A_175 = arith.addf %unpack3A_173, %unpack3A_174 : vector<16xf32>
        %get3A_176 = arith.index_cast %add3A_151 : i32 to index
        %get3A_177 = arith.constant 32 : index
        %get3A_178 = tpu.vector_load %arg12[%get3A_176, %get3A_177] {strides = array<i32>} : memref<80x128xf32, #tpu.memory_space<vmem>>, vector<16xf32>,
        %bitcast3A_179 = vector.bitcast %get3A_178 : vector<16xf32> to vector<32xbf16>
        %get3A_180 = arith.index_cast %add3A_151 : i32 to index
        %get3A_181 = arith.constant 32 : index
        %get3A_182 = tpu.vector_load %arg13[%get3A_180, %get3A_181] {strides = array<i32>} : memref<80x128xf32, #tpu.memory_space<vmem>>, vector<16xf32>,
        %bitcast3A_183 = vector.bitcast %get3A_182 : vector<16xf32> to vector<32xbf16>
        %mul3A_184 = arith.mulf %bitcast3A_179, %bitcast3A_183 : vector<32xbf16>
        %unpack3A_185 = tpu.unpack_subelements %mul3A_184, 0 {pack_format = #tpu.pack_format<interleaved>} : vector<32xbf16> -> vector<16xf32>
        %unpack3A_186 = tpu.unpack_subelements %mul3A_184, 1 {pack_format = #tpu.pack_format<interleaved>} : vector<32xbf16> -> vector<16xf32>
        %add3A_187 = arith.addf %unpack3A_185, %unpack3A_186 : vector<16xf32>
        %get3A_188 = arith.index_cast %add3A_151 : i32 to index
        %get3A_189 = arith.constant 48 : index
        %get3A_190 = tpu.vector_load %arg12[%get3A_188, %get3A_189] {strides = array<i32>} : memref<80x128xf32, #tpu.memory_space<vmem>>, vector<16xf32>,
        %bitcast3A_191 = vector.bitcast %get3A_190 : vector<16xf32> to vector<32xbf16>
        %get3A_192 = arith.index_cast %add3A_151 : i32 to index
        %get3A_193 = arith.constant 48 : index
        %get3A_194 = tpu.vector_load %arg13[%get3A_192, %get3A_193] {strides = array<i32>} : memref<80x128xf32, #tpu.memory_space<vmem>>, vector<16xf32>,
        %bitcast3A_195 = vector.bitcast %get3A_194 : vector<16xf32> to vector<32xbf16>
        %mul3A_196 = arith.mulf %bitcast3A_191, %bitcast3A_195 : vector<32xbf16>
        %unpack3A_197 = tpu.unpack_subelements %mul3A_196, 0 {pack_format = #tpu.pack_format<interleaved>} : vector<32xbf16> -> vector<16xf32>
        %unpack3A_198 = tpu.unpack_subelements %mul3A_196, 1 {pack_format = #tpu.pack_format<interleaved>} : vector<32xbf16> -> vector<16xf32>
        %add3A_199 = arith.addf %unpack3A_197, %unpack3A_198 : vector<16xf32>
        %add3A_200 = arith.addf %add3A_163, %add3A_175 : vector<16xf32>
        %add3A_201 = arith.addf %add3A_187, %add3A_199 : vector<16xf32>
        %add3A_202 = arith.addf %add3A_200, %add3A_201 : vector<16xf32>
        %add3A_203 = arith.constant 2 : i32
        %add3A_204 = arith.addi %mul3A_99, %add3A_203 : i32
        %get3A_205 = arith.index_cast %add3A_204 : i32 to index
        %get3A_206 = arith.constant 0 : index
        %get3A_207 = tpu.vector_load %arg12[%get3A_205, %get3A_206] {strides = array<i32>} : memref<80x128xf32, #tpu.memory_space<vmem>>, vector<16xf32>,
        %bitcast3A_208 = vector.bitcast %get3A_207 : vector<16xf32> to vector<32xbf16>
        %get3A_209 = arith.index_cast %add3A_204 : i32 to index
        %get3A_210 = arith.constant 0 : index
        %get3A_211 = tpu.vector_load %arg13[%get3A_209, %get3A_210] {strides = array<i32>} : memref<80x128xf32, #tpu.memory_space<vmem>>, vector<16xf32>,
        %bitcast3A_212 = vector.bitcast %get3A_211 : vector<16xf32> to vector<32xbf16>
        %mul3A_213 = arith.mulf %bitcast3A_208, %bitcast3A_212 : vector<32xbf16>
        %unpack3A_214 = tpu.unpack_subelements %mul3A_213, 0 {pack_format = #tpu.pack_format<interleaved>} : vector<32xbf16> -> vector<16xf32>
        %unpack3A_215 = tpu.unpack_subelements %mul3A_213, 1 {pack_format = #tpu.pack_format<interleaved>} : vector<32xbf16> -> vector<16xf32>
        %add3A_216 = arith.addf %unpack3A_214, %unpack3A_215 : vector<16xf32>
        %get3A_217 = arith.index_cast %add3A_204 : i32 to index
        %get3A_218 = arith.constant 16 : index
        %get3A_219 = tpu.vector_load %arg12[%get3A_217, %get3A_218] {strides = array<i32>} : memref<80x128xf32, #tpu.memory_space<vmem>>, vector<16xf32>,
        %bitcast3A_220 = vector.bitcast %get3A_219 : vector<16xf32> to vector<32xbf16>
        %get3A_221 = arith.index_cast %add3A_204 : i32 to index
        %get3A_222 = arith.constant 16 : index
        %get3A_223 = tpu.vector_load %arg13[%get3A_221, %get3A_222] {strides = array<i32>} : memref<80x128xf32, #tpu.memory_space<vmem>>, vector<16xf32>,
        %bitcast3A_224 = vector.bitcast %get3A_223 : vector<16xf32> to vector<32xbf16>
        %mul3A_225 = arith.mulf %bitcast3A_220, %bitcast3A_224 : vector<32xbf16>
        %unpack3A_226 = tpu.unpack_subelements %mul3A_225, 0 {pack_format = #tpu.pack_format<interleaved>} : vector<32xbf16> -> vector<16xf32>
        %unpack3A_227 = tpu.unpack_subelements %mul3A_225, 1 {pack_format = #tpu.pack_format<interleaved>} : vector<32xbf16> -> vector<16xf32>
        %add3A_228 = arith.addf %unpack3A_226, %unpack3A_227 : vector<16xf32>
        %get3A_229 = arith.index_cast %add3A_204 : i32 to index
        %get3A_230 = arith.constant 32 : index
        %get3A_231 = tpu.vector_load %arg12[%get3A_229, %get3A_230] {strides = array<i32>} : memref<80x128xf32, #tpu.memory_space<vmem>>, vector<16xf32>,
        %bitcast3A_232 = vector.bitcast %get3A_231 : vector<16xf32> to vector<32xbf16>
        %get3A_233 = arith.index_cast %add3A_204 : i32 to index
        %get3A_234 = arith.constant 32 : index
        %get3A_235 = tpu.vector_load %arg13[%get3A_233, %get3A_234] {strides = array<i32>} : memref<80x128xf32, #tpu.memory_space<vmem>>, vector<16xf32>,
        %bitcast3A_236 = vector.bitcast %get3A_235 : vector<16xf32> to vector<32xbf16>
        %mul3A_237 = arith.mulf %bitcast3A_232, %bitcast3A_236 : vector<32xbf16>
        %unpack3A_238 = tpu.unpack_subelements %mul3A_237, 0 {pack_format = #tpu.pack_format<interleaved>} : vector<32xbf16> -> vector<16xf32>
        %unpack3A_239 = tpu.unpack_subelements %mul3A_237, 1 {pack_format = #tpu.pack_format<interleaved>} : vector<32xbf16> -> vector<16xf32>
        %add3A_240 = arith.addf %unpack3A_238, %unpack3A_239 : vector<16xf32>
        %get3A_241 = arith.index_cast %add3A_204 : i32 to index
        %get3A_242 = arith.constant 48 : index
        %get3A_243 = tpu.vector_load %arg12[%get3A_241, %get3A_242] {strides = array<i32>} : memref<80x128xf32, #tpu.memory_space<vmem>>, vector<16xf32>,
        %bitcast3A_244 = vector.bitcast %get3A_243 : vector<16xf32> to vector<32xbf16>
        %get3A_245 = arith.index_cast %add3A_204 : i32 to index
        %get3A_246 = arith.constant 48 : index
        %get3A_247 = tpu.vector_load %arg13[%get3A_245, %get3A_246] {strides = array<i32>} : memref<80x128xf32, #tpu.memory_space<vmem>>, vector<16xf32>,
        %bitcast3A_248 = vector.bitcast %get3A_247 : vector<16xf32> to vector<32xbf16>
        %mul3A_249 = arith.mulf %bitcast3A_244, %bitcast3A_248 : vector<32xbf16>
        %unpack3A_250 = tpu.unpack_subelements %mul3A_249, 0 {pack_format = #tpu.pack_format<interleaved>} : vector<32xbf16> -> vector<16xf32>
        %unpack3A_251 = tpu.unpack_subelements %mul3A_249, 1 {pack_format = #tpu.pack_format<interleaved>} : vector<32xbf16> -> vector<16xf32>
        %add3A_252 = arith.addf %unpack3A_250, %unpack3A_251 : vector<16xf32>
        %add3A_253 = arith.addf %add3A_216, %add3A_228 : vector<16xf32>
        %add3A_254 = arith.addf %add3A_240, %add3A_252 : vector<16xf32>
        %add3A_255 = arith.addf %add3A_253, %add3A_254 : vector<16xf32>
        %add3A_256 = arith.constant 3 : i32
        %add3A_257 = arith.addi %mul3A_99, %add3A_256 : i32
        %get3A_258 = arith.index_cast %add3A_257 : i32 to index
        %get3A_259 = arith.constant 0 : index
        %get3A_260 = tpu.vector_load %arg12[%get3A_258, %get3A_259] {strides = array<i32>} : memref<80x128xf32, #tpu.memory_space<vmem>>, vector<16xf32>,
        %bitcast3A_261 = vector.bitcast %get3A_260 : vector<16xf32> to vector<32xbf16>
        %get3A_262 = arith.index_cast %add3A_257 : i32 to index
        %get3A_263 = arith.constant 0 : index
        %get3A_264 = tpu.vector_load %arg13[%get3A_262, %get3A_263] {strides = array<i32>} : memref<80x128xf32, #tpu.memory_space<vmem>>, vector<16xf32>,
        %bitcast3A_265 = vector.bitcast %get3A_264 : vector<16xf32> to vector<32xbf16>
        %mul3A_266 = arith.mulf %bitcast3A_261, %bitcast3A_265 : vector<32xbf16>
        %unpack3A_267 = tpu.unpack_subelements %mul3A_266, 0 {pack_format = #tpu.pack_format<interleaved>} : vector<32xbf16> -> vector<16xf32>
        %unpack3A_268 = tpu.unpack_subelements %mul3A_266, 1 {pack_format = #tpu.pack_format<interleaved>} : vector<32xbf16> -> vector<16xf32>
        %add3A_269 = arith.addf %unpack3A_267, %unpack3A_268 : vector<16xf32>
        %get3A_270 = arith.index_cast %add3A_257 : i32 to index
        %get3A_271 = arith.constant 16 : index
        %get3A_272 = tpu.vector_load %arg12[%get3A_270, %get3A_271] {strides = array<i32>} : memref<80x128xf32, #tpu.memory_space<vmem>>, vector<16xf32>,
        %bitcast3A_273 = vector.bitcast %get3A_272 : vector<16xf32> to vector<32xbf16>
        %get3A_274 = arith.index_cast %add3A_257 : i32 to index
        %get3A_275 = arith.constant 16 : index
        %get3A_276 = tpu.vector_load %arg13[%get3A_274, %get3A_275] {strides = array<i32>} : memref<80x128xf32, #tpu.memory_space<vmem>>, vector<16xf32>,
        %bitcast3A_277 = vector.bitcast %get3A_276 : vector<16xf32> to vector<32xbf16>
        %mul3A_278 = arith.mulf %bitcast3A_273, %bitcast3A_277 : vector<32xbf16>
        %unpack3A_279 = tpu.unpack_subelements %mul3A_278, 0 {pack_format = #tpu.pack_format<interleaved>} : vector<32xbf16> -> vector<16xf32>
        %unpack3A_280 = tpu.unpack_subelements %mul3A_278, 1 {pack_format = #tpu.pack_format<interleaved>} : vector<32xbf16> -> vector<16xf32>
        %add3A_281 = arith.addf %unpack3A_279, %unpack3A_280 : vector<16xf32>
        %get3A_282 = arith.index_cast %add3A_257 : i32 to index
        %get3A_283 = arith.constant 32 : index
        %get3A_284 = tpu.vector_load %arg12[%get3A_282, %get3A_283] {strides = array<i32>} : memref<80x128xf32, #tpu.memory_space<vmem>>, vector<16xf32>,
        %bitcast3A_285 = vector.bitcast %get3A_284 : vector<16xf32> to vector<32xbf16>
        %get3A_286 = arith.index_cast %add3A_257 : i32 to index
        %get3A_287 = arith.constant 32 : index
        %get3A_288 = tpu.vector_load %arg13[%get3A_286, %get3A_287] {strides = array<i32>} : memref<80x128xf32, #tpu.memory_space<vmem>>, vector<16xf32>,
        %bitcast3A_289 = vector.bitcast %get3A_288 : vector<16xf32> to vector<32xbf16>
        %mul3A_290 = arith.mulf %bitcast3A_285, %bitcast3A_289 : vector<32xbf16>
        %unpack3A_291 = tpu.unpack_subelements %mul3A_290, 0 {pack_format = #tpu.pack_format<interleaved>} : vector<32xbf16> -> vector<16xf32>
        %unpack3A_292 = tpu.unpack_subelements %mul3A_290, 1 {pack_format = #tpu.pack_format<interleaved>} : vector<32xbf16> -> vector<16xf32>
        %add3A_293 = arith.addf %unpack3A_291, %unpack3A_292 : vector<16xf32>
        %get3A_294 = arith.index_cast %add3A_257 : i32 to index
        %get3A_295 = arith.constant 48 : index
        %get3A_296 = tpu.vector_load %arg12[%get3A_294, %get3A_295] {strides = array<i32>} : memref<80x128xf32, #tpu.memory_space<vmem>>, vector<16xf32>,
        %bitcast3A_297 = vector.bitcast %get3A_296 : vector<16xf32> to vector<32xbf16>
        %get3A_298 = arith.index_cast %add3A_257 : i32 to index
        %get3A_299 = arith.constant 48 : index
        %get3A_300 = tpu.vector_load %arg13[%get3A_298, %get3A_299] {strides = array<i32>} : memref<80x128xf32, #tpu.memory_space<vmem>>, vector<16xf32>,
        %bitcast3A_301 = vector.bitcast %get3A_300 : vector<16xf32> to vector<32xbf16>
        %mul3A_302 = arith.mulf %bitcast3A_297, %bitcast3A_301 : vector<32xbf16>
        %unpack3A_303 = tpu.unpack_subelements %mul3A_302, 0 {pack_format = #tpu.pack_format<interleaved>} : vector<32xbf16> -> vector<16xf32>
        %unpack3A_304 = tpu.unpack_subelements %mul3A_302, 1 {pack_format = #tpu.pack_format<interleaved>} : vector<32xbf16> -> vector<16xf32>
        %add3A_305 = arith.addf %unpack3A_303, %unpack3A_304 : vector<16xf32>
        %add3A_306 = arith.addf %add3A_269, %add3A_281 : vector<16xf32>
        %add3A_307 = arith.addf %add3A_293, %add3A_305 : vector<16xf32>
        %add3A_308 = arith.addf %add3A_306, %add3A_307 : vector<16xf32>
        %add3A_309 = arith.constant 4 : i32
        %add3A_310 = arith.addi %mul3A_99, %add3A_309 : i32
        %get3A_311 = arith.index_cast %add3A_310 : i32 to index
        %get3A_312 = arith.constant 0 : index
        %get3A_313 = tpu.vector_load %arg12[%get3A_311, %get3A_312] {strides = array<i32>} : memref<80x128xf32, #tpu.memory_space<vmem>>, vector<16xf32>,
        %bitcast3A_314 = vector.bitcast %get3A_313 : vector<16xf32> to vector<32xbf16>
        %get3A_315 = arith.index_cast %add3A_310 : i32 to index
        %get3A_316 = arith.constant 0 : index
        %get3A_317 = tpu.vector_load %arg13[%get3A_315, %get3A_316] {strides = array<i32>} : memref<80x128xf32, #tpu.memory_space<vmem>>, vector<16xf32>,
        %bitcast3A_318 = vector.bitcast %get3A_317 : vector<16xf32> to vector<32xbf16>
        %mul3A_319 = arith.mulf %bitcast3A_314, %bitcast3A_318 : vector<32xbf16>
        %unpack3A_320 = tpu.unpack_subelements %mul3A_319, 0 {pack_format = #tpu.pack_format<interleaved>} : vector<32xbf16> -> vector<16xf32>
        %unpack3A_321 = tpu.unpack_subelements %mul3A_319, 1 {pack_format = #tpu.pack_format<interleaved>} : vector<32xbf16> -> vector<16xf32>
        %add3A_322 = arith.addf %unpack3A_320, %unpack3A_321 : vector<16xf32>
        %get3A_323 = arith.index_cast %add3A_310 : i32 to index
        %get3A_324 = arith.constant 16 : index
        %get3A_325 = tpu.vector_load %arg12[%get3A_323, %get3A_324] {strides = array<i32>} : memref<80x128xf32, #tpu.memory_space<vmem>>, vector<16xf32>,
        %bitcast3A_326 = vector.bitcast %get3A_325 : vector<16xf32> to vector<32xbf16>
        %get3A_327 = arith.index_cast %add3A_310 : i32 to index
        %get3A_328 = arith.constant 16 : index
        %get3A_329 = tpu.vector_load %arg13[%get3A_327, %get3A_328] {strides = array<i32>} : memref<80x128xf32, #tpu.memory_space<vmem>>, vector<16xf32>,
        %bitcast3A_330 = vector.bitcast %get3A_329 : vector<16xf32> to vector<32xbf16>
        %mul3A_331 = arith.mulf %bitcast3A_326, %bitcast3A_330 : vector<32xbf16>
        %unpack3A_332 = tpu.unpack_subelements %mul3A_331, 0 {pack_format = #tpu.pack_format<interleaved>} : vector<32xbf16> -> vector<16xf32>
        %unpack3A_333 = tpu.unpack_subelements %mul3A_331, 1 {pack_format = #tpu.pack_format<interleaved>} : vector<32xbf16> -> vector<16xf32>
        %add3A_334 = arith.addf %unpack3A_332, %unpack3A_333 : vector<16xf32>
        %get3A_335 = arith.index_cast %add3A_310 : i32 to index
        %get3A_336 = arith.constant 32 : index
        %get3A_337 = tpu.vector_load %arg12[%get3A_335, %get3A_336] {strides = array<i32>} : memref<80x128xf32, #tpu.memory_space<vmem>>, vector<16xf32>,
        %bitcast3A_338 = vector.bitcast %get3A_337 : vector<16xf32> to vector<32xbf16>
        %get3A_339 = arith.index_cast %add3A_310 : i32 to index
        %get3A_340 = arith.constant 32 : index
        %get3A_341 = tpu.vector_load %arg13[%get3A_339, %get3A_340] {strides = array<i32>} : memref<80x128xf32, #tpu.memory_space<vmem>>, vector<16xf32>,
        %bitcast3A_342 = vector.bitcast %get3A_341 : vector<16xf32> to vector<32xbf16>
        %mul3A_343 = arith.mulf %bitcast3A_338, %bitcast3A_342 : vector<32xbf16>
        %unpack3A_344 = tpu.unpack_subelements %mul3A_343, 0 {pack_format = #tpu.pack_format<interleaved>} : vector<32xbf16> -> vector<16xf32>
        %unpack3A_345 = tpu.unpack_subelements %mul3A_343, 1 {pack_format = #tpu.pack_format<interleaved>} : vector<32xbf16> -> vector<16xf32>
        %add3A_346 = arith.addf %unpack3A_344, %unpack3A_345 : vector<16xf32>
        %get3A_347 = arith.index_cast %add3A_310 : i32 to index
        %get3A_348 = arith.constant 48 : index
        %get3A_349 = tpu.vector_load %arg12[%get3A_347, %get3A_348] {strides = array<i32>} : memref<80x128xf32, #tpu.memory_space<vmem>>, vector<16xf32>,
        %bitcast3A_350 = vector.bitcast %get3A_349 : vector<16xf32> to vector<32xbf16>
        %get3A_351 = arith.index_cast %add3A_310 : i32 to index
        %get3A_352 = arith.constant 48 : index
        %get3A_353 = tpu.vector_load %arg13[%get3A_351, %get3A_352] {strides = array<i32>} : memref<80x128xf32, #tpu.memory_space<vmem>>, vector<16xf32>,
        %bitcast3A_354 = vector.bitcast %get3A_353 : vector<16xf32> to vector<32xbf16>
        %mul3A_355 = arith.mulf %bitcast3A_350, %bitcast3A_354 : vector<32xbf16>
        %unpack3A_356 = tpu.unpack_subelements %mul3A_355, 0 {pack_format = #tpu.pack_format<interleaved>} : vector<32xbf16> -> vector<16xf32>
        %unpack3A_357 = tpu.unpack_subelements %mul3A_355, 1 {pack_format = #tpu.pack_format<interleaved>} : vector<32xbf16> -> vector<16xf32>
        %add3A_358 = arith.addf %unpack3A_356, %unpack3A_357 : vector<16xf32>
        %add3A_359 = arith.addf %add3A_322, %add3A_334 : vector<16xf32>
        %add3A_360 = arith.addf %add3A_346, %add3A_358 : vector<16xf32>
        %add3A_361 = arith.addf %add3A_359, %add3A_360 : vector<16xf32>
        %add3A_362 = arith.constant 5 : i32
        %add3A_363 = arith.addi %mul3A_99, %add3A_362 : i32
        %get3A_364 = arith.index_cast %add3A_363 : i32 to index
        %get3A_365 = arith.constant 0 : index
        %get3A_366 = tpu.vector_load %arg12[%get3A_364, %get3A_365] {strides = array<i32>} : memref<80x128xf32, #tpu.memory_space<vmem>>, vector<16xf32>,
        %bitcast3A_367 = vector.bitcast %get3A_366 : vector<16xf32> to vector<32xbf16>
        %get3A_368 = arith.index_cast %add3A_363 : i32 to index
        %get3A_369 = arith.constant 0 : index
        %get3A_370 = tpu.vector_load %arg13[%get3A_368, %get3A_369] {strides = array<i32>} : memref<80x128xf32, #tpu.memory_space<vmem>>, vector<16xf32>,
        %bitcast3A_371 = vector.bitcast %get3A_370 : vector<16xf32> to vector<32xbf16>
        %mul3A_372 = arith.mulf %bitcast3A_367, %bitcast3A_371 : vector<32xbf16>
        %unpack3A_373 = tpu.unpack_subelements %mul3A_372, 0 {pack_format = #tpu.pack_format<interleaved>} : vector<32xbf16> -> vector<16xf32>
        %unpack3A_374 = tpu.unpack_subelements %mul3A_372, 1 {pack_format = #tpu.pack_format<interleaved>} : vector<32xbf16> -> vector<16xf32>
        %add3A_375 = arith.addf %unpack3A_373, %unpack3A_374 : vector<16xf32>
        %get3A_376 = arith.index_cast %add3A_363 : i32 to index
        %get3A_377 = arith.constant 16 : index
        %get3A_378 = tpu.vector_load %arg12[%get3A_376, %get3A_377] {strides = array<i32>} : memref<80x128xf32, #tpu.memory_space<vmem>>, vector<16xf32>,
        %bitcast3A_379 = vector.bitcast %get3A_378 : vector<16xf32> to vector<32xbf16>
        %get3A_380 = arith.index_cast %add3A_363 : i32 to index
        %get3A_381 = arith.constant 16 : index
        %get3A_382 = tpu.vector_load %arg13[%get3A_380, %get3A_381] {strides = array<i32>} : memref<80x128xf32, #tpu.memory_space<vmem>>, vector<16xf32>,
        %bitcast3A_383 = vector.bitcast %get3A_382 : vector<16xf32> to vector<32xbf16>
        %mul3A_384 = arith.mulf %bitcast3A_379, %bitcast3A_383 : vector<32xbf16>
        %unpack3A_385 = tpu.unpack_subelements %mul3A_384, 0 {pack_format = #tpu.pack_format<interleaved>} : vector<32xbf16> -> vector<16xf32>
        %unpack3A_386 = tpu.unpack_subelements %mul3A_384, 1 {pack_format = #tpu.pack_format<interleaved>} : vector<32xbf16> -> vector<16xf32>
        %add3A_387 = arith.addf %unpack3A_385, %unpack3A_386 : vector<16xf32>
        %get3A_388 = arith.index_cast %add3A_363 : i32 to index
        %get3A_389 = arith.constant 32 : index
        %get3A_390 = tpu.vector_load %arg12[%get3A_388, %get3A_389] {strides = array<i32>} : memref<80x128xf32, #tpu.memory_space<vmem>>, vector<16xf32>,
        %bitcast3A_391 = vector.bitcast %get3A_390 : vector<16xf32> to vector<32xbf16>
        %get3A_392 = arith.index_cast %add3A_363 : i32 to index
        %get3A_393 = arith.constant 32 : index
        %get3A_394 = tpu.vector_load %arg13[%get3A_392, %get3A_393] {strides = array<i32>} : memref<80x128xf32, #tpu.memory_space<vmem>>, vector<16xf32>,
        %bitcast3A_395 = vector.bitcast %get3A_394 : vector<16xf32> to vector<32xbf16>
        %mul3A_396 = arith.mulf %bitcast3A_391, %bitcast3A_395 : vector<32xbf16>
        %unpack3A_397 = tpu.unpack_subelements %mul3A_396, 0 {pack_format = #tpu.pack_format<interleaved>} : vector<32xbf16> -> vector<16xf32>
        %unpack3A_398 = tpu.unpack_subelements %mul3A_396, 1 {pack_format = #tpu.pack_format<interleaved>} : vector<32xbf16> -> vector<16xf32>
        %add3A_399 = arith.addf %unpack3A_397, %unpack3A_398 : vector<16xf32>
        %get3A_400 = arith.index_cast %add3A_363 : i32 to index
        %get3A_401 = arith.constant 48 : index
        %get3A_402 = tpu.vector_load %arg12[%get3A_400, %get3A_401] {strides = array<i32>} : memref<80x128xf32, #tpu.memory_space<vmem>>, vector<16xf32>,
        %bitcast3A_403 = vector.bitcast %get3A_402 : vector<16xf32> to vector<32xbf16>
        %get3A_404 = arith.index_cast %add3A_363 : i32 to index
        %get3A_405 = arith.constant 48 : index
        %get3A_406 = tpu.vector_load %arg13[%get3A_404, %get3A_405] {strides = array<i32>} : memref<80x128xf32, #tpu.memory_space<vmem>>, vector<16xf32>,
        %bitcast3A_407 = vector.bitcast %get3A_406 : vector<16xf32> to vector<32xbf16>
        %mul3A_408 = arith.mulf %bitcast3A_403, %bitcast3A_407 : vector<32xbf16>
        %unpack3A_409 = tpu.unpack_subelements %mul3A_408, 0 {pack_format = #tpu.pack_format<interleaved>} : vector<32xbf16> -> vector<16xf32>
        %unpack3A_410 = tpu.unpack_subelements %mul3A_408, 1 {pack_format = #tpu.pack_format<interleaved>} : vector<32xbf16> -> vector<16xf32>
        %add3A_411 = arith.addf %unpack3A_409, %unpack3A_410 : vector<16xf32>
        %add3A_412 = arith.addf %add3A_375, %add3A_387 : vector<16xf32>
        %add3A_413 = arith.addf %add3A_399, %add3A_411 : vector<16xf32>
        %add3A_414 = arith.addf %add3A_412, %add3A_413 : vector<16xf32>
        %add3A_415 = arith.constant 6 : i32
        %add3A_416 = arith.addi %mul3A_99, %add3A_415 : i32
        %get3A_417 = arith.index_cast %add3A_416 : i32 to index
        %get3A_418 = arith.constant 0 : index
        %get3A_419 = tpu.vector_load %arg12[%get3A_417, %get3A_418] {strides = array<i32>} : memref<80x128xf32, #tpu.memory_space<vmem>>, vector<16xf32>,
        %bitcast3A_420 = vector.bitcast %get3A_419 : vector<16xf32> to vector<32xbf16>
        %get3A_421 = arith.index_cast %add3A_416 : i32 to index
        %get3A_422 = arith.constant 0 : index
        %get3A_423 = tpu.vector_load %arg13[%get3A_421, %get3A_422] {strides = array<i32>} : memref<80x128xf32, #tpu.memory_space<vmem>>, vector<16xf32>,
        %bitcast3A_424 = vector.bitcast %get3A_423 : vector<16xf32> to vector<32xbf16>
        %mul3A_425 = arith.mulf %bitcast3A_420, %bitcast3A_424 : vector<32xbf16>
        %unpack3A_426 = tpu.unpack_subelements %mul3A_425, 0 {pack_format = #tpu.pack_format<interleaved>} : vector<32xbf16> -> vector<16xf32>
        %unpack3A_427 = tpu.unpack_subelements %mul3A_425, 1 {pack_format = #tpu.pack_format<interleaved>} : vector<32xbf16> -> vector<16xf32>
        %add3A_428 = arith.addf %unpack3A_426, %unpack3A_427 : vector<16xf32>
        %get3A_429 = arith.index_cast %add3A_416 : i32 to index
        %get3A_430 = arith.constant 16 : index
        %get3A_431 = tpu.vector_load %arg12[%get3A_429, %get3A_430] {strides = array<i32>} : memref<80x128xf32, #tpu.memory_space<vmem>>, vector<16xf32>,
        %bitcast3A_432 = vector.bitcast %get3A_431 : vector<16xf32> to vector<32xbf16>
        %get3A_433 = arith.index_cast %add3A_416 : i32 to index
        %get3A_434 = arith.constant 16 : index
        %get3A_435 = tpu.vector_load %arg13[%get3A_433, %get3A_434] {strides = array<i32>} : memref<80x128xf32, #tpu.memory_space<vmem>>, vector<16xf32>,
        %bitcast3A_436 = vector.bitcast %get3A_435 : vector<16xf32> to vector<32xbf16>
        %mul3A_437 = arith.mulf %bitcast3A_432, %bitcast3A_436 : vector<32xbf16>
        %unpack3A_438 = tpu.unpack_subelements %mul3A_437, 0 {pack_format = #tpu.pack_format<interleaved>} : vector<32xbf16> -> vector<16xf32>
        %unpack3A_439 = tpu.unpack_subelements %mul3A_437, 1 {pack_format = #tpu.pack_format<interleaved>} : vector<32xbf16> -> vector<16xf32>
        %add3A_440 = arith.addf %unpack3A_438, %unpack3A_439 : vector<16xf32>
        %get3A_441 = arith.index_cast %add3A_416 : i32 to index
        %get3A_442 = arith.constant 32 : index
        %get3A_443 = tpu.vector_load %arg12[%get3A_441, %get3A_442] {strides = array<i32>} : memref<80x128xf32, #tpu.memory_space<vmem>>, vector<16xf32>,
        %bitcast3A_444 = vector.bitcast %get3A_443 : vector<16xf32> to vector<32xbf16>
        %get3A_445 = arith.index_cast %add3A_416 : i32 to index
        %get3A_446 = arith.constant 32 : index
        %get3A_447 = tpu.vector_load %arg13[%get3A_445, %get3A_446] {strides = array<i32>} : memref<80x128xf32, #tpu.memory_space<vmem>>, vector<16xf32>,
        %bitcast3A_448 = vector.bitcast %get3A_447 : vector<16xf32> to vector<32xbf16>
        %mul3A_449 = arith.mulf %bitcast3A_444, %bitcast3A_448 : vector<32xbf16>
        %unpack3A_450 = tpu.unpack_subelements %mul3A_449, 0 {pack_format = #tpu.pack_format<interleaved>} : vector<32xbf16> -> vector<16xf32>
        %unpack3A_451 = tpu.unpack_subelements %mul3A_449, 1 {pack_format = #tpu.pack_format<interleaved>} : vector<32xbf16> -> vector<16xf32>
        %add3A_452 = arith.addf %unpack3A_450, %unpack3A_451 : vector<16xf32>
        %get3A_453 = arith.index_cast %add3A_416 : i32 to index
        %get3A_454 = arith.constant 48 : index
        %get3A_455 = tpu.vector_load %arg12[%get3A_453, %get3A_454] {strides = array<i32>} : memref<80x128xf32, #tpu.memory_space<vmem>>, vector<16xf32>,
        %bitcast3A_456 = vector.bitcast %get3A_455 : vector<16xf32> to vector<32xbf16>
        %get3A_457 = arith.index_cast %add3A_416 : i32 to index
        %get3A_458 = arith.constant 48 : index
        %get3A_459 = tpu.vector_load %arg13[%get3A_457, %get3A_458] {strides = array<i32>} : memref<80x128xf32, #tpu.memory_space<vmem>>, vector<16xf32>,
        %bitcast3A_460 = vector.bitcast %get3A_459 : vector<16xf32> to vector<32xbf16>
        %mul3A_461 = arith.mulf %bitcast3A_456, %bitcast3A_460 : vector<32xbf16>
        %unpack3A_462 = tpu.unpack_subelements %mul3A_461, 0 {pack_format = #tpu.pack_format<interleaved>} : vector<32xbf16> -> vector<16xf32>
        %unpack3A_463 = tpu.unpack_subelements %mul3A_461, 1 {pack_format = #tpu.pack_format<interleaved>} : vector<32xbf16> -> vector<16xf32>
        %add3A_464 = arith.addf %unpack3A_462, %unpack3A_463 : vector<16xf32>
        %add3A_465 = arith.addf %add3A_428, %add3A_440 : vector<16xf32>
        %add3A_466 = arith.addf %add3A_452, %add3A_464 : vector<16xf32>
        %add3A_467 = arith.addf %add3A_465, %add3A_466 : vector<16xf32>
        %add3A_468 = arith.constant 7 : i32
        %add3A_469 = arith.addi %mul3A_99, %add3A_468 : i32
        %get3A_470 = arith.index_cast %add3A_469 : i32 to index
        %get3A_471 = arith.constant 0 : index
        %get3A_472 = tpu.vector_load %arg12[%get3A_470, %get3A_471] {strides = array<i32>} : memref<80x128xf32, #tpu.memory_space<vmem>>, vector<16xf32>,
        %bitcast3A_473 = vector.bitcast %get3A_472 : vector<16xf32> to vector<32xbf16>
        %get3A_474 = arith.index_cast %add3A_469 : i32 to index
        %get3A_475 = arith.constant 0 : index
        %get3A_476 = tpu.vector_load %arg13[%get3A_474, %get3A_475] {strides = array<i32>} : memref<80x128xf32, #tpu.memory_space<vmem>>, vector<16xf32>,
        %bitcast3A_477 = vector.bitcast %get3A_476 : vector<16xf32> to vector<32xbf16>
        %mul3A_478 = arith.mulf %bitcast3A_473, %bitcast3A_477 : vector<32xbf16>
        %unpack3A_479 = tpu.unpack_subelements %mul3A_478, 0 {pack_format = #tpu.pack_format<interleaved>} : vector<32xbf16> -> vector<16xf32>
        %unpack3A_480 = tpu.unpack_subelements %mul3A_478, 1 {pack_format = #tpu.pack_format<interleaved>} : vector<32xbf16> -> vector<16xf32>
        %add3A_481 = arith.addf %unpack3A_479, %unpack3A_480 : vector<16xf32>
        %get3A_482 = arith.index_cast %add3A_469 : i32 to index
        %get3A_483 = arith.constant 16 : index
        %get3A_484 = tpu.vector_load %arg12[%get3A_482, %get3A_483] {strides = array<i32>} : memref<80x128xf32, #tpu.memory_space<vmem>>, vector<16xf32>,
        %bitcast3A_485 = vector.bitcast %get3A_484 : vector<16xf32> to vector<32xbf16>
        %get3A_486 = arith.index_cast %add3A_469 : i32 to index
        %get3A_487 = arith.constant 16 : index
        %get3A_488 = tpu.vector_load %arg13[%get3A_486, %get3A_487] {strides = array<i32>} : memref<80x128xf32, #tpu.memory_space<vmem>>, vector<16xf32>,
        %bitcast3A_489 = vector.bitcast %get3A_488 : vector<16xf32> to vector<32xbf16>
        %mul3A_490 = arith.mulf %bitcast3A_485, %bitcast3A_489 : vector<32xbf16>
        %unpack3A_491 = tpu.unpack_subelements %mul3A_490, 0 {pack_format = #tpu.pack_format<interleaved>} : vector<32xbf16> -> vector<16xf32>
        %unpack3A_492 = tpu.unpack_subelements %mul3A_490, 1 {pack_format = #tpu.pack_format<interleaved>} : vector<32xbf16> -> vector<16xf32>
        %add3A_493 = arith.addf %unpack3A_491, %unpack3A_492 : vector<16xf32>
        %get3A_494 = arith.index_cast %add3A_469 : i32 to index
        %get3A_495 = arith.constant 32 : index
        %get3A_496 = tpu.vector_load %arg12[%get3A_494, %get3A_495] {strides = array<i32>} : memref<80x128xf32, #tpu.memory_space<vmem>>, vector<16xf32>,
        %bitcast3A_497 = vector.bitcast %get3A_496 : vector<16xf32> to vector<32xbf16>
        %get3A_498 = arith.index_cast %add3A_469 : i32 to index
        %get3A_499 = arith.constant 32 : index
        %get3A_500 = tpu.vector_load %arg13[%get3A_498, %get3A_499] {strides = array<i32>} : memref<80x128xf32, #tpu.memory_space<vmem>>, vector<16xf32>,
        %bitcast3A_501 = vector.bitcast %get3A_500 : vector<16xf32> to vector<32xbf16>
        %mul3A_502 = arith.mulf %bitcast3A_497, %bitcast3A_501 : vector<32xbf16>
        %unpack3A_503 = tpu.unpack_subelements %mul3A_502, 0 {pack_format = #tpu.pack_format<interleaved>} : vector<32xbf16> -> vector<16xf32>
        %unpack3A_504 = tpu.unpack_subelements %mul3A_502, 1 {pack_format = #tpu.pack_format<interleaved>} : vector<32xbf16> -> vector<16xf32>
        %add3A_505 = arith.addf %unpack3A_503, %unpack3A_504 : vector<16xf32>
        %get3A_506 = arith.index_cast %add3A_469 : i32 to index
        %get3A_507 = arith.constant 48 : index
        %get3A_508 = tpu.vector_load %arg12[%get3A_506, %get3A_507] {strides = array<i32>} : memref<80x128xf32, #tpu.memory_space<vmem>>, vector<16xf32>,
        %bitcast3A_509 = vector.bitcast %get3A_508 : vector<16xf32> to vector<32xbf16>
        %get3A_510 = arith.index_cast %add3A_469 : i32 to index
        %get3A_511 = arith.constant 48 : index
        %get3A_512 = tpu.vector_load %arg13[%get3A_510, %get3A_511] {strides = array<i32>} : memref<80x128xf32, #tpu.memory_space<vmem>>, vector<16xf32>,
        %bitcast3A_513 = vector.bitcast %get3A_512 : vector<16xf32> to vector<32xbf16>
        %mul3A_514 = arith.mulf %bitcast3A_509, %bitcast3A_513 : vector<32xbf16>
        %unpack3A_515 = tpu.unpack_subelements %mul3A_514, 0 {pack_format = #tpu.pack_format<interleaved>} : vector<32xbf16> -> vector<16xf32>
        %unpack3A_516 = tpu.unpack_subelements %mul3A_514, 1 {pack_format = #tpu.pack_format<interleaved>} : vector<32xbf16> -> vector<16xf32>
        %add3A_517 = arith.addf %unpack3A_515, %unpack3A_516 : vector<16xf32>
        %add3A_518 = arith.addf %add3A_481, %add3A_493 : vector<16xf32>
        %add3A_519 = arith.addf %add3A_505, %add3A_517 : vector<16xf32>
        %add3A_520 = arith.addf %add3A_518, %add3A_519 : vector<16xf32>
        %add3A_521 = arith.constant 8 : i32
        %add3A_522 = arith.addi %mul3A_99, %add3A_521 : i32
        %get3A_523 = arith.index_cast %add3A_522 : i32 to index
        %get3A_524 = arith.constant 0 : index
        %get3A_525 = tpu.vector_load %arg12[%get3A_523, %get3A_524] {strides = array<i32>} : memref<80x128xf32, #tpu.memory_space<vmem>>, vector<16xf32>,
        %bitcast3A_526 = vector.bitcast %get3A_525 : vector<16xf32> to vector<32xbf16>
        %get3A_527 = arith.index_cast %add3A_522 : i32 to index
        %get3A_528 = arith.constant 0 : index
        %get3A_529 = tpu.vector_load %arg13[%get3A_527, %get3A_528] {strides = array<i32>} : memref<80x128xf32, #tpu.memory_space<vmem>>, vector<16xf32>,
        %bitcast3A_530 = vector.bitcast %get3A_529 : vector<16xf32> to vector<32xbf16>
        %mul3A_531 = arith.mulf %bitcast3A_526, %bitcast3A_530 : vector<32xbf16>
        %unpack3A_532 = tpu.unpack_subelements %mul3A_531, 0 {pack_format = #tpu.pack_format<interleaved>} : vector<32xbf16> -> vector<16xf32>
        %unpack3A_533 = tpu.unpack_subelements %mul3A_531, 1 {pack_format = #tpu.pack_format<interleaved>} : vector<32xbf16> -> vector<16xf32>
        %add3A_534 = arith.addf %unpack3A_532, %unpack3A_533 : vector<16xf32>
        %get3A_535 = arith.index_cast %add3A_522 : i32 to index
        %get3A_536 = arith.constant 16 : index
        %get3A_537 = tpu.vector_load %arg12[%get3A_535, %get3A_536] {strides = array<i32>} : memref<80x128xf32, #tpu.memory_space<vmem>>, vector<16xf32>,
        %bitcast3A_538 = vector.bitcast %get3A_537 : vector<16xf32> to vector<32xbf16>
        %get3A_539 = arith.index_cast %add3A_522 : i32 to index
        %get3A_540 = arith.constant 16 : index
        %get3A_541 = tpu.vector_load %arg13[%get3A_539, %get3A_540] {strides = array<i32>} : memref<80x128xf32, #tpu.memory_space<vmem>>, vector<16xf32>,
        %bitcast3A_542 = vector.bitcast %get3A_541 : vector<16xf32> to vector<32xbf16>
        %mul3A_543 = arith.mulf %bitcast3A_538, %bitcast3A_542 : vector<32xbf16>
        %unpack3A_544 = tpu.unpack_subelements %mul3A_543, 0 {pack_format = #tpu.pack_format<interleaved>} : vector<32xbf16> -> vector<16xf32>
        %unpack3A_545 = tpu.unpack_subelements %mul3A_543, 1 {pack_format = #tpu.pack_format<interleaved>} : vector<32xbf16> -> vector<16xf32>
        %add3A_546 = arith.addf %unpack3A_544, %unpack3A_545 : vector<16xf32>
        %get3A_547 = arith.index_cast %add3A_522 : i32 to index
        %get3A_548 = arith.constant 32 : index
        %get3A_549 = tpu.vector_load %arg12[%get3A_547, %get3A_548] {strides = array<i32>} : memref<80x128xf32, #tpu.memory_space<vmem>>, vector<16xf32>,
        %bitcast3A_550 = vector.bitcast %get3A_549 : vector<16xf32> to vector<32xbf16>
        %get3A_551 = arith.index_cast %add3A_522 : i32 to index
        %get3A_552 = arith.constant 32 : index
        %get3A_553 = tpu.vector_load %arg13[%get3A_551, %get3A_552] {strides = array<i32>} : memref<80x128xf32, #tpu.memory_space<vmem>>, vector<16xf32>,
        %bitcast3A_554 = vector.bitcast %get3A_553 : vector<16xf32> to vector<32xbf16>
        %mul3A_555 = arith.mulf %bitcast3A_550, %bitcast3A_554 : vector<32xbf16>
        %unpack3A_556 = tpu.unpack_subelements %mul3A_555, 0 {pack_format = #tpu.pack_format<interleaved>} : vector<32xbf16> -> vector<16xf32>
        %unpack3A_557 = tpu.unpack_subelements %mul3A_555, 1 {pack_format = #tpu.pack_format<interleaved>} : vector<32xbf16> -> vector<16xf32>
        %add3A_558 = arith.addf %unpack3A_556, %unpack3A_557 : vector<16xf32>
        %get3A_559 = arith.index_cast %add3A_522 : i32 to index
        %get3A_560 = arith.constant 48 : index
        %get3A_561 = tpu.vector_load %arg12[%get3A_559, %get3A_560] {strides = array<i32>} : memref<80x128xf32, #tpu.memory_space<vmem>>, vector<16xf32>,
        %bitcast3A_562 = vector.bitcast %get3A_561 : vector<16xf32> to vector<32xbf16>
        %get3A_563 = arith.index_cast %add3A_522 : i32 to index
        %get3A_564 = arith.constant 48 : index
        %get3A_565 = tpu.vector_load %arg13[%get3A_563, %get3A_564] {strides = array<i32>} : memref<80x128xf32, #tpu.memory_space<vmem>>, vector<16xf32>,
        %bitcast3A_566 = vector.bitcast %get3A_565 : vector<16xf32> to vector<32xbf16>
        %mul3A_567 = arith.mulf %bitcast3A_562, %bitcast3A_566 : vector<32xbf16>
        %unpack3A_568 = tpu.unpack_subelements %mul3A_567, 0 {pack_format = #tpu.pack_format<interleaved>} : vector<32xbf16> -> vector<16xf32>
        %unpack3A_569 = tpu.unpack_subelements %mul3A_567, 1 {pack_format = #tpu.pack_format<interleaved>} : vector<32xbf16> -> vector<16xf32>
        %add3A_570 = arith.addf %unpack3A_568, %unpack3A_569 : vector<16xf32>
        %add3A_571 = arith.addf %add3A_534, %add3A_546 : vector<16xf32>
        %add3A_572 = arith.addf %add3A_558, %add3A_570 : vector<16xf32>
        %add3A_573 = arith.addf %add3A_571, %add3A_572 : vector<16xf32>
        %add3A_574 = arith.constant 9 : i32
        %add3A_575 = arith.addi %mul3A_99, %add3A_574 : i32
        %get3A_576 = arith.index_cast %add3A_575 : i32 to index
        %get3A_577 = arith.constant 0 : index
        %get3A_578 = tpu.vector_load %arg12[%get3A_576, %get3A_577] {strides = array<i32>} : memref<80x128xf32, #tpu.memory_space<vmem>>, vector<16xf32>,
        %bitcast3A_579 = vector.bitcast %get3A_578 : vector<16xf32> to vector<32xbf16>
        %get3A_580 = arith.index_cast %add3A_575 : i32 to index
        %get3A_581 = arith.constant 0 : index
        %get3A_582 = tpu.vector_load %arg13[%get3A_580, %get3A_581] {strides = array<i32>} : memref<80x128xf32, #tpu.memory_space<vmem>>, vector<16xf32>,
        %bitcast3A_583 = vector.bitcast %get3A_582 : vector<16xf32> to vector<32xbf16>
        %mul3A_584 = arith.mulf %bitcast3A_579, %bitcast3A_583 : vector<32xbf16>
        %unpack3A_585 = tpu.unpack_subelements %mul3A_584, 0 {pack_format = #tpu.pack_format<interleaved>} : vector<32xbf16> -> vector<16xf32>
        %unpack3A_586 = tpu.unpack_subelements %mul3A_584, 1 {pack_format = #tpu.pack_format<interleaved>} : vector<32xbf16> -> vector<16xf32>
        %add3A_587 = arith.addf %unpack3A_585, %unpack3A_586 : vector<16xf32>
        %get3A_588 = arith.index_cast %add3A_575 : i32 to index
        %get3A_589 = arith.constant 16 : index
        %get3A_590 = tpu.vector_load %arg12[%get3A_588, %get3A_589] {strides = array<i32>} : memref<80x128xf32, #tpu.memory_space<vmem>>, vector<16xf32>,
        %bitcast3A_591 = vector.bitcast %get3A_590 : vector<16xf32> to vector<32xbf16>
        %get3A_592 = arith.index_cast %add3A_575 : i32 to index
        %get3A_593 = arith.constant 16 : index
        %get3A_594 = tpu.vector_load %arg13[%get3A_592, %get3A_593] {strides = array<i32>} : memref<80x128xf32, #tpu.memory_space<vmem>>, vector<16xf32>,
        %bitcast3A_595 = vector.bitcast %get3A_594 : vector<16xf32> to vector<32xbf16>
        %mul3A_596 = arith.mulf %bitcast3A_591, %bitcast3A_595 : vector<32xbf16>
        %unpack3A_597 = tpu.unpack_subelements %mul3A_596, 0 {pack_format = #tpu.pack_format<interleaved>} : vector<32xbf16> -> vector<16xf32>
        %unpack3A_598 = tpu.unpack_subelements %mul3A_596, 1 {pack_format = #tpu.pack_format<interleaved>} : vector<32xbf16> -> vector<16xf32>
        %add3A_599 = arith.addf %unpack3A_597, %unpack3A_598 : vector<16xf32>
        %get3A_600 = arith.index_cast %add3A_575 : i32 to index
        %get3A_601 = arith.constant 32 : index
        %get3A_602 = tpu.vector_load %arg12[%get3A_600, %get3A_601] {strides = array<i32>} : memref<80x128xf32, #tpu.memory_space<vmem>>, vector<16xf32>,
        %bitcast3A_603 = vector.bitcast %get3A_602 : vector<16xf32> to vector<32xbf16>
        %get3A_604 = arith.index_cast %add3A_575 : i32 to index
        %get3A_605 = arith.constant 32 : index
        %get3A_606 = tpu.vector_load %arg13[%get3A_604, %get3A_605] {strides = array<i32>} : memref<80x128xf32, #tpu.memory_space<vmem>>, vector<16xf32>,
        %bitcast3A_607 = vector.bitcast %get3A_606 : vector<16xf32> to vector<32xbf16>
        %mul3A_608 = arith.mulf %bitcast3A_603, %bitcast3A_607 : vector<32xbf16>
        %unpack3A_609 = tpu.unpack_subelements %mul3A_608, 0 {pack_format = #tpu.pack_format<interleaved>} : vector<32xbf16> -> vector<16xf32>
        %unpack3A_610 = tpu.unpack_subelements %mul3A_608, 1 {pack_format = #tpu.pack_format<interleaved>} : vector<32xbf16> -> vector<16xf32>
        %add3A_611 = arith.addf %unpack3A_609, %unpack3A_610 : vector<16xf32>
        %get3A_612 = arith.index_cast %add3A_575 : i32 to index
        %get3A_613 = arith.constant 48 : index
        %get3A_614 = tpu.vector_load %arg12[%get3A_612, %get3A_613] {strides = array<i32>} : memref<80x128xf32, #tpu.memory_space<vmem>>, vector<16xf32>,
        %bitcast3A_615 = vector.bitcast %get3A_614 : vector<16xf32> to vector<32xbf16>
        %get3A_616 = arith.index_cast %add3A_575 : i32 to index
        %get3A_617 = arith.constant 48 : index
        %get3A_618 = tpu.vector_load %arg13[%get3A_616, %get3A_617] {strides = array<i32>} : memref<80x128xf32, #tpu.memory_space<vmem>>, vector<16xf32>,
        %bitcast3A_619 = vector.bitcast %get3A_618 : vector<16xf32> to vector<32xbf16>
        %mul3A_620 = arith.mulf %bitcast3A_615, %bitcast3A_619 : vector<32xbf16>
        %unpack3A_621 = tpu.unpack_subelements %mul3A_620, 0 {pack_format = #tpu.pack_format<interleaved>} : vector<32xbf16> -> vector<16xf32>
        %unpack3A_622 = tpu.unpack_subelements %mul3A_620, 1 {pack_format = #tpu.pack_format<interleaved>} : vector<32xbf16> -> vector<16xf32>
        %add3A_623 = arith.addf %unpack3A_621, %unpack3A_622 : vector<16xf32>
        %add3A_624 = arith.addf %add3A_587, %add3A_599 : vector<16xf32>
        %add3A_625 = arith.addf %add3A_611, %add3A_623 : vector<16xf32>
        %add3A_626 = arith.addf %add3A_624, %add3A_625 : vector<16xf32>
        %add3A_627 = arith.constant 10 : i32
        %add3A_628 = arith.addi %mul3A_99, %add3A_627 : i32
        %get3A_629 = arith.index_cast %add3A_628 : i32 to index
        %get3A_630 = arith.constant 0 : index
        %get3A_631 = tpu.vector_load %arg12[%get3A_629, %get3A_630] {strides = array<i32>} : memref<80x128xf32, #tpu.memory_space<vmem>>, vector<16xf32>,
        %bitcast3A_632 = vector.bitcast %get3A_631 : vector<16xf32> to vector<32xbf16>
        %get3A_633 = arith.index_cast %add3A_628 : i32 to index
        %get3A_634 = arith.constant 0 : index
        %get3A_635 = tpu.vector_load %arg13[%get3A_633, %get3A_634] {strides = array<i32>} : memref<80x128xf32, #tpu.memory_space<vmem>>, vector<16xf32>,
        %bitcast3A_636 = vector.bitcast %get3A_635 : vector<16xf32> to vector<32xbf16>
        %mul3A_637 = arith.mulf %bitcast3A_632, %bitcast3A_636 : vector<32xbf16>
        %unpack3A_638 = tpu.unpack_subelements %mul3A_637, 0 {pack_format = #tpu.pack_format<interleaved>} : vector<32xbf16> -> vector<16xf32>
        %unpack3A_639 = tpu.unpack_subelements %mul3A_637, 1 {pack_format = #tpu.pack_format<interleaved>} : vector<32xbf16> -> vector<16xf32>
        %add3A_640 = arith.addf %unpack3A_638, %unpack3A_639 : vector<16xf32>
        %get3A_641 = arith.index_cast %add3A_628 : i32 to index
        %get3A_642 = arith.constant 16 : index
        %get3A_643 = tpu.vector_load %arg12[%get3A_641, %get3A_642] {strides = array<i32>} : memref<80x128xf32, #tpu.memory_space<vmem>>, vector<16xf32>,
        %bitcast3A_644 = vector.bitcast %get3A_643 : vector<16xf32> to vector<32xbf16>
        %get3A_645 = arith.index_cast %add3A_628 : i32 to index
        %get3A_646 = arith.constant 16 : index
        %get3A_647 = tpu.vector_load %arg13[%get3A_645, %get3A_646] {strides = array<i32>} : memref<80x128xf32, #tpu.memory_space<vmem>>, vector<16xf32>,
        %bitcast3A_648 = vector.bitcast %get3A_647 : vector<16xf32> to vector<32xbf16>
        %mul3A_649 = arith.mulf %bitcast3A_644, %bitcast3A_648 : vector<32xbf16>
        %unpack3A_650 = tpu.unpack_subelements %mul3A_649, 0 {pack_format = #tpu.pack_format<interleaved>} : vector<32xbf16> -> vector<16xf32>
        %unpack3A_651 = tpu.unpack_subelements %mul3A_649, 1 {pack_format = #tpu.pack_format<interleaved>} : vector<32xbf16> -> vector<16xf32>
        %add3A_652 = arith.addf %unpack3A_650, %unpack3A_651 : vector<16xf32>
        %get3A_653 = arith.index_cast %add3A_628 : i32 to index
        %get3A_654 = arith.constant 32 : index
        %get3A_655 = tpu.vector_load %arg12[%get3A_653, %get3A_654] {strides = array<i32>} : memref<80x128xf32, #tpu.memory_space<vmem>>, vector<16xf32>,
        %bitcast3A_656 = vector.bitcast %get3A_655 : vector<16xf32> to vector<32xbf16>
        %get3A_657 = arith.index_cast %add3A_628 : i32 to index
        %get3A_658 = arith.constant 32 : index
        %get3A_659 = tpu.vector_load %arg13[%get3A_657, %get3A_658] {strides = array<i32>} : memref<80x128xf32, #tpu.memory_space<vmem>>, vector<16xf32>,
        %bitcast3A_660 = vector.bitcast %get3A_659 : vector<16xf32> to vector<32xbf16>
        %mul3A_661 = arith.mulf %bitcast3A_656, %bitcast3A_660 : vector<32xbf16>
        %unpack3A_662 = tpu.unpack_subelements %mul3A_661, 0 {pack_format = #tpu.pack_format<interleaved>} : vector<32xbf16> -> vector<16xf32>
        %unpack3A_663 = tpu.unpack_subelements %mul3A_661, 1 {pack_format = #tpu.pack_format<interleaved>} : vector<32xbf16> -> vector<16xf32>
        %add3A_664 = arith.addf %unpack3A_662, %unpack3A_663 : vector<16xf32>
        %get3A_665 = arith.index_cast %add3A_628 : i32 to index
        %get3A_666 = arith.constant 48 : index
        %get3A_667 = tpu.vector_load %arg12[%get3A_665, %get3A_666] {strides = array<i32>} : memref<80x128xf32, #tpu.memory_space<vmem>>, vector<16xf32>,
        %bitcast3A_668 = vector.bitcast %get3A_667 : vector<16xf32> to vector<32xbf16>
        %get3A_669 = arith.index_cast %add3A_628 : i32 to index
        %get3A_670 = arith.constant 48 : index
        %get3A_671 = tpu.vector_load %arg13[%get3A_669, %get3A_670] {strides = array<i32>} : memref<80x128xf32, #tpu.memory_space<vmem>>, vector<16xf32>,
        %bitcast3A_672 = vector.bitcast %get3A_671 : vector<16xf32> to vector<32xbf16>
        %mul3A_673 = arith.mulf %bitcast3A_668, %bitcast3A_672 : vector<32xbf16>
        %unpack3A_674 = tpu.unpack_subelements %mul3A_673, 0 {pack_format = #tpu.pack_format<interleaved>} : vector<32xbf16> -> vector<16xf32>
        %unpack3A_675 = tpu.unpack_subelements %mul3A_673, 1 {pack_format = #tpu.pack_format<interleaved>} : vector<32xbf16> -> vector<16xf32>
        %add3A_676 = arith.addf %unpack3A_674, %unpack3A_675 : vector<16xf32>
        %add3A_677 = arith.addf %add3A_640, %add3A_652 : vector<16xf32>
        %add3A_678 = arith.addf %add3A_664, %add3A_676 : vector<16xf32>
        %add3A_679 = arith.addf %add3A_677, %add3A_678 : vector<16xf32>
        %add3A_680 = arith.constant 11 : i32
        %add3A_681 = arith.addi %mul3A_99, %add3A_680 : i32
        %get3A_682 = arith.index_cast %add3A_681 : i32 to index
        %get3A_683 = arith.constant 0 : index
        %get3A_684 = tpu.vector_load %arg12[%get3A_682, %get3A_683] {strides = array<i32>} : memref<80x128xf32, #tpu.memory_space<vmem>>, vector<16xf32>,
        %bitcast3A_685 = vector.bitcast %get3A_684 : vector<16xf32> to vector<32xbf16>
        %get3A_686 = arith.index_cast %add3A_681 : i32 to index
        %get3A_687 = arith.constant 0 : index
        %get3A_688 = tpu.vector_load %arg13[%get3A_686, %get3A_687] {strides = array<i32>} : memref<80x128xf32, #tpu.memory_space<vmem>>, vector<16xf32>,
        %bitcast3A_689 = vector.bitcast %get3A_688 : vector<16xf32> to vector<32xbf16>
        %mul3A_690 = arith.mulf %bitcast3A_685, %bitcast3A_689 : vector<32xbf16>
        %unpack3A_691 = tpu.unpack_subelements %mul3A_690, 0 {pack_format = #tpu.pack_format<interleaved>} : vector<32xbf16> -> vector<16xf32>
        %unpack3A_692 = tpu.unpack_subelements %mul3A_690, 1 {pack_format = #tpu.pack_format<interleaved>} : vector<32xbf16> -> vector<16xf32>
        %add3A_693 = arith.addf %unpack3A_691, %unpack3A_692 : vector<16xf32>
        %get3A_694 = arith.index_cast %add3A_681 : i32 to index
        %get3A_695 = arith.constant 16 : index
        %get3A_696 = tpu.vector_load %arg12[%get3A_694, %get3A_695] {strides = array<i32>} : memref<80x128xf32, #tpu.memory_space<vmem>>, vector<16xf32>,
        %bitcast3A_697 = vector.bitcast %get3A_696 : vector<16xf32> to vector<32xbf16>
        %get3A_698 = arith.index_cast %add3A_681 : i32 to index
        %get3A_699 = arith.constant 16 : index
        %get3A_700 = tpu.vector_load %arg13[%get3A_698, %get3A_699] {strides = array<i32>} : memref<80x128xf32, #tpu.memory_space<vmem>>, vector<16xf32>,
        %bitcast3A_701 = vector.bitcast %get3A_700 : vector<16xf32> to vector<32xbf16>
        %mul3A_702 = arith.mulf %bitcast3A_697, %bitcast3A_701 : vector<32xbf16>
        %unpack3A_703 = tpu.unpack_subelements %mul3A_702, 0 {pack_format = #tpu.pack_format<interleaved>} : vector<32xbf16> -> vector<16xf32>
        %unpack3A_704 = tpu.unpack_subelements %mul3A_702, 1 {pack_format = #tpu.pack_format<interleaved>} : vector<32xbf16> -> vector<16xf32>
        %add3A_705 = arith.addf %unpack3A_703, %unpack3A_704 : vector<16xf32>
        %get3A_706 = arith.index_cast %add3A_681 : i32 to index
        %get3A_707 = arith.constant 32 : index
        %get3A_708 = tpu.vector_load %arg12[%get3A_706, %get3A_707] {strides = array<i32>} : memref<80x128xf32, #tpu.memory_space<vmem>>, vector<16xf32>,
        %bitcast3A_709 = vector.bitcast %get3A_708 : vector<16xf32> to vector<32xbf16>
        %get3A_710 = arith.index_cast %add3A_681 : i32 to index
        %get3A_711 = arith.constant 32 : index
        %get3A_712 = tpu.vector_load %arg13[%get3A_710, %get3A_711] {strides = array<i32>} : memref<80x128xf32, #tpu.memory_space<vmem>>, vector<16xf32>,
        %bitcast3A_713 = vector.bitcast %get3A_712 : vector<16xf32> to vector<32xbf16>
        %mul3A_714 = arith.mulf %bitcast3A_709, %bitcast3A_713 : vector<32xbf16>
        %unpack3A_715 = tpu.unpack_subelements %mul3A_714, 0 {pack_format = #tpu.pack_format<interleaved>} : vector<32xbf16> -> vector<16xf32>
        %unpack3A_716 = tpu.unpack_subelements %mul3A_714, 1 {pack_format = #tpu.pack_format<interleaved>} : vector<32xbf16> -> vector<16xf32>
        %add3A_717 = arith.addf %unpack3A_715, %unpack3A_716 : vector<16xf32>
        %get3A_718 = arith.index_cast %add3A_681 : i32 to index
        %get3A_719 = arith.constant 48 : index
        %get3A_720 = tpu.vector_load %arg12[%get3A_718, %get3A_719] {strides = array<i32>} : memref<80x128xf32, #tpu.memory_space<vmem>>, vector<16xf32>,
        %bitcast3A_721 = vector.bitcast %get3A_720 : vector<16xf32> to vector<32xbf16>
        %get3A_722 = arith.index_cast %add3A_681 : i32 to index
        %get3A_723 = arith.constant 48 : index
        %get3A_724 = tpu.vector_load %arg13[%get3A_722, %get3A_723] {strides = array<i32>} : memref<80x128xf32, #tpu.memory_space<vmem>>, vector<16xf32>,
        %bitcast3A_725 = vector.bitcast %get3A_724 : vector<16xf32> to vector<32xbf16>
        %mul3A_726 = arith.mulf %bitcast3A_721, %bitcast3A_725 : vector<32xbf16>
        %unpack3A_727 = tpu.unpack_subelements %mul3A_726, 0 {pack_format = #tpu.pack_format<interleaved>} : vector<32xbf16> -> vector<16xf32>
        %unpack3A_728 = tpu.unpack_subelements %mul3A_726, 1 {pack_format = #tpu.pack_format<interleaved>} : vector<32xbf16> -> vector<16xf32>
        %add3A_729 = arith.addf %unpack3A_727, %unpack3A_728 : vector<16xf32>
        %add3A_730 = arith.addf %add3A_693, %add3A_705 : vector<16xf32>
        %add3A_731 = arith.addf %add3A_717, %add3A_729 : vector<16xf32>
        %add3A_732 = arith.addf %add3A_730, %add3A_731 : vector<16xf32>
        %add3A_733 = arith.constant 12 : i32
        %add3A_734 = arith.addi %mul3A_99, %add3A_733 : i32
        %get3A_735 = arith.index_cast %add3A_734 : i32 to index
        %get3A_736 = arith.constant 0 : index
        %get3A_737 = tpu.vector_load %arg12[%get3A_735, %get3A_736] {strides = array<i32>} : memref<80x128xf32, #tpu.memory_space<vmem>>, vector<16xf32>,
        %bitcast3A_738 = vector.bitcast %get3A_737 : vector<16xf32> to vector<32xbf16>
        %get3A_739 = arith.index_cast %add3A_734 : i32 to index
        %get3A_740 = arith.constant 0 : index
        %get3A_741 = tpu.vector_load %arg13[%get3A_739, %get3A_740] {strides = array<i32>} : memref<80x128xf32, #tpu.memory_space<vmem>>, vector<16xf32>,
        %bitcast3A_742 = vector.bitcast %get3A_741 : vector<16xf32> to vector<32xbf16>
        %mul3A_743 = arith.mulf %bitcast3A_738, %bitcast3A_742 : vector<32xbf16>
        %unpack3A_744 = tpu.unpack_subelements %mul3A_743, 0 {pack_format = #tpu.pack_format<interleaved>} : vector<32xbf16> -> vector<16xf32>
        %unpack3A_745 = tpu.unpack_subelements %mul3A_743, 1 {pack_format = #tpu.pack_format<interleaved>} : vector<32xbf16> -> vector<16xf32>
        %add3A_746 = arith.addf %unpack3A_744, %unpack3A_745 : vector<16xf32>
        %get3A_747 = arith.index_cast %add3A_734 : i32 to index
        %get3A_748 = arith.constant 16 : index
        %get3A_749 = tpu.vector_load %arg12[%get3A_747, %get3A_748] {strides = array<i32>} : memref<80x128xf32, #tpu.memory_space<vmem>>, vector<16xf32>,
        %bitcast3A_750 = vector.bitcast %get3A_749 : vector<16xf32> to vector<32xbf16>
        %get3A_751 = arith.index_cast %add3A_734 : i32 to index
        %get3A_752 = arith.constant 16 : index
        %get3A_753 = tpu.vector_load %arg13[%get3A_751, %get3A_752] {strides = array<i32>} : memref<80x128xf32, #tpu.memory_space<vmem>>, vector<16xf32>,
        %bitcast3A_754 = vector.bitcast %get3A_753 : vector<16xf32> to vector<32xbf16>
        %mul3A_755 = arith.mulf %bitcast3A_750, %bitcast3A_754 : vector<32xbf16>
        %unpack3A_756 = tpu.unpack_subelements %mul3A_755, 0 {pack_format = #tpu.pack_format<interleaved>} : vector<32xbf16> -> vector<16xf32>
        %unpack3A_757 = tpu.unpack_subelements %mul3A_755, 1 {pack_format = #tpu.pack_format<interleaved>} : vector<32xbf16> -> vector<16xf32>
        %add3A_758 = arith.addf %unpack3A_756, %unpack3A_757 : vector<16xf32>
        %get3A_759 = arith.index_cast %add3A_734 : i32 to index
        %get3A_760 = arith.constant 32 : index
        %get3A_761 = tpu.vector_load %arg12[%get3A_759, %get3A_760] {strides = array<i32>} : memref<80x128xf32, #tpu.memory_space<vmem>>, vector<16xf32>,
        %bitcast3A_762 = vector.bitcast %get3A_761 : vector<16xf32> to vector<32xbf16>
        %get3A_763 = arith.index_cast %add3A_734 : i32 to index
        %get3A_764 = arith.constant 32 : index
        %get3A_765 = tpu.vector_load %arg13[%get3A_763, %get3A_764] {strides = array<i32>} : memref<80x128xf32, #tpu.memory_space<vmem>>, vector<16xf32>,
        %bitcast3A_766 = vector.bitcast %get3A_765 : vector<16xf32> to vector<32xbf16>
        %mul3A_767 = arith.mulf %bitcast3A_762, %bitcast3A_766 : vector<32xbf16>
        %unpack3A_768 = tpu.unpack_subelements %mul3A_767, 0 {pack_format = #tpu.pack_format<interleaved>} : vector<32xbf16> -> vector<16xf32>
        %unpack3A_769 = tpu.unpack_subelements %mul3A_767, 1 {pack_format = #tpu.pack_format<interleaved>} : vector<32xbf16> -> vector<16xf32>
        %add3A_770 = arith.addf %unpack3A_768, %unpack3A_769 : vector<16xf32>
        %get3A_771 = arith.index_cast %add3A_734 : i32 to index
        %get3A_772 = arith.constant 48 : index
        %get3A_773 = tpu.vector_load %arg12[%get3A_771, %get3A_772] {strides = array<i32>} : memref<80x128xf32, #tpu.memory_space<vmem>>, vector<16xf32>,
        %bitcast3A_774 = vector.bitcast %get3A_773 : vector<16xf32> to vector<32xbf16>
        %get3A_775 = arith.index_cast %add3A_734 : i32 to index
        %get3A_776 = arith.constant 48 : index
        %get3A_777 = tpu.vector_load %arg13[%get3A_775, %get3A_776] {strides = array<i32>} : memref<80x128xf32, #tpu.memory_space<vmem>>, vector<16xf32>,
        %bitcast3A_778 = vector.bitcast %get3A_777 : vector<16xf32> to vector<32xbf16>
        %mul3A_779 = arith.mulf %bitcast3A_774, %bitcast3A_778 : vector<32xbf16>
        %unpack3A_780 = tpu.unpack_subelements %mul3A_779, 0 {pack_format = #tpu.pack_format<interleaved>} : vector<32xbf16> -> vector<16xf32>
        %unpack3A_781 = tpu.unpack_subelements %mul3A_779, 1 {pack_format = #tpu.pack_format<interleaved>} : vector<32xbf16> -> vector<16xf32>
        %add3A_782 = arith.addf %unpack3A_780, %unpack3A_781 : vector<16xf32>
        %add3A_783 = arith.addf %add3A_746, %add3A_758 : vector<16xf32>
        %add3A_784 = arith.addf %add3A_770, %add3A_782 : vector<16xf32>
        %add3A_785 = arith.addf %add3A_783, %add3A_784 : vector<16xf32>
        %add3A_786 = arith.constant 13 : i32
        %add3A_787 = arith.addi %mul3A_99, %add3A_786 : i32
        %get3A_788 = arith.index_cast %add3A_787 : i32 to index
        %get3A_789 = arith.constant 0 : index
        %get3A_790 = tpu.vector_load %arg12[%get3A_788, %get3A_789] {strides = array<i32>} : memref<80x128xf32, #tpu.memory_space<vmem>>, vector<16xf32>,
        %bitcast3A_791 = vector.bitcast %get3A_790 : vector<16xf32> to vector<32xbf16>
        %get3A_792 = arith.index_cast %add3A_787 : i32 to index
        %get3A_793 = arith.constant 0 : index
        %get3A_794 = tpu.vector_load %arg13[%get3A_792, %get3A_793] {strides = array<i32>} : memref<80x128xf32, #tpu.memory_space<vmem>>, vector<16xf32>,
        %bitcast3A_795 = vector.bitcast %get3A_794 : vector<16xf32> to vector<32xbf16>
        %mul3A_796 = arith.mulf %bitcast3A_791, %bitcast3A_795 : vector<32xbf16>
        %unpack3A_797 = tpu.unpack_subelements %mul3A_796, 0 {pack_format = #tpu.pack_format<interleaved>} : vector<32xbf16> -> vector<16xf32>
        %unpack3A_798 = tpu.unpack_subelements %mul3A_796, 1 {pack_format = #tpu.pack_format<interleaved>} : vector<32xbf16> -> vector<16xf32>
        %add3A_799 = arith.addf %unpack3A_797, %unpack3A_798 : vector<16xf32>
        %get3A_800 = arith.index_cast %add3A_787 : i32 to index
        %get3A_801 = arith.constant 16 : index
        %get3A_802 = tpu.vector_load %arg12[%get3A_800, %get3A_801] {strides = array<i32>} : memref<80x128xf32, #tpu.memory_space<vmem>>, vector<16xf32>,
        %bitcast3A_803 = vector.bitcast %get3A_802 : vector<16xf32> to vector<32xbf16>
        %get3A_804 = arith.index_cast %add3A_787 : i32 to index
        %get3A_805 = arith.constant 16 : index
        %get3A_806 = tpu.vector_load %arg13[%get3A_804, %get3A_805] {strides = array<i32>} : memref<80x128xf32, #tpu.memory_space<vmem>>, vector<16xf32>,
        %bitcast3A_807 = vector.bitcast %get3A_806 : vector<16xf32> to vector<32xbf16>
        %mul3A_808 = arith.mulf %bitcast3A_803, %bitcast3A_807 : vector<32xbf16>
        %unpack3A_809 = tpu.unpack_subelements %mul3A_808, 0 {pack_format = #tpu.pack_format<interleaved>} : vector<32xbf16> -> vector<16xf32>
        %unpack3A_810 = tpu.unpack_subelements %mul3A_808, 1 {pack_format = #tpu.pack_format<interleaved>} : vector<32xbf16> -> vector<16xf32>
        %add3A_811 = arith.addf %unpack3A_809, %unpack3A_810 : vector<16xf32>
        %get3A_812 = arith.index_cast %add3A_787 : i32 to index
        %get3A_813 = arith.constant 32 : index
        %get3A_814 = tpu.vector_load %arg12[%get3A_812, %get3A_813] {strides = array<i32>} : memref<80x128xf32, #tpu.memory_space<vmem>>, vector<16xf32>,
        %bitcast3A_815 = vector.bitcast %get3A_814 : vector<16xf32> to vector<32xbf16>
        %get3A_816 = arith.index_cast %add3A_787 : i32 to index
        %get3A_817 = arith.constant 32 : index
        %get3A_818 = tpu.vector_load %arg13[%get3A_816, %get3A_817] {strides = array<i32>} : memref<80x128xf32, #tpu.memory_space<vmem>>, vector<16xf32>,
        %bitcast3A_819 = vector.bitcast %get3A_818 : vector<16xf32> to vector<32xbf16>
        %mul3A_820 = arith.mulf %bitcast3A_815, %bitcast3A_819 : vector<32xbf16>
        %unpack3A_821 = tpu.unpack_subelements %mul3A_820, 0 {pack_format = #tpu.pack_format<interleaved>} : vector<32xbf16> -> vector<16xf32>
        %unpack3A_822 = tpu.unpack_subelements %mul3A_820, 1 {pack_format = #tpu.pack_format<interleaved>} : vector<32xbf16> -> vector<16xf32>
        %add3A_823 = arith.addf %unpack3A_821, %unpack3A_822 : vector<16xf32>
        %get3A_824 = arith.index_cast %add3A_787 : i32 to index
        %get3A_825 = arith.constant 48 : index
        %get3A_826 = tpu.vector_load %arg12[%get3A_824, %get3A_825] {strides = array<i32>} : memref<80x128xf32, #tpu.memory_space<vmem>>, vector<16xf32>,
        %bitcast3A_827 = vector.bitcast %get3A_826 : vector<16xf32> to vector<32xbf16>
        %get3A_828 = arith.index_cast %add3A_787 : i32 to index
        %get3A_829 = arith.constant 48 : index
        %get3A_830 = tpu.vector_load %arg13[%get3A_828, %get3A_829] {strides = array<i32>} : memref<80x128xf32, #tpu.memory_space<vmem>>, vector<16xf32>,
        %bitcast3A_831 = vector.bitcast %get3A_830 : vector<16xf32> to vector<32xbf16>
        %mul3A_832 = arith.mulf %bitcast3A_827, %bitcast3A_831 : vector<32xbf16>
        %unpack3A_833 = tpu.unpack_subelements %mul3A_832, 0 {pack_format = #tpu.pack_format<interleaved>} : vector<32xbf16> -> vector<16xf32>
        %unpack3A_834 = tpu.unpack_subelements %mul3A_832, 1 {pack_format = #tpu.pack_format<interleaved>} : vector<32xbf16> -> vector<16xf32>
        %add3A_835 = arith.addf %unpack3A_833, %unpack3A_834 : vector<16xf32>
        %add3A_836 = arith.addf %add3A_799, %add3A_811 : vector<16xf32>
        %add3A_837 = arith.addf %add3A_823, %add3A_835 : vector<16xf32>
        %add3A_838 = arith.addf %add3A_836, %add3A_837 : vector<16xf32>
        %add3A_839 = arith.constant 14 : i32
        %add3A_840 = arith.addi %mul3A_99, %add3A_839 : i32
        %get3A_841 = arith.index_cast %add3A_840 : i32 to index
        %get3A_842 = arith.constant 0 : index
        %get3A_843 = tpu.vector_load %arg12[%get3A_841, %get3A_842] {strides = array<i32>} : memref<80x128xf32, #tpu.memory_space<vmem>>, vector<16xf32>,
        %bitcast3A_844 = vector.bitcast %get3A_843 : vector<16xf32> to vector<32xbf16>
        %get3A_845 = arith.index_cast %add3A_840 : i32 to index
        %get3A_846 = arith.constant 0 : index
        %get3A_847 = tpu.vector_load %arg13[%get3A_845, %get3A_846] {strides = array<i32>} : memref<80x128xf32, #tpu.memory_space<vmem>>, vector<16xf32>,
        %bitcast3A_848 = vector.bitcast %get3A_847 : vector<16xf32> to vector<32xbf16>
        %mul3A_849 = arith.mulf %bitcast3A_844, %bitcast3A_848 : vector<32xbf16>
        %unpack3A_850 = tpu.unpack_subelements %mul3A_849, 0 {pack_format = #tpu.pack_format<interleaved>} : vector<32xbf16> -> vector<16xf32>
        %unpack3A_851 = tpu.unpack_subelements %mul3A_849, 1 {pack_format = #tpu.pack_format<interleaved>} : vector<32xbf16> -> vector<16xf32>
        %add3A_852 = arith.addf %unpack3A_850, %unpack3A_851 : vector<16xf32>
        %get3A_853 = arith.index_cast %add3A_840 : i32 to index
        %get3A_854 = arith.constant 16 : index
        %get3A_855 = tpu.vector_load %arg12[%get3A_853, %get3A_854] {strides = array<i32>} : memref<80x128xf32, #tpu.memory_space<vmem>>, vector<16xf32>,
        %bitcast3A_856 = vector.bitcast %get3A_855 : vector<16xf32> to vector<32xbf16>
        %get3A_857 = arith.index_cast %add3A_840 : i32 to index
        %get3A_858 = arith.constant 16 : index
        %get3A_859 = tpu.vector_load %arg13[%get3A_857, %get3A_858] {strides = array<i32>} : memref<80x128xf32, #tpu.memory_space<vmem>>, vector<16xf32>,
        %bitcast3A_860 = vector.bitcast %get3A_859 : vector<16xf32> to vector<32xbf16>
        %mul3A_861 = arith.mulf %bitcast3A_856, %bitcast3A_860 : vector<32xbf16>
        %unpack3A_862 = tpu.unpack_subelements %mul3A_861, 0 {pack_format = #tpu.pack_format<interleaved>} : vector<32xbf16> -> vector<16xf32>
        %unpack3A_863 = tpu.unpack_subelements %mul3A_861, 1 {pack_format = #tpu.pack_format<interleaved>} : vector<32xbf16> -> vector<16xf32>
        %add3A_864 = arith.addf %unpack3A_862, %unpack3A_863 : vector<16xf32>
        %get3A_865 = arith.index_cast %add3A_840 : i32 to index
        %get3A_866 = arith.constant 32 : index
        %get3A_867 = tpu.vector_load %arg12[%get3A_865, %get3A_866] {strides = array<i32>} : memref<80x128xf32, #tpu.memory_space<vmem>>, vector<16xf32>,
        %bitcast3A_868 = vector.bitcast %get3A_867 : vector<16xf32> to vector<32xbf16>
        %get3A_869 = arith.index_cast %add3A_840 : i32 to index
        %get3A_870 = arith.constant 32 : index
        %get3A_871 = tpu.vector_load %arg13[%get3A_869, %get3A_870] {strides = array<i32>} : memref<80x128xf32, #tpu.memory_space<vmem>>, vector<16xf32>,
        %bitcast3A_872 = vector.bitcast %get3A_871 : vector<16xf32> to vector<32xbf16>
        %mul3A_873 = arith.mulf %bitcast3A_868, %bitcast3A_872 : vector<32xbf16>
        %unpack3A_874 = tpu.unpack_subelements %mul3A_873, 0 {pack_format = #tpu.pack_format<interleaved>} : vector<32xbf16> -> vector<16xf32>
        %unpack3A_875 = tpu.unpack_subelements %mul3A_873, 1 {pack_format = #tpu.pack_format<interleaved>} : vector<32xbf16> -> vector<16xf32>
        %add3A_876 = arith.addf %unpack3A_874, %unpack3A_875 : vector<16xf32>
        %get3A_877 = arith.index_cast %add3A_840 : i32 to index
        %get3A_878 = arith.constant 48 : index
        %get3A_879 = tpu.vector_load %arg12[%get3A_877, %get3A_878] {strides = array<i32>} : memref<80x128xf32, #tpu.memory_space<vmem>>, vector<16xf32>,
        %bitcast3A_880 = vector.bitcast %get3A_879 : vector<16xf32> to vector<32xbf16>
        %get3A_881 = arith.index_cast %add3A_840 : i32 to index
        %get3A_882 = arith.constant 48 : index
        %get3A_883 = tpu.vector_load %arg13[%get3A_881, %get3A_882] {strides = array<i32>} : memref<80x128xf32, #tpu.memory_space<vmem>>, vector<16xf32>,
        %bitcast3A_884 = vector.bitcast %get3A_883 : vector<16xf32> to vector<32xbf16>
        %mul3A_885 = arith.mulf %bitcast3A_880, %bitcast3A_884 : vector<32xbf16>
        %unpack3A_886 = tpu.unpack_subelements %mul3A_885, 0 {pack_format = #tpu.pack_format<interleaved>} : vector<32xbf16> -> vector<16xf32>
        %unpack3A_887 = tpu.unpack_subelements %mul3A_885, 1 {pack_format = #tpu.pack_format<interleaved>} : vector<32xbf16> -> vector<16xf32>
        %add3A_888 = arith.addf %unpack3A_886, %unpack3A_887 : vector<16xf32>
        %add3A_889 = arith.addf %add3A_852, %add3A_864 : vector<16xf32>
        %add3A_890 = arith.addf %add3A_876, %add3A_888 : vector<16xf32>
        %add3A_891 = arith.addf %add3A_889, %add3A_890 : vector<16xf32>
        %add3A_892 = arith.constant 15 : i32
        %add3A_893 = arith.addi %mul3A_99, %add3A_892 : i32
        %get3A_894 = arith.index_cast %add3A_893 : i32 to index
        %get3A_895 = arith.constant 0 : index
        %get3A_896 = tpu.vector_load %arg12[%get3A_894, %get3A_895] {strides = array<i32>} : memref<80x128xf32, #tpu.memory_space<vmem>>, vector<16xf32>,
        %bitcast3A_897 = vector.bitcast %get3A_896 : vector<16xf32> to vector<32xbf16>
        %get3A_898 = arith.index_cast %add3A_893 : i32 to index
        %get3A_899 = arith.constant 0 : index
        %get3A_900 = tpu.vector_load %arg13[%get3A_898, %get3A_899] {strides = array<i32>} : memref<80x128xf32, #tpu.memory_space<vmem>>, vector<16xf32>,
        %bitcast3A_901 = vector.bitcast %get3A_900 : vector<16xf32> to vector<32xbf16>
        %mul3A_902 = arith.mulf %bitcast3A_897, %bitcast3A_901 : vector<32xbf16>
        %unpack3A_903 = tpu.unpack_subelements %mul3A_902, 0 {pack_format = #tpu.pack_format<interleaved>} : vector<32xbf16> -> vector<16xf32>
        %unpack3A_904 = tpu.unpack_subelements %mul3A_902, 1 {pack_format = #tpu.pack_format<interleaved>} : vector<32xbf16> -> vector<16xf32>
        %add3A_905 = arith.addf %unpack3A_903, %unpack3A_904 : vector<16xf32>
        %get3A_906 = arith.index_cast %add3A_893 : i32 to index
        %get3A_907 = arith.constant 16 : index
        %get3A_908 = tpu.vector_load %arg12[%get3A_906, %get3A_907] {strides = array<i32>} : memref<80x128xf32, #tpu.memory_space<vmem>>, vector<16xf32>,
        %bitcast3A_909 = vector.bitcast %get3A_908 : vector<16xf32> to vector<32xbf16>
        %get3A_910 = arith.index_cast %add3A_893 : i32 to index
        %get3A_911 = arith.constant 16 : index
        %get3A_912 = tpu.vector_load %arg13[%get3A_910, %get3A_911] {strides = array<i32>} : memref<80x128xf32, #tpu.memory_space<vmem>>, vector<16xf32>,
        %bitcast3A_913 = vector.bitcast %get3A_912 : vector<16xf32> to vector<32xbf16>
        %mul3A_914 = arith.mulf %bitcast3A_909, %bitcast3A_913 : vector<32xbf16>
        %unpack3A_915 = tpu.unpack_subelements %mul3A_914, 0 {pack_format = #tpu.pack_format<interleaved>} : vector<32xbf16> -> vector<16xf32>
        %unpack3A_916 = tpu.unpack_subelements %mul3A_914, 1 {pack_format = #tpu.pack_format<interleaved>} : vector<32xbf16> -> vector<16xf32>
        %add3A_917 = arith.addf %unpack3A_915, %unpack3A_916 : vector<16xf32>
        %get3A_918 = arith.index_cast %add3A_893 : i32 to index
        %get3A_919 = arith.constant 32 : index
        %get3A_920 = tpu.vector_load %arg12[%get3A_918, %get3A_919] {strides = array<i32>} : memref<80x128xf32, #tpu.memory_space<vmem>>, vector<16xf32>,
        %bitcast3A_921 = vector.bitcast %get3A_920 : vector<16xf32> to vector<32xbf16>
        %get3A_922 = arith.index_cast %add3A_893 : i32 to index
        %get3A_923 = arith.constant 32 : index
        %get3A_924 = tpu.vector_load %arg13[%get3A_922, %get3A_923] {strides = array<i32>} : memref<80x128xf32, #tpu.memory_space<vmem>>, vector<16xf32>,
        %bitcast3A_925 = vector.bitcast %get3A_924 : vector<16xf32> to vector<32xbf16>
        %mul3A_926 = arith.mulf %bitcast3A_921, %bitcast3A_925 : vector<32xbf16>
        %unpack3A_927 = tpu.unpack_subelements %mul3A_926, 0 {pack_format = #tpu.pack_format<interleaved>} : vector<32xbf16> -> vector<16xf32>
        %unpack3A_928 = tpu.unpack_subelements %mul3A_926, 1 {pack_format = #tpu.pack_format<interleaved>} : vector<32xbf16> -> vector<16xf32>
        %add3A_929 = arith.addf %unpack3A_927, %unpack3A_928 : vector<16xf32>
        %get3A_930 = arith.index_cast %add3A_893 : i32 to index
        %get3A_931 = arith.constant 48 : index
        %get3A_932 = tpu.vector_load %arg12[%get3A_930, %get3A_931] {strides = array<i32>} : memref<80x128xf32, #tpu.memory_space<vmem>>, vector<16xf32>,
        %bitcast3A_933 = vector.bitcast %get3A_932 : vector<16xf32> to vector<32xbf16>
        %get3A_934 = arith.index_cast %add3A_893 : i32 to index
        %get3A_935 = arith.constant 48 : index
        %get3A_936 = tpu.vector_load %arg13[%get3A_934, %get3A_935] {strides = array<i32>} : memref<80x128xf32, #tpu.memory_space<vmem>>, vector<16xf32>,
        %bitcast3A_937 = vector.bitcast %get3A_936 : vector<16xf32> to vector<32xbf16>
        %mul3A_938 = arith.mulf %bitcast3A_933, %bitcast3A_937 : vector<32xbf16>
        %unpack3A_939 = tpu.unpack_subelements %mul3A_938, 0 {pack_format = #tpu.pack_format<interleaved>} : vector<32xbf16> -> vector<16xf32>
        %unpack3A_940 = tpu.unpack_subelements %mul3A_938, 1 {pack_format = #tpu.pack_format<interleaved>} : vector<32xbf16> -> vector<16xf32>
        %add3A_941 = arith.addf %unpack3A_939, %unpack3A_940 : vector<16xf32>
        %add3A_942 = arith.addf %add3A_905, %add3A_917 : vector<16xf32>
        %add3A_943 = arith.addf %add3A_929, %add3A_941 : vector<16xf32>
        %add3A_944 = arith.addf %add3A_942, %add3A_943 : vector<16xf32>
        %swap3A = arith.constant 0 : index
        %swap3A_945 = tpu.vector_load %arg14[%swap3A] {strides = array<i32>} : memref<256xf32, #tpu.memory_space<vmem>>, vector<16xf32>,
        tpu.vector_store %arg14[%swap3A], %add3A_149 {strides = array<i32>} : memref<256xf32, #tpu.memory_space<vmem>>, vector<16xf32>,
        %swap3A_946 = arith.constant 16 : index
        %swap3A_947 = tpu.vector_load %arg14[%swap3A_946] {strides = array<i32>} : memref<256xf32, #tpu.memory_space<vmem>>, vector<16xf32>,
        tpu.vector_store %arg14[%swap3A_946], %add3A_202 {strides = array<i32>} : memref<256xf32, #tpu.memory_space<vmem>>, vector<16xf32>,
        %swap3A_948 = arith.constant 32 : index
        %swap3A_949 = tpu.vector_load %arg14[%swap3A_948] {strides = array<i32>} : memref<256xf32, #tpu.memory_space<vmem>>, vector<16xf32>,
        tpu.vector_store %arg14[%swap3A_948], %add3A_255 {strides = array<i32>} : memref<256xf32, #tpu.memory_space<vmem>>, vector<16xf32>,
        %swap3A_950 = arith.constant 48 : index
        %swap3A_951 = tpu.vector_load %arg14[%swap3A_950] {strides = array<i32>} : memref<256xf32, #tpu.memory_space<vmem>>, vector<16xf32>,
        tpu.vector_store %arg14[%swap3A_950], %add3A_308 {strides = array<i32>} : memref<256xf32, #tpu.memory_space<vmem>>, vector<16xf32>,
        %swap3A_952 = arith.constant 64 : index
        %swap3A_953 = tpu.vector_load %arg14[%swap3A_952] {strides = array<i32>} : memref<256xf32, #tpu.memory_space<vmem>>, vector<16xf32>,
        tpu.vector_store %arg14[%swap3A_952], %add3A_361 {strides = array<i32>} : memref<256xf32, #tpu.memory_space<vmem>>, vector<16xf32>,
        %swap3A_954 = arith.constant 80 : index
        %swap3A_955 = tpu.vector_load %arg14[%swap3A_954] {strides = array<i32>} : memref<256xf32, #tpu.memory_space<vmem>>, vector<16xf32>,
        tpu.vector_store %arg14[%swap3A_954], %add3A_414 {strides = array<i32>} : memref<256xf32, #tpu.memory_space<vmem>>, vector<16xf32>,
        %swap3A_956 = arith.constant 96 : index
        %swap3A_957 = tpu.vector_load %arg14[%swap3A_956] {strides = array<i32>} : memref<256xf32, #tpu.memory_space<vmem>>, vector<16xf32>,
        tpu.vector_store %arg14[%swap3A_956], %add3A_467 {strides = array<i32>} : memref<256xf32, #tpu.memory_space<vmem>>, vector<16xf32>,
        %swap3A_958 = arith.constant 112 : index
        %swap3A_959 = tpu.vector_load %arg14[%swap3A_958] {strides = array<i32>} : memref<256xf32, #tpu.memory_space<vmem>>, vector<16xf32>,
        tpu.vector_store %arg14[%swap3A_958], %add3A_520 {strides = array<i32>} : memref<256xf32, #tpu.memory_space<vmem>>, vector<16xf32>,
        %swap3A_960 = arith.constant 128 : index
        %swap3A_961 = tpu.vector_load %arg14[%swap3A_960] {strides = array<i32>} : memref<256xf32, #tpu.memory_space<vmem>>, vector<16xf32>,
        tpu.vector_store %arg14[%swap3A_960], %add3A_573 {strides = array<i32>} : memref<256xf32, #tpu.memory_space<vmem>>, vector<16xf32>,
        %swap3A_962 = arith.constant 144 : index
        %swap3A_963 = tpu.vector_load %arg14[%swap3A_962] {strides = array<i32>} : memref<256xf32, #tpu.memory_space<vmem>>, vector<16xf32>,
        tpu.vector_store %arg14[%swap3A_962], %add3A_626 {strides = array<i32>} : memref<256xf32, #tpu.memory_space<vmem>>, vector<16xf32>,
        %swap3A_964 = arith.constant 160 : index
        %swap3A_965 = tpu.vector_load %arg14[%swap3A_964] {strides = array<i32>} : memref<256xf32, #tpu.memory_space<vmem>>, vector<16xf32>,
        tpu.vector_store %arg14[%swap3A_964], %add3A_679 {strides = array<i32>} : memref<256xf32, #tpu.memory_space<vmem>>, vector<16xf32>,
        %swap3A_966 = arith.constant 176 : index
        %swap3A_967 = tpu.vector_load %arg14[%swap3A_966] {strides = array<i32>} : memref<256xf32, #tpu.memory_space<vmem>>, vector<16xf32>,
        tpu.vector_store %arg14[%swap3A_966], %add3A_732 {strides = array<i32>} : memref<256xf32, #tpu.memory_space<vmem>>, vector<16xf32>,
        %swap3A_968 = arith.constant 192 : index
        %swap3A_969 = tpu.vector_load %arg14[%swap3A_968] {strides = array<i32>} : memref<256xf32, #tpu.memory_space<vmem>>, vector<16xf32>,
        tpu.vector_store %arg14[%swap3A_968], %add3A_785 {strides = array<i32>} : memref<256xf32, #tpu.memory_space<vmem>>, vector<16xf32>,
        %swap3A_970 = arith.constant 208 : index
        %swap3A_971 = tpu.vector_load %arg14[%swap3A_970] {strides = array<i32>} : memref<256xf32, #tpu.memory_space<vmem>>, vector<16xf32>,
        tpu.vector_store %arg14[%swap3A_970], %add3A_838 {strides = array<i32>} : memref<256xf32, #tpu.memory_space<vmem>>, vector<16xf32>,
        %swap3A_972 = arith.constant 224 : index
        %swap3A_973 = tpu.vector_load %arg14[%swap3A_972] {strides = array<i32>} : memref<256xf32, #tpu.memory_space<vmem>>, vector<16xf32>,
        tpu.vector_store %arg14[%swap3A_972], %add3A_891 {strides = array<i32>} : memref<256xf32, #tpu.memory_space<vmem>>, vector<16xf32>,
        %swap3A_974 = arith.constant 240 : index
        %swap3A_975 = tpu.vector_load %arg14[%swap3A_974] {strides = array<i32>} : memref<256xf32, #tpu.memory_space<vmem>>, vector<16xf32>,
        tpu.vector_store %arg14[%swap3A_974], %add3A_944 {strides = array<i32>} : memref<256xf32, #tpu.memory_space<vmem>>, vector<16xf32>,
        %add3A_976 = arith.constant 0 : i32
        %add3A_977 = vector.broadcast %add3A_976 : i32 to vector<16xi32>
        %add3A_978 = arith.addi %mul3A_5, %add3A_977 : vector<16xi32>
        %gather3A = tpu.vector_load_idx %arg14[%add3A_978] : memref<256xf32, #tpu.memory_space<vmem>>[vector<16xi32>], vector<16xf32>,
        %add3A_979 = arith.constant 1 : i32
        %add3A_980 = vector.broadcast %add3A_979 : i32 to vector<16xi32>
        %add3A_981 = arith.addi %mul3A_5, %add3A_980 : vector<16xi32>
        %gather3A_982 = tpu.vector_load_idx %arg14[%add3A_981] : memref<256xf32, #tpu.memory_space<vmem>>[vector<16xi32>], vector<16xf32>,
        %add3A_983 = arith.constant 2 : i32
        %add3A_984 = vector.broadcast %add3A_983 : i32 to vector<16xi32>
        %add3A_985 = arith.addi %mul3A_5, %add3A_984 : vector<16xi32>
        %gather3A_986 = tpu.vector_load_idx %arg14[%add3A_985] : memref<256xf32, #tpu.memory_space<vmem>>[vector<16xi32>], vector<16xf32>,
        %add3A_987 = arith.constant 3 : i32
        %add3A_988 = vector.broadcast %add3A_987 : i32 to vector<16xi32>
        %add3A_989 = arith.addi %mul3A_5, %add3A_988 : vector<16xi32>
        %gather3A_990 = tpu.vector_load_idx %arg14[%add3A_989] : memref<256xf32, #tpu.memory_space<vmem>>[vector<16xi32>], vector<16xf32>,
        %add3A_991 = arith.constant 4 : i32
        %add3A_992 = vector.broadcast %add3A_991 : i32 to vector<16xi32>
        %add3A_993 = arith.addi %mul3A_5, %add3A_992 : vector<16xi32>
        %gather3A_994 = tpu.vector_load_idx %arg14[%add3A_993] : memref<256xf32, #tpu.memory_space<vmem>>[vector<16xi32>], vector<16xf32>,
        %add3A_995 = arith.constant 5 : i32
        %add3A_996 = vector.broadcast %add3A_995 : i32 to vector<16xi32>
        %add3A_997 = arith.addi %mul3A_5, %add3A_996 : vector<16xi32>
        %gather3A_998 = tpu.vector_load_idx %arg14[%add3A_997] : memref<256xf32, #tpu.memory_space<vmem>>[vector<16xi32>], vector<16xf32>,
        %add3A_999 = arith.constant 6 : i32
        %add3A_1000 = vector.broadcast %add3A_999 : i32 to vector<16xi32>
        %add3A_1001 = arith.addi %mul3A_5, %add3A_1000 : vector<16xi32>
        %gather3A_1002 = tpu.vector_load_idx %arg14[%add3A_1001] : memref<256xf32, #tpu.memory_space<vmem>>[vector<16xi32>], vector<16xf32>,
        %add3A_1003 = arith.constant 7 : i32
        %add3A_1004 = vector.broadcast %add3A_1003 : i32 to vector<16xi32>
        %add3A_1005 = arith.addi %mul3A_5, %add3A_1004 : vector<16xi32>
        %gather3A_1006 = tpu.vector_load_idx %arg14[%add3A_1005] : memref<256xf32, #tpu.memory_space<vmem>>[vector<16xi32>], vector<16xf32>,
        %add3A_1007 = arith.constant 8 : i32
        %add3A_1008 = vector.broadcast %add3A_1007 : i32 to vector<16xi32>
        %add3A_1009 = arith.addi %mul3A_5, %add3A_1008 : vector<16xi32>
        %gather3A_1010 = tpu.vector_load_idx %arg14[%add3A_1009] : memref<256xf32, #tpu.memory_space<vmem>>[vector<16xi32>], vector<16xf32>,
        %add3A_1011 = arith.constant 9 : i32
        %add3A_1012 = vector.broadcast %add3A_1011 : i32 to vector<16xi32>
        %add3A_1013 = arith.addi %mul3A_5, %add3A_1012 : vector<16xi32>
        %gather3A_1014 = tpu.vector_load_idx %arg14[%add3A_1013] : memref<256xf32, #tpu.memory_space<vmem>>[vector<16xi32>], vector<16xf32>,
        %add3A_1015 = arith.constant 10 : i32
        %add3A_1016 = vector.broadcast %add3A_1015 : i32 to vector<16xi32>
        %add3A_1017 = arith.addi %mul3A_5, %add3A_1016 : vector<16xi32>
        %gather3A_1018 = tpu.vector_load_idx %arg14[%add3A_1017] : memref<256xf32, #tpu.memory_space<vmem>>[vector<16xi32>], vector<16xf32>,
        %add3A_1019 = arith.constant 11 : i32
        %add3A_1020 = vector.broadcast %add3A_1019 : i32 to vector<16xi32>
        %add3A_1021 = arith.addi %mul3A_5, %add3A_1020 : vector<16xi32>
        %gather3A_1022 = tpu.vector_load_idx %arg14[%add3A_1021] : memref<256xf32, #tpu.memory_space<vmem>>[vector<16xi32>], vector<16xf32>,
        %add3A_1023 = arith.constant 12 : i32
        %add3A_1024 = vector.broadcast %add3A_1023 : i32 to vector<16xi32>
        %add3A_1025 = arith.addi %mul3A_5, %add3A_1024 : vector<16xi32>
        %gather3A_1026 = tpu.vector_load_idx %arg14[%add3A_1025] : memref<256xf32, #tpu.memory_space<vmem>>[vector<16xi32>], vector<16xf32>,
        %add3A_1027 = arith.constant 13 : i32
        %add3A_1028 = vector.broadcast %add3A_1027 : i32 to vector<16xi32>
        %add3A_1029 = arith.addi %mul3A_5, %add3A_1028 : vector<16xi32>
        %gather3A_1030 = tpu.vector_load_idx %arg14[%add3A_1029] : memref<256xf32, #tpu.memory_space<vmem>>[vector<16xi32>], vector<16xf32>,
        %add3A_1031 = arith.constant 14 : i32
        %add3A_1032 = vector.broadcast %add3A_1031 : i32 to vector<16xi32>
        %add3A_1033 = arith.addi %mul3A_5, %add3A_1032 : vector<16xi32>
        %gather3A_1034 = tpu.vector_load_idx %arg14[%add3A_1033] : memref<256xf32, #tpu.memory_space<vmem>>[vector<16xi32>], vector<16xf32>,
        %add3A_1035 = arith.constant 15 : i32
        %add3A_1036 = vector.broadcast %add3A_1035 : i32 to vector<16xi32>
        %add3A_1037 = arith.addi %mul3A_5, %add3A_1036 : vector<16xi32>
        %gather3A_1038 = tpu.vector_load_idx %arg14[%add3A_1037] : memref<256xf32, #tpu.memory_space<vmem>>[vector<16xi32>], vector<16xf32>,
        %add3A_1039 = arith.addf %gather3A, %gather3A_982 : vector<16xf32>
        %add3A_1040 = arith.addf %gather3A_986, %gather3A_990 : vector<16xf32>
        %add3A_1041 = arith.addf %gather3A_994, %gather3A_998 : vector<16xf32>
        %add3A_1042 = arith.addf %gather3A_1002, %gather3A_1006 : vector<16xf32>
        %add3A_1043 = arith.addf %gather3A_1010, %gather3A_1014 : vector<16xf32>
        %add3A_1044 = arith.addf %gather3A_1018, %gather3A_1022 : vector<16xf32>
        %add3A_1045 = arith.addf %gather3A_1026, %gather3A_1030 : vector<16xf32>
        %add3A_1046 = arith.addf %gather3A_1034, %gather3A_1038 : vector<16xf32>
        %add3A_1047 = arith.addf %add3A_1039, %add3A_1040 : vector<16xf32>
        %add3A_1048 = arith.addf %add3A_1041, %add3A_1042 : vector<16xf32>
        %add3A_1049 = arith.addf %add3A_1043, %add3A_1044 : vector<16xf32>
        %add3A_1050 = arith.addf %add3A_1045, %add3A_1046 : vector<16xf32>
        %add3A_1051 = arith.addf %add3A_1047, %add3A_1048 : vector<16xf32>
        %add3A_1052 = arith.addf %add3A_1049, %add3A_1050 : vector<16xf32>
        %add3A_1053 = arith.addf %add3A_1051, %add3A_1052 : vector<16xf32>
        %mul3A_1054 = arith.constant 80 : i32
        %mul3A_1055 = arith.muli %add3A_87, %mul3A_1054 : i32
        %add3A_1056 = arith.addi %mul3A_1055, %mul3A_99 : i32
        %swap3A_1057 = arith.index_cast %add3A_1056 : i32 to index
        %swap3A_1058 = tpu.vector_load %arg9[%swap3A_1057] {strides = array<i32>} : memref<10000xf32, #tpu.memory_space<vmem>>, vector<16xf32>,
        tpu.vector_store %arg9[%swap3A_1057], %add3A_1053 {strides = array<i32>} : memref<10000xf32, #tpu.memory_space<vmem>>, vector<16xf32>,
        %scan3A_1059 = arith.constant 0 : i32
        scf.yield %scan3A_1059 : i32
      }
      %scan3A_94 = arith.constant 5 : i32
      %scan3A_95 = arith.constant 0 : i32
      scf.yield %scan3A_95 : i32
    }
    %scan3A_20 = arith.constant 62 : i32
    %dma_wait3A = arith.constant 0 : i32
    %dma_wait3A_21 = tpu.memref_slice %arg7[%dma_wait3A] : memref<10000xi32, #tpu.memory_space<vmem>> -> memref<80xi32, #tpu.memory_space<vmem>>
    %dma_wait3A_22 = arith.constant 0 : i32
    %dma_wait3A_23 = arith.constant 0 : i32
    %dma_wait3A_24 = tpu.memref_slice %arg2[%dma_wait3A_22, %dma_wait3A_23] : memref<10000x128xf32, #tpu.memory_space<hbm>> -> memref<10000x128xf32, #tpu.memory_space<hbm>>
    tpu.wait_indirect_dma semaphore(%arg15 : memref<!tpu.dma_semaphore, #tpu.memory_space<semaphore_mem>>) src(%dma_wait3A_24 : memref<10000x128xf32, #tpu.memory_space<hbm>>) dst(%arg10 : memref<80x128xf32, #tpu.memory_space<vmem>>)
    %dma_wait3A_25 = arith.constant 0 : i32
    %dma_wait3A_26 = tpu.memref_slice %arg8[%dma_wait3A_25] : memref<10000xi32, #tpu.memory_space<vmem>> -> memref<80xi32, #tpu.memory_space<vmem>>
    %dma_wait3A_27 = arith.constant 0 : i32
    %dma_wait3A_28 = arith.constant 0 : i32
    %dma_wait3A_29 = tpu.memref_slice %arg3[%dma_wait3A_27, %dma_wait3A_28] : memref<10000x128xf32, #tpu.memory_space<hbm>> -> memref<10000x128xf32, #tpu.memory_space<hbm>>
    tpu.wait_indirect_dma semaphore(%arg15 : memref<!tpu.dma_semaphore, #tpu.memory_space<semaphore_mem>>) src(%dma_wait3A_29 : memref<10000x128xf32, #tpu.memory_space<hbm>>) dst(%arg11 : memref<80x128xf32, #tpu.memory_space<vmem>>)
    %scan3A_30 = arith.constant 0 : i32
    %scan3A_31 = arith.constant 0 : i32
    %scan3A_32 = arith.constant 5 : i32
    %scan3A_33 = arith.addi %scan3A_31, %scan3A_32 : i32
    %scan3A_34 = arith.constant 1 : i32
    %scan3A_35 = scf.for %scan3A_37 = %scan3A_31 to %scan3A_33 step %scan3A_34 iter_args(%scan3A_38 = %scan3A_30) -> (i32)  : i32 {
      %mul3A_39 = arith.constant 16 : i32
      %mul3A_40 = arith.muli %scan3A_37, %mul3A_39 : i32
      %add3A_41 = arith.constant 0 : i32
      %add3A_42 = arith.addi %mul3A_40, %add3A_41 : i32
      %get3A = arith.index_cast %add3A_42 : i32 to index
      %get3A_43 = arith.constant 0 : index
      %get3A_44 = tpu.vector_load %arg10[%get3A, %get3A_43] {strides = array<i32>} : memref<80x128xf32, #tpu.memory_space<vmem>>, vector<16xf32>,
      %bitcast3A = vector.bitcast %get3A_44 : vector<16xf32> to vector<32xbf16>
      %get3A_45 = arith.index_cast %add3A_42 : i32 to index
      %get3A_46 = arith.constant 0 : index
      %get3A_47 = tpu.vector_load %arg11[%get3A_45, %get3A_46] {strides = array<i32>} : memref<80x128xf32, #tpu.memory_space<vmem>>, vector<16xf32>,
      %bitcast3A_48 = vector.bitcast %get3A_47 : vector<16xf32> to vector<32xbf16>
      %mul3A_49 = arith.mulf %bitcast3A, %bitcast3A_48 : vector<32xbf16>
      %unpack3A = tpu.unpack_subelements %mul3A_49, 0 {pack_format = #tpu.pack_format<interleaved>} : vector<32xbf16> -> vector<16xf32>
      %unpack3A_50 = tpu.unpack_subelements %mul3A_49, 1 {pack_format = #tpu.pack_format<interleaved>} : vector<32xbf16> -> vector<16xf32>
      %add3A_51 = arith.addf %unpack3A, %unpack3A_50 : vector<16xf32>
      %get3A_52 = arith.index_cast %add3A_42 : i32 to index
      %get3A_53 = arith.constant 16 : index
      %get3A_54 = tpu.vector_load %arg10[%get3A_52, %get3A_53] {strides = array<i32>} : memref<80x128xf32, #tpu.memory_space<vmem>>, vector<16xf32>,
      %bitcast3A_55 = vector.bitcast %get3A_54 : vector<16xf32> to vector<32xbf16>
      %get3A_56 = arith.index_cast %add3A_42 : i32 to index
      %get3A_57 = arith.constant 16 : index
      %get3A_58 = tpu.vector_load %arg11[%get3A_56, %get3A_57] {strides = array<i32>} : memref<80x128xf32, #tpu.memory_space<vmem>>, vector<16xf32>,
      %bitcast3A_59 = vector.bitcast %get3A_58 : vector<16xf32> to vector<32xbf16>
      %mul3A_60 = arith.mulf %bitcast3A_55, %bitcast3A_59 : vector<32xbf16>
      %unpack3A_61 = tpu.unpack_subelements %mul3A_60, 0 {pack_format = #tpu.pack_format<interleaved>} : vector<32xbf16> -> vector<16xf32>
      %unpack3A_62 = tpu.unpack_subelements %mul3A_60, 1 {pack_format = #tpu.pack_format<interleaved>} : vector<32xbf16> -> vector<16xf32>
      %add3A_63 = arith.addf %unpack3A_61, %unpack3A_62 : vector<16xf32>
      %get3A_64 = arith.index_cast %add3A_42 : i32 to index
      %get3A_65 = arith.constant 32 : index
      %get3A_66 = tpu.vector_load %arg10[%get3A_64, %get3A_65] {strides = array<i32>} : memref<80x128xf32, #tpu.memory_space<vmem>>, vector<16xf32>,
      %bitcast3A_67 = vector.bitcast %get3A_66 : vector<16xf32> to vector<32xbf16>
      %get3A_68 = arith.index_cast %add3A_42 : i32 to index
      %get3A_69 = arith.constant 32 : index
      %get3A_70 = tpu.vector_load %arg11[%get3A_68, %get3A_69] {strides = array<i32>} : memref<80x128xf32, #tpu.memory_space<vmem>>, vector<16xf32>,
      %bitcast3A_71 = vector.bitcast %get3A_70 : vector<16xf32> to vector<32xbf16>
      %mul3A_72 = arith.mulf %bitcast3A_67, %bitcast3A_71 : vector<32xbf16>
      %unpack3A_73 = tpu.unpack_subelements %mul3A_72, 0 {pack_format = #tpu.pack_format<interleaved>} : vector<32xbf16> -> vector<16xf32>
      %unpack3A_74 = tpu.unpack_subelements %mul3A_72, 1 {pack_format = #tpu.pack_format<interleaved>} : vector<32xbf16> -> vector<16xf32>
      %add3A_75 = arith.addf %unpack3A_73, %unpack3A_74 : vector<16xf32>
      %get3A_76 = arith.index_cast %add3A_42 : i32 to index
      %get3A_77 = arith.constant 48 : index
      %get3A_78 = tpu.vector_load %arg10[%get3A_76, %get3A_77] {strides = array<i32>} : memref<80x128xf32, #tpu.memory_space<vmem>>, vector<16xf32>,
      %bitcast3A_79 = vector.bitcast %get3A_78 : vector<16xf32> to vector<32xbf16>
      %get3A_80 = arith.index_cast %add3A_42 : i32 to index
      %get3A_81 = arith.constant 48 : index
      %get3A_82 = tpu.vector_load %arg11[%get3A_80, %get3A_81] {strides = array<i32>} : memref<80x128xf32, #tpu.memory_space<vmem>>, vector<16xf32>,
      %bitcast3A_83 = vector.bitcast %get3A_82 : vector<16xf32> to vector<32xbf16>
      %mul3A_84 = arith.mulf %bitcast3A_79, %bitcast3A_83 : vector<32xbf16>
      %unpack3A_85 = tpu.unpack_subelements %mul3A_84, 0 {pack_format = #tpu.pack_format<interleaved>} : vector<32xbf16> -> vector<16xf32>
      %unpack3A_86 = tpu.unpack_subelements %mul3A_84, 1 {pack_format = #tpu.pack_format<interleaved>} : vector<32xbf16> -> vector<16xf32>
      %add3A_87 = arith.addf %unpack3A_85, %unpack3A_86 : vector<16xf32>
      %add3A_88 = arith.addf %add3A_51, %add3A_63 : vector<16xf32>
      %add3A_89 = arith.addf %add3A_75, %add3A_87 : vector<16xf32>
      %add3A_90 = arith.addf %add3A_88, %add3A_89 : vector<16xf32>
      %add3A_91 = arith.constant 1 : i32
      %add3A_92 = arith.addi %mul3A_40, %add3A_91 : i32
      %get3A_93 = arith.index_cast %add3A_92 : i32 to index
      %get3A_94 = arith.constant 0 : index
      %get3A_95 = tpu.vector_load %arg10[%get3A_93, %get3A_94] {strides = array<i32>} : memref<80x128xf32, #tpu.memory_space<vmem>>, vector<16xf32>,
      %bitcast3A_96 = vector.bitcast %get3A_95 : vector<16xf32> to vector<32xbf16>
      %get3A_97 = arith.index_cast %add3A_92 : i32 to index
      %get3A_98 = arith.constant 0 : index
      %get3A_99 = tpu.vector_load %arg11[%get3A_97, %get3A_98] {strides = array<i32>} : memref<80x128xf32, #tpu.memory_space<vmem>>, vector<16xf32>,
      %bitcast3A_100 = vector.bitcast %get3A_99 : vector<16xf32> to vector<32xbf16>
      %mul3A_101 = arith.mulf %bitcast3A_96, %bitcast3A_100 : vector<32xbf16>
      %unpack3A_102 = tpu.unpack_subelements %mul3A_101, 0 {pack_format = #tpu.pack_format<interleaved>} : vector<32xbf16> -> vector<16xf32>
      %unpack3A_103 = tpu.unpack_subelements %mul3A_101, 1 {pack_format = #tpu.pack_format<interleaved>} : vector<32xbf16> -> vector<16xf32>
      %add3A_104 = arith.addf %unpack3A_102, %unpack3A_103 : vector<16xf32>
      %get3A_105 = arith.index_cast %add3A_92 : i32 to index
      %get3A_106 = arith.constant 16 : index
      %get3A_107 = tpu.vector_load %arg10[%get3A_105, %get3A_106] {strides = array<i32>} : memref<80x128xf32, #tpu.memory_space<vmem>>, vector<16xf32>,
      %bitcast3A_108 = vector.bitcast %get3A_107 : vector<16xf32> to vector<32xbf16>
      %get3A_109 = arith.index_cast %add3A_92 : i32 to index
      %get3A_110 = arith.constant 16 : index
      %get3A_111 = tpu.vector_load %arg11[%get3A_109, %get3A_110] {strides = array<i32>} : memref<80x128xf32, #tpu.memory_space<vmem>>, vector<16xf32>,
      %bitcast3A_112 = vector.bitcast %get3A_111 : vector<16xf32> to vector<32xbf16>
      %mul3A_113 = arith.mulf %bitcast3A_108, %bitcast3A_112 : vector<32xbf16>
      %unpack3A_114 = tpu.unpack_subelements %mul3A_113, 0 {pack_format = #tpu.pack_format<interleaved>} : vector<32xbf16> -> vector<16xf32>
      %unpack3A_115 = tpu.unpack_subelements %mul3A_113, 1 {pack_format = #tpu.pack_format<interleaved>} : vector<32xbf16> -> vector<16xf32>
      %add3A_116 = arith.addf %unpack3A_114, %unpack3A_115 : vector<16xf32>
      %get3A_117 = arith.index_cast %add3A_92 : i32 to index
      %get3A_118 = arith.constant 32 : index
      %get3A_119 = tpu.vector_load %arg10[%get3A_117, %get3A_118] {strides = array<i32>} : memref<80x128xf32, #tpu.memory_space<vmem>>, vector<16xf32>,
      %bitcast3A_120 = vector.bitcast %get3A_119 : vector<16xf32> to vector<32xbf16>
      %get3A_121 = arith.index_cast %add3A_92 : i32 to index
      %get3A_122 = arith.constant 32 : index
      %get3A_123 = tpu.vector_load %arg11[%get3A_121, %get3A_122] {strides = array<i32>} : memref<80x128xf32, #tpu.memory_space<vmem>>, vector<16xf32>,
      %bitcast3A_124 = vector.bitcast %get3A_123 : vector<16xf32> to vector<32xbf16>
      %mul3A_125 = arith.mulf %bitcast3A_120, %bitcast3A_124 : vector<32xbf16>
      %unpack3A_126 = tpu.unpack_subelements %mul3A_125, 0 {pack_format = #tpu.pack_format<interleaved>} : vector<32xbf16> -> vector<16xf32>
      %unpack3A_127 = tpu.unpack_subelements %mul3A_125, 1 {pack_format = #tpu.pack_format<interleaved>} : vector<32xbf16> -> vector<16xf32>
      %add3A_128 = arith.addf %unpack3A_126, %unpack3A_127 : vector<16xf32>
      %get3A_129 = arith.index_cast %add3A_92 : i32 to index
      %get3A_130 = arith.constant 48 : index
      %get3A_131 = tpu.vector_load %arg10[%get3A_129, %get3A_130] {strides = array<i32>} : memref<80x128xf32, #tpu.memory_space<vmem>>, vector<16xf32>,
      %bitcast3A_132 = vector.bitcast %get3A_131 : vector<16xf32> to vector<32xbf16>
      %get3A_133 = arith.index_cast %add3A_92 : i32 to index
      %get3A_134 = arith.constant 48 : index
      %get3A_135 = tpu.vector_load %arg11[%get3A_133, %get3A_134] {strides = array<i32>} : memref<80x128xf32, #tpu.memory_space<vmem>>, vector<16xf32>,
      %bitcast3A_136 = vector.bitcast %get3A_135 : vector<16xf32> to vector<32xbf16>
      %mul3A_137 = arith.mulf %bitcast3A_132, %bitcast3A_136 : vector<32xbf16>
      %unpack3A_138 = tpu.unpack_subelements %mul3A_137, 0 {pack_format = #tpu.pack_format<interleaved>} : vector<32xbf16> -> vector<16xf32>
      %unpack3A_139 = tpu.unpack_subelements %mul3A_137, 1 {pack_format = #tpu.pack_format<interleaved>} : vector<32xbf16> -> vector<16xf32>
      %add3A_140 = arith.addf %unpack3A_138, %unpack3A_139 : vector<16xf32>
      %add3A_141 = arith.addf %add3A_104, %add3A_116 : vector<16xf32>
      %add3A_142 = arith.addf %add3A_128, %add3A_140 : vector<16xf32>
      %add3A_143 = arith.addf %add3A_141, %add3A_142 : vector<16xf32>
      %add3A_144 = arith.constant 2 : i32
      %add3A_145 = arith.addi %mul3A_40, %add3A_144 : i32
      %get3A_146 = arith.index_cast %add3A_145 : i32 to index
      %get3A_147 = arith.constant 0 : index
      %get3A_148 = tpu.vector_load %arg10[%get3A_146, %get3A_147] {strides = array<i32>} : memref<80x128xf32, #tpu.memory_space<vmem>>, vector<16xf32>,
      %bitcast3A_149 = vector.bitcast %get3A_148 : vector<16xf32> to vector<32xbf16>
      %get3A_150 = arith.index_cast %add3A_145 : i32 to index
      %get3A_151 = arith.constant 0 : index
      %get3A_152 = tpu.vector_load %arg11[%get3A_150, %get3A_151] {strides = array<i32>} : memref<80x128xf32, #tpu.memory_space<vmem>>, vector<16xf32>,
      %bitcast3A_153 = vector.bitcast %get3A_152 : vector<16xf32> to vector<32xbf16>
      %mul3A_154 = arith.mulf %bitcast3A_149, %bitcast3A_153 : vector<32xbf16>
      %unpack3A_155 = tpu.unpack_subelements %mul3A_154, 0 {pack_format = #tpu.pack_format<interleaved>} : vector<32xbf16> -> vector<16xf32>
      %unpack3A_156 = tpu.unpack_subelements %mul3A_154, 1 {pack_format = #tpu.pack_format<interleaved>} : vector<32xbf16> -> vector<16xf32>
      %add3A_157 = arith.addf %unpack3A_155, %unpack3A_156 : vector<16xf32>
      %get3A_158 = arith.index_cast %add3A_145 : i32 to index
      %get3A_159 = arith.constant 16 : index
      %get3A_160 = tpu.vector_load %arg10[%get3A_158, %get3A_159] {strides = array<i32>} : memref<80x128xf32, #tpu.memory_space<vmem>>, vector<16xf32>,
      %bitcast3A_161 = vector.bitcast %get3A_160 : vector<16xf32> to vector<32xbf16>
      %get3A_162 = arith.index_cast %add3A_145 : i32 to index
      %get3A_163 = arith.constant 16 : index
      %get3A_164 = tpu.vector_load %arg11[%get3A_162, %get3A_163] {strides = array<i32>} : memref<80x128xf32, #tpu.memory_space<vmem>>, vector<16xf32>,
      %bitcast3A_165 = vector.bitcast %get3A_164 : vector<16xf32> to vector<32xbf16>
      %mul3A_166 = arith.mulf %bitcast3A_161, %bitcast3A_165 : vector<32xbf16>
      %unpack3A_167 = tpu.unpack_subelements %mul3A_166, 0 {pack_format = #tpu.pack_format<interleaved>} : vector<32xbf16> -> vector<16xf32>
      %unpack3A_168 = tpu.unpack_subelements %mul3A_166, 1 {pack_format = #tpu.pack_format<interleaved>} : vector<32xbf16> -> vector<16xf32>
      %add3A_169 = arith.addf %unpack3A_167, %unpack3A_168 : vector<16xf32>
      %get3A_170 = arith.index_cast %add3A_145 : i32 to index
      %get3A_171 = arith.constant 32 : index
      %get3A_172 = tpu.vector_load %arg10[%get3A_170, %get3A_171] {strides = array<i32>} : memref<80x128xf32, #tpu.memory_space<vmem>>, vector<16xf32>,
      %bitcast3A_173 = vector.bitcast %get3A_172 : vector<16xf32> to vector<32xbf16>
      %get3A_174 = arith.index_cast %add3A_145 : i32 to index
      %get3A_175 = arith.constant 32 : index
      %get3A_176 = tpu.vector_load %arg11[%get3A_174, %get3A_175] {strides = array<i32>} : memref<80x128xf32, #tpu.memory_space<vmem>>, vector<16xf32>,
      %bitcast3A_177 = vector.bitcast %get3A_176 : vector<16xf32> to vector<32xbf16>
      %mul3A_178 = arith.mulf %bitcast3A_173, %bitcast3A_177 : vector<32xbf16>
      %unpack3A_179 = tpu.unpack_subelements %mul3A_178, 0 {pack_format = #tpu.pack_format<interleaved>} : vector<32xbf16> -> vector<16xf32>
      %unpack3A_180 = tpu.unpack_subelements %mul3A_178, 1 {pack_format = #tpu.pack_format<interleaved>} : vector<32xbf16> -> vector<16xf32>
      %add3A_181 = arith.addf %unpack3A_179, %unpack3A_180 : vector<16xf32>
      %get3A_182 = arith.index_cast %add3A_145 : i32 to index
      %get3A_183 = arith.constant 48 : index
      %get3A_184 = tpu.vector_load %arg10[%get3A_182, %get3A_183] {strides = array<i32>} : memref<80x128xf32, #tpu.memory_space<vmem>>, vector<16xf32>,
      %bitcast3A_185 = vector.bitcast %get3A_184 : vector<16xf32> to vector<32xbf16>
      %get3A_186 = arith.index_cast %add3A_145 : i32 to index
      %get3A_187 = arith.constant 48 : index
      %get3A_188 = tpu.vector_load %arg11[%get3A_186, %get3A_187] {strides = array<i32>} : memref<80x128xf32, #tpu.memory_space<vmem>>, vector<16xf32>,
      %bitcast3A_189 = vector.bitcast %get3A_188 : vector<16xf32> to vector<32xbf16>
      %mul3A_190 = arith.mulf %bitcast3A_185, %bitcast3A_189 : vector<32xbf16>
      %unpack3A_191 = tpu.unpack_subelements %mul3A_190, 0 {pack_format = #tpu.pack_format<interleaved>} : vector<32xbf16> -> vector<16xf32>
      %unpack3A_192 = tpu.unpack_subelements %mul3A_190, 1 {pack_format = #tpu.pack_format<interleaved>} : vector<32xbf16> -> vector<16xf32>
      %add3A_193 = arith.addf %unpack3A_191, %unpack3A_192 : vector<16xf32>
      %add3A_194 = arith.addf %add3A_157, %add3A_169 : vector<16xf32>
      %add3A_195 = arith.addf %add3A_181, %add3A_193 : vector<16xf32>
      %add3A_196 = arith.addf %add3A_194, %add3A_195 : vector<16xf32>
      %add3A_197 = arith.constant 3 : i32
      %add3A_198 = arith.addi %mul3A_40, %add3A_197 : i32
      %get3A_199 = arith.index_cast %add3A_198 : i32 to index
      %get3A_200 = arith.constant 0 : index
      %get3A_201 = tpu.vector_load %arg10[%get3A_199, %get3A_200] {strides = array<i32>} : memref<80x128xf32, #tpu.memory_space<vmem>>, vector<16xf32>,
      %bitcast3A_202 = vector.bitcast %get3A_201 : vector<16xf32> to vector<32xbf16>
      %get3A_203 = arith.index_cast %add3A_198 : i32 to index
      %get3A_204 = arith.constant 0 : index
      %get3A_205 = tpu.vector_load %arg11[%get3A_203, %get3A_204] {strides = array<i32>} : memref<80x128xf32, #tpu.memory_space<vmem>>, vector<16xf32>,
      %bitcast3A_206 = vector.bitcast %get3A_205 : vector<16xf32> to vector<32xbf16>
      %mul3A_207 = arith.mulf %bitcast3A_202, %bitcast3A_206 : vector<32xbf16>
      %unpack3A_208 = tpu.unpack_subelements %mul3A_207, 0 {pack_format = #tpu.pack_format<interleaved>} : vector<32xbf16> -> vector<16xf32>
      %unpack3A_209 = tpu.unpack_subelements %mul3A_207, 1 {pack_format = #tpu.pack_format<interleaved>} : vector<32xbf16> -> vector<16xf32>
      %add3A_210 = arith.addf %unpack3A_208, %unpack3A_209 : vector<16xf32>
      %get3A_211 = arith.index_cast %add3A_198 : i32 to index
      %get3A_212 = arith.constant 16 : index
      %get3A_213 = tpu.vector_load %arg10[%get3A_211, %get3A_212] {strides = array<i32>} : memref<80x128xf32, #tpu.memory_space<vmem>>, vector<16xf32>,
      %bitcast3A_214 = vector.bitcast %get3A_213 : vector<16xf32> to vector<32xbf16>
      %get3A_215 = arith.index_cast %add3A_198 : i32 to index
      %get3A_216 = arith.constant 16 : index
      %get3A_217 = tpu.vector_load %arg11[%get3A_215, %get3A_216] {strides = array<i32>} : memref<80x128xf32, #tpu.memory_space<vmem>>, vector<16xf32>,
      %bitcast3A_218 = vector.bitcast %get3A_217 : vector<16xf32> to vector<32xbf16>
      %mul3A_219 = arith.mulf %bitcast3A_214, %bitcast3A_218 : vector<32xbf16>
      %unpack3A_220 = tpu.unpack_subelements %mul3A_219, 0 {pack_format = #tpu.pack_format<interleaved>} : vector<32xbf16> -> vector<16xf32>
      %unpack3A_221 = tpu.unpack_subelements %mul3A_219, 1 {pack_format = #tpu.pack_format<interleaved>} : vector<32xbf16> -> vector<16xf32>
      %add3A_222 = arith.addf %unpack3A_220, %unpack3A_221 : vector<16xf32>
      %get3A_223 = arith.index_cast %add3A_198 : i32 to index
      %get3A_224 = arith.constant 32 : index
      %get3A_225 = tpu.vector_load %arg10[%get3A_223, %get3A_224] {strides = array<i32>} : memref<80x128xf32, #tpu.memory_space<vmem>>, vector<16xf32>,
      %bitcast3A_226 = vector.bitcast %get3A_225 : vector<16xf32> to vector<32xbf16>
      %get3A_227 = arith.index_cast %add3A_198 : i32 to index
      %get3A_228 = arith.constant 32 : index
      %get3A_229 = tpu.vector_load %arg11[%get3A_227, %get3A_228] {strides = array<i32>} : memref<80x128xf32, #tpu.memory_space<vmem>>, vector<16xf32>,
      %bitcast3A_230 = vector.bitcast %get3A_229 : vector<16xf32> to vector<32xbf16>
      %mul3A_231 = arith.mulf %bitcast3A_226, %bitcast3A_230 : vector<32xbf16>
      %unpack3A_232 = tpu.unpack_subelements %mul3A_231, 0 {pack_format = #tpu.pack_format<interleaved>} : vector<32xbf16> -> vector<16xf32>
      %unpack3A_233 = tpu.unpack_subelements %mul3A_231, 1 {pack_format = #tpu.pack_format<interleaved>} : vector<32xbf16> -> vector<16xf32>
      %add3A_234 = arith.addf %unpack3A_232, %unpack3A_233 : vector<16xf32>
      %get3A_235 = arith.index_cast %add3A_198 : i32 to index
      %get3A_236 = arith.constant 48 : index
      %get3A_237 = tpu.vector_load %arg10[%get3A_235, %get3A_236] {strides = array<i32>} : memref<80x128xf32, #tpu.memory_space<vmem>>, vector<16xf32>,
      %bitcast3A_238 = vector.bitcast %get3A_237 : vector<16xf32> to vector<32xbf16>
      %get3A_239 = arith.index_cast %add3A_198 : i32 to index
      %get3A_240 = arith.constant 48 : index
      %get3A_241 = tpu.vector_load %arg11[%get3A_239, %get3A_240] {strides = array<i32>} : memref<80x128xf32, #tpu.memory_space<vmem>>, vector<16xf32>,
      %bitcast3A_242 = vector.bitcast %get3A_241 : vector<16xf32> to vector<32xbf16>
      %mul3A_243 = arith.mulf %bitcast3A_238, %bitcast3A_242 : vector<32xbf16>
      %unpack3A_244 = tpu.unpack_subelements %mul3A_243, 0 {pack_format = #tpu.pack_format<interleaved>} : vector<32xbf16> -> vector<16xf32>
      %unpack3A_245 = tpu.unpack_subelements %mul3A_243, 1 {pack_format = #tpu.pack_format<interleaved>} : vector<32xbf16> -> vector<16xf32>
      %add3A_246 = arith.addf %unpack3A_244, %unpack3A_245 : vector<16xf32>
      %add3A_247 = arith.addf %add3A_210, %add3A_222 : vector<16xf32>
      %add3A_248 = arith.addf %add3A_234, %add3A_246 : vector<16xf32>
      %add3A_249 = arith.addf %add3A_247, %add3A_248 : vector<16xf32>
      %add3A_250 = arith.constant 4 : i32
      %add3A_251 = arith.addi %mul3A_40, %add3A_250 : i32
      %get3A_252 = arith.index_cast %add3A_251 : i32 to index
      %get3A_253 = arith.constant 0 : index
      %get3A_254 = tpu.vector_load %arg10[%get3A_252, %get3A_253] {strides = array<i32>} : memref<80x128xf32, #tpu.memory_space<vmem>>, vector<16xf32>,
      %bitcast3A_255 = vector.bitcast %get3A_254 : vector<16xf32> to vector<32xbf16>
      %get3A_256 = arith.index_cast %add3A_251 : i32 to index
      %get3A_257 = arith.constant 0 : index
      %get3A_258 = tpu.vector_load %arg11[%get3A_256, %get3A_257] {strides = array<i32>} : memref<80x128xf32, #tpu.memory_space<vmem>>, vector<16xf32>,
      %bitcast3A_259 = vector.bitcast %get3A_258 : vector<16xf32> to vector<32xbf16>
      %mul3A_260 = arith.mulf %bitcast3A_255, %bitcast3A_259 : vector<32xbf16>
      %unpack3A_261 = tpu.unpack_subelements %mul3A_260, 0 {pack_format = #tpu.pack_format<interleaved>} : vector<32xbf16> -> vector<16xf32>
      %unpack3A_262 = tpu.unpack_subelements %mul3A_260, 1 {pack_format = #tpu.pack_format<interleaved>} : vector<32xbf16> -> vector<16xf32>
      %add3A_263 = arith.addf %unpack3A_261, %unpack3A_262 : vector<16xf32>
      %get3A_264 = arith.index_cast %add3A_251 : i32 to index
      %get3A_265 = arith.constant 16 : index
      %get3A_266 = tpu.vector_load %arg10[%get3A_264, %get3A_265] {strides = array<i32>} : memref<80x128xf32, #tpu.memory_space<vmem>>, vector<16xf32>,
      %bitcast3A_267 = vector.bitcast %get3A_266 : vector<16xf32> to vector<32xbf16>
      %get3A_268 = arith.index_cast %add3A_251 : i32 to index
      %get3A_269 = arith.constant 16 : index
      %get3A_270 = tpu.vector_load %arg11[%get3A_268, %get3A_269] {strides = array<i32>} : memref<80x128xf32, #tpu.memory_space<vmem>>, vector<16xf32>,
      %bitcast3A_271 = vector.bitcast %get3A_270 : vector<16xf32> to vector<32xbf16>
      %mul3A_272 = arith.mulf %bitcast3A_267, %bitcast3A_271 : vector<32xbf16>
      %unpack3A_273 = tpu.unpack_subelements %mul3A_272, 0 {pack_format = #tpu.pack_format<interleaved>} : vector<32xbf16> -> vector<16xf32>
      %unpack3A_274 = tpu.unpack_subelements %mul3A_272, 1 {pack_format = #tpu.pack_format<interleaved>} : vector<32xbf16> -> vector<16xf32>
      %add3A_275 = arith.addf %unpack3A_273, %unpack3A_274 : vector<16xf32>
      %get3A_276 = arith.index_cast %add3A_251 : i32 to index
      %get3A_277 = arith.constant 32 : index
      %get3A_278 = tpu.vector_load %arg10[%get3A_276, %get3A_277] {strides = array<i32>} : memref<80x128xf32, #tpu.memory_space<vmem>>, vector<16xf32>,
      %bitcast3A_279 = vector.bitcast %get3A_278 : vector<16xf32> to vector<32xbf16>
      %get3A_280 = arith.index_cast %add3A_251 : i32 to index
      %get3A_281 = arith.constant 32 : index
      %get3A_282 = tpu.vector_load %arg11[%get3A_280, %get3A_281] {strides = array<i32>} : memref<80x128xf32, #tpu.memory_space<vmem>>, vector<16xf32>,
      %bitcast3A_283 = vector.bitcast %get3A_282 : vector<16xf32> to vector<32xbf16>
      %mul3A_284 = arith.mulf %bitcast3A_279, %bitcast3A_283 : vector<32xbf16>
      %unpack3A_285 = tpu.unpack_subelements %mul3A_284, 0 {pack_format = #tpu.pack_format<interleaved>} : vector<32xbf16> -> vector<16xf32>
      %unpack3A_286 = tpu.unpack_subelements %mul3A_284, 1 {pack_format = #tpu.pack_format<interleaved>} : vector<32xbf16> -> vector<16xf32>
      %add3A_287 = arith.addf %unpack3A_285, %unpack3A_286 : vector<16xf32>
      %get3A_288 = arith.index_cast %add3A_251 : i32 to index
      %get3A_289 = arith.constant 48 : index
      %get3A_290 = tpu.vector_load %arg10[%get3A_288, %get3A_289] {strides = array<i32>} : memref<80x128xf32, #tpu.memory_space<vmem>>, vector<16xf32>,
      %bitcast3A_291 = vector.bitcast %get3A_290 : vector<16xf32> to vector<32xbf16>
      %get3A_292 = arith.index_cast %add3A_251 : i32 to index
      %get3A_293 = arith.constant 48 : index
      %get3A_294 = tpu.vector_load %arg11[%get3A_292, %get3A_293] {strides = array<i32>} : memref<80x128xf32, #tpu.memory_space<vmem>>, vector<16xf32>,
      %bitcast3A_295 = vector.bitcast %get3A_294 : vector<16xf32> to vector<32xbf16>
      %mul3A_296 = arith.mulf %bitcast3A_291, %bitcast3A_295 : vector<32xbf16>
      %unpack3A_297 = tpu.unpack_subelements %mul3A_296, 0 {pack_format = #tpu.pack_format<interleaved>} : vector<32xbf16> -> vector<16xf32>
      %unpack3A_298 = tpu.unpack_subelements %mul3A_296, 1 {pack_format = #tpu.pack_format<interleaved>} : vector<32xbf16> -> vector<16xf32>
      %add3A_299 = arith.addf %unpack3A_297, %unpack3A_298 : vector<16xf32>
      %add3A_300 = arith.addf %add3A_263, %add3A_275 : vector<16xf32>
      %add3A_301 = arith.addf %add3A_287, %add3A_299 : vector<16xf32>
      %add3A_302 = arith.addf %add3A_300, %add3A_301 : vector<16xf32>
      %add3A_303 = arith.constant 5 : i32
      %add3A_304 = arith.addi %mul3A_40, %add3A_303 : i32
      %get3A_305 = arith.index_cast %add3A_304 : i32 to index
      %get3A_306 = arith.constant 0 : index
      %get3A_307 = tpu.vector_load %arg10[%get3A_305, %get3A_306] {strides = array<i32>} : memref<80x128xf32, #tpu.memory_space<vmem>>, vector<16xf32>,
      %bitcast3A_308 = vector.bitcast %get3A_307 : vector<16xf32> to vector<32xbf16>
      %get3A_309 = arith.index_cast %add3A_304 : i32 to index
      %get3A_310 = arith.constant 0 : index
      %get3A_311 = tpu.vector_load %arg11[%get3A_309, %get3A_310] {strides = array<i32>} : memref<80x128xf32, #tpu.memory_space<vmem>>, vector<16xf32>,
      %bitcast3A_312 = vector.bitcast %get3A_311 : vector<16xf32> to vector<32xbf16>
      %mul3A_313 = arith.mulf %bitcast3A_308, %bitcast3A_312 : vector<32xbf16>
      %unpack3A_314 = tpu.unpack_subelements %mul3A_313, 0 {pack_format = #tpu.pack_format<interleaved>} : vector<32xbf16> -> vector<16xf32>
      %unpack3A_315 = tpu.unpack_subelements %mul3A_313, 1 {pack_format = #tpu.pack_format<interleaved>} : vector<32xbf16> -> vector<16xf32>
      %add3A_316 = arith.addf %unpack3A_314, %unpack3A_315 : vector<16xf32>
      %get3A_317 = arith.index_cast %add3A_304 : i32 to index
      %get3A_318 = arith.constant 16 : index
      %get3A_319 = tpu.vector_load %arg10[%get3A_317, %get3A_318] {strides = array<i32>} : memref<80x128xf32, #tpu.memory_space<vmem>>, vector<16xf32>,
      %bitcast3A_320 = vector.bitcast %get3A_319 : vector<16xf32> to vector<32xbf16>
      %get3A_321 = arith.index_cast %add3A_304 : i32 to index
      %get3A_322 = arith.constant 16 : index
      %get3A_323 = tpu.vector_load %arg11[%get3A_321, %get3A_322] {strides = array<i32>} : memref<80x128xf32, #tpu.memory_space<vmem>>, vector<16xf32>,
      %bitcast3A_324 = vector.bitcast %get3A_323 : vector<16xf32> to vector<32xbf16>
      %mul3A_325 = arith.mulf %bitcast3A_320, %bitcast3A_324 : vector<32xbf16>
      %unpack3A_326 = tpu.unpack_subelements %mul3A_325, 0 {pack_format = #tpu.pack_format<interleaved>} : vector<32xbf16> -> vector<16xf32>
      %unpack3A_327 = tpu.unpack_subelements %mul3A_325, 1 {pack_format = #tpu.pack_format<interleaved>} : vector<32xbf16> -> vector<16xf32>
      %add3A_328 = arith.addf %unpack3A_326, %unpack3A_327 : vector<16xf32>
      %get3A_329 = arith.index_cast %add3A_304 : i32 to index
      %get3A_330 = arith.constant 32 : index
      %get3A_331 = tpu.vector_load %arg10[%get3A_329, %get3A_330] {strides = array<i32>} : memref<80x128xf32, #tpu.memory_space<vmem>>, vector<16xf32>,
      %bitcast3A_332 = vector.bitcast %get3A_331 : vector<16xf32> to vector<32xbf16>
      %get3A_333 = arith.index_cast %add3A_304 : i32 to index
      %get3A_334 = arith.constant 32 : index
      %get3A_335 = tpu.vector_load %arg11[%get3A_333, %get3A_334] {strides = array<i32>} : memref<80x128xf32, #tpu.memory_space<vmem>>, vector<16xf32>,
      %bitcast3A_336 = vector.bitcast %get3A_335 : vector<16xf32> to vector<32xbf16>
      %mul3A_337 = arith.mulf %bitcast3A_332, %bitcast3A_336 : vector<32xbf16>
      %unpack3A_338 = tpu.unpack_subelements %mul3A_337, 0 {pack_format = #tpu.pack_format<interleaved>} : vector<32xbf16> -> vector<16xf32>
      %unpack3A_339 = tpu.unpack_subelements %mul3A_337, 1 {pack_format = #tpu.pack_format<interleaved>} : vector<32xbf16> -> vector<16xf32>
      %add3A_340 = arith.addf %unpack3A_338, %unpack3A_339 : vector<16xf32>
      %get3A_341 = arith.index_cast %add3A_304 : i32 to index
      %get3A_342 = arith.constant 48 : index
      %get3A_343 = tpu.vector_load %arg10[%get3A_341, %get3A_342] {strides = array<i32>} : memref<80x128xf32, #tpu.memory_space<vmem>>, vector<16xf32>,
      %bitcast3A_344 = vector.bitcast %get3A_343 : vector<16xf32> to vector<32xbf16>
      %get3A_345 = arith.index_cast %add3A_304 : i32 to index
      %get3A_346 = arith.constant 48 : index
      %get3A_347 = tpu.vector_load %arg11[%get3A_345, %get3A_346] {strides = array<i32>} : memref<80x128xf32, #tpu.memory_space<vmem>>, vector<16xf32>,
      %bitcast3A_348 = vector.bitcast %get3A_347 : vector<16xf32> to vector<32xbf16>
      %mul3A_349 = arith.mulf %bitcast3A_344, %bitcast3A_348 : vector<32xbf16>
      %unpack3A_350 = tpu.unpack_subelements %mul3A_349, 0 {pack_format = #tpu.pack_format<interleaved>} : vector<32xbf16> -> vector<16xf32>
      %unpack3A_351 = tpu.unpack_subelements %mul3A_349, 1 {pack_format = #tpu.pack_format<interleaved>} : vector<32xbf16> -> vector<16xf32>
      %add3A_352 = arith.addf %unpack3A_350, %unpack3A_351 : vector<16xf32>
      %add3A_353 = arith.addf %add3A_316, %add3A_328 : vector<16xf32>
      %add3A_354 = arith.addf %add3A_340, %add3A_352 : vector<16xf32>
      %add3A_355 = arith.addf %add3A_353, %add3A_354 : vector<16xf32>
      %add3A_356 = arith.constant 6 : i32
      %add3A_357 = arith.addi %mul3A_40, %add3A_356 : i32
      %get3A_358 = arith.index_cast %add3A_357 : i32 to index
      %get3A_359 = arith.constant 0 : index
      %get3A_360 = tpu.vector_load %arg10[%get3A_358, %get3A_359] {strides = array<i32>} : memref<80x128xf32, #tpu.memory_space<vmem>>, vector<16xf32>,
      %bitcast3A_361 = vector.bitcast %get3A_360 : vector<16xf32> to vector<32xbf16>
      %get3A_362 = arith.index_cast %add3A_357 : i32 to index
      %get3A_363 = arith.constant 0 : index
      %get3A_364 = tpu.vector_load %arg11[%get3A_362, %get3A_363] {strides = array<i32>} : memref<80x128xf32, #tpu.memory_space<vmem>>, vector<16xf32>,
      %bitcast3A_365 = vector.bitcast %get3A_364 : vector<16xf32> to vector<32xbf16>
      %mul3A_366 = arith.mulf %bitcast3A_361, %bitcast3A_365 : vector<32xbf16>
      %unpack3A_367 = tpu.unpack_subelements %mul3A_366, 0 {pack_format = #tpu.pack_format<interleaved>} : vector<32xbf16> -> vector<16xf32>
      %unpack3A_368 = tpu.unpack_subelements %mul3A_366, 1 {pack_format = #tpu.pack_format<interleaved>} : vector<32xbf16> -> vector<16xf32>
      %add3A_369 = arith.addf %unpack3A_367, %unpack3A_368 : vector<16xf32>
      %get3A_370 = arith.index_cast %add3A_357 : i32 to index
      %get3A_371 = arith.constant 16 : index
      %get3A_372 = tpu.vector_load %arg10[%get3A_370, %get3A_371] {strides = array<i32>} : memref<80x128xf32, #tpu.memory_space<vmem>>, vector<16xf32>,
      %bitcast3A_373 = vector.bitcast %get3A_372 : vector<16xf32> to vector<32xbf16>
      %get3A_374 = arith.index_cast %add3A_357 : i32 to index
      %get3A_375 = arith.constant 16 : index
      %get3A_376 = tpu.vector_load %arg11[%get3A_374, %get3A_375] {strides = array<i32>} : memref<80x128xf32, #tpu.memory_space<vmem>>, vector<16xf32>,
      %bitcast3A_377 = vector.bitcast %get3A_376 : vector<16xf32> to vector<32xbf16>
      %mul3A_378 = arith.mulf %bitcast3A_373, %bitcast3A_377 : vector<32xbf16>
      %unpack3A_379 = tpu.unpack_subelements %mul3A_378, 0 {pack_format = #tpu.pack_format<interleaved>} : vector<32xbf16> -> vector<16xf32>
      %unpack3A_380 = tpu.unpack_subelements %mul3A_378, 1 {pack_format = #tpu.pack_format<interleaved>} : vector<32xbf16> -> vector<16xf32>
      %add3A_381 = arith.addf %unpack3A_379, %unpack3A_380 : vector<16xf32>
      %get3A_382 = arith.index_cast %add3A_357 : i32 to index
      %get3A_383 = arith.constant 32 : index
      %get3A_384 = tpu.vector_load %arg10[%get3A_382, %get3A_383] {strides = array<i32>} : memref<80x128xf32, #tpu.memory_space<vmem>>, vector<16xf32>,
      %bitcast3A_385 = vector.bitcast %get3A_384 : vector<16xf32> to vector<32xbf16>
      %get3A_386 = arith.index_cast %add3A_357 : i32 to index
      %get3A_387 = arith.constant 32 : index
      %get3A_388 = tpu.vector_load %arg11[%get3A_386, %get3A_387] {strides = array<i32>} : memref<80x128xf32, #tpu.memory_space<vmem>>, vector<16xf32>,
      %bitcast3A_389 = vector.bitcast %get3A_388 : vector<16xf32> to vector<32xbf16>
      %mul3A_390 = arith.mulf %bitcast3A_385, %bitcast3A_389 : vector<32xbf16>
      %unpack3A_391 = tpu.unpack_subelements %mul3A_390, 0 {pack_format = #tpu.pack_format<interleaved>} : vector<32xbf16> -> vector<16xf32>
      %unpack3A_392 = tpu.unpack_subelements %mul3A_390, 1 {pack_format = #tpu.pack_format<interleaved>} : vector<32xbf16> -> vector<16xf32>
      %add3A_393 = arith.addf %unpack3A_391, %unpack3A_392 : vector<16xf32>
      %get3A_394 = arith.index_cast %add3A_357 : i32 to index
      %get3A_395 = arith.constant 48 : index
      %get3A_396 = tpu.vector_load %arg10[%get3A_394, %get3A_395] {strides = array<i32>} : memref<80x128xf32, #tpu.memory_space<vmem>>, vector<16xf32>,
      %bitcast3A_397 = vector.bitcast %get3A_396 : vector<16xf32> to vector<32xbf16>
      %get3A_398 = arith.index_cast %add3A_357 : i32 to index
      %get3A_399 = arith.constant 48 : index
      %get3A_400 = tpu.vector_load %arg11[%get3A_398, %get3A_399] {strides = array<i32>} : memref<80x128xf32, #tpu.memory_space<vmem>>, vector<16xf32>,
      %bitcast3A_401 = vector.bitcast %get3A_400 : vector<16xf32> to vector<32xbf16>
      %mul3A_402 = arith.mulf %bitcast3A_397, %bitcast3A_401 : vector<32xbf16>
      %unpack3A_403 = tpu.unpack_subelements %mul3A_402, 0 {pack_format = #tpu.pack_format<interleaved>} : vector<32xbf16> -> vector<16xf32>
      %unpack3A_404 = tpu.unpack_subelements %mul3A_402, 1 {pack_format = #tpu.pack_format<interleaved>} : vector<32xbf16> -> vector<16xf32>
      %add3A_405 = arith.addf %unpack3A_403, %unpack3A_404 : vector<16xf32>
      %add3A_406 = arith.addf %add3A_369, %add3A_381 : vector<16xf32>
      %add3A_407 = arith.addf %add3A_393, %add3A_405 : vector<16xf32>
      %add3A_408 = arith.addf %add3A_406, %add3A_407 : vector<16xf32>
      %add3A_409 = arith.constant 7 : i32
      %add3A_410 = arith.addi %mul3A_40, %add3A_409 : i32
      %get3A_411 = arith.index_cast %add3A_410 : i32 to index
      %get3A_412 = arith.constant 0 : index
      %get3A_413 = tpu.vector_load %arg10[%get3A_411, %get3A_412] {strides = array<i32>} : memref<80x128xf32, #tpu.memory_space<vmem>>, vector<16xf32>,
      %bitcast3A_414 = vector.bitcast %get3A_413 : vector<16xf32> to vector<32xbf16>
      %get3A_415 = arith.index_cast %add3A_410 : i32 to index
      %get3A_416 = arith.constant 0 : index
      %get3A_417 = tpu.vector_load %arg11[%get3A_415, %get3A_416] {strides = array<i32>} : memref<80x128xf32, #tpu.memory_space<vmem>>, vector<16xf32>,
      %bitcast3A_418 = vector.bitcast %get3A_417 : vector<16xf32> to vector<32xbf16>
      %mul3A_419 = arith.mulf %bitcast3A_414, %bitcast3A_418 : vector<32xbf16>
      %unpack3A_420 = tpu.unpack_subelements %mul3A_419, 0 {pack_format = #tpu.pack_format<interleaved>} : vector<32xbf16> -> vector<16xf32>
      %unpack3A_421 = tpu.unpack_subelements %mul3A_419, 1 {pack_format = #tpu.pack_format<interleaved>} : vector<32xbf16> -> vector<16xf32>
      %add3A_422 = arith.addf %unpack3A_420, %unpack3A_421 : vector<16xf32>
      %get3A_423 = arith.index_cast %add3A_410 : i32 to index
      %get3A_424 = arith.constant 16 : index
      %get3A_425 = tpu.vector_load %arg10[%get3A_423, %get3A_424] {strides = array<i32>} : memref<80x128xf32, #tpu.memory_space<vmem>>, vector<16xf32>,
      %bitcast3A_426 = vector.bitcast %get3A_425 : vector<16xf32> to vector<32xbf16>
      %get3A_427 = arith.index_cast %add3A_410 : i32 to index
      %get3A_428 = arith.constant 16 : index
      %get3A_429 = tpu.vector_load %arg11[%get3A_427, %get3A_428] {strides = array<i32>} : memref<80x128xf32, #tpu.memory_space<vmem>>, vector<16xf32>,
      %bitcast3A_430 = vector.bitcast %get3A_429 : vector<16xf32> to vector<32xbf16>
      %mul3A_431 = arith.mulf %bitcast3A_426, %bitcast3A_430 : vector<32xbf16>
      %unpack3A_432 = tpu.unpack_subelements %mul3A_431, 0 {pack_format = #tpu.pack_format<interleaved>} : vector<32xbf16> -> vector<16xf32>
      %unpack3A_433 = tpu.unpack_subelements %mul3A_431, 1 {pack_format = #tpu.pack_format<interleaved>} : vector<32xbf16> -> vector<16xf32>
      %add3A_434 = arith.addf %unpack3A_432, %unpack3A_433 : vector<16xf32>
      %get3A_435 = arith.index_cast %add3A_410 : i32 to index
      %get3A_436 = arith.constant 32 : index
      %get3A_437 = tpu.vector_load %arg10[%get3A_435, %get3A_436] {strides = array<i32>} : memref<80x128xf32, #tpu.memory_space<vmem>>, vector<16xf32>,
      %bitcast3A_438 = vector.bitcast %get3A_437 : vector<16xf32> to vector<32xbf16>
      %get3A_439 = arith.index_cast %add3A_410 : i32 to index
      %get3A_440 = arith.constant 32 : index
      %get3A_441 = tpu.vector_load %arg11[%get3A_439, %get3A_440] {strides = array<i32>} : memref<80x128xf32, #tpu.memory_space<vmem>>, vector<16xf32>,
      %bitcast3A_442 = vector.bitcast %get3A_441 : vector<16xf32> to vector<32xbf16>
      %mul3A_443 = arith.mulf %bitcast3A_438, %bitcast3A_442 : vector<32xbf16>
      %unpack3A_444 = tpu.unpack_subelements %mul3A_443, 0 {pack_format = #tpu.pack_format<interleaved>} : vector<32xbf16> -> vector<16xf32>
      %unpack3A_445 = tpu.unpack_subelements %mul3A_443, 1 {pack_format = #tpu.pack_format<interleaved>} : vector<32xbf16> -> vector<16xf32>
      %add3A_446 = arith.addf %unpack3A_444, %unpack3A_445 : vector<16xf32>
      %get3A_447 = arith.index_cast %add3A_410 : i32 to index
      %get3A_448 = arith.constant 48 : index
      %get3A_449 = tpu.vector_load %arg10[%get3A_447, %get3A_448] {strides = array<i32>} : memref<80x128xf32, #tpu.memory_space<vmem>>, vector<16xf32>,
      %bitcast3A_450 = vector.bitcast %get3A_449 : vector<16xf32> to vector<32xbf16>
      %get3A_451 = arith.index_cast %add3A_410 : i32 to index
      %get3A_452 = arith.constant 48 : index
      %get3A_453 = tpu.vector_load %arg11[%get3A_451, %get3A_452] {strides = array<i32>} : memref<80x128xf32, #tpu.memory_space<vmem>>, vector<16xf32>,
      %bitcast3A_454 = vector.bitcast %get3A_453 : vector<16xf32> to vector<32xbf16>
      %mul3A_455 = arith.mulf %bitcast3A_450, %bitcast3A_454 : vector<32xbf16>
      %unpack3A_456 = tpu.unpack_subelements %mul3A_455, 0 {pack_format = #tpu.pack_format<interleaved>} : vector<32xbf16> -> vector<16xf32>
      %unpack3A_457 = tpu.unpack_subelements %mul3A_455, 1 {pack_format = #tpu.pack_format<interleaved>} : vector<32xbf16> -> vector<16xf32>
      %add3A_458 = arith.addf %unpack3A_456, %unpack3A_457 : vector<16xf32>
      %add3A_459 = arith.addf %add3A_422, %add3A_434 : vector<16xf32>
      %add3A_460 = arith.addf %add3A_446, %add3A_458 : vector<16xf32>
      %add3A_461 = arith.addf %add3A_459, %add3A_460 : vector<16xf32>
      %add3A_462 = arith.constant 8 : i32
      %add3A_463 = arith.addi %mul3A_40, %add3A_462 : i32
      %get3A_464 = arith.index_cast %add3A_463 : i32 to index
      %get3A_465 = arith.constant 0 : index
      %get3A_466 = tpu.vector_load %arg10[%get3A_464, %get3A_465] {strides = array<i32>} : memref<80x128xf32, #tpu.memory_space<vmem>>, vector<16xf32>,
      %bitcast3A_467 = vector.bitcast %get3A_466 : vector<16xf32> to vector<32xbf16>
      %get3A_468 = arith.index_cast %add3A_463 : i32 to index
      %get3A_469 = arith.constant 0 : index
      %get3A_470 = tpu.vector_load %arg11[%get3A_468, %get3A_469] {strides = array<i32>} : memref<80x128xf32, #tpu.memory_space<vmem>>, vector<16xf32>,
      %bitcast3A_471 = vector.bitcast %get3A_470 : vector<16xf32> to vector<32xbf16>
      %mul3A_472 = arith.mulf %bitcast3A_467, %bitcast3A_471 : vector<32xbf16>
      %unpack3A_473 = tpu.unpack_subelements %mul3A_472, 0 {pack_format = #tpu.pack_format<interleaved>} : vector<32xbf16> -> vector<16xf32>
      %unpack3A_474 = tpu.unpack_subelements %mul3A_472, 1 {pack_format = #tpu.pack_format<interleaved>} : vector<32xbf16> -> vector<16xf32>
      %add3A_475 = arith.addf %unpack3A_473, %unpack3A_474 : vector<16xf32>
      %get3A_476 = arith.index_cast %add3A_463 : i32 to index
      %get3A_477 = arith.constant 16 : index
      %get3A_478 = tpu.vector_load %arg10[%get3A_476, %get3A_477] {strides = array<i32>} : memref<80x128xf32, #tpu.memory_space<vmem>>, vector<16xf32>,
      %bitcast3A_479 = vector.bitcast %get3A_478 : vector<16xf32> to vector<32xbf16>
      %get3A_480 = arith.index_cast %add3A_463 : i32 to index
      %get3A_481 = arith.constant 16 : index
      %get3A_482 = tpu.vector_load %arg11[%get3A_480, %get3A_481] {strides = array<i32>} : memref<80x128xf32, #tpu.memory_space<vmem>>, vector<16xf32>,
      %bitcast3A_483 = vector.bitcast %get3A_482 : vector<16xf32> to vector<32xbf16>
      %mul3A_484 = arith.mulf %bitcast3A_479, %bitcast3A_483 : vector<32xbf16>
      %unpack3A_485 = tpu.unpack_subelements %mul3A_484, 0 {pack_format = #tpu.pack_format<interleaved>} : vector<32xbf16> -> vector<16xf32>
      %unpack3A_486 = tpu.unpack_subelements %mul3A_484, 1 {pack_format = #tpu.pack_format<interleaved>} : vector<32xbf16> -> vector<16xf32>
      %add3A_487 = arith.addf %unpack3A_485, %unpack3A_486 : vector<16xf32>
      %get3A_488 = arith.index_cast %add3A_463 : i32 to index
      %get3A_489 = arith.constant 32 : index
      %get3A_490 = tpu.vector_load %arg10[%get3A_488, %get3A_489] {strides = array<i32>} : memref<80x128xf32, #tpu.memory_space<vmem>>, vector<16xf32>,
      %bitcast3A_491 = vector.bitcast %get3A_490 : vector<16xf32> to vector<32xbf16>
      %get3A_492 = arith.index_cast %add3A_463 : i32 to index
      %get3A_493 = arith.constant 32 : index
      %get3A_494 = tpu.vector_load %arg11[%get3A_492, %get3A_493] {strides = array<i32>} : memref<80x128xf32, #tpu.memory_space<vmem>>, vector<16xf32>,
      %bitcast3A_495 = vector.bitcast %get3A_494 : vector<16xf32> to vector<32xbf16>
      %mul3A_496 = arith.mulf %bitcast3A_491, %bitcast3A_495 : vector<32xbf16>
      %unpack3A_497 = tpu.unpack_subelements %mul3A_496, 0 {pack_format = #tpu.pack_format<interleaved>} : vector<32xbf16> -> vector<16xf32>
      %unpack3A_498 = tpu.unpack_subelements %mul3A_496, 1 {pack_format = #tpu.pack_format<interleaved>} : vector<32xbf16> -> vector<16xf32>
      %add3A_499 = arith.addf %unpack3A_497, %unpack3A_498 : vector<16xf32>
      %get3A_500 = arith.index_cast %add3A_463 : i32 to index
      %get3A_501 = arith.constant 48 : index
      %get3A_502 = tpu.vector_load %arg10[%get3A_500, %get3A_501] {strides = array<i32>} : memref<80x128xf32, #tpu.memory_space<vmem>>, vector<16xf32>,
      %bitcast3A_503 = vector.bitcast %get3A_502 : vector<16xf32> to vector<32xbf16>
      %get3A_504 = arith.index_cast %add3A_463 : i32 to index
      %get3A_505 = arith.constant 48 : index
      %get3A_506 = tpu.vector_load %arg11[%get3A_504, %get3A_505] {strides = array<i32>} : memref<80x128xf32, #tpu.memory_space<vmem>>, vector<16xf32>,
      %bitcast3A_507 = vector.bitcast %get3A_506 : vector<16xf32> to vector<32xbf16>
      %mul3A_508 = arith.mulf %bitcast3A_503, %bitcast3A_507 : vector<32xbf16>
      %unpack3A_509 = tpu.unpack_subelements %mul3A_508, 0 {pack_format = #tpu.pack_format<interleaved>} : vector<32xbf16> -> vector<16xf32>
      %unpack3A_510 = tpu.unpack_subelements %mul3A_508, 1 {pack_format = #tpu.pack_format<interleaved>} : vector<32xbf16> -> vector<16xf32>
      %add3A_511 = arith.addf %unpack3A_509, %unpack3A_510 : vector<16xf32>
      %add3A_512 = arith.addf %add3A_475, %add3A_487 : vector<16xf32>
      %add3A_513 = arith.addf %add3A_499, %add3A_511 : vector<16xf32>
      %add3A_514 = arith.addf %add3A_512, %add3A_513 : vector<16xf32>
      %add3A_515 = arith.constant 9 : i32
      %add3A_516 = arith.addi %mul3A_40, %add3A_515 : i32
      %get3A_517 = arith.index_cast %add3A_516 : i32 to index
      %get3A_518 = arith.constant 0 : index
      %get3A_519 = tpu.vector_load %arg10[%get3A_517, %get3A_518] {strides = array<i32>} : memref<80x128xf32, #tpu.memory_space<vmem>>, vector<16xf32>,
      %bitcast3A_520 = vector.bitcast %get3A_519 : vector<16xf32> to vector<32xbf16>
      %get3A_521 = arith.index_cast %add3A_516 : i32 to index
      %get3A_522 = arith.constant 0 : index
      %get3A_523 = tpu.vector_load %arg11[%get3A_521, %get3A_522] {strides = array<i32>} : memref<80x128xf32, #tpu.memory_space<vmem>>, vector<16xf32>,
      %bitcast3A_524 = vector.bitcast %get3A_523 : vector<16xf32> to vector<32xbf16>
      %mul3A_525 = arith.mulf %bitcast3A_520, %bitcast3A_524 : vector<32xbf16>
      %unpack3A_526 = tpu.unpack_subelements %mul3A_525, 0 {pack_format = #tpu.pack_format<interleaved>} : vector<32xbf16> -> vector<16xf32>
      %unpack3A_527 = tpu.unpack_subelements %mul3A_525, 1 {pack_format = #tpu.pack_format<interleaved>} : vector<32xbf16> -> vector<16xf32>
      %add3A_528 = arith.addf %unpack3A_526, %unpack3A_527 : vector<16xf32>
      %get3A_529 = arith.index_cast %add3A_516 : i32 to index
      %get3A_530 = arith.constant 16 : index
      %get3A_531 = tpu.vector_load %arg10[%get3A_529, %get3A_530] {strides = array<i32>} : memref<80x128xf32, #tpu.memory_space<vmem>>, vector<16xf32>,
      %bitcast3A_532 = vector.bitcast %get3A_531 : vector<16xf32> to vector<32xbf16>
      %get3A_533 = arith.index_cast %add3A_516 : i32 to index
      %get3A_534 = arith.constant 16 : index
      %get3A_535 = tpu.vector_load %arg11[%get3A_533, %get3A_534] {strides = array<i32>} : memref<80x128xf32, #tpu.memory_space<vmem>>, vector<16xf32>,
      %bitcast3A_536 = vector.bitcast %get3A_535 : vector<16xf32> to vector<32xbf16>
      %mul3A_537 = arith.mulf %bitcast3A_532, %bitcast3A_536 : vector<32xbf16>
      %unpack3A_538 = tpu.unpack_subelements %mul3A_537, 0 {pack_format = #tpu.pack_format<interleaved>} : vector<32xbf16> -> vector<16xf32>
      %unpack3A_539 = tpu.unpack_subelements %mul3A_537, 1 {pack_format = #tpu.pack_format<interleaved>} : vector<32xbf16> -> vector<16xf32>
      %add3A_540 = arith.addf %unpack3A_538, %unpack3A_539 : vector<16xf32>
      %get3A_541 = arith.index_cast %add3A_516 : i32 to index
      %get3A_542 = arith.constant 32 : index
      %get3A_543 = tpu.vector_load %arg10[%get3A_541, %get3A_542] {strides = array<i32>} : memref<80x128xf32, #tpu.memory_space<vmem>>, vector<16xf32>,
      %bitcast3A_544 = vector.bitcast %get3A_543 : vector<16xf32> to vector<32xbf16>
      %get3A_545 = arith.index_cast %add3A_516 : i32 to index
      %get3A_546 = arith.constant 32 : index
      %get3A_547 = tpu.vector_load %arg11[%get3A_545, %get3A_546] {strides = array<i32>} : memref<80x128xf32, #tpu.memory_space<vmem>>, vector<16xf32>,
      %bitcast3A_548 = vector.bitcast %get3A_547 : vector<16xf32> to vector<32xbf16>
      %mul3A_549 = arith.mulf %bitcast3A_544, %bitcast3A_548 : vector<32xbf16>
      %unpack3A_550 = tpu.unpack_subelements %mul3A_549, 0 {pack_format = #tpu.pack_format<interleaved>} : vector<32xbf16> -> vector<16xf32>
      %unpack3A_551 = tpu.unpack_subelements %mul3A_549, 1 {pack_format = #tpu.pack_format<interleaved>} : vector<32xbf16> -> vector<16xf32>
      %add3A_552 = arith.addf %unpack3A_550, %unpack3A_551 : vector<16xf32>
      %get3A_553 = arith.index_cast %add3A_516 : i32 to index
      %get3A_554 = arith.constant 48 : index
      %get3A_555 = tpu.vector_load %arg10[%get3A_553, %get3A_554] {strides = array<i32>} : memref<80x128xf32, #tpu.memory_space<vmem>>, vector<16xf32>,
      %bitcast3A_556 = vector.bitcast %get3A_555 : vector<16xf32> to vector<32xbf16>
      %get3A_557 = arith.index_cast %add3A_516 : i32 to index
      %get3A_558 = arith.constant 48 : index
      %get3A_559 = tpu.vector_load %arg11[%get3A_557, %get3A_558] {strides = array<i32>} : memref<80x128xf32, #tpu.memory_space<vmem>>, vector<16xf32>,
      %bitcast3A_560 = vector.bitcast %get3A_559 : vector<16xf32> to vector<32xbf16>
      %mul3A_561 = arith.mulf %bitcast3A_556, %bitcast3A_560 : vector<32xbf16>
      %unpack3A_562 = tpu.unpack_subelements %mul3A_561, 0 {pack_format = #tpu.pack_format<interleaved>} : vector<32xbf16> -> vector<16xf32>
      %unpack3A_563 = tpu.unpack_subelements %mul3A_561, 1 {pack_format = #tpu.pack_format<interleaved>} : vector<32xbf16> -> vector<16xf32>
      %add3A_564 = arith.addf %unpack3A_562, %unpack3A_563 : vector<16xf32>
      %add3A_565 = arith.addf %add3A_528, %add3A_540 : vector<16xf32>
      %add3A_566 = arith.addf %add3A_552, %add3A_564 : vector<16xf32>
      %add3A_567 = arith.addf %add3A_565, %add3A_566 : vector<16xf32>
      %add3A_568 = arith.constant 10 : i32
      %add3A_569 = arith.addi %mul3A_40, %add3A_568 : i32
      %get3A_570 = arith.index_cast %add3A_569 : i32 to index
      %get3A_571 = arith.constant 0 : index
      %get3A_572 = tpu.vector_load %arg10[%get3A_570, %get3A_571] {strides = array<i32>} : memref<80x128xf32, #tpu.memory_space<vmem>>, vector<16xf32>,
      %bitcast3A_573 = vector.bitcast %get3A_572 : vector<16xf32> to vector<32xbf16>
      %get3A_574 = arith.index_cast %add3A_569 : i32 to index
      %get3A_575 = arith.constant 0 : index
      %get3A_576 = tpu.vector_load %arg11[%get3A_574, %get3A_575] {strides = array<i32>} : memref<80x128xf32, #tpu.memory_space<vmem>>, vector<16xf32>,
      %bitcast3A_577 = vector.bitcast %get3A_576 : vector<16xf32> to vector<32xbf16>
      %mul3A_578 = arith.mulf %bitcast3A_573, %bitcast3A_577 : vector<32xbf16>
      %unpack3A_579 = tpu.unpack_subelements %mul3A_578, 0 {pack_format = #tpu.pack_format<interleaved>} : vector<32xbf16> -> vector<16xf32>
      %unpack3A_580 = tpu.unpack_subelements %mul3A_578, 1 {pack_format = #tpu.pack_format<interleaved>} : vector<32xbf16> -> vector<16xf32>
      %add3A_581 = arith.addf %unpack3A_579, %unpack3A_580 : vector<16xf32>
      %get3A_582 = arith.index_cast %add3A_569 : i32 to index
      %get3A_583 = arith.constant 16 : index
      %get3A_584 = tpu.vector_load %arg10[%get3A_582, %get3A_583] {strides = array<i32>} : memref<80x128xf32, #tpu.memory_space<vmem>>, vector<16xf32>,
      %bitcast3A_585 = vector.bitcast %get3A_584 : vector<16xf32> to vector<32xbf16>
      %get3A_586 = arith.index_cast %add3A_569 : i32 to index
      %get3A_587 = arith.constant 16 : index
      %get3A_588 = tpu.vector_load %arg11[%get3A_586, %get3A_587] {strides = array<i32>} : memref<80x128xf32, #tpu.memory_space<vmem>>, vector<16xf32>,
      %bitcast3A_589 = vector.bitcast %get3A_588 : vector<16xf32> to vector<32xbf16>
      %mul3A_590 = arith.mulf %bitcast3A_585, %bitcast3A_589 : vector<32xbf16>
      %unpack3A_591 = tpu.unpack_subelements %mul3A_590, 0 {pack_format = #tpu.pack_format<interleaved>} : vector<32xbf16> -> vector<16xf32>
      %unpack3A_592 = tpu.unpack_subelements %mul3A_590, 1 {pack_format = #tpu.pack_format<interleaved>} : vector<32xbf16> -> vector<16xf32>
      %add3A_593 = arith.addf %unpack3A_591, %unpack3A_592 : vector<16xf32>
      %get3A_594 = arith.index_cast %add3A_569 : i32 to index
      %get3A_595 = arith.constant 32 : index
      %get3A_596 = tpu.vector_load %arg10[%get3A_594, %get3A_595] {strides = array<i32>} : memref<80x128xf32, #tpu.memory_space<vmem>>, vector<16xf32>,
      %bitcast3A_597 = vector.bitcast %get3A_596 : vector<16xf32> to vector<32xbf16>
      %get3A_598 = arith.index_cast %add3A_569 : i32 to index
      %get3A_599 = arith.constant 32 : index
      %get3A_600 = tpu.vector_load %arg11[%get3A_598, %get3A_599] {strides = array<i32>} : memref<80x128xf32, #tpu.memory_space<vmem>>, vector<16xf32>,
      %bitcast3A_601 = vector.bitcast %get3A_600 : vector<16xf32> to vector<32xbf16>
      %mul3A_602 = arith.mulf %bitcast3A_597, %bitcast3A_601 : vector<32xbf16>
      %unpack3A_603 = tpu.unpack_subelements %mul3A_602, 0 {pack_format = #tpu.pack_format<interleaved>} : vector<32xbf16> -> vector<16xf32>
      %unpack3A_604 = tpu.unpack_subelements %mul3A_602, 1 {pack_format = #tpu.pack_format<interleaved>} : vector<32xbf16> -> vector<16xf32>
      %add3A_605 = arith.addf %unpack3A_603, %unpack3A_604 : vector<16xf32>
      %get3A_606 = arith.index_cast %add3A_569 : i32 to index
      %get3A_607 = arith.constant 48 : index
      %get3A_608 = tpu.vector_load %arg10[%get3A_606, %get3A_607] {strides = array<i32>} : memref<80x128xf32, #tpu.memory_space<vmem>>, vector<16xf32>,
      %bitcast3A_609 = vector.bitcast %get3A_608 : vector<16xf32> to vector<32xbf16>
      %get3A_610 = arith.index_cast %add3A_569 : i32 to index
      %get3A_611 = arith.constant 48 : index
      %get3A_612 = tpu.vector_load %arg11[%get3A_610, %get3A_611] {strides = array<i32>} : memref<80x128xf32, #tpu.memory_space<vmem>>, vector<16xf32>,
      %bitcast3A_613 = vector.bitcast %get3A_612 : vector<16xf32> to vector<32xbf16>
      %mul3A_614 = arith.mulf %bitcast3A_609, %bitcast3A_613 : vector<32xbf16>
      %unpack3A_615 = tpu.unpack_subelements %mul3A_614, 0 {pack_format = #tpu.pack_format<interleaved>} : vector<32xbf16> -> vector<16xf32>
      %unpack3A_616 = tpu.unpack_subelements %mul3A_614, 1 {pack_format = #tpu.pack_format<interleaved>} : vector<32xbf16> -> vector<16xf32>
      %add3A_617 = arith.addf %unpack3A_615, %unpack3A_616 : vector<16xf32>
      %add3A_618 = arith.addf %add3A_581, %add3A_593 : vector<16xf32>
      %add3A_619 = arith.addf %add3A_605, %add3A_617 : vector<16xf32>
      %add3A_620 = arith.addf %add3A_618, %add3A_619 : vector<16xf32>
      %add3A_621 = arith.constant 11 : i32
      %add3A_622 = arith.addi %mul3A_40, %add3A_621 : i32
      %get3A_623 = arith.index_cast %add3A_622 : i32 to index
      %get3A_624 = arith.constant 0 : index
      %get3A_625 = tpu.vector_load %arg10[%get3A_623, %get3A_624] {strides = array<i32>} : memref<80x128xf32, #tpu.memory_space<vmem>>, vector<16xf32>,
      %bitcast3A_626 = vector.bitcast %get3A_625 : vector<16xf32> to vector<32xbf16>
      %get3A_627 = arith.index_cast %add3A_622 : i32 to index
      %get3A_628 = arith.constant 0 : index
      %get3A_629 = tpu.vector_load %arg11[%get3A_627, %get3A_628] {strides = array<i32>} : memref<80x128xf32, #tpu.memory_space<vmem>>, vector<16xf32>,
      %bitcast3A_630 = vector.bitcast %get3A_629 : vector<16xf32> to vector<32xbf16>
      %mul3A_631 = arith.mulf %bitcast3A_626, %bitcast3A_630 : vector<32xbf16>
      %unpack3A_632 = tpu.unpack_subelements %mul3A_631, 0 {pack_format = #tpu.pack_format<interleaved>} : vector<32xbf16> -> vector<16xf32>
      %unpack3A_633 = tpu.unpack_subelements %mul3A_631, 1 {pack_format = #tpu.pack_format<interleaved>} : vector<32xbf16> -> vector<16xf32>
      %add3A_634 = arith.addf %unpack3A_632, %unpack3A_633 : vector<16xf32>
      %get3A_635 = arith.index_cast %add3A_622 : i32 to index
      %get3A_636 = arith.constant 16 : index
      %get3A_637 = tpu.vector_load %arg10[%get3A_635, %get3A_636] {strides = array<i32>} : memref<80x128xf32, #tpu.memory_space<vmem>>, vector<16xf32>,
      %bitcast3A_638 = vector.bitcast %get3A_637 : vector<16xf32> to vector<32xbf16>
      %get3A_639 = arith.index_cast %add3A_622 : i32 to index
      %get3A_640 = arith.constant 16 : index
      %get3A_641 = tpu.vector_load %arg11[%get3A_639, %get3A_640] {strides = array<i32>} : memref<80x128xf32, #tpu.memory_space<vmem>>, vector<16xf32>,
      %bitcast3A_642 = vector.bitcast %get3A_641 : vector<16xf32> to vector<32xbf16>
      %mul3A_643 = arith.mulf %bitcast3A_638, %bitcast3A_642 : vector<32xbf16>
      %unpack3A_644 = tpu.unpack_subelements %mul3A_643, 0 {pack_format = #tpu.pack_format<interleaved>} : vector<32xbf16> -> vector<16xf32>
      %unpack3A_645 = tpu.unpack_subelements %mul3A_643, 1 {pack_format = #tpu.pack_format<interleaved>} : vector<32xbf16> -> vector<16xf32>
      %add3A_646 = arith.addf %unpack3A_644, %unpack3A_645 : vector<16xf32>
      %get3A_647 = arith.index_cast %add3A_622 : i32 to index
      %get3A_648 = arith.constant 32 : index
      %get3A_649 = tpu.vector_load %arg10[%get3A_647, %get3A_648] {strides = array<i32>} : memref<80x128xf32, #tpu.memory_space<vmem>>, vector<16xf32>,
      %bitcast3A_650 = vector.bitcast %get3A_649 : vector<16xf32> to vector<32xbf16>
      %get3A_651 = arith.index_cast %add3A_622 : i32 to index
      %get3A_652 = arith.constant 32 : index
      %get3A_653 = tpu.vector_load %arg11[%get3A_651, %get3A_652] {strides = array<i32>} : memref<80x128xf32, #tpu.memory_space<vmem>>, vector<16xf32>,
      %bitcast3A_654 = vector.bitcast %get3A_653 : vector<16xf32> to vector<32xbf16>
      %mul3A_655 = arith.mulf %bitcast3A_650, %bitcast3A_654 : vector<32xbf16>
      %unpack3A_656 = tpu.unpack_subelements %mul3A_655, 0 {pack_format = #tpu.pack_format<interleaved>} : vector<32xbf16> -> vector<16xf32>
      %unpack3A_657 = tpu.unpack_subelements %mul3A_655, 1 {pack_format = #tpu.pack_format<interleaved>} : vector<32xbf16> -> vector<16xf32>
      %add3A_658 = arith.addf %unpack3A_656, %unpack3A_657 : vector<16xf32>
      %get3A_659 = arith.index_cast %add3A_622 : i32 to index
      %get3A_660 = arith.constant 48 : index
      %get3A_661 = tpu.vector_load %arg10[%get3A_659, %get3A_660] {strides = array<i32>} : memref<80x128xf32, #tpu.memory_space<vmem>>, vector<16xf32>,
      %bitcast3A_662 = vector.bitcast %get3A_661 : vector<16xf32> to vector<32xbf16>
      %get3A_663 = arith.index_cast %add3A_622 : i32 to index
      %get3A_664 = arith.constant 48 : index
      %get3A_665 = tpu.vector_load %arg11[%get3A_663, %get3A_664] {strides = array<i32>} : memref<80x128xf32, #tpu.memory_space<vmem>>, vector<16xf32>,
      %bitcast3A_666 = vector.bitcast %get3A_665 : vector<16xf32> to vector<32xbf16>
      %mul3A_667 = arith.mulf %bitcast3A_662, %bitcast3A_666 : vector<32xbf16>
      %unpack3A_668 = tpu.unpack_subelements %mul3A_667, 0 {pack_format = #tpu.pack_format<interleaved>} : vector<32xbf16> -> vector<16xf32>
      %unpack3A_669 = tpu.unpack_subelements %mul3A_667, 1 {pack_format = #tpu.pack_format<interleaved>} : vector<32xbf16> -> vector<16xf32>
      %add3A_670 = arith.addf %unpack3A_668, %unpack3A_669 : vector<16xf32>
      %add3A_671 = arith.addf %add3A_634, %add3A_646 : vector<16xf32>
      %add3A_672 = arith.addf %add3A_658, %add3A_670 : vector<16xf32>
      %add3A_673 = arith.addf %add3A_671, %add3A_672 : vector<16xf32>
      %add3A_674 = arith.constant 12 : i32
      %add3A_675 = arith.addi %mul3A_40, %add3A_674 : i32
      %get3A_676 = arith.index_cast %add3A_675 : i32 to index
      %get3A_677 = arith.constant 0 : index
      %get3A_678 = tpu.vector_load %arg10[%get3A_676, %get3A_677] {strides = array<i32>} : memref<80x128xf32, #tpu.memory_space<vmem>>, vector<16xf32>,
      %bitcast3A_679 = vector.bitcast %get3A_678 : vector<16xf32> to vector<32xbf16>
      %get3A_680 = arith.index_cast %add3A_675 : i32 to index
      %get3A_681 = arith.constant 0 : index
      %get3A_682 = tpu.vector_load %arg11[%get3A_680, %get3A_681] {strides = array<i32>} : memref<80x128xf32, #tpu.memory_space<vmem>>, vector<16xf32>,
      %bitcast3A_683 = vector.bitcast %get3A_682 : vector<16xf32> to vector<32xbf16>
      %mul3A_684 = arith.mulf %bitcast3A_679, %bitcast3A_683 : vector<32xbf16>
      %unpack3A_685 = tpu.unpack_subelements %mul3A_684, 0 {pack_format = #tpu.pack_format<interleaved>} : vector<32xbf16> -> vector<16xf32>
      %unpack3A_686 = tpu.unpack_subelements %mul3A_684, 1 {pack_format = #tpu.pack_format<interleaved>} : vector<32xbf16> -> vector<16xf32>
      %add3A_687 = arith.addf %unpack3A_685, %unpack3A_686 : vector<16xf32>
      %get3A_688 = arith.index_cast %add3A_675 : i32 to index
      %get3A_689 = arith.constant 16 : index
      %get3A_690 = tpu.vector_load %arg10[%get3A_688, %get3A_689] {strides = array<i32>} : memref<80x128xf32, #tpu.memory_space<vmem>>, vector<16xf32>,
      %bitcast3A_691 = vector.bitcast %get3A_690 : vector<16xf32> to vector<32xbf16>
      %get3A_692 = arith.index_cast %add3A_675 : i32 to index
      %get3A_693 = arith.constant 16 : index
      %get3A_694 = tpu.vector_load %arg11[%get3A_692, %get3A_693] {strides = array<i32>} : memref<80x128xf32, #tpu.memory_space<vmem>>, vector<16xf32>,
      %bitcast3A_695 = vector.bitcast %get3A_694 : vector<16xf32> to vector<32xbf16>
      %mul3A_696 = arith.mulf %bitcast3A_691, %bitcast3A_695 : vector<32xbf16>
      %unpack3A_697 = tpu.unpack_subelements %mul3A_696, 0 {pack_format = #tpu.pack_format<interleaved>} : vector<32xbf16> -> vector<16xf32>
      %unpack3A_698 = tpu.unpack_subelements %mul3A_696, 1 {pack_format = #tpu.pack_format<interleaved>} : vector<32xbf16> -> vector<16xf32>
      %add3A_699 = arith.addf %unpack3A_697, %unpack3A_698 : vector<16xf32>
      %get3A_700 = arith.index_cast %add3A_675 : i32 to index
      %get3A_701 = arith.constant 32 : index
      %get3A_702 = tpu.vector_load %arg10[%get3A_700, %get3A_701] {strides = array<i32>} : memref<80x128xf32, #tpu.memory_space<vmem>>, vector<16xf32>,
      %bitcast3A_703 = vector.bitcast %get3A_702 : vector<16xf32> to vector<32xbf16>
      %get3A_704 = arith.index_cast %add3A_675 : i32 to index
      %get3A_705 = arith.constant 32 : index
      %get3A_706 = tpu.vector_load %arg11[%get3A_704, %get3A_705] {strides = array<i32>} : memref<80x128xf32, #tpu.memory_space<vmem>>, vector<16xf32>,
      %bitcast3A_707 = vector.bitcast %get3A_706 : vector<16xf32> to vector<32xbf16>
      %mul3A_708 = arith.mulf %bitcast3A_703, %bitcast3A_707 : vector<32xbf16>
      %unpack3A_709 = tpu.unpack_subelements %mul3A_708, 0 {pack_format = #tpu.pack_format<interleaved>} : vector<32xbf16> -> vector<16xf32>
      %unpack3A_710 = tpu.unpack_subelements %mul3A_708, 1 {pack_format = #tpu.pack_format<interleaved>} : vector<32xbf16> -> vector<16xf32>
      %add3A_711 = arith.addf %unpack3A_709, %unpack3A_710 : vector<16xf32>
      %get3A_712 = arith.index_cast %add3A_675 : i32 to index
      %get3A_713 = arith.constant 48 : index
      %get3A_714 = tpu.vector_load %arg10[%get3A_712, %get3A_713] {strides = array<i32>} : memref<80x128xf32, #tpu.memory_space<vmem>>, vector<16xf32>,
      %bitcast3A_715 = vector.bitcast %get3A_714 : vector<16xf32> to vector<32xbf16>
      %get3A_716 = arith.index_cast %add3A_675 : i32 to index
      %get3A_717 = arith.constant 48 : index
      %get3A_718 = tpu.vector_load %arg11[%get3A_716, %get3A_717] {strides = array<i32>} : memref<80x128xf32, #tpu.memory_space<vmem>>, vector<16xf32>,
      %bitcast3A_719 = vector.bitcast %get3A_718 : vector<16xf32> to vector<32xbf16>
      %mul3A_720 = arith.mulf %bitcast3A_715, %bitcast3A_719 : vector<32xbf16>
      %unpack3A_721 = tpu.unpack_subelements %mul3A_720, 0 {pack_format = #tpu.pack_format<interleaved>} : vector<32xbf16> -> vector<16xf32>
      %unpack3A_722 = tpu.unpack_subelements %mul3A_720, 1 {pack_format = #tpu.pack_format<interleaved>} : vector<32xbf16> -> vector<16xf32>
      %add3A_723 = arith.addf %unpack3A_721, %unpack3A_722 : vector<16xf32>
      %add3A_724 = arith.addf %add3A_687, %add3A_699 : vector<16xf32>
      %add3A_725 = arith.addf %add3A_711, %add3A_723 : vector<16xf32>
      %add3A_726 = arith.addf %add3A_724, %add3A_725 : vector<16xf32>
      %add3A_727 = arith.constant 13 : i32
      %add3A_728 = arith.addi %mul3A_40, %add3A_727 : i32
      %get3A_729 = arith.index_cast %add3A_728 : i32 to index
      %get3A_730 = arith.constant 0 : index
      %get3A_731 = tpu.vector_load %arg10[%get3A_729, %get3A_730] {strides = array<i32>} : memref<80x128xf32, #tpu.memory_space<vmem>>, vector<16xf32>,
      %bitcast3A_732 = vector.bitcast %get3A_731 : vector<16xf32> to vector<32xbf16>
      %get3A_733 = arith.index_cast %add3A_728 : i32 to index
      %get3A_734 = arith.constant 0 : index
      %get3A_735 = tpu.vector_load %arg11[%get3A_733, %get3A_734] {strides = array<i32>} : memref<80x128xf32, #tpu.memory_space<vmem>>, vector<16xf32>,
      %bitcast3A_736 = vector.bitcast %get3A_735 : vector<16xf32> to vector<32xbf16>
      %mul3A_737 = arith.mulf %bitcast3A_732, %bitcast3A_736 : vector<32xbf16>
      %unpack3A_738 = tpu.unpack_subelements %mul3A_737, 0 {pack_format = #tpu.pack_format<interleaved>} : vector<32xbf16> -> vector<16xf32>
      %unpack3A_739 = tpu.unpack_subelements %mul3A_737, 1 {pack_format = #tpu.pack_format<interleaved>} : vector<32xbf16> -> vector<16xf32>
      %add3A_740 = arith.addf %unpack3A_738, %unpack3A_739 : vector<16xf32>
      %get3A_741 = arith.index_cast %add3A_728 : i32 to index
      %get3A_742 = arith.constant 16 : index
      %get3A_743 = tpu.vector_load %arg10[%get3A_741, %get3A_742] {strides = array<i32>} : memref<80x128xf32, #tpu.memory_space<vmem>>, vector<16xf32>,
      %bitcast3A_744 = vector.bitcast %get3A_743 : vector<16xf32> to vector<32xbf16>
      %get3A_745 = arith.index_cast %add3A_728 : i32 to index
      %get3A_746 = arith.constant 16 : index
      %get3A_747 = tpu.vector_load %arg11[%get3A_745, %get3A_746] {strides = array<i32>} : memref<80x128xf32, #tpu.memory_space<vmem>>, vector<16xf32>,
      %bitcast3A_748 = vector.bitcast %get3A_747 : vector<16xf32> to vector<32xbf16>
      %mul3A_749 = arith.mulf %bitcast3A_744, %bitcast3A_748 : vector<32xbf16>
      %unpack3A_750 = tpu.unpack_subelements %mul3A_749, 0 {pack_format = #tpu.pack_format<interleaved>} : vector<32xbf16> -> vector<16xf32>
      %unpack3A_751 = tpu.unpack_subelements %mul3A_749, 1 {pack_format = #tpu.pack_format<interleaved>} : vector<32xbf16> -> vector<16xf32>
      %add3A_752 = arith.addf %unpack3A_750, %unpack3A_751 : vector<16xf32>
      %get3A_753 = arith.index_cast %add3A_728 : i32 to index
      %get3A_754 = arith.constant 32 : index
      %get3A_755 = tpu.vector_load %arg10[%get3A_753, %get3A_754] {strides = array<i32>} : memref<80x128xf32, #tpu.memory_space<vmem>>, vector<16xf32>,
      %bitcast3A_756 = vector.bitcast %get3A_755 : vector<16xf32> to vector<32xbf16>
      %get3A_757 = arith.index_cast %add3A_728 : i32 to index
      %get3A_758 = arith.constant 32 : index
      %get3A_759 = tpu.vector_load %arg11[%get3A_757, %get3A_758] {strides = array<i32>} : memref<80x128xf32, #tpu.memory_space<vmem>>, vector<16xf32>,
      %bitcast3A_760 = vector.bitcast %get3A_759 : vector<16xf32> to vector<32xbf16>
      %mul3A_761 = arith.mulf %bitcast3A_756, %bitcast3A_760 : vector<32xbf16>
      %unpack3A_762 = tpu.unpack_subelements %mul3A_761, 0 {pack_format = #tpu.pack_format<interleaved>} : vector<32xbf16> -> vector<16xf32>
      %unpack3A_763 = tpu.unpack_subelements %mul3A_761, 1 {pack_format = #tpu.pack_format<interleaved>} : vector<32xbf16> -> vector<16xf32>
      %add3A_764 = arith.addf %unpack3A_762, %unpack3A_763 : vector<16xf32>
      %get3A_765 = arith.index_cast %add3A_728 : i32 to index
      %get3A_766 = arith.constant 48 : index
      %get3A_767 = tpu.vector_load %arg10[%get3A_765, %get3A_766] {strides = array<i32>} : memref<80x128xf32, #tpu.memory_space<vmem>>, vector<16xf32>,
      %bitcast3A_768 = vector.bitcast %get3A_767 : vector<16xf32> to vector<32xbf16>
      %get3A_769 = arith.index_cast %add3A_728 : i32 to index
      %get3A_770 = arith.constant 48 : index
      %get3A_771 = tpu.vector_load %arg11[%get3A_769, %get3A_770] {strides = array<i32>} : memref<80x128xf32, #tpu.memory_space<vmem>>, vector<16xf32>,
      %bitcast3A_772 = vector.bitcast %get3A_771 : vector<16xf32> to vector<32xbf16>
      %mul3A_773 = arith.mulf %bitcast3A_768, %bitcast3A_772 : vector<32xbf16>
      %unpack3A_774 = tpu.unpack_subelements %mul3A_773, 0 {pack_format = #tpu.pack_format<interleaved>} : vector<32xbf16> -> vector<16xf32>
      %unpack3A_775 = tpu.unpack_subelements %mul3A_773, 1 {pack_format = #tpu.pack_format<interleaved>} : vector<32xbf16> -> vector<16xf32>
      %add3A_776 = arith.addf %unpack3A_774, %unpack3A_775 : vector<16xf32>
      %add3A_777 = arith.addf %add3A_740, %add3A_752 : vector<16xf32>
      %add3A_778 = arith.addf %add3A_764, %add3A_776 : vector<16xf32>
      %add3A_779 = arith.addf %add3A_777, %add3A_778 : vector<16xf32>
      %add3A_780 = arith.constant 14 : i32
      %add3A_781 = arith.addi %mul3A_40, %add3A_780 : i32
      %get3A_782 = arith.index_cast %add3A_781 : i32 to index
      %get3A_783 = arith.constant 0 : index
      %get3A_784 = tpu.vector_load %arg10[%get3A_782, %get3A_783] {strides = array<i32>} : memref<80x128xf32, #tpu.memory_space<vmem>>, vector<16xf32>,
      %bitcast3A_785 = vector.bitcast %get3A_784 : vector<16xf32> to vector<32xbf16>
      %get3A_786 = arith.index_cast %add3A_781 : i32 to index
      %get3A_787 = arith.constant 0 : index
      %get3A_788 = tpu.vector_load %arg11[%get3A_786, %get3A_787] {strides = array<i32>} : memref<80x128xf32, #tpu.memory_space<vmem>>, vector<16xf32>,
      %bitcast3A_789 = vector.bitcast %get3A_788 : vector<16xf32> to vector<32xbf16>
      %mul3A_790 = arith.mulf %bitcast3A_785, %bitcast3A_789 : vector<32xbf16>
      %unpack3A_791 = tpu.unpack_subelements %mul3A_790, 0 {pack_format = #tpu.pack_format<interleaved>} : vector<32xbf16> -> vector<16xf32>
      %unpack3A_792 = tpu.unpack_subelements %mul3A_790, 1 {pack_format = #tpu.pack_format<interleaved>} : vector<32xbf16> -> vector<16xf32>
      %add3A_793 = arith.addf %unpack3A_791, %unpack3A_792 : vector<16xf32>
      %get3A_794 = arith.index_cast %add3A_781 : i32 to index
      %get3A_795 = arith.constant 16 : index
      %get3A_796 = tpu.vector_load %arg10[%get3A_794, %get3A_795] {strides = array<i32>} : memref<80x128xf32, #tpu.memory_space<vmem>>, vector<16xf32>,
      %bitcast3A_797 = vector.bitcast %get3A_796 : vector<16xf32> to vector<32xbf16>
      %get3A_798 = arith.index_cast %add3A_781 : i32 to index
      %get3A_799 = arith.constant 16 : index
      %get3A_800 = tpu.vector_load %arg11[%get3A_798, %get3A_799] {strides = array<i32>} : memref<80x128xf32, #tpu.memory_space<vmem>>, vector<16xf32>,
      %bitcast3A_801 = vector.bitcast %get3A_800 : vector<16xf32> to vector<32xbf16>
      %mul3A_802 = arith.mulf %bitcast3A_797, %bitcast3A_801 : vector<32xbf16>
      %unpack3A_803 = tpu.unpack_subelements %mul3A_802, 0 {pack_format = #tpu.pack_format<interleaved>} : vector<32xbf16> -> vector<16xf32>
      %unpack3A_804 = tpu.unpack_subelements %mul3A_802, 1 {pack_format = #tpu.pack_format<interleaved>} : vector<32xbf16> -> vector<16xf32>
      %add3A_805 = arith.addf %unpack3A_803, %unpack3A_804 : vector<16xf32>
      %get3A_806 = arith.index_cast %add3A_781 : i32 to index
      %get3A_807 = arith.constant 32 : index
      %get3A_808 = tpu.vector_load %arg10[%get3A_806, %get3A_807] {strides = array<i32>} : memref<80x128xf32, #tpu.memory_space<vmem>>, vector<16xf32>,
      %bitcast3A_809 = vector.bitcast %get3A_808 : vector<16xf32> to vector<32xbf16>
      %get3A_810 = arith.index_cast %add3A_781 : i32 to index
      %get3A_811 = arith.constant 32 : index
      %get3A_812 = tpu.vector_load %arg11[%get3A_810, %get3A_811] {strides = array<i32>} : memref<80x128xf32, #tpu.memory_space<vmem>>, vector<16xf32>,
      %bitcast3A_813 = vector.bitcast %get3A_812 : vector<16xf32> to vector<32xbf16>
      %mul3A_814 = arith.mulf %bitcast3A_809, %bitcast3A_813 : vector<32xbf16>
      %unpack3A_815 = tpu.unpack_subelements %mul3A_814, 0 {pack_format = #tpu.pack_format<interleaved>} : vector<32xbf16> -> vector<16xf32>
      %unpack3A_816 = tpu.unpack_subelements %mul3A_814, 1 {pack_format = #tpu.pack_format<interleaved>} : vector<32xbf16> -> vector<16xf32>
      %add3A_817 = arith.addf %unpack3A_815, %unpack3A_816 : vector<16xf32>
      %get3A_818 = arith.index_cast %add3A_781 : i32 to index
      %get3A_819 = arith.constant 48 : index
      %get3A_820 = tpu.vector_load %arg10[%get3A_818, %get3A_819] {strides = array<i32>} : memref<80x128xf32, #tpu.memory_space<vmem>>, vector<16xf32>,
      %bitcast3A_821 = vector.bitcast %get3A_820 : vector<16xf32> to vector<32xbf16>
      %get3A_822 = arith.index_cast %add3A_781 : i32 to index
      %get3A_823 = arith.constant 48 : index
      %get3A_824 = tpu.vector_load %arg11[%get3A_822, %get3A_823] {strides = array<i32>} : memref<80x128xf32, #tpu.memory_space<vmem>>, vector<16xf32>,
      %bitcast3A_825 = vector.bitcast %get3A_824 : vector<16xf32> to vector<32xbf16>
      %mul3A_826 = arith.mulf %bitcast3A_821, %bitcast3A_825 : vector<32xbf16>
      %unpack3A_827 = tpu.unpack_subelements %mul3A_826, 0 {pack_format = #tpu.pack_format<interleaved>} : vector<32xbf16> -> vector<16xf32>
      %unpack3A_828 = tpu.unpack_subelements %mul3A_826, 1 {pack_format = #tpu.pack_format<interleaved>} : vector<32xbf16> -> vector<16xf32>
      %add3A_829 = arith.addf %unpack3A_827, %unpack3A_828 : vector<16xf32>
      %add3A_830 = arith.addf %add3A_793, %add3A_805 : vector<16xf32>
      %add3A_831 = arith.addf %add3A_817, %add3A_829 : vector<16xf32>
      %add3A_832 = arith.addf %add3A_830, %add3A_831 : vector<16xf32>
      %add3A_833 = arith.constant 15 : i32
      %add3A_834 = arith.addi %mul3A_40, %add3A_833 : i32
      %get3A_835 = arith.index_cast %add3A_834 : i32 to index
      %get3A_836 = arith.constant 0 : index
      %get3A_837 = tpu.vector_load %arg10[%get3A_835, %get3A_836] {strides = array<i32>} : memref<80x128xf32, #tpu.memory_space<vmem>>, vector<16xf32>,
      %bitcast3A_838 = vector.bitcast %get3A_837 : vector<16xf32> to vector<32xbf16>
      %get3A_839 = arith.index_cast %add3A_834 : i32 to index
      %get3A_840 = arith.constant 0 : index
      %get3A_841 = tpu.vector_load %arg11[%get3A_839, %get3A_840] {strides = array<i32>} : memref<80x128xf32, #tpu.memory_space<vmem>>, vector<16xf32>,
      %bitcast3A_842 = vector.bitcast %get3A_841 : vector<16xf32> to vector<32xbf16>
      %mul3A_843 = arith.mulf %bitcast3A_838, %bitcast3A_842 : vector<32xbf16>
      %unpack3A_844 = tpu.unpack_subelements %mul3A_843, 0 {pack_format = #tpu.pack_format<interleaved>} : vector<32xbf16> -> vector<16xf32>
      %unpack3A_845 = tpu.unpack_subelements %mul3A_843, 1 {pack_format = #tpu.pack_format<interleaved>} : vector<32xbf16> -> vector<16xf32>
      %add3A_846 = arith.addf %unpack3A_844, %unpack3A_845 : vector<16xf32>
      %get3A_847 = arith.index_cast %add3A_834 : i32 to index
      %get3A_848 = arith.constant 16 : index
      %get3A_849 = tpu.vector_load %arg10[%get3A_847, %get3A_848] {strides = array<i32>} : memref<80x128xf32, #tpu.memory_space<vmem>>, vector<16xf32>,
      %bitcast3A_850 = vector.bitcast %get3A_849 : vector<16xf32> to vector<32xbf16>
      %get3A_851 = arith.index_cast %add3A_834 : i32 to index
      %get3A_852 = arith.constant 16 : index
      %get3A_853 = tpu.vector_load %arg11[%get3A_851, %get3A_852] {strides = array<i32>} : memref<80x128xf32, #tpu.memory_space<vmem>>, vector<16xf32>,
      %bitcast3A_854 = vector.bitcast %get3A_853 : vector<16xf32> to vector<32xbf16>
      %mul3A_855 = arith.mulf %bitcast3A_850, %bitcast3A_854 : vector<32xbf16>
      %unpack3A_856 = tpu.unpack_subelements %mul3A_855, 0 {pack_format = #tpu.pack_format<interleaved>} : vector<32xbf16> -> vector<16xf32>
      %unpack3A_857 = tpu.unpack_subelements %mul3A_855, 1 {pack_format = #tpu.pack_format<interleaved>} : vector<32xbf16> -> vector<16xf32>
      %add3A_858 = arith.addf %unpack3A_856, %unpack3A_857 : vector<16xf32>
      %get3A_859 = arith.index_cast %add3A_834 : i32 to index
      %get3A_860 = arith.constant 32 : index
      %get3A_861 = tpu.vector_load %arg10[%get3A_859, %get3A_860] {strides = array<i32>} : memref<80x128xf32, #tpu.memory_space<vmem>>, vector<16xf32>,
      %bitcast3A_862 = vector.bitcast %get3A_861 : vector<16xf32> to vector<32xbf16>
      %get3A_863 = arith.index_cast %add3A_834 : i32 to index
      %get3A_864 = arith.constant 32 : index
      %get3A_865 = tpu.vector_load %arg11[%get3A_863, %get3A_864] {strides = array<i32>} : memref<80x128xf32, #tpu.memory_space<vmem>>, vector<16xf32>,
      %bitcast3A_866 = vector.bitcast %get3A_865 : vector<16xf32> to vector<32xbf16>
      %mul3A_867 = arith.mulf %bitcast3A_862, %bitcast3A_866 : vector<32xbf16>
      %unpack3A_868 = tpu.unpack_subelements %mul3A_867, 0 {pack_format = #tpu.pack_format<interleaved>} : vector<32xbf16> -> vector<16xf32>
      %unpack3A_869 = tpu.unpack_subelements %mul3A_867, 1 {pack_format = #tpu.pack_format<interleaved>} : vector<32xbf16> -> vector<16xf32>
      %add3A_870 = arith.addf %unpack3A_868, %unpack3A_869 : vector<16xf32>
      %get3A_871 = arith.index_cast %add3A_834 : i32 to index
      %get3A_872 = arith.constant 48 : index
      %get3A_873 = tpu.vector_load %arg10[%get3A_871, %get3A_872] {strides = array<i32>} : memref<80x128xf32, #tpu.memory_space<vmem>>, vector<16xf32>,
      %bitcast3A_874 = vector.bitcast %get3A_873 : vector<16xf32> to vector<32xbf16>
      %get3A_875 = arith.index_cast %add3A_834 : i32 to index
      %get3A_876 = arith.constant 48 : index
      %get3A_877 = tpu.vector_load %arg11[%get3A_875, %get3A_876] {strides = array<i32>} : memref<80x128xf32, #tpu.memory_space<vmem>>, vector<16xf32>,
      %bitcast3A_878 = vector.bitcast %get3A_877 : vector<16xf32> to vector<32xbf16>
      %mul3A_879 = arith.mulf %bitcast3A_874, %bitcast3A_878 : vector<32xbf16>
      %unpack3A_880 = tpu.unpack_subelements %mul3A_879, 0 {pack_format = #tpu.pack_format<interleaved>} : vector<32xbf16> -> vector<16xf32>
      %unpack3A_881 = tpu.unpack_subelements %mul3A_879, 1 {pack_format = #tpu.pack_format<interleaved>} : vector<32xbf16> -> vector<16xf32>
      %add3A_882 = arith.addf %unpack3A_880, %unpack3A_881 : vector<16xf32>
      %add3A_883 = arith.addf %add3A_846, %add3A_858 : vector<16xf32>
      %add3A_884 = arith.addf %add3A_870, %add3A_882 : vector<16xf32>
      %add3A_885 = arith.addf %add3A_883, %add3A_884 : vector<16xf32>
      %swap3A = arith.constant 0 : index
      %swap3A_886 = tpu.vector_load %arg14[%swap3A] {strides = array<i32>} : memref<256xf32, #tpu.memory_space<vmem>>, vector<16xf32>,
      tpu.vector_store %arg14[%swap3A], %add3A_90 {strides = array<i32>} : memref<256xf32, #tpu.memory_space<vmem>>, vector<16xf32>,
      %swap3A_887 = arith.constant 16 : index
      %swap3A_888 = tpu.vector_load %arg14[%swap3A_887] {strides = array<i32>} : memref<256xf32, #tpu.memory_space<vmem>>, vector<16xf32>,
      tpu.vector_store %arg14[%swap3A_887], %add3A_143 {strides = array<i32>} : memref<256xf32, #tpu.memory_space<vmem>>, vector<16xf32>,
      %swap3A_889 = arith.constant 32 : index
      %swap3A_890 = tpu.vector_load %arg14[%swap3A_889] {strides = array<i32>} : memref<256xf32, #tpu.memory_space<vmem>>, vector<16xf32>,
      tpu.vector_store %arg14[%swap3A_889], %add3A_196 {strides = array<i32>} : memref<256xf32, #tpu.memory_space<vmem>>, vector<16xf32>,
      %swap3A_891 = arith.constant 48 : index
      %swap3A_892 = tpu.vector_load %arg14[%swap3A_891] {strides = array<i32>} : memref<256xf32, #tpu.memory_space<vmem>>, vector<16xf32>,
      tpu.vector_store %arg14[%swap3A_891], %add3A_249 {strides = array<i32>} : memref<256xf32, #tpu.memory_space<vmem>>, vector<16xf32>,
      %swap3A_893 = arith.constant 64 : index
      %swap3A_894 = tpu.vector_load %arg14[%swap3A_893] {strides = array<i32>} : memref<256xf32, #tpu.memory_space<vmem>>, vector<16xf32>,
      tpu.vector_store %arg14[%swap3A_893], %add3A_302 {strides = array<i32>} : memref<256xf32, #tpu.memory_space<vmem>>, vector<16xf32>,
      %swap3A_895 = arith.constant 80 : index
      %swap3A_896 = tpu.vector_load %arg14[%swap3A_895] {strides = array<i32>} : memref<256xf32, #tpu.memory_space<vmem>>, vector<16xf32>,
      tpu.vector_store %arg14[%swap3A_895], %add3A_355 {strides = array<i32>} : memref<256xf32, #tpu.memory_space<vmem>>, vector<16xf32>,
      %swap3A_897 = arith.constant 96 : index
      %swap3A_898 = tpu.vector_load %arg14[%swap3A_897] {strides = array<i32>} : memref<256xf32, #tpu.memory_space<vmem>>, vector<16xf32>,
      tpu.vector_store %arg14[%swap3A_897], %add3A_408 {strides = array<i32>} : memref<256xf32, #tpu.memory_space<vmem>>, vector<16xf32>,
      %swap3A_899 = arith.constant 112 : index
      %swap3A_900 = tpu.vector_load %arg14[%swap3A_899] {strides = array<i32>} : memref<256xf32, #tpu.memory_space<vmem>>, vector<16xf32>,
      tpu.vector_store %arg14[%swap3A_899], %add3A_461 {strides = array<i32>} : memref<256xf32, #tpu.memory_space<vmem>>, vector<16xf32>,
      %swap3A_901 = arith.constant 128 : index
      %swap3A_902 = tpu.vector_load %arg14[%swap3A_901] {strides = array<i32>} : memref<256xf32, #tpu.memory_space<vmem>>, vector<16xf32>,
      tpu.vector_store %arg14[%swap3A_901], %add3A_514 {strides = array<i32>} : memref<256xf32, #tpu.memory_space<vmem>>, vector<16xf32>,
      %swap3A_903 = arith.constant 144 : index
      %swap3A_904 = tpu.vector_load %arg14[%swap3A_903] {strides = array<i32>} : memref<256xf32, #tpu.memory_space<vmem>>, vector<16xf32>,
      tpu.vector_store %arg14[%swap3A_903], %add3A_567 {strides = array<i32>} : memref<256xf32, #tpu.memory_space<vmem>>, vector<16xf32>,
      %swap3A_905 = arith.constant 160 : index
      %swap3A_906 = tpu.vector_load %arg14[%swap3A_905] {strides = array<i32>} : memref<256xf32, #tpu.memory_space<vmem>>, vector<16xf32>,
      tpu.vector_store %arg14[%swap3A_905], %add3A_620 {strides = array<i32>} : memref<256xf32, #tpu.memory_space<vmem>>, vector<16xf32>,
      %swap3A_907 = arith.constant 176 : index
      %swap3A_908 = tpu.vector_load %arg14[%swap3A_907] {strides = array<i32>} : memref<256xf32, #tpu.memory_space<vmem>>, vector<16xf32>,
      tpu.vector_store %arg14[%swap3A_907], %add3A_673 {strides = array<i32>} : memref<256xf32, #tpu.memory_space<vmem>>, vector<16xf32>,
      %swap3A_909 = arith.constant 192 : index
      %swap3A_910 = tpu.vector_load %arg14[%swap3A_909] {strides = array<i32>} : memref<256xf32, #tpu.memory_space<vmem>>, vector<16xf32>,
      tpu.vector_store %arg14[%swap3A_909], %add3A_726 {strides = array<i32>} : memref<256xf32, #tpu.memory_space<vmem>>, vector<16xf32>,
      %swap3A_911 = arith.constant 208 : index
      %swap3A_912 = tpu.vector_load %arg14[%swap3A_911] {strides = array<i32>} : memref<256xf32, #tpu.memory_space<vmem>>, vector<16xf32>,
      tpu.vector_store %arg14[%swap3A_911], %add3A_779 {strides = array<i32>} : memref<256xf32, #tpu.memory_space<vmem>>, vector<16xf32>,
      %swap3A_913 = arith.constant 224 : index
      %swap3A_914 = tpu.vector_load %arg14[%swap3A_913] {strides = array<i32>} : memref<256xf32, #tpu.memory_space<vmem>>, vector<16xf32>,
      tpu.vector_store %arg14[%swap3A_913], %add3A_832 {strides = array<i32>} : memref<256xf32, #tpu.memory_space<vmem>>, vector<16xf32>,
      %swap3A_915 = arith.constant 240 : index
      %swap3A_916 = tpu.vector_load %arg14[%swap3A_915] {strides = array<i32>} : memref<256xf32, #tpu.memory_space<vmem>>, vector<16xf32>,
      tpu.vector_store %arg14[%swap3A_915], %add3A_885 {strides = array<i32>} : memref<256xf32, #tpu.memory_space<vmem>>, vector<16xf32>,
      %add3A_917 = arith.constant 0 : i32
      %add3A_918 = vector.broadcast %add3A_917 : i32 to vector<16xi32>
      %add3A_919 = arith.addi %mul3A_5, %add3A_918 : vector<16xi32>
      %gather3A = tpu.vector_load_idx %arg14[%add3A_919] : memref<256xf32, #tpu.memory_space<vmem>>[vector<16xi32>], vector<16xf32>,
      %add3A_920 = arith.constant 1 : i32
      %add3A_921 = vector.broadcast %add3A_920 : i32 to vector<16xi32>
      %add3A_922 = arith.addi %mul3A_5, %add3A_921 : vector<16xi32>
      %gather3A_923 = tpu.vector_load_idx %arg14[%add3A_922] : memref<256xf32, #tpu.memory_space<vmem>>[vector<16xi32>], vector<16xf32>,
      %add3A_924 = arith.constant 2 : i32
      %add3A_925 = vector.broadcast %add3A_924 : i32 to vector<16xi32>
      %add3A_926 = arith.addi %mul3A_5, %add3A_925 : vector<16xi32>
      %gather3A_927 = tpu.vector_load_idx %arg14[%add3A_926] : memref<256xf32, #tpu.memory_space<vmem>>[vector<16xi32>], vector<16xf32>,
      %add3A_928 = arith.constant 3 : i32
      %add3A_929 = vector.broadcast %add3A_928 : i32 to vector<16xi32>
      %add3A_930 = arith.addi %mul3A_5, %add3A_929 : vector<16xi32>
      %gather3A_931 = tpu.vector_load_idx %arg14[%add3A_930] : memref<256xf32, #tpu.memory_space<vmem>>[vector<16xi32>], vector<16xf32>,
      %add3A_932 = arith.constant 4 : i32
      %add3A_933 = vector.broadcast %add3A_932 : i32 to vector<16xi32>
      %add3A_934 = arith.addi %mul3A_5, %add3A_933 : vector<16xi32>
      %gather3A_935 = tpu.vector_load_idx %arg14[%add3A_934] : memref<256xf32, #tpu.memory_space<vmem>>[vector<16xi32>], vector<16xf32>,
      %add3A_936 = arith.constant 5 : i32
      %add3A_937 = vector.broadcast %add3A_936 : i32 to vector<16xi32>
      %add3A_938 = arith.addi %mul3A_5, %add3A_937 : vector<16xi32>
      %gather3A_939 = tpu.vector_load_idx %arg14[%add3A_938] : memref<256xf32, #tpu.memory_space<vmem>>[vector<16xi32>], vector<16xf32>,
      %add3A_940 = arith.constant 6 : i32
      %add3A_941 = vector.broadcast %add3A_940 : i32 to vector<16xi32>
      %add3A_942 = arith.addi %mul3A_5, %add3A_941 : vector<16xi32>
      %gather3A_943 = tpu.vector_load_idx %arg14[%add3A_942] : memref<256xf32, #tpu.memory_space<vmem>>[vector<16xi32>], vector<16xf32>,
      %add3A_944 = arith.constant 7 : i32
      %add3A_945 = vector.broadcast %add3A_944 : i32 to vector<16xi32>
      %add3A_946 = arith.addi %mul3A_5, %add3A_945 : vector<16xi32>
      %gather3A_947 = tpu.vector_load_idx %arg14[%add3A_946] : memref<256xf32, #tpu.memory_space<vmem>>[vector<16xi32>], vector<16xf32>,
      %add3A_948 = arith.constant 8 : i32
      %add3A_949 = vector.broadcast %add3A_948 : i32 to vector<16xi32>
      %add3A_950 = arith.addi %mul3A_5, %add3A_949 : vector<16xi32>
      %gather3A_951 = tpu.vector_load_idx %arg14[%add3A_950] : memref<256xf32, #tpu.memory_space<vmem>>[vector<16xi32>], vector<16xf32>,
      %add3A_952 = arith.constant 9 : i32
      %add3A_953 = vector.broadcast %add3A_952 : i32 to vector<16xi32>
      %add3A_954 = arith.addi %mul3A_5, %add3A_953 : vector<16xi32>
      %gather3A_955 = tpu.vector_load_idx %arg14[%add3A_954] : memref<256xf32, #tpu.memory_space<vmem>>[vector<16xi32>], vector<16xf32>,
      %add3A_956 = arith.constant 10 : i32
      %add3A_957 = vector.broadcast %add3A_956 : i32 to vector<16xi32>
      %add3A_958 = arith.addi %mul3A_5, %add3A_957 : vector<16xi32>
      %gather3A_959 = tpu.vector_load_idx %arg14[%add3A_958] : memref<256xf32, #tpu.memory_space<vmem>>[vector<16xi32>], vector<16xf32>,
      %add3A_960 = arith.constant 11 : i32
      %add3A_961 = vector.broadcast %add3A_960 : i32 to vector<16xi32>
      %add3A_962 = arith.addi %mul3A_5, %add3A_961 : vector<16xi32>
      %gather3A_963 = tpu.vector_load_idx %arg14[%add3A_962] : memref<256xf32, #tpu.memory_space<vmem>>[vector<16xi32>], vector<16xf32>,
      %add3A_964 = arith.constant 12 : i32
      %add3A_965 = vector.broadcast %add3A_964 : i32 to vector<16xi32>
      %add3A_966 = arith.addi %mul3A_5, %add3A_965 : vector<16xi32>
      %gather3A_967 = tpu.vector_load_idx %arg14[%add3A_966] : memref<256xf32, #tpu.memory_space<vmem>>[vector<16xi32>], vector<16xf32>,
      %add3A_968 = arith.constant 13 : i32
      %add3A_969 = vector.broadcast %add3A_968 : i32 to vector<16xi32>
      %add3A_970 = arith.addi %mul3A_5, %add3A_969 : vector<16xi32>
      %gather3A_971 = tpu.vector_load_idx %arg14[%add3A_970] : memref<256xf32, #tpu.memory_space<vmem>>[vector<16xi32>], vector<16xf32>,
      %add3A_972 = arith.constant 14 : i32
      %add3A_973 = vector.broadcast %add3A_972 : i32 to vector<16xi32>
      %add3A_974 = arith.addi %mul3A_5, %add3A_973 : vector<16xi32>
      %gather3A_975 = tpu.vector_load_idx %arg14[%add3A_974] : memref<256xf32, #tpu.memory_space<vmem>>[vector<16xi32>], vector<16xf32>,
      %add3A_976 = arith.constant 15 : i32
      %add3A_977 = vector.broadcast %add3A_976 : i32 to vector<16xi32>
      %add3A_978 = arith.addi %mul3A_5, %add3A_977 : vector<16xi32>
      %gather3A_979 = tpu.vector_load_idx %arg14[%add3A_978] : memref<256xf32, #tpu.memory_space<vmem>>[vector<16xi32>], vector<16xf32>,
      %add3A_980 = arith.addf %gather3A, %gather3A_923 : vector<16xf32>
      %add3A_981 = arith.addf %gather3A_927, %gather3A_931 : vector<16xf32>
      %add3A_982 = arith.addf %gather3A_935, %gather3A_939 : vector<16xf32>
      %add3A_983 = arith.addf %gather3A_943, %gather3A_947 : vector<16xf32>
      %add3A_984 = arith.addf %gather3A_951, %gather3A_955 : vector<16xf32>
      %add3A_985 = arith.addf %gather3A_959, %gather3A_963 : vector<16xf32>
      %add3A_986 = arith.addf %gather3A_967, %gather3A_971 : vector<16xf32>
      %add3A_987 = arith.addf %gather3A_975, %gather3A_979 : vector<16xf32>
      %add3A_988 = arith.addf %add3A_980, %add3A_981 : vector<16xf32>
      %add3A_989 = arith.addf %add3A_982, %add3A_983 : vector<16xf32>
      %add3A_990 = arith.addf %add3A_984, %add3A_985 : vector<16xf32>
      %add3A_991 = arith.addf %add3A_986, %add3A_987 : vector<16xf32>
      %add3A_992 = arith.addf %add3A_988, %add3A_989 : vector<16xf32>
      %add3A_993 = arith.addf %add3A_990, %add3A_991 : vector<16xf32>
      %add3A_994 = arith.addf %add3A_992, %add3A_993 : vector<16xf32>
      %add3A_995 = arith.constant 9920 : i32
      %add3A_996 = arith.addi %add3A_995, %mul3A_40 : i32
      %swap3A_997 = arith.index_cast %add3A_996 : i32 to index
      %swap3A_998 = tpu.vector_load %arg9[%swap3A_997] {strides = array<i32>} : memref<10000xf32, #tpu.memory_space<vmem>>, vector<16xf32>,
      tpu.vector_store %arg9[%swap3A_997], %add3A_994 {strides = array<i32>} : memref<10000xf32, #tpu.memory_space<vmem>>, vector<16xf32>,
      %scan3A_999 = arith.constant 0 : i32
      scf.yield %scan3A_999 : i32
    }
    %scan3A_36 = arith.constant 5 : i32
    "tpu.region"() ({
      %run_scoped3A = tpu.sem_alloc : memref<!tpu.dma_semaphore, #tpu.memory_space<semaphore_mem>>
      %dma_start3A_37 = tpu.memref_slice %arg6[%mul3A_2] : memref<320000xf32, #tpu.memory_space<hbm>> -> memref<10000xf32, #tpu.memory_space<hbm>>
      %dma_start3A_38 = tpu.memref_slice %arg6[%mul3A_2] : memref<320000xf32, #tpu.memory_space<hbm>> -> memref<10000xf32, #tpu.memory_space<hbm>>
      tpu.enqueue_dma source(%arg9 : memref<10000xf32, #tpu.memory_space<vmem>>) target(%dma_start3A_38 : memref<10000xf32, #tpu.memory_space<hbm>>) target_semaphore(%run_scoped3A : memref<!tpu.dma_semaphore, #tpu.memory_space<semaphore_mem>>)
      %dma_wait3A_39 = tpu.memref_slice %arg6[%mul3A_2] : memref<320000xf32, #tpu.memory_space<hbm>> -> memref<10000xf32, #tpu.memory_space<hbm>>
      %dma_wait3A_40 = tpu.memref_slice %arg6[%mul3A_2] : memref<320000xf32, #tpu.memory_space<hbm>> -> memref<10000xf32, #tpu.memory_space<hbm>>
      tpu.wait_dma2 semaphore(%run_scoped3A : memref<!tpu.dma_semaphore, #tpu.memory_space<semaphore_mem>>) src(%arg9 : memref<10000xf32, #tpu.memory_space<vmem>>) dst(%dma_wait3A_40 : memref<10000xf32, #tpu.memory_space<hbm>>)
      tpu.yield
    }) : () -> ()
    return
  }
}

module attributes {stable_mosaic.version = 14 : i64} {
  func.func @_prescale_body(%arg0: i32, %arg1: memref<2000x64xf32, #tpu.memory_space<vmem>>, %arg2: memref<2000x64xf32, #tpu.memory_space<vmem>>, %arg3: memref<2000x64xf32, #tpu.memory_space<vmem>>, %arg4: memref<2000x64xf32, #tpu.memory_space<vmem>>, %arg5: memref<1x64xf32, #tpu.memory_space<vmem>>, %arg6: memref<1x64xf32, #tpu.memory_space<vmem>>, %arg7: memref<2000x128xf32, #tpu.memory_space<vmem>>, %arg8: memref<2000x128xf32, #tpu.memory_space<vmem>>) attributes {dimension_semantics = [#tpu.dimension_semantics<arbitrary>], iteration_bounds = array<i64: 5>, scalar_prefetch = 0 : i64, scratch_operands = 0 : i64, tpu.core_type = #tpu.core_type<tc>, window_params = [{transform_indices = @transform_0, window_bounds = array<i64: 2000, 64>}, {transform_indices = @transform_1, window_bounds = array<i64: 2000, 64>}, {transform_indices = @transform_2, window_bounds = array<i64: 2000, 64>}, {transform_indices = @transform_3, window_bounds = array<i64: 2000, 64>}, {pipeline_mode = #tpu.pipeline_mode<synchronous>, transform_indices = @transform_4, window_bounds = array<i64: 1, 64>}, {pipeline_mode = #tpu.pipeline_mode<synchronous>, transform_indices = @transform_5, window_bounds = array<i64: 1, 64>}, {transform_indices = @transform_6, window_bounds = array<i64: 2000, 128>}, {transform_indices = @transform_7, window_bounds = array<i64: 2000, 128>}]} {
    %get3A = arith.constant 0 : index
    %get3A_0 = arith.constant 0 : index
    %get3A_1 = vector.load %arg1[%get3A, %get3A_0] : memref<2000x64xf32, #tpu.memory_space<vmem>>, vector<2000x64xf32>
    %get3A_2 = arith.constant 0 : index
    %get3A_3 = arith.constant 0 : index
    %get3A_4 = vector.load %arg5[%get3A_2, %get3A_3] : memref<1x64xf32, #tpu.memory_space<vmem>>, vector<1x64xf32>
    %mul3A = vector.broadcast %get3A_4 : vector<1x64xf32> to vector<2000x64xf32>
    %mul3A_5 = arith.mulf %get3A_1, %mul3A : vector<2000x64xf32>
    %get3A_6 = arith.constant 0 : index
    %get3A_7 = arith.constant 0 : index
    %get3A_8 = vector.load %arg2[%get3A_6, %get3A_7] : memref<2000x64xf32, #tpu.memory_space<vmem>>, vector<2000x64xf32>
    %get3A_9 = arith.constant 0 : index
    %get3A_10 = arith.constant 0 : index
    %get3A_11 = vector.load %arg6[%get3A_9, %get3A_10] : memref<1x64xf32, #tpu.memory_space<vmem>>, vector<1x64xf32>
    %mul3A_12 = vector.broadcast %get3A_11 : vector<1x64xf32> to vector<2000x64xf32>
    %mul3A_13 = arith.mulf %get3A_8, %mul3A_12 : vector<2000x64xf32>
    %convert_element_type3A = arith.truncf %mul3A_5 : vector<2000x64xf32> to vector<2000x64xbf16>
    %bitcast_convert_type3A = tpu.bitcast %convert_element_type3A : vector<2000x64xbf16> -> vector<2000x64xi16>
    %convert_element_type3A_14 = arith.extui %bitcast_convert_type3A : vector<2000x64xi16> to vector<2000x64xi32>
    %convert_element_type3A_15 = arith.truncf %mul3A_13 : vector<2000x64xf32> to vector<2000x64xbf16>
    %bitcast_convert_type3A_16 = tpu.bitcast %convert_element_type3A_15 : vector<2000x64xbf16> -> vector<2000x64xi16>
    %convert_element_type3A_17 = arith.extui %bitcast_convert_type3A_16 : vector<2000x64xi16> to vector<2000x64xi32>
    %shift_left3A = arith.constant 16 : i32
    %shift_left3A_18 = vector.broadcast %shift_left3A : i32 to vector<2000x64xi32>
    %shift_left3A_19 = arith.shli %convert_element_type3A_17, %shift_left3A_18 : vector<2000x64xi32>
    %or3A = arith.ori %shift_left3A_19, %convert_element_type3A_14 : vector<2000x64xi32>
    %bitcast_convert_type3A_20 = tpu.bitcast %or3A : vector<2000x64xi32> -> vector<2000x64xf32>
    %concatenate3A = tpu.concatenate %bitcast_convert_type3A_20, %bitcast_convert_type3A_20 in 1 : vector<2000x64xf32>, vector<2000x64xf32> -> vector<2000x128xf32>
    %swap3A = arith.constant 0 : index
    %swap3A_21 = arith.constant 0 : index
    %swap3A_22 = vector.load %arg7[%swap3A, %swap3A_21] : memref<2000x128xf32, #tpu.memory_space<vmem>>, vector<2000x128xf32>
    tpu.vector_store %arg7[%swap3A, %swap3A_21], %concatenate3A {strides = array<i32>} : memref<2000x128xf32, #tpu.memory_space<vmem>>, vector<2000x128xf32>,
    %get3A_23 = arith.constant 0 : index
    %get3A_24 = arith.constant 0 : index
    %get3A_25 = vector.load %arg3[%get3A_23, %get3A_24] : memref<2000x64xf32, #tpu.memory_space<vmem>>, vector<2000x64xf32>
    %get3A_26 = arith.constant 0 : index
    %get3A_27 = arith.constant 0 : index
    %get3A_28 = vector.load %arg4[%get3A_26, %get3A_27] : memref<2000x64xf32, #tpu.memory_space<vmem>>, vector<2000x64xf32>
    %convert_element_type3A_29 = arith.truncf %get3A_25 : vector<2000x64xf32> to vector<2000x64xbf16>
    %bitcast_convert_type3A_30 = tpu.bitcast %convert_element_type3A_29 : vector<2000x64xbf16> -> vector<2000x64xi16>
    %convert_element_type3A_31 = arith.extui %bitcast_convert_type3A_30 : vector<2000x64xi16> to vector<2000x64xi32>
    %convert_element_type3A_32 = arith.truncf %get3A_28 : vector<2000x64xf32> to vector<2000x64xbf16>
    %bitcast_convert_type3A_33 = tpu.bitcast %convert_element_type3A_32 : vector<2000x64xbf16> -> vector<2000x64xi16>
    %convert_element_type3A_34 = arith.extui %bitcast_convert_type3A_33 : vector<2000x64xi16> to vector<2000x64xi32>
    %shift_left3A_35 = arith.constant 16 : i32
    %shift_left3A_36 = vector.broadcast %shift_left3A_35 : i32 to vector<2000x64xi32>
    %shift_left3A_37 = arith.shli %convert_element_type3A_34, %shift_left3A_36 : vector<2000x64xi32>
    %or3A_38 = arith.ori %shift_left3A_37, %convert_element_type3A_31 : vector<2000x64xi32>
    %bitcast_convert_type3A_39 = tpu.bitcast %or3A_38 : vector<2000x64xi32> -> vector<2000x64xf32>
    %concatenate3A_40 = tpu.concatenate %bitcast_convert_type3A_39, %bitcast_convert_type3A_39 in 1 : vector<2000x64xf32>, vector<2000x64xf32> -> vector<2000x128xf32>
    %swap3A_41 = arith.constant 0 : index
    %swap3A_42 = arith.constant 0 : index
    %swap3A_43 = vector.load %arg8[%swap3A_41, %swap3A_42] : memref<2000x128xf32, #tpu.memory_space<vmem>>, vector<2000x128xf32>
    tpu.vector_store %arg8[%swap3A_41, %swap3A_42], %concatenate3A_40 {strides = array<i32>} : memref<2000x128xf32, #tpu.memory_space<vmem>>, vector<2000x128xf32>,
    return
  }
  func.func @transform_0(%arg0: i32) -> (i32, i32) {
    %c0_i32 = arith.constant 0 : i32
    %c0_i32_0 = arith.constant 0 : i32
    return %arg0, %c0_i32 : i32, i32
  }
  func.func @transform_1(%arg0: i32) -> (i32, i32) {
    %c0_i32 = arith.constant 0 : i32
    %c0_i32_0 = arith.constant 0 : i32
    return %arg0, %c0_i32 : i32, i32
  }
  func.func @transform_2(%arg0: i32) -> (i32, i32) {
    %c0_i32 = arith.constant 0 : i32
    %c0_i32_0 = arith.constant 0 : i32
    return %arg0, %c0_i32 : i32, i32
  }
  func.func @transform_3(%arg0: i32) -> (i32, i32) {
    %c0_i32 = arith.constant 0 : i32
    %c0_i32_0 = arith.constant 0 : i32
    return %arg0, %c0_i32 : i32, i32
  }
  func.func @transform_4(%arg0: i32) -> (i32, i32) {
    %c0_i32 = arith.constant 0 : i32
    %c0_i32_0 = arith.constant 0 : i32
    %c0_i32_1 = arith.constant 0 : i32
    return %c0_i32, %c0_i32_0 : i32, i32
  }
  func.func @transform_5(%arg0: i32) -> (i32, i32) {
    %c0_i32 = arith.constant 0 : i32
    %c0_i32_0 = arith.constant 0 : i32
    %c0_i32_1 = arith.constant 0 : i32
    return %c0_i32, %c0_i32_0 : i32, i32
  }
  func.func @transform_6(%arg0: i32) -> (i32, i32) {
    %c0_i32 = arith.constant 0 : i32
    %c0_i32_0 = arith.constant 0 : i32
    return %arg0, %c0_i32 : i32, i32
  }
  func.func @transform_7(%arg0: i32) -> (i32, i32) {
    %c0_i32 = arith.constant 0 : i32
    %c0_i32_0 = arith.constant 0 : i32
    return %arg0, %c0_i32 : i32, i32
  }
}

</mosaic_0001>

<sc_bundles>
// kernel: kernel.4.cloned.1.call-start
scs
__scs_entry_jumppad:
0x0: {  	(pc) =	sbr.rel $0x88, $3  }
0x1: {  	(tag) =	ssettag $0x0;
	lr =	simm.s32 $0x1  }
0x2: {  	[smem:$0x3F9D] =	sst lr;
	_ =	strace $0xD0000000  }
0x3: {  	_ = 	snop  }
0x4: {  	_ = 	snop  }
0x5: {  	_ = 	snop  }
0x6: {  	_ = 	snop  }
0x7: {  	_ = 	snop  }
__scs_overlays_trampoline_lowered:
0x8: {  	[smem:$0x3FAC] =	sst s0  }
0x9: {  	[smem:$0x3FAD] =	sst s1  }
0xa: {  	[smem:$0x3FAE] =	sst s2  }
0xb: {  	[smem:$0x3FAF] =	sst s3  }
0xc: {  	[smem:$0x3FB0] =	sst s4  }
0xd: {  	[smem:$0x3FB1] =	sst s5  }
0xe: {  	[smem:$0x3FB2] =	sst s6  }
0xf: {  	[smem:$0x3FB3] =	sst s7  }
0x10: {  	[smem:$0x3FB4] =	sst s8  }
0x11: {  	[smem:$0x3FB5] =	sst s9;
	s0 =	simm.s32 @!p0 $0x0  }
0x12: {  	s1 =	sld [smem:$0x3F9B];
	s0 =	simm.s32 @p0 $0x1  }
0x13: {  	[smem:$0x3FB6] =	sst s0;
	s0 =	simm.s32 @!p1 $0x0  }
0x14: {  	s2 =	sld [smem:$0x3F9A];
	s0 =	simm.s32 @p1 $0x1  }
0x15: {  	[smem:$0x3FB7] =	sst s0;
	s0 =	simm.s32 @!p2 $0x0  }
0x16: {  	s3 =	sld [smem:$0x3FDB];
	s0 =	simm.s32 @p2 $0x1  }
0x17: {  	s4 =	simm.s32 $0x1BF5;
	[smem:$0x3FB9] =	sst s0  }
0x18: {  	s0 =	sld [smem:$0x3F9C];
	_ =	swait.ge [sflag:s4], $0x0  }
0x19: {  	s7 =	sld [smem:$0x3F9D]  }
0x1a: {  	s8 =	sadd.s32 $0xFFFFE003, lr  }
0x1b: {  	s9 =	sadd.s32 $0xFFFFFEF7, lr;
	s5 =	simm.s32 $0xFFFFFFFF;
	p2 =	slt.u32 s8, $0xFFFFF086  }
0x1c: {  	p1 =	slt.u32 s9, $0xF7A;
	s5 =	simm.s32 @!p2 $0x0  }
0x1d: {  	s5 =	simm.s32 @p1 $0x1;
	p0 =	seq.s32 s7, s2  }
0x1e: {  	s7 =	smul.u32 @!p0 $0xF7A, s2;
	p2 =	seq.s32 @!p0 s5, $0x0  }
0x1f: {  	s9 =	smul.u32 $0xF7A, s1;
	s8 =	simm.s32 @!p0 $0x1BF5;
	p2 =	por !p2, p0  }
0x20: {  	[sflag:s8] =	ssyncset.s32 @!p0 $0xFFFFF086;
	s6 =	sadd.s32 @!p0 s3, s7;
	s7 =	simm.s32 @!p0 $0x108  }
0x21: {  	s3 =	sadd.s32 s3, s9;
	s6 =	sadd.s32 @!p0 $0x88, s6;
	s7 =	simm.s32 @p2 $0x1082  }
0x22: {  	[simem:s7], [sflag:s8] =	dma.local @!p0 [hbm:s6], $0xF7A  }
0x23: {  	s9 =	sor.u32 $0xD0000000, s2;
	s6 =	simm.s32 $0x108;
	_ =	swait.ge @!p0 [sflag:s8], $0x0  }
0x24: {  	s3 =	sadd.s32 $0x88, s3;
	s6 =	simm.s32 @!p1 $0x1082;
	[sflag:s4] =	ssyncset.s32 $0xFFFFF086  }
0x25: {  	[simem:s6], [sflag:s4] =	dma.local [hbm:s3], $0xF7A  }
0x26: {  	[smem:$0x3F9D] =	sst s1;
	(tag) =	ssettag s2;
	_ =	strace s9  }
0x27: {  	s1 =	sld [smem:$0x3FAD]  }
0x28: {  	s2 =	sld [smem:$0x3FAE]  }
0x29: {  	s4 =	sld [smem:$0x3FB0]  }
0x2a: {  	p0 =	seq.s32 s5, $0x0;
	s5 =	sld [smem:$0x3FB1]  }
0x2b: {  	s6 =	sld [smem:$0x3FB2]  }
0x2c: {  	s7 =	sld [smem:$0x3FB3]  }
0x2d: {  	s3 =	simm.s32 $0x108;
	s8 =	sld [smem:$0x3FB4]  }
0x2e: {  	s3 =	simm.s32 @!p0 $0x1082;
	s9 =	sld [smem:$0x3FB5]  }
0x2f: {  	lr =	sadd.s32 s0, s3;
	s0 =	sld [smem:$0x3FAC]  }
0x30: {  	s3 =	sld [smem:$0x3FAF]  }
0x31: {  	[smem:$0x3FB8] =	sst s10  }
0x32: {  	s10 =	sld [smem:$0x3FB6];
	_ =	sdelay $0x3  }
0x33: {  	p0 =	seq.s32 s10, $0x1;
	s10 =	sld [smem:$0x3FB8];
	_ =	sdelay $0x3  }
0x34: {  	[smem:$0x3FB8] =	sst s10  }
0x35: {  	s10 =	sld [smem:$0x3FB7];
	_ =	sdelay $0x3  }
0x36: {  	p1 =	seq.s32 s10, $0x1;
	s10 =	sld [smem:$0x3FB8];
	_ =	sdelay $0x3  }
0x37: {  	[smem:$0x3FB8] =	sst s10  }
0x38: {  	s10 =	sld [smem:$0x3FB9]  }
0x39: {  	_ = 	snop;
	(pc) =	sbr.ind lr, $3  }
0x3a: {  	_ = 	snop  }
0x3b: {  	_ = 	snop  }
0x3c: {  	p2 =	seq.s32 s10, $0x1;
	s10 =	sld [smem:$0x3FB8]  }
0x3d: {  	_ =	shalt  }
0x3e: {  	_ =	shalt  }
0x3f: {  	_ =	shalt  }
0x40: {  	_ =	shalt  }
0x41: {  	_ =	shalt  }
0x42: {  	_ =	shalt  }
0x43: {  	_ =	shalt  }
0x44: {  	_ =	shalt  }
0x45: {  	_ =	shalt  }
0x46: {  	_ =	shalt  }
0x47: {  	_ =	shalt  }
0x48: {  	_ =	shalt  }
0x49: {  	_ =	shalt  }
0x4a: {  	_ =	shalt  }
0x4b: {  	_ =	shalt  }
0x4c: {  	_ =	shalt  }
0x4d: {  	_ =	shalt  }
0x4e: {  	_ =	shalt  }
0x4f: {  	_ =	shalt  }
0x50: {  	_ =	shalt  }
0x51: {  	_ =	shalt  }
0x52: {  	_ =	shalt  }
0x53: {  	_ =	shalt  }
0x54: {  	_ =	shalt  }
0x55: {  	_ =	shalt  }
0x56: {  	_ =	shalt  }
0x57: {  	_ =	shalt  }
0x58: {  	_ =	shalt  }
0x59: {  	_ =	shalt  }
0x5a: {  	_ =	shalt  }
0x5b: {  	_ =	shalt  }
0x5c: {  	_ =	shalt  }
0x5d: {  	_ =	shalt  }
0x5e: {  	_ =	shalt  }
0x5f: {  	_ =	shalt  }
0x60: {  	_ =	shalt  }
0x61: {  	_ =	shalt  }
0x62: {  	_ =	shalt  }
0x63: {  	_ =	shalt  }
0x64: {  	_ =	shalt  }
0x65: {  	_ =	shalt  }
0x66: {  	_ =	shalt  }
0x67: {  	_ =	shalt  }
0x68: {  	_ =	shalt  }
0x69: {  	_ =	shalt  }
0x6a: {  	_ =	shalt  }
0x6b: {  	_ =	shalt  }
0x6c: {  	_ =	shalt  }
0x6d: {  	_ =	shalt  }
0x6e: {  	_ =	shalt  }
0x6f: {  	_ =	shalt  }
0x70: {  	_ =	shalt  }
0x71: {  	_ =	shalt  }
0x72: {  	_ =	shalt  }
0x73: {  	_ =	shalt  }
0x74: {  	_ =	shalt  }
0x75: {  	_ =	shalt  }
0x76: {  	_ =	shalt  }
0x77: {  	_ =	shalt  }
0x78: {  	_ =	shalt  }
0x79: {  	_ =	shalt  }
0x7a: {  	_ =	shalt  }
0x7b: {  	_ =	shalt  }
0x7c: {  	_ =	shalt  }
0x7d: {  	_ =	shalt  }
0x7e: {  	_ =	shalt  }
0x7f: {  	_ =	shalt  }
0x80: {  	_ =	shalt  }
0x81: {  	_ =	shalt  }
0x82: {  	_ =	shalt  }
0x83: {  	_ =	shalt  }
0x84: {  	_ =	shalt  }
0x85: {  	_ =	shalt  }
0x86: {  	_ =	shalt  }
0x87: {  	_ =	shalt  }
.Lfunc_end0:
.L_simem_size_0:
called_computation_lowered:
.L_overlay_start_0:
0x88: {  	s2 =	sld [smem:$0x3FD9]  }
0x89: {  	s3 =	sld [smem:$0x3FFE];
	_ =	sdelay $0x1  }
0x8a: {  	s1 =	srdreg.scid  }
0x8b: {  	s0 =	sand.u32 $0x1, s1  }
0x8c: {  	s17 =	sshll.u32 s0, $0xA;
	s2 =	sadd.s32 s3, s2  }
0x8d: {  	s2 =	sadd.s32 s2, s17  }
0x8e: {  	[smem:$0x3FC4] =	sst s2  }
0x8f: {  	_ = 	snop  }
0x90: {  	s2 =	sld [smem:$0x3FD0];
	(tm) =	ssettm $0x1  }
0x91: {  	s18 =	sld [smem:$0x3FFB];
	_ =	sdelay $0x3  }
0x92: {  	_ =	strace s18  }
0x93: {  	s3 =	sld [smem:$0x3FFC];
	_ =	sdelay $0x3  }
0x94: {  	_ =	strace s3  }
0x95: {  	s3 =	sld [smem:$0x3FFD];
	_ =	sdelay $0x3  }
0x96: {  	_ =	strace s3  }
0x97: {  	_ =	strace $0x8FFFFFFF  }
0x98: {  	s19 =	sld [smem:$0x3FDB];
	_ =	sdelay $0x1  }
0x99: {  	s4 =	simm.s32 $_scs_section_size  }
0x9a: {  	s5 =	simm.s32 $_size__tile_overlayer_lowered;
	s6 =	simm.s32 $_tile_overlayer_lowered  }
0x9b: {  	s22 =	simm.s32 $0x1BFF;
	s21 =	sshll.u32 s6, $0x1;
	s3 =	sadd.s32 s4, s19  }
0x9c: {  	s7 =	simm.s32 $0x0;
	s20 =	sshll.u32 s5, $0x1;
	s5 =	sadd.s32 s21, s3  }
0x9d: {  	[timem:s7], [sflag:s22] =	dma.local [hbm:s5], s20  }
0x9e: {  	_ =	swait.ge [sflag:s22], s20  }
0x9f: {  	s4 =	ssub.s32 $0x0, s20;
	[sflag:s22] =	ssyncset.done $0x0  }
0xa0: {  	[sflag:s22] =	ssyncadd.s32 s4;
	_ =	sdelay $0x1  }
0xa1: {  	s23 =	simm.s32 $0x1B8B  }
0xa2: {  	_ =	swait.ge [sflag:s23], $0x1  }
0xa3: {  	[sflag:s23] =	ssyncset.done $0x0  }
0xa4: {  	s25 =	simm.s32 $0x1B8E;
	s24 =	sld [smem:$0x3FFE];
	[sflag:s23] =	ssyncadd.s32 $0xFFFFFFFF  }
0xa5: {  	s26 =	simm.s32 $execute0_lowered;
	[smem:$0x3FD2] =	sst s25  }
0xa6: {  	s5 =	sshll.u32 s26, $0x1;
	_ =	strace $0x80000046;
	[dreg:$0x1] =	wrdreg $0xFFFFFFFF  }
0xa7: {  	s28 =	simm.s32 $_size_execute0_lowered;
	s3 =	sadd.s32 s3, s5;
	[dreg:$0x0] =	wrdreg $0x0  }
0xa8: {  	s5 =	sshll.u32 s28, $0x1;
	[dreg:$0x2] =	wrdreg s3  }
0xa9: {  	[dreg:$0x3] =	wrdreg s5  }
0xaa: {  	[dreg:$0x4] =	wrdreg $0xC0  }
0xab: {  	_ =	task [dreg:s7], $0x5FFFF  }
0xac: {  	[dreg:$0x1] =	wrdreg $0xFFFFFFFF  }
0xad: {  	[dreg:$0x0] =	wrdreg $0x60  }
0xae: {  	[dreg:$0x2] =	wrdreg s24  }
0xaf: {  	[dreg:$0x3] =	wrdreg s2  }
0xb0: {  	[dreg:$0x4] =	wrdreg $0x9  }
0xb1: {  	_ =	task.clear_ibuf [dreg:s7], $0x5FFFF;
	_ =	strace $0x90000046  }
0xb2: {  	s29 =	simm.s32 $0x9;
	_ =	strace $0x80000048  }
0xb3: {  	_ =	swait.ge [sflag:s29], $0x1  }
0xb4: {  	[sflag:s29] =	ssyncadd.s32 $0xFFFFFFFF  }
0xb5: {  	_ =	strace $0x90000048  }
0xb6: {  	_ =	sfence  }
0xb7: {  	s30 =	sld [smem:$0x0];
	_ =	sdelay $0x2  }
0xb8: {  	s31 =	sshll.u32 s1, $0xD;
	s1 =	sshrl.u32 s1, $0x2  }
0xb9: {  	s3 =	sand.u32 $0x4000, s31;
	s1 =	sadd.s32 s1, s30  }
0xba: {  	s0 =	sor.u32 s3, s0;
	s1 =	sshll.u32 s1, $0x11  }
0xbb: {  	s0 =	sor.u32 s1, s0  }
0xbc: {  	s0 =	sadd.s32 $0x8F2B, s0  }
0xbd: {  	[sflag:s0] =	ssyncadd.remote.s32 $0x1  }
0xbe: {  	_ =	sfence.sel $0xFFFF  }
0xbf: {  	[dreg:$0x0] =	wrdreg $0xFFFFFFFF;
	(pc) =	sbr.abs _section_cstart, $3  }
0xc0: {  	[dreg:$0x1] =	wrdreg $0xFFFFFFFF  }
0xc1: {  	_ =	task.clear_ibuf [dreg:s7], $0x2FFFF;
	_ =	strace $0x9FFFFFFF  }
0xc2: {  	(tm) =	ssettm $0x7FFFFFFF  }
0xc3: {  	_ =	shalt  }
tec
execute0_lowered:
.L_overlay_start_1:
0x0: {  	(tag) =	ssettag $0x1  }
0x1: {  	s4 =	rddreg [dreg:$0x0];
	s1 =	srdreg.scid  }
0x2: {  	s0 =	stileid.u32;
	s7 =	rddreg [dreg:$0x1]  }
0x3: {  	s2 =	simm.s32 $0x0;
	s10 =	simm.s32 $0x2780;
	s11 =	simm.s32 $0x50  }
0x4: {  	s12 =	simm.s32 $0x7680;
	s13 =	simm.s32 $0x9E80;
	s14 =	simm.s32 $0xC680  }
0x5: {  	v0 =	vlaneseq.u32;
	s15 =	simm.s32 $0xEE80;
	s16 =	simm.s32 $0x1;
	s17 =	simm.s32 $0x11680  }
0x6: {  	s18 =	simm.s32 $0x2;
	s3 =	sand.u32 $0x1, s1;
	s5 =	sshll.u32 s0, $0x1;
	v0 =	vmul.u32 $0x10, v0  }
0x7: {  	s19 =	simm.s32 $0x4F00;
	s20 =	simm.s32 $0x0;
	s5 =	sor.u32 s3, s5  }
0x8: {  	[smem:$0x7FF] =	sst s2;
	s31 =	ssub.s32 $0x2, s3;
	s8 =	smul.u32 $0x4E2, s5;
	v1 =	vor.u32 $0x1, v0;
	v2 =	vor.u32 $0x2, v0;
	v3 =	vor.u32 $0x3, v0  }
0x9: {  	s1 =	rddreg [dreg:$0x2];
	_ =	strace $0x80000047;
	s9 =	sshrl.u32 s31, $0x1;
	v4 =	vor.u32 $0x4, v0;
	v5 =	vor.u32 $0x5, v0;
	v6 =	vor.u32 $0x6, v0  }
0xa: {  	s3 =	sadd.s32 $0x14200, s4;
	v7 =	vor.u32 $0x7, v0;
	v8 =	vor.u32 $0x8, v0;
	v9 =	vor.u32 $0x9, v0;
	s9 =	ssub.s32 s31, s9;
	s6 =	sadd.s32 s8, s4  }
0xb: {  	v10 =	vor.u32 $0xA, v0;
	v11 =	vor.u32 $0xB, v0;
	v12 =	vor.u32 $0xC, v0;
	s4 =	sadd.s32 $0x3B400, s4;
	s7 =	sadd.s32 s7, s8;
	s8 =	smax.u32 s9, $0x1  }
0xc: {  	v13 =	vor.u32 $0xD, v0;
	v14 =	vor.u32 $0xE, v0;
	v15 =	vor.u32 $0xF, v0;
	s9 =	simm.s32 $0x3;
	s5 =	sadd.s32 $0xA400, s6;
	s6 =	sadd.s32 $0x600, s6  }
.LBB2_1:
0xd: {  	[tilespmem:s2], [sflag:$0x3] =	stream.linear.gather [hbm4b:s5+s2], $0x2710, $0x38;
	[tilespmem:$0x11780] =	vst v63  }
0xe: {  	_ =	swait.ge [sflag:s9], $0x2710  }
0xf: {  	[sflag:s9] =	ssyncset.done $0x0  }
0x10: {  	[sflag:s9] =	ssyncadd.s32 $0xFFFFD8F0  }
0x11: {  	[tilespmem:s10], [sflag:$0x3] =	stream.linear.gather [hbm4b:s6+s2], $0x2710, $0x38;
	[tilespmem:$0x11780] =	vst v63  }
0x12: {  	_ =	swait.ge [sflag:s9], $0x2710  }
0x13: {  	[sflag:s9] =	ssyncset.done $0x0  }
0x14: {  	[sflag:s9] =	ssyncadd.s32 $0xFFFFD8F0  }
0x15: {  	[tilespmem:s12], [sflag:$0x1] =	stream.indirect.gather [hbm4b:s3+s11], $0x80, s2, s11, $0xb8;
	[tilespmem:$0x11780] =	vst v63  }
0x16: {  	s21 =	simm.s32 $0x4F50;
	s22 =	simm.s32 $0x4F00;
	s23 =	simm.s32 $0x0  }
0x17: {  	[tilespmem:s13], [sflag:$0x1] =	stream.indirect.gather [hbm4b:s4+s11], $0x80, s10, s11, $0xb8;
	[tilespmem:$0x11780] =	vst v63  }
.LBB2_2:
0x18: {  	s24 =	smul.u32 $0xA0, s23;
	_ =	sdelay $0x1  }
0x19: {  	s25 =	sadd.s32 $0x50, s24  }
0x1a: {  	[tilespmem:s14], [sflag:$0x2] =	stream.indirect.gather [hbm4b:s3+s11], $0x80, s25, s11, $0xb8;
	[tilespmem:$0x11780] =	vst v63  }
0x1b: {  	s31 =	sadd.s32 $0x27D0, s24  }
0x1c: {  	[tilespmem:s15], [sflag:$0x2] =	stream.indirect.gather [hbm4b:s4+s11], $0x80, s31, s11, $0xb8;
	[tilespmem:$0x11780] =	vst v63  }
0x1d: {  	_ =	swait.ge [sflag:s16], $0x2800  }
0x1e: {  	[sflag:s16] =	ssyncset.done $0x0  }
0x1f: {  	[sflag:s16] =	ssyncadd.s32 $0xFFFFD800  }
0x20: {  	_ =	swait.ge [sflag:s16], $0x2800  }
0x21: {  	[sflag:s16] =	ssyncset.done $0x0  }
0x22: {  	s26 =	smov.u32 s22;
	s25 =	simm.s32 $0x1EC0;
	[sflag:s16] =	ssyncadd.s32 $0xFFFFD800  }
.LBB2_3:
0x23: {  	s28 =	sshra.s32 s25, $0x2  }
0x24: {  	v16 =	vld [tilespmem:s28+$0x6ED0]  }
0x25: {  	v17 =	vld [tilespmem:s28+$0x96D0]  }
0x26: {  	v18 =	vld [tilespmem:s28+$0x6EE0]  }
0x27: {  	v19 =	vld [tilespmem:s28+$0x96E0]  }
0x28: {  	v20 =	vld [tilespmem:s28+$0x6EF0]  }
0x29: {  	v21 =	vld [tilespmem:s28+$0x96F0]  }
0x2a: {  	v22 =	vld [tilespmem:s28+$0x6F00]  }
0x2b: {  	v23 =	vld [tilespmem:s28+$0x9700]  }
0x2c: {  	v24 =	vld [tilespmem:s28+$0x6F50]  }
0x2d: {  	v25 =	vld [tilespmem:s28+$0x9750]  }
0x2e: {  	v26 =	vld [tilespmem:s28+$0x6F60]  }
0x2f: {  	v27 =	vld [tilespmem:s28+$0x9760]  }
0x30: {  	v28 =	vld [tilespmem:s28+$0x6F70]  }
0x31: {  	v29 =	vld [tilespmem:s28+$0x9770]  }
0x32: {  	v30 =	vld [tilespmem:s28+$0x6F80]  }
0x33: {  	v31 =	vld [tilespmem:s28+$0x9780]  }
0x34: {  	v32 =	vld [tilespmem:s28+$0x6FD0]  }
0x35: {  	v33 =	vld [tilespmem:s28+$0x97D0]  }
0x36: {  	v34 =	vld [tilespmem:s28+$0x6FE0]  }
0x37: {  	v35 =	vld [tilespmem:s28+$0x97E0]  }
0x38: {  	v36 =	vld [tilespmem:s28+$0x6FF0]  }
0x39: {  	v37 =	vld [tilespmem:s28+$0x97F0]  }
0x3a: {  	v38 =	vld [tilespmem:s28+$0x7000]  }
0x3b: {  	v39 =	vld [tilespmem:s28+$0x9800]  }
0x3c: {  	v40 =	vld [tilespmem:s28+$0x7050]  }
0x3d: {  	v41 =	vld [tilespmem:s28+$0x9850]  }
0x3e: {  	v42 =	vld [tilespmem:s28+$0x7060]  }
0x3f: {  	v43 =	vld [tilespmem:s28+$0x9860]  }
0x40: {  	v44 =	vld [tilespmem:s28+$0x7070]  }
0x41: {  	v45 =	vld [tilespmem:s28+$0x9870]  }
0x42: {  	v46 =	vld [tilespmem:s28+$0x7080]  }
0x43: {  	v47 =	vld [tilespmem:s28+$0x9880]  }
0x44: {  	v50 =	vld [tilespmem:s28+$0x70F0]  }
0x45: {  	v51 =	vld [tilespmem:s28+$0x9960]  }
0x46: {  	v16 =	vmul.bf16 v17, v16;
	v17 =	vmul.bf16 v19, v18;
	v18 =	vld [tilespmem:s28+$0x70D0]  }
0x47: {  	v20 =	vmul.bf16 v21, v20;
	v21 =	vld [tilespmem:s28+$0x98D0]  }
0x48: {  	v22 =	vmul.bf16 v23, v22;
	v23 =	vld [tilespmem:s28+$0x70E0]  }
0x49: {  	v24 =	vmul.bf16 v25, v24;
	v25 =	vld [tilespmem:s28+$0x7100]  }
0x4a: {  	v59 =	vmul.bf16 v29, v28;
	v28 =	vld [tilespmem:s28+$0x7150]  }
0x4b: {  	v30 =	vmul.bf16 v31, v30;
	v31 =	vld [tilespmem:s28+$0x9950]  }
0x4c: {  	v57 =	vmul.bf16 v27, v26;
	v29 =	vld [tilespmem:s28+$0x7160]  }
0x4d: {  	v34 =	vmul.bf16 v35, v34;
	v35 =	vld [tilespmem:s28+$0x9980];
	v53 =	vmul.bf16 v37, v36  }
0x4e: {  	v37 =	vld [tilespmem:s28+$0x99D0];
	v40 =	vmul.bf16 v41, v40;
	v46 =	vmul.bf16 v47, v46;
	v54 =	vunpack.i.u.bf16.f32 v16  }
0x4f: {  	v41 =	vld [tilespmem:s28+$0x99E0];
	v16 =	vunpack.i.l.bf16.f32 v16;
	v48 =	vunpack.i.u.bf16.f32 v17;
	v17 =	vunpack.i.l.bf16.f32 v17  }
0x50: {  	v47 =	vld [tilespmem:s28+$0x7200];
	v55 =	vunpack.i.u.bf16.f32 v20;
	v20 =	vunpack.i.l.bf16.f32 v20;
	v49 =	vunpack.i.u.bf16.f32 v22  }
0x51: {  	v22 =	vunpack.i.l.bf16.f32 v22;
	v58 =	vunpack.i.u.bf16.f32 v24;
	v17 =	vadd.f32 v17, v48;
	v48 =	vld [tilespmem:s28+$0x98E0]  }
0x52: {  	v24 =	vunpack.i.l.bf16.f32 v24;
	v60 =	vunpack.i.u.bf16.f32 v57;
	v56 =	vadd.f32 v22, v49;
	v22 =	vld [tilespmem:s28+$0x98F0]  }
0x53: {  	v62 =	vunpack.i.u.bf16.f32 v30;
	v30 =	vunpack.i.l.bf16.f32 v30;
	v19 =	vadd.f32 v20, v55;
	v20 =	vld [tilespmem:s28+$0x9900]  }
0x54: {  	v61 =	vunpack.i.u.bf16.f32 v59;
	v27 =	vunpack.i.l.bf16.f32 v59;
	v63 =	vadd.f32 v30, v62;
	v30 =	vld [tilespmem:s28+$0x7170]  }
0x55: {  	v59 =	vunpack.i.u.bf16.f32 v40;
	v16 =	vadd.f32 v16, v54;
	v26 =	vadd.f32 v27, v61;
	v27 =	vld [tilespmem:s28+$0x71D0]  }
0x56: {  	v40 =	vunpack.i.l.bf16.f32 v40;
	v24 =	vadd.f32 v24, v58;
	v55 =	vmul.bf16 v39, v38;
	v38 =	vld [tilespmem:s28+$0x71E0]  }
0x57: {  	v54 =	vunpack.i.u.bf16.f32 v34;
	v16 =	vadd.f32 v17, v16;
	v49 =	vadd.f32 v63, v26;
	v26 =	vld [tilespmem:s28+$0x7180]  }
0x58: {  	v39 =	vunpack.i.u.bf16.f32 v55;
	v36 =	vunpack.i.l.bf16.f32 v55;
	v18 =	vmul.bf16 v21, v18;
	v21 =	vld [tilespmem:s28+$0x7260]  }
0x59: {  	v17 =	vadd.f32 v56, v19;
	v19 =	vunpack.i.l.bf16.f32 v57;
	v57 =	vadd.f32 v36, v39;
	v39 =	vld [tilespmem:s28+$0x71F0]  }
0x5a: {  	v34 =	vunpack.i.l.bf16.f32 v34;
	v19 =	vadd.f32 v19, v60;
	v60 =	vmul.bf16 v45, v44;
	v44 =	vld [tilespmem:s28+$0x99F0]  }
0x5b: {  	v58 =	vmul.bf16 v43, v42;
	v56 =	vunpack.i.u.bf16.f32 v53;
	v63 =	vunpack.i.u.bf16.f32 v46;
	v45 =	vld [tilespmem:s28+$0x9A00]  }
0x5c: {  	v46 =	vunpack.i.l.bf16.f32 v46;
	v16 =	vadd.f32 v17, v16;
	v17 =	vmul.bf16 v33, v32;
	v32 =	vld [tilespmem:s28+$0x9970]  }
0x5d: {  	v19 =	vadd.f32 v19, v24;
	v24 =	vunpack.i.l.bf16.f32 v53;
	v53 =	vadd.f32 v46, v63;
	v46 =	vld [tilespmem:s28+$0x9A50]  }
0x5e: {  	v40 =	vadd.f32 v40, v59;
	v61 =	vunpack.i.u.bf16.f32 v58;
	v20 =	vmul.bf16 v20, v25;
	v25 =	vld [tilespmem:s28+$0x9A70]  }
0x5f: {  	v29 =	vmul.bf16 v51, v29;
	v36 =	vunpack.i.l.bf16.f32 v58;
	v23 =	vmul.bf16 v48, v23;
	v48 =	vld [tilespmem:s28+$0x72D0]  }
0x60: {  	v62 =	vunpack.i.u.bf16.f32 v60;
	v43 =	vunpack.i.l.bf16.f32 v60;
	v60 =	vmul.bf16 v31, v28;
	v28 =	vld [tilespmem:s28+$0x9AD0]  }
0x61: {  	v36 =	vadd.f32 v36, v61;
	v22 =	vmul.bf16 v22, v50;
	v31 =	vld [tilespmem:s28+$0x72E0];
	v63 =	vunpack.i.u.bf16.f32 v29  }
0x62: {  	v29 =	vunpack.i.l.bf16.f32 v29;
	v27 =	vmul.bf16 v37, v27;
	v37 =	vld [tilespmem:s28+$0x9B00];
	v52 =	vunpack.i.u.bf16.f32 v17  }
0x63: {  	v33 =	vunpack.i.l.bf16.f32 v17;
	v24 =	vadd.f32 v24, v56;
	v42 =	vadd.f32 v43, v62;
	v43 =	vld [tilespmem:s28+$0x7280]  }
0x64: {  	v56 =	vunpack.i.u.bf16.f32 v18;
	v17 =	vadd.f32 v49, v19;
	v19 =	vadd.f32 v33, v52;
	v52 =	vld [tilespmem:s28+$0x7250]  }
0x65: {  	v18 =	vunpack.i.l.bf16.f32 v18;
	v33 =	vadd.f32 v34, v54;
	v54 =	vadd.f32 v36, v40;
	v36 =	vld [tilespmem:s28+$0x9A60]  }
0x66: {  	v50 =	vmul.bf16 v41, v38;
	v29 =	vadd.f32 v29, v63;
	v40 =	vadd.f32 v18, v56;
	v49 =	vld [tilespmem:s28+$0x9A80]  }
0x67: {  	v58 =	vunpack.i.u.bf16.f32 v22;
	v22 =	vunpack.i.l.bf16.f32 v22;
	v59 =	vunpack.i.u.bf16.f32 v20;
	v34 =	vld [tilespmem:s28+$0x7300]  }
0x68: {  	v20 =	vunpack.i.l.bf16.f32 v20;
	v61 =	vunpack.i.u.bf16.f32 v60;
	v55 =	vadd.f32 v53, v42;
	v42 =	vld [tilespmem:s28+$0x7270]  }
0x69: {  	v26 =	vmul.bf16 v35, v26;
	v51 =	vunpack.i.u.bf16.f32 v27;
	v53 =	vmul.bf16 v45, v47;
	v45 =	vld [tilespmem:s28+$0x7360]  }
0x6a: {  	v27 =	vunpack.i.l.bf16.f32 v27;
	v41 =	vunpack.i.u.bf16.f32 v50;
	v19 =	vadd.f32 v33, v19;
	v33 =	vld [tilespmem:s28+$0x9AE0]  }
0x6b: {  	v24 =	vadd.f32 v57, v24;
	v22 =	vadd.f32 v22, v58;
	v62 =	vmul.bf16 v32, v30;
	v32 =	vld [tilespmem:s28+$0x9AF0]  }
0x6c: {  	v35 =	vunpack.i.u.bf16.f32 v26;
	v26 =	vunpack.i.l.bf16.f32 v26;
	v30 =	vunpack.i.l.bf16.f32 v50;
	v50 =	vld [tilespmem:s28+$0x7370]  }
0x6d: {  	v57 =	vunpack.i.u.bf16.f32 v23;
	v20 =	vadd.f32 v20, v59;
	v26 =	vadd.f32 v26, v35;
	v35 =	vld [tilespmem:s28+$0x7350]  }
0x6e: {  	v39 =	vmul.bf16 v44, v39;
	v18 =	vadd.f32 v55, v54;
	v30 =	vadd.f32 v30, v41;
	v41 =	vld [tilespmem:s28+$0x9B60]  }
0x6f: {  	v47 =	vunpack.i.u.bf16.f32 v53;
	v44 =	vunpack.i.l.bf16.f32 v53;
	v63 =	vmul.bf16 v28, v48;
	v28 =	vld [tilespmem:s28+$0x7400]  }
0x70: {  	v54 =	vunpack.i.u.bf16.f32 v39;
	v39 =	vunpack.i.l.bf16.f32 v39;
	v55 =	vadd.f32 v44, v47;
	v44 =	vld [tilespmem:s28+$0x9B70]  }
0x71: {  	v23 =	vunpack.i.l.bf16.f32 v23;
	v27 =	vadd.f32 v27, v51;
	v38 =	vadd.f32 v39, v54;
	v39 =	vld [tilespmem:s28+$0x73D0]  }
0x72: {  	v23 =	vadd.f32 v23, v57;
	v19 =	vadd.f32 v24, v19;
	v24 =	vunpack.i.l.bf16.f32 v60;
	v47 =	vld [tilespmem:s28+$0x73F0]  }
0x73: {  	v20 =	vadd.f32 v20, v22;
	v22 =	vadd.f32 v24, v61;
	v24 =	vld [tilespmem:s28+$0x72F0]  }
0x74: {  	v23 =	vadd.f32 v23, v40;
	v21 =	vmul.bf16 v36, v21;
	v36 =	vld [tilespmem:s28+$0x9B80]  }
0x75: {  	v40 =	vunpack.i.u.bf16.f32 v62;
	v56 =	vmul.bf16 v46, v52;
	v27 =	vadd.f32 v30, v27;
	v46 =	vld [tilespmem:s28+$0x9BD0]  }
0x76: {  	v43 =	vmul.bf16 v49, v43;
	v49 =	vld [tilespmem:s28+$0x9BE0];
	v48 =	vunpack.i.u.bf16.f32 v63;
	v51 =	vunpack.i.l.bf16.f32 v63  }
0x77: {  	v53 =	vmul.bf16 v37, v34;
	v34 =	vld [tilespmem:s28+$0x9C50];
	v20 =	vadd.f32 v20, v23;
	v23 =	vunpack.i.l.bf16.f32 v62  }
0x78: {  	v37 =	vld [tilespmem:s28+$0x7460];
	v57 =	vadd.f32 v55, v38;
	v25 =	vmul.bf16 v25, v42;
	v23 =	vadd.f32 v23, v40  }
0x79: {  	v42 =	vld [tilespmem:s28+$0x73E0];
	v22 =	vadd.f32 v29, v22;
	v58 =	vunpack.i.u.bf16.f32 v56;
	v59 =	vunpack.i.u.bf16.f32 v21  }
0x7a: {  	v38 =	vld [tilespmem:s28+$0x7470];
	v21 =	vunpack.i.l.bf16.f32 v21;
	v62 =	vunpack.i.u.bf16.f32 v43;
	v43 =	vunpack.i.l.bf16.f32 v43  }
0x7b: {  	v40 =	vld [tilespmem:s28+$0x9B50];
	v31 =	vmul.bf16 v33, v31;
	v55 =	vunpack.i.u.bf16.f32 v53;
	v60 =	vadd.f32 v21, v59  }
0x7c: {  	v29 =	vld [tilespmem:s28+$0x7380];
	v61 =	vunpack.i.u.bf16.f32 v25;
	v25 =	vunpack.i.l.bf16.f32 v25;
	v43 =	vadd.f32 v43, v62  }
0x7d: {  	v33 =	vld [tilespmem:s28+$0x9C00];
	v21 =	vadd.f32 v57, v27;
	v57 =	vmul.bf16 v41, v45;
	v23 =	vadd.f32 v26, v23  }
0x7e: {  	v27 =	vld [tilespmem:s28+$0x9BF0];
	v26 =	vunpack.i.l.bf16.f32 v56;
	v25 =	vadd.f32 v25, v61;
	v52 =	vunpack.i.u.bf16.f32 v31  }
0x7f: {  	v62 =	vld [tilespmem:s28+$0x9C80];
	v31 =	vunpack.i.l.bf16.f32 v31;
	v59 =	vmul.bf16 v44, v50;
	v26 =	vadd.f32 v26, v58  }
0x80: {  	v50 =	vld [tilespmem:s28+$0x74D0];
	v24 =	vmul.bf16 v32, v24;
	v30 =	vadd.f32 v31, v52;
	v32 =	vunpack.i.l.bf16.f32 v53  }
0x81: {  	v45 =	vunpack.i.u.bf16.f32 v57;
	v31 =	vld [tilespmem:s28+$0x74E0];
	v22 =	vadd.f32 v23, v22;
	v25 =	vadd.f32 v43, v25  }
0x82: {  	v56 =	vadd.f32 v32, v55;
	v32 =	vunpack.i.l.bf16.f32 v57;
	v52 =	vmul.bf16 v49, v42;
	v42 =	vld [tilespmem:s28+$0x74F0]  }
0x83: {  	v61 =	vunpack.i.u.bf16.f32 v59;
	v43 =	vunpack.i.l.bf16.f32 v59;
	v57 =	vld [tilespmem:s28+$0x9D00];
	v26 =	vadd.f32 v60, v26  }
0x84: {  	v49 =	vld [tilespmem:s28+$0x75F0];
	v54 =	vunpack.i.u.bf16.f32 v24;
	v24 =	vunpack.i.l.bf16.f32 v24;
	v35 =	vmul.bf16 v40, v35  }
0x85: {  	v40 =	vld [tilespmem:s28+$0x9C60];
	v29 =	vmul.bf16 v36, v29;
	v32 =	vadd.f32 v32, v45;
	v41 =	vadd.f32 v43, v61  }
0x86: {  	v60 =	vld [tilespmem:s28+$0x9C70];
	v28 =	vmul.bf16 v33, v28;
	v24 =	vadd.f32 v24, v54;
	v27 =	vmul.bf16 v27, v47  }
0x87: {  	v36 =	vld [tilespmem:s28+$0x7480];
	v54 =	vunpack.i.u.bf16.f32 v52;
	v23 =	vadd.f32 v25, v26;
	v25 =	vadd.f32 v51, v48  }
0x88: {  	v43 =	vld [tilespmem:s28+$0x9CD0];
	v58 =	vunpack.i.u.bf16.f32 v35;
	v35 =	vunpack.i.l.bf16.f32 v35;
	v63 =	vunpack.i.u.bf16.f32 v29  }
0x89: {  	v33 =	vld [tilespmem:s28+$0x9CF0];
	v29 =	vunpack.i.l.bf16.f32 v29;
	v51 =	vmul.bf16 v46, v39;
	v35 =	vadd.f32 v35, v58  }
0x8a: {  	v61 =	vld [tilespmem:s28+$0x9D70];
	v29 =	vadd.f32 v29, v63;
	v24 =	vadd.f32 v56, v24;
	v55 =	vunpack.i.u.bf16.f32 v27  }
0x8b: {  	v47 =	vld [tilespmem:s28+$0x75E0];
	v27 =	vunpack.i.l.bf16.f32 v27;
	v56 =	vunpack.i.u.bf16.f32 v28;
	v28 =	vunpack.i.l.bf16.f32 v28  }
0x8c: {  	v26 =	vld [tilespmem:s28+$0x7450];
	v25 =	vadd.f32 v30, v25;
	v53 =	vunpack.i.u.bf16.f32 v51;
	v27 =	vadd.f32 v27, v55  }
0x8d: {  	v39 =	vld [tilespmem:s28+$0x9CE0];
	v30 =	vunpack.i.l.bf16.f32 v51;
	v28 =	vadd.f32 v28, v56;
	v32 =	vadd.f32 v32, v35  }
0x8e: {  	v46 =	vld [tilespmem:s28+$0x7500];
	v29 =	vadd.f32 v29, v41;
	v35 =	vunpack.i.l.bf16.f32 v52;
	v59 =	vmul.bf16 v40, v37  }
0x8f: {  	v63 =	vld [tilespmem:s28+$0x7580];
	v30 =	vadd.f32 v30, v53;
	v60 =	vmul.bf16 v60, v38;
	v36 =	vmul.bf16 v62, v36  }
0x90: {  	v55 =	vld [tilespmem:s28+$0x9DD0];
	v43 =	vmul.bf16 v43, v50;
	v35 =	vadd.f32 v35, v54;
	v24 =	vadd.f32 v24, v25  }
0x91: {  	v41 =	vld [tilespmem:s28+$0x7550];
	v33 =	vmul.bf16 v33, v42;
	v27 =	vadd.f32 v28, v27;
	v25 =	vadd.f32 v29, v32  }
0x92: {  	v52 =	vld [tilespmem:s28+$0x9D80];
	v26 =	vmul.bf16 v34, v26;
	v37 =	vunpack.i.u.bf16.f32 v59;
	v34 =	vunpack.i.l.bf16.f32 v59  }
0x93: {  	v53 =	vld [tilespmem:s28+$0x75D0];
	v62 =	vunpack.i.u.bf16.f32 v60;
	v51 =	vunpack.i.u.bf16.f32 v36;
	v36 =	vunpack.i.l.bf16.f32 v36  }
0x94: {  	v38 =	vld [tilespmem:s28+$0x7650];
	v31 =	vmul.bf16 v39, v31;
	v54 =	vunpack.i.u.bf16.f32 v43;
	v43 =	vunpack.i.l.bf16.f32 v43  }
0x95: {  	v28 =	vld [tilespmem:s28+$0x7560];
	v46 =	vmul.bf16 v57, v46;
	v57 =	vunpack.i.u.bf16.f32 v33;
	v30 =	vadd.f32 v35, v30  }
0x96: {  	v29 =	vld [tilespmem:s28+$0x9D50];
	v33 =	vunpack.i.l.bf16.f32 v33;
	v34 =	vadd.f32 v34, v37;
	v36 =	vadd.f32 v36, v51  }
0x97: {  	v32 =	vld [tilespmem:s28+$0x7570];
	v39 =	vadd.f32 v43, v54;
	v33 =	vadd.f32 v33, v57;
	v58 =	vunpack.i.u.bf16.f32 v26  }
0x98: {  	v35 =	vld [tilespmem:s28+$0x9D60];
	v26 =	vunpack.i.l.bf16.f32 v26;
	v56 =	vunpack.i.u.bf16.f32 v31;
	v31 =	vunpack.i.l.bf16.f32 v31  }
0x99: {  	v51 =	vld [tilespmem:s28+$0x7670];
	v48 =	vunpack.i.u.bf16.f32 v46;
	v46 =	vunpack.i.l.bf16.f32 v46;
	v27 =	vadd.f32 v27, v30  }
0x9a: {  	v54 =	vld [tilespmem:s28+$0x9E70];
	v26 =	vadd.f32 v26, v58;
	v30 =	vunpack.i.l.bf16.f32 v60;
	v31 =	vadd.f32 v31, v56  }
0x9b: {  	v58 =	vld [tilespmem:s28+$0x9DE0];
	v59 =	vadd.f32 v46, v48;
	v40 =	vmul.bf16 v52, v63;
	v53 =	vmul.bf16 v55, v53  }
0x9c: {  	v46 =	vld [tilespmem:s28+$0x9DF0];
	v30 =	vadd.f32 v30, v62;
	v26 =	vadd.f32 v34, v26;
	v29 =	vmul.bf16 v29, v41  }
0x9d: {  	v48 =	vld [tilespmem:s28+$0x9E60];
	v31 =	vadd.f32 v31, v39;
	v33 =	vadd.f32 v59, v33;
	v32 =	vmul.bf16 v61, v32  }
0x9e: {  	v56 =	vld [tilespmem:s28+$0x7680];
	v63 =	vunpack.i.u.bf16.f32 v40;
	v40 =	vunpack.i.l.bf16.f32 v40;
	v57 =	vunpack.i.u.bf16.f32 v53  }
0x9f: {  	v34 =	vld [tilespmem:s28+$0x7600];
	v30 =	vadd.f32 v36, v30;
	v28 =	vmul.bf16 v35, v28;
	v50 =	vadd.f32 v40, v63  }
0xa0: {  	v41 =	vld [tilespmem:s28+$0x9E50];
	v60 =	vunpack.i.u.bf16.f32 v29;
	v29 =	vunpack.i.l.bf16.f32 v29;
	v62 =	vunpack.i.u.bf16.f32 v32  }
0xa1: {  	v39 =	vld [tilespmem:s28+$0x7660];
	v32 =	vunpack.i.l.bf16.f32 v32;
	v52 =	vadd.f32 v33, v31;
	v31 =	vunpack.i.l.bf16.f32 v53  }
0xa2: {  	v59 =	vld [tilespmem:s28+$0x9E80];
	v33 =	vmul.bf16 v54, v51;
	v61 =	vunpack.i.u.bf16.f32 v28;
	v29 =	vadd.f32 v29, v60  }
0xa3: {  	v35 =	vld [tilespmem:s28+$0x9E00];
	v28 =	vunpack.i.l.bf16.f32 v28;
	v32 =	vadd.f32 v32, v62;
	v26 =	vadd.f32 v30, v26  }
0xa4: {  	v58 =	vmul.bf16 v58, v47;
	v60 =	vadd.f32 v31, v57;
	v28 =	vadd.f32 v28, v61  }
0xa5: {  	[tilespmem:$0x11680] =	vst v16;
	v61 =	vmul.bf16 v46, v49;
	v42 =	vunpack.i.u.bf16.f32 v33;
	v43 =	vunpack.i.l.bf16.f32 v33  }
0xa6: {  	[tilespmem:$0x11690] =	vst v17;
	v55 =	vadd.f32 v50, v32;
	v17 =	vunpack.i.u.bf16.f32 v58;
	v63 =	vmul.bf16 v41, v38  }
0xa7: {  	[tilespmem:$0x116A0] =	vst v19;
	v62 =	vunpack.i.l.bf16.f32 v58;
	v37 =	vmul.bf16 v48, v39;
	v32 =	vmul.bf16 v59, v56  }
0xa8: {  	[tilespmem:$0x116E0] =	vst v21;
	v21 =	vadd.f32 v43, v42;
	v28 =	vadd.f32 v28, v29;
	v16 =	vmul.bf16 v35, v34  }
0xa9: {  	[tilespmem:$0x116B0] =	vst v18;
	v17 =	vadd.f32 v62, v17;
	v35 =	vunpack.i.u.bf16.f32 v61;
	v31 =	vunpack.i.l.bf16.f32 v61  }
0xaa: {  	[tilespmem:$0x116C0] =	vst v20;
	v19 =	vadd.f32 v31, v35;
	v38 =	vunpack.i.u.bf16.f32 v63;
	v39 =	vunpack.i.l.bf16.f32 v63  }
0xab: {  	[tilespmem:$0x116D0] =	vst v22;
	v41 =	vunpack.i.u.bf16.f32 v37;
	v18 =	vunpack.i.l.bf16.f32 v37;
	v44 =	vunpack.i.u.bf16.f32 v32  }
0xac: {  	[tilespmem:$0x116F0] =	vst v23;
	v28 =	vadd.f32 v55, v28;
	v36 =	vunpack.i.u.bf16.f32 v16;
	v16 =	vunpack.i.l.bf16.f32 v16  }
0xad: {  	[tilespmem:$0x11700] =	vst v24;
	v45 =	vunpack.i.l.bf16.f32 v32;
	v20 =	vadd.f32 v39, v38;
	v16 =	vadd.f32 v16, v36  }
0xae: {  	[tilespmem:$0x11710] =	vst v25;
	v18 =	vadd.f32 v18, v41;
	v46 =	vadd.f32 v45, v44  }
0xaf: {  	[tilespmem:$0x11720] =	vst v27;
	v17 =	vadd.f32 v17, v60;
	v16 =	vadd.f32 v16, v19  }
0xb0: {  	[tilespmem:$0x11740] =	vst v52;
	v18 =	vadd.f32 v18, v20;
	v47 =	vadd.f32 v46, v21  }
0xb1: {  	[tilespmem:$0x11730] =	vst v26;
	v16 =	vadd.f32 v16, v17  }
0xb2: {  	[tilespmem:$0x11750] =	vst v28;
	v17 =	vadd.f32 v47, v18  }
0xb3: {  	[tilespmem:$0x11760] =	vst v16  }
0xb4: {  	[tilespmem:$0x11770] =	vst v17  }
0xb5: {  	v16 =	vld.idx.msk [tilespmem:v0+s17+$0x0], $0xffff  }
0xb6: {  	v17 =	vld.idx.msk [tilespmem:v1+s17+$0x0], $0xffff  }
0xb7: {  	v48 =	vld.idx.msk [tilespmem:v2+s17+$0x0], $0xffff  }
0xb8: {  	v49 =	vld.idx.msk [tilespmem:v3+s17+$0x0], $0xffff  }
0xb9: {  	v50 =	vld.idx.msk [tilespmem:v4+s17+$0x0], $0xffff  }
0xba: {  	v51 =	vld.idx.msk [tilespmem:v5+s17+$0x0], $0xffff  }
0xbb: {  	v52 =	vld.idx.msk [tilespmem:v6+s17+$0x0], $0xffff  }
0xbc: {  	v53 =	vld.idx.msk [tilespmem:v7+s17+$0x0], $0xffff  }
0xbd: {  	v24 =	vld.idx.msk [tilespmem:v8+s17+$0x0], $0xffff  }
0xbe: {  	v25 =	vld.idx.msk [tilespmem:v9+s17+$0x0], $0xffff  }
0xbf: {  	v26 =	vld.idx.msk [tilespmem:v10+s17+$0x0], $0xffff  }
0xc0: {  	v27 =	vld.idx.msk [tilespmem:v11+s17+$0x0], $0xffff  }
0xc1: {  	v28 =	vld.idx.msk [tilespmem:v12+s17+$0x0], $0xffff  }
0xc2: {  	v54 =	vld.idx.msk [tilespmem:v13+s17+$0x0], $0xffff  }
0xc3: {  	v30 =	vld.idx.msk [tilespmem:v14+s17+$0x0], $0xffff  }
0xc4: {  	v55 =	vld.idx.msk [tilespmem:v15+s17+$0x0], $0xffff;
	_ =	sdelay $0x1  }
0xc5: {  	v16 =	vadd.f32 v17, v16;
	v17 =	vadd.f32 v49, v48  }
0xc6: {  	v56 =	vadd.f32 v51, v50;
	v57 =	vadd.f32 v53, v52  }
0xc7: {  	v58 =	vadd.f32 v25, v24;
	v59 =	vadd.f32 v27, v26  }
0xc8: {  	v60 =	vadd.f32 v54, v28;
	v61 =	vadd.f32 v55, v30  }
0xc9: {  	v16 =	vadd.f32 v17, v16;
	v17 =	vadd.f32 v57, v56  }
0xca: {  	v62 =	vadd.f32 v59, v58;
	v63 =	vadd.f32 v61, v60  }
0xcb: {  	p0 =	sne.s32 s25, $0x9EC0  }
.Ltmp0:
0xcc: {  	v16 =	vadd.f32 v17, v16;
	v17 =	vadd.f32 v63, v62;
	(pc) =	sbr.rel @p0 .LBB2_3-.Ltmp0, $3  }
0xcd: {  	_ = 	snop  }
0xce: {  	v16 =	vadd.f32 v17, v16;
	_ =	sdelay $0x1  }
0xcf: {  	s25 =	sadd.s32 $0x2000, s25;
	[tilespmem:s26+$0x0] =	vst v16;
	s26 =	sadd.s32 $0x10, s26  }
0xd0: {  	s25 =	sadd.s32 $0xA0, s24  }
0xd1: {  	[tilespmem:s12], [sflag:$0x1] =	stream.indirect.gather [hbm4b:s3+s11], $0x80, s25, s11, $0xb8;
	[tilespmem:$0x11780] =	vst v63  }
0xd2: {  	s31 =	sadd.s32 $0x2820, s24  }
0xd3: {  	[tilespmem:s13], [sflag:$0x1] =	stream.indirect.gather [hbm4b:s4+s11], $0x80, s31, s11, $0xb8;
	[tilespmem:$0x11780] =	vst v63  }
0xd4: {  	_ =	swait.ge [sflag:s18], $0x2800  }
0xd5: {  	[sflag:s18] =	ssyncset.done $0x0  }
0xd6: {  	[sflag:s18] =	ssyncadd.s32 $0xFFFFD800  }
0xd7: {  	_ =	swait.ge [sflag:s18], $0x2800  }
0xd8: {  	[sflag:s18] =	ssyncset.done $0x0  }
0xd9: {  	s24 =	simm.s32 $0x1EC0;
	s25 =	smov.u32 s21;
	[sflag:s18] =	ssyncadd.s32 $0xFFFFD800  }
.LBB2_5:
0xda: {  	s26 =	sshra.s32 s24, $0x2  }
0xdb: {  	v16 =	vld [tilespmem:s26+$0xBED0]  }
0xdc: {  	v17 =	vld [tilespmem:s26+$0xE6D0]  }
0xdd: {  	v18 =	vld [tilespmem:s26+$0xBEE0]  }
0xde: {  	v19 =	vld [tilespmem:s26+$0xE6E0]  }
0xdf: {  	v20 =	vld [tilespmem:s26+$0xBEF0]  }
0xe0: {  	v21 =	vld [tilespmem:s26+$0xE6F0]  }
0xe1: {  	v22 =	vld [tilespmem:s26+$0xBF00]  }
0xe2: {  	v23 =	vld [tilespmem:s26+$0xE700]  }
0xe3: {  	v24 =	vld [tilespmem:s26+$0xBF50]  }
0xe4: {  	v25 =	vld [tilespmem:s26+$0xE750]  }
0xe5: {  	v26 =	vld [tilespmem:s26+$0xBF60]  }
0xe6: {  	v27 =	vld [tilespmem:s26+$0xE760]  }
0xe7: {  	v28 =	vld [tilespmem:s26+$0xBF70]  }
0xe8: {  	v29 =	vld [tilespmem:s26+$0xE770]  }
0xe9: {  	v30 =	vld [tilespmem:s26+$0xBF80]  }
0xea: {  	v31 =	vld [tilespmem:s26+$0xE780]  }
0xeb: {  	v32 =	vld [tilespmem:s26+$0xBFD0]  }
0xec: {  	v33 =	vld [tilespmem:s26+$0xE7D0]  }
0xed: {  	v34 =	vld [tilespmem:s26+$0xBFE0]  }
0xee: {  	v35 =	vld [tilespmem:s26+$0xE7E0]  }
0xef: {  	v36 =	vld [tilespmem:s26+$0xBFF0]  }
0xf0: {  	v37 =	vld [tilespmem:s26+$0xE7F0]  }
0xf1: {  	v38 =	vld [tilespmem:s26+$0xC000]  }
0xf2: {  	v39 =	vld [tilespmem:s26+$0xE800]  }
0xf3: {  	v40 =	vld [tilespmem:s26+$0xC050]  }
0xf4: {  	v41 =	vld [tilespmem:s26+$0xE850]  }
0xf5: {  	v42 =	vld [tilespmem:s26+$0xC060]  }
0xf6: {  	v43 =	vld [tilespmem:s26+$0xE860]  }
0xf7: {  	v44 =	vld [tilespmem:s26+$0xC070]  }
0xf8: {  	v45 =	vld [tilespmem:s26+$0xE870]  }
0xf9: {  	v46 =	vld [tilespmem:s26+$0xC080]  }
0xfa: {  	v47 =	vld [tilespmem:s26+$0xE880]  }
0xfb: {  	v50 =	vld [tilespmem:s26+$0xC0F0]  }
0xfc: {  	v51 =	vld [tilespmem:s26+$0xE960]  }
0xfd: {  	v16 =	vmul.bf16 v17, v16;
	v17 =	vmul.bf16 v19, v18;
	v18 =	vld [tilespmem:s26+$0xC0D0]  }
0xfe: {  	v20 =	vmul.bf16 v21, v20;
	v21 =	vld [tilespmem:s26+$0xE8D0]  }
0xff: {  	v22 =	vmul.bf16 v23, v22;
	v23 =	vld [tilespmem:s26+$0xC0E0]  }
0x100: {  	v24 =	vmul.bf16 v25, v24;
	v25 =	vld [tilespmem:s26+$0xC100]  }
0x101: {  	v59 =	vmul.bf16 v29, v28;
	v28 =	vld [tilespmem:s26+$0xC150]  }
0x102: {  	v30 =	vmul.bf16 v31, v30;
	v31 =	vld [tilespmem:s26+$0xE950]  }
0x103: {  	v57 =	vmul.bf16 v27, v26;
	v29 =	vld [tilespmem:s26+$0xC160]  }
0x104: {  	v34 =	vmul.bf16 v35, v34;
	v35 =	vld [tilespmem:s26+$0xE980];
	v53 =	vmul.bf16 v37, v36  }
0x105: {  	v37 =	vld [tilespmem:s26+$0xE9D0];
	v40 =	vmul.bf16 v41, v40;
	v46 =	vmul.bf16 v47, v46;
	v54 =	vunpack.i.u.bf16.f32 v16  }
0x106: {  	v41 =	vld [tilespmem:s26+$0xE9E0];
	v16 =	vunpack.i.l.bf16.f32 v16;
	v48 =	vunpack.i.u.bf16.f32 v17;
	v17 =	vunpack.i.l.bf16.f32 v17  }
0x107: {  	v47 =	vld [tilespmem:s26+$0xC200];
	v55 =	vunpack.i.u.bf16.f32 v20;
	v20 =	vunpack.i.l.bf16.f32 v20;
	v49 =	vunpack.i.u.bf16.f32 v22  }
0x108: {  	v22 =	vunpack.i.l.bf16.f32 v22;
	v58 =	vunpack.i.u.bf16.f32 v24;
	v17 =	vadd.f32 v17, v48;
	v48 =	vld [tilespmem:s26+$0xE8E0]  }
0x109: {  	v24 =	vunpack.i.l.bf16.f32 v24;
	v60 =	vunpack.i.u.bf16.f32 v57;
	v56 =	vadd.f32 v22, v49;
	v22 =	vld [tilespmem:s26+$0xE8F0]  }
0x10a: {  	v62 =	vunpack.i.u.bf16.f32 v30;
	v30 =	vunpack.i.l.bf16.f32 v30;
	v19 =	vadd.f32 v20, v55;
	v20 =	vld [tilespmem:s26+$0xE900]  }
0x10b: {  	v61 =	vunpack.i.u.bf16.f32 v59;
	v27 =	vunpack.i.l.bf16.f32 v59;
	v63 =	vadd.f32 v30, v62;
	v30 =	vld [tilespmem:s26+$0xC170]  }
0x10c: {  	v59 =	vunpack.i.u.bf16.f32 v40;
	v16 =	vadd.f32 v16, v54;
	v26 =	vadd.f32 v27, v61;
	v27 =	vld [tilespmem:s26+$0xC1D0]  }
0x10d: {  	v40 =	vunpack.i.l.bf16.f32 v40;
	v24 =	vadd.f32 v24, v58;
	v55 =	vmul.bf16 v39, v38;
	v38 =	vld [tilespmem:s26+$0xC1E0]  }
0x10e: {  	v54 =	vunpack.i.u.bf16.f32 v34;
	v16 =	vadd.f32 v17, v16;
	v49 =	vadd.f32 v63, v26;
	v26 =	vld [tilespmem:s26+$0xC180]  }
0x10f: {  	v39 =	vunpack.i.u.bf16.f32 v55;
	v36 =	vunpack.i.l.bf16.f32 v55;
	v18 =	vmul.bf16 v21, v18;
	v21 =	vld [tilespmem:s26+$0xC260]  }
0x110: {  	v17 =	vadd.f32 v56, v19;
	v19 =	vunpack.i.l.bf16.f32 v57;
	v57 =	vadd.f32 v36, v39;
	v39 =	vld [tilespmem:s26+$0xC1F0]  }
0x111: {  	v34 =	vunpack.i.l.bf16.f32 v34;
	v19 =	vadd.f32 v19, v60;
	v60 =	vmul.bf16 v45, v44;
	v44 =	vld [tilespmem:s26+$0xE9F0]  }
0x112: {  	v58 =	vmul.bf16 v43, v42;
	v56 =	vunpack.i.u.bf16.f32 v53;
	v63 =	vunpack.i.u.bf16.f32 v46;
	v45 =	vld [tilespmem:s26+$0xEA00]  }
0x113: {  	v46 =	vunpack.i.l.bf16.f32 v46;
	v16 =	vadd.f32 v17, v16;
	v17 =	vmul.bf16 v33, v32;
	v32 =	vld [tilespmem:s26+$0xE970]  }
0x114: {  	v19 =	vadd.f32 v19, v24;
	v24 =	vunpack.i.l.bf16.f32 v53;
	v53 =	vadd.f32 v46, v63;
	v46 =	vld [tilespmem:s26+$0xEA50]  }
0x115: {  	v40 =	vadd.f32 v40, v59;
	v61 =	vunpack.i.u.bf16.f32 v58;
	v20 =	vmul.bf16 v20, v25;
	v25 =	vld [tilespmem:s26+$0xEA70]  }
0x116: {  	v29 =	vmul.bf16 v51, v29;
	v36 =	vunpack.i.l.bf16.f32 v58;
	v23 =	vmul.bf16 v48, v23;
	v48 =	vld [tilespmem:s26+$0xC2D0]  }
0x117: {  	v62 =	vunpack.i.u.bf16.f32 v60;
	v43 =	vunpack.i.l.bf16.f32 v60;
	v60 =	vmul.bf16 v31, v28;
	v28 =	vld [tilespmem:s26+$0xEAD0]  }
0x118: {  	v36 =	vadd.f32 v36, v61;
	v22 =	vmul.bf16 v22, v50;
	v31 =	vld [tilespmem:s26+$0xC2E0];
	v63 =	vunpack.i.u.bf16.f32 v29  }
0x119: {  	v29 =	vunpack.i.l.bf16.f32 v29;
	v27 =	vmul.bf16 v37, v27;
	v37 =	vld [tilespmem:s26+$0xEB00];
	v52 =	vunpack.i.u.bf16.f32 v17  }
0x11a: {  	v33 =	vunpack.i.l.bf16.f32 v17;
	v24 =	vadd.f32 v24, v56;
	v42 =	vadd.f32 v43, v62;
	v43 =	vld [tilespmem:s26+$0xC280]  }
0x11b: {  	v56 =	vunpack.i.u.bf16.f32 v18;
	v17 =	vadd.f32 v49, v19;
	v19 =	vadd.f32 v33, v52;
	v52 =	vld [tilespmem:s26+$0xC250]  }
0x11c: {  	v18 =	vunpack.i.l.bf16.f32 v18;
	v33 =	vadd.f32 v34, v54;
	v54 =	vadd.f32 v36, v40;
	v36 =	vld [tilespmem:s26+$0xEA60]  }
0x11d: {  	v50 =	vmul.bf16 v41, v38;
	v29 =	vadd.f32 v29, v63;
	v40 =	vadd.f32 v18, v56;
	v49 =	vld [tilespmem:s26+$0xEA80]  }
0x11e: {  	v58 =	vunpack.i.u.bf16.f32 v22;
	v22 =	vunpack.i.l.bf16.f32 v22;
	v59 =	vunpack.i.u.bf16.f32 v20;
	v34 =	vld [tilespmem:s26+$0xC300]  }
0x11f: {  	v20 =	vunpack.i.l.bf16.f32 v20;
	v61 =	vunpack.i.u.bf16.f32 v60;
	v55 =	vadd.f32 v53, v42;
	v42 =	vld [tilespmem:s26+$0xC270]  }
0x120: {  	v26 =	vmul.bf16 v35, v26;
	v51 =	vunpack.i.u.bf16.f32 v27;
	v53 =	vmul.bf16 v45, v47;
	v45 =	vld [tilespmem:s26+$0xC360]  }
0x121: {  	v27 =	vunpack.i.l.bf16.f32 v27;
	v41 =	vunpack.i.u.bf16.f32 v50;
	v19 =	vadd.f32 v33, v19;
	v33 =	vld [tilespmem:s26+$0xEAE0]  }
0x122: {  	v24 =	vadd.f32 v57, v24;
	v22 =	vadd.f32 v22, v58;
	v62 =	vmul.bf16 v32, v30;
	v32 =	vld [tilespmem:s26+$0xEAF0]  }
0x123: {  	v35 =	vunpack.i.u.bf16.f32 v26;
	v26 =	vunpack.i.l.bf16.f32 v26;
	v30 =	vunpack.i.l.bf16.f32 v50;
	v50 =	vld [tilespmem:s26+$0xC370]  }
0x124: {  	v57 =	vunpack.i.u.bf16.f32 v23;
	v20 =	vadd.f32 v20, v59;
	v26 =	vadd.f32 v26, v35;
	v35 =	vld [tilespmem:s26+$0xC350]  }
0x125: {  	v39 =	vmul.bf16 v44, v39;
	v18 =	vadd.f32 v55, v54;
	v30 =	vadd.f32 v30, v41;
	v41 =	vld [tilespmem:s26+$0xEB60]  }
0x126: {  	v47 =	vunpack.i.u.bf16.f32 v53;
	v44 =	vunpack.i.l.bf16.f32 v53;
	v63 =	vmul.bf16 v28, v48;
	v28 =	vld [tilespmem:s26+$0xC400]  }
0x127: {  	v54 =	vunpack.i.u.bf16.f32 v39;
	v39 =	vunpack.i.l.bf16.f32 v39;
	v55 =	vadd.f32 v44, v47;
	v44 =	vld [tilespmem:s26+$0xEB70]  }
0x128: {  	v23 =	vunpack.i.l.bf16.f32 v23;
	v27 =	vadd.f32 v27, v51;
	v38 =	vadd.f32 v39, v54;
	v39 =	vld [tilespmem:s26+$0xC3D0]  }
0x129: {  	v23 =	vadd.f32 v23, v57;
	v19 =	vadd.f32 v24, v19;
	v24 =	vunpack.i.l.bf16.f32 v60;
	v47 =	vld [tilespmem:s26+$0xC3F0]  }
0x12a: {  	v20 =	vadd.f32 v20, v22;
	v22 =	vadd.f32 v24, v61;
	v24 =	vld [tilespmem:s26+$0xC2F0]  }
0x12b: {  	v23 =	vadd.f32 v23, v40;
	v21 =	vmul.bf16 v36, v21;
	v36 =	vld [tilespmem:s26+$0xEB80]  }
0x12c: {  	v40 =	vunpack.i.u.bf16.f32 v62;
	v56 =	vmul.bf16 v46, v52;
	v27 =	vadd.f32 v30, v27;
	v46 =	vld [tilespmem:s26+$0xEBD0]  }
0x12d: {  	v43 =	vmul.bf16 v49, v43;
	v49 =	vld [tilespmem:s26+$0xEBE0];
	v48 =	vunpack.i.u.bf16.f32 v63;
	v51 =	vunpack.i.l.bf16.f32 v63  }
0x12e: {  	v53 =	vmul.bf16 v37, v34;
	v34 =	vld [tilespmem:s26+$0xEC50];
	v20 =	vadd.f32 v20, v23;
	v23 =	vunpack.i.l.bf16.f32 v62  }
0x12f: {  	v37 =	vld [tilespmem:s26+$0xC460];
	v57 =	vadd.f32 v55, v38;
	v25 =	vmul.bf16 v25, v42;
	v23 =	vadd.f32 v23, v40  }
0x130: {  	v42 =	vld [tilespmem:s26+$0xC3E0];
	v22 =	vadd.f32 v29, v22;
	v58 =	vunpack.i.u.bf16.f32 v56;
	v59 =	vunpack.i.u.bf16.f32 v21  }
0x131: {  	v38 =	vld [tilespmem:s26+$0xC470];
	v21 =	vunpack.i.l.bf16.f32 v21;
	v62 =	vunpack.i.u.bf16.f32 v43;
	v43 =	vunpack.i.l.bf16.f32 v43  }
0x132: {  	v40 =	vld [tilespmem:s26+$0xEB50];
	v31 =	vmul.bf16 v33, v31;
	v55 =	vunpack.i.u.bf16.f32 v53;
	v60 =	vadd.f32 v21, v59  }
0x133: {  	v29 =	vld [tilespmem:s26+$0xC380];
	v61 =	vunpack.i.u.bf16.f32 v25;
	v25 =	vunpack.i.l.bf16.f32 v25;
	v43 =	vadd.f32 v43, v62  }
0x134: {  	v33 =	vld [tilespmem:s26+$0xEC00];
	v21 =	vadd.f32 v57, v27;
	v57 =	vmul.bf16 v41, v45;
	v23 =	vadd.f32 v26, v23  }
0x135: {  	v27 =	vld [tilespmem:s26+$0xEBF0];
	v26 =	vunpack.i.l.bf16.f32 v56;
	v25 =	vadd.f32 v25, v61;
	v52 =	vunpack.i.u.bf16.f32 v31  }
0x136: {  	v62 =	vld [tilespmem:s26+$0xEC80];
	v31 =	vunpack.i.l.bf16.f32 v31;
	v59 =	vmul.bf16 v44, v50;
	v26 =	vadd.f32 v26, v58  }
0x137: {  	v50 =	vld [tilespmem:s26+$0xC4D0];
	v24 =	vmul.bf16 v32, v24;
	v30 =	vadd.f32 v31, v52;
	v32 =	vunpack.i.l.bf16.f32 v53  }
0x138: {  	v45 =	vunpack.i.u.bf16.f32 v57;
	v31 =	vld [tilespmem:s26+$0xC4E0];
	v22 =	vadd.f32 v23, v22;
	v25 =	vadd.f32 v43, v25  }
0x139: {  	v56 =	vadd.f32 v32, v55;
	v32 =	vunpack.i.l.bf16.f32 v57;
	v52 =	vmul.bf16 v49, v42;
	v42 =	vld [tilespmem:s26+$0xC4F0]  }
0x13a: {  	v61 =	vunpack.i.u.bf16.f32 v59;
	v43 =	vunpack.i.l.bf16.f32 v59;
	v57 =	vld [tilespmem:s26+$0xED00];
	v26 =	vadd.f32 v60, v26  }
0x13b: {  	v49 =	vld [tilespmem:s26+$0xC5F0];
	v54 =	vunpack.i.u.bf16.f32 v24;
	v24 =	vunpack.i.l.bf16.f32 v24;
	v35 =	vmul.bf16 v40, v35  }
0x13c: {  	v40 =	vld [tilespmem:s26+$0xEC60];
	v29 =	vmul.bf16 v36, v29;
	v32 =	vadd.f32 v32, v45;
	v41 =	vadd.f32 v43, v61  }
0x13d: {  	v60 =	vld [tilespmem:s26+$0xEC70];
	v28 =	vmul.bf16 v33, v28;
	v24 =	vadd.f32 v24, v54;
	v27 =	vmul.bf16 v27, v47  }
0x13e: {  	v36 =	vld [tilespmem:s26+$0xC480];
	v54 =	vunpack.i.u.bf16.f32 v52;
	v23 =	vadd.f32 v25, v26;
	v25 =	vadd.f32 v51, v48  }
0x13f: {  	v43 =	vld [tilespmem:s26+$0xECD0];
	v58 =	vunpack.i.u.bf16.f32 v35;
	v35 =	vunpack.i.l.bf16.f32 v35;
	v63 =	vunpack.i.u.bf16.f32 v29  }
0x140: {  	v33 =	vld [tilespmem:s26+$0xECF0];
	v29 =	vunpack.i.l.bf16.f32 v29;
	v51 =	vmul.bf16 v46, v39;
	v35 =	vadd.f32 v35, v58  }
0x141: {  	v61 =	vld [tilespmem:s26+$0xED70];
	v29 =	vadd.f32 v29, v63;
	v24 =	vadd.f32 v56, v24;
	v55 =	vunpack.i.u.bf16.f32 v27  }
0x142: {  	v47 =	vld [tilespmem:s26+$0xC5E0];
	v27 =	vunpack.i.l.bf16.f32 v27;
	v56 =	vunpack.i.u.bf16.f32 v28;
	v28 =	vunpack.i.l.bf16.f32 v28  }
0x143: {  	v26 =	vld [tilespmem:s26+$0xC450];
	v25 =	vadd.f32 v30, v25;
	v53 =	vunpack.i.u.bf16.f32 v51;
	v27 =	vadd.f32 v27, v55  }
0x144: {  	v39 =	vld [tilespmem:s26+$0xECE0];
	v30 =	vunpack.i.l.bf16.f32 v51;
	v28 =	vadd.f32 v28, v56;
	v32 =	vadd.f32 v32, v35  }
0x145: {  	v46 =	vld [tilespmem:s26+$0xC500];
	v29 =	vadd.f32 v29, v41;
	v35 =	vunpack.i.l.bf16.f32 v52;
	v59 =	vmul.bf16 v40, v37  }
0x146: {  	v63 =	vld [tilespmem:s26+$0xC580];
	v30 =	vadd.f32 v30, v53;
	v60 =	vmul.bf16 v60, v38;
	v36 =	vmul.bf16 v62, v36  }
0x147: {  	v55 =	vld [tilespmem:s26+$0xEDD0];
	v43 =	vmul.bf16 v43, v50;
	v35 =	vadd.f32 v35, v54;
	v24 =	vadd.f32 v24, v25  }
0x148: {  	v41 =	vld [tilespmem:s26+$0xC550];
	v33 =	vmul.bf16 v33, v42;
	v27 =	vadd.f32 v28, v27;
	v25 =	vadd.f32 v29, v32  }
0x149: {  	v52 =	vld [tilespmem:s26+$0xED80];
	v26 =	vmul.bf16 v34, v26;
	v37 =	vunpack.i.u.bf16.f32 v59;
	v34 =	vunpack.i.l.bf16.f32 v59  }
0x14a: {  	v53 =	vld [tilespmem:s26+$0xC5D0];
	v62 =	vunpack.i.u.bf16.f32 v60;
	v51 =	vunpack.i.u.bf16.f32 v36;
	v36 =	vunpack.i.l.bf16.f32 v36  }
0x14b: {  	v38 =	vld [tilespmem:s26+$0xC650];
	v31 =	vmul.bf16 v39, v31;
	v54 =	vunpack.i.u.bf16.f32 v43;
	v43 =	vunpack.i.l.bf16.f32 v43  }
0x14c: {  	v28 =	vld [tilespmem:s26+$0xC560];
	v46 =	vmul.bf16 v57, v46;
	v57 =	vunpack.i.u.bf16.f32 v33;
	v30 =	vadd.f32 v35, v30  }
0x14d: {  	v29 =	vld [tilespmem:s26+$0xED50];
	v33 =	vunpack.i.l.bf16.f32 v33;
	v34 =	vadd.f32 v34, v37;
	v36 =	vadd.f32 v36, v51  }
0x14e: {  	v32 =	vld [tilespmem:s26+$0xC570];
	v39 =	vadd.f32 v43, v54;
	v33 =	vadd.f32 v33, v57;
	v58 =	vunpack.i.u.bf16.f32 v26  }
0x14f: {  	v35 =	vld [tilespmem:s26+$0xED60];
	v26 =	vunpack.i.l.bf16.f32 v26;
	v56 =	vunpack.i.u.bf16.f32 v31;
	v31 =	vunpack.i.l.bf16.f32 v31  }
0x150: {  	v51 =	vld [tilespmem:s26+$0xC670];
	v48 =	vunpack.i.u.bf16.f32 v46;
	v46 =	vunpack.i.l.bf16.f32 v46;
	v27 =	vadd.f32 v27, v30  }
0x151: {  	v54 =	vld [tilespmem:s26+$0xEE70];
	v26 =	vadd.f32 v26, v58;
	v30 =	vunpack.i.l.bf16.f32 v60;
	v31 =	vadd.f32 v31, v56  }
0x152: {  	v58 =	vld [tilespmem:s26+$0xEDE0];
	v59 =	vadd.f32 v46, v48;
	v40 =	vmul.bf16 v52, v63;
	v53 =	vmul.bf16 v55, v53  }
0x153: {  	v46 =	vld [tilespmem:s26+$0xEDF0];
	v30 =	vadd.f32 v30, v62;
	v26 =	vadd.f32 v34, v26;
	v29 =	vmul.bf16 v29, v41  }
0x154: {  	v48 =	vld [tilespmem:s26+$0xEE60];
	v31 =	vadd.f32 v31, v39;
	v33 =	vadd.f32 v59, v33;
	v32 =	vmul.bf16 v61, v32  }
0x155: {  	v56 =	vld [tilespmem:s26+$0xC680];
	v63 =	vunpack.i.u.bf16.f32 v40;
	v40 =	vunpack.i.l.bf16.f32 v40;
	v57 =	vunpack.i.u.bf16.f32 v53  }
0x156: {  	v34 =	vld [tilespmem:s26+$0xC600];
	v30 =	vadd.f32 v36, v30;
	v28 =	vmul.bf16 v35, v28;
	v50 =	vadd.f32 v40, v63  }
0x157: {  	v41 =	vld [tilespmem:s26+$0xEE50];
	v60 =	vunpack.i.u.bf16.f32 v29;
	v29 =	vunpack.i.l.bf16.f32 v29;
	v62 =	vunpack.i.u.bf16.f32 v32  }
0x158: {  	v39 =	vld [tilespmem:s26+$0xC660];
	v32 =	vunpack.i.l.bf16.f32 v32;
	v52 =	vadd.f32 v33, v31;
	v31 =	vunpack.i.l.bf16.f32 v53  }
0x159: {  	v59 =	vld [tilespmem:s26+$0xEE80];
	v33 =	vmul.bf16 v54, v51;
	v61 =	vunpack.i.u.bf16.f32 v28;
	v29 =	vadd.f32 v29, v60  }
0x15a: {  	v35 =	vld [tilespmem:s26+$0xEE00];
	v28 =	vunpack.i.l.bf16.f32 v28;
	v32 =	vadd.f32 v32, v62;
	v26 =	vadd.f32 v30, v26  }
0x15b: {  	v58 =	vmul.bf16 v58, v47;
	v60 =	vadd.f32 v31, v57;
	v28 =	vadd.f32 v28, v61  }
0x15c: {  	[tilespmem:$0x11680] =	vst v16;
	v61 =	vmul.bf16 v46, v49;
	v42 =	vunpack.i.u.bf16.f32 v33;
	v43 =	vunpack.i.l.bf16.f32 v33  }
0x15d: {  	[tilespmem:$0x11690] =	vst v17;
	v55 =	vadd.f32 v50, v32;
	v17 =	vunpack.i.u.bf16.f32 v58;
	v63 =	vmul.bf16 v41, v38  }
0x15e: {  	[tilespmem:$0x116A0] =	vst v19;
	v62 =	vunpack.i.l.bf16.f32 v58;
	v37 =	vmul.bf16 v48, v39;
	v32 =	vmul.bf16 v59, v56  }
0x15f: {  	[tilespmem:$0x116E0] =	vst v21;
	v21 =	vadd.f32 v43, v42;
	v28 =	vadd.f32 v28, v29;
	v16 =	vmul.bf16 v35, v34  }
0x160: {  	[tilespmem:$0x116B0] =	vst v18;
	v17 =	vadd.f32 v62, v17;
	v35 =	vunpack.i.u.bf16.f32 v61;
	v31 =	vunpack.i.l.bf16.f32 v61  }
0x161: {  	[tilespmem:$0x116C0] =	vst v20;
	v19 =	vadd.f32 v31, v35;
	v38 =	vunpack.i.u.bf16.f32 v63;
	v39 =	vunpack.i.l.bf16.f32 v63  }
0x162: {  	[tilespmem:$0x116D0] =	vst v22;
	v41 =	vunpack.i.u.bf16.f32 v37;
	v18 =	vunpack.i.l.bf16.f32 v37;
	v44 =	vunpack.i.u.bf16.f32 v32  }
0x163: {  	[tilespmem:$0x116F0] =	vst v23;
	v28 =	vadd.f32 v55, v28;
	v36 =	vunpack.i.u.bf16.f32 v16;
	v16 =	vunpack.i.l.bf16.f32 v16  }
0x164: {  	[tilespmem:$0x11700] =	vst v24;
	v45 =	vunpack.i.l.bf16.f32 v32;
	v20 =	vadd.f32 v39, v38;
	v16 =	vadd.f32 v16, v36  }
0x165: {  	[tilespmem:$0x11710] =	vst v25;
	v18 =	vadd.f32 v18, v41;
	v46 =	vadd.f32 v45, v44  }
0x166: {  	[tilespmem:$0x11720] =	vst v27;
	v17 =	vadd.f32 v17, v60;
	v16 =	vadd.f32 v16, v19  }
0x167: {  	[tilespmem:$0x11740] =	vst v52;
	v18 =	vadd.f32 v18, v20;
	v47 =	vadd.f32 v46, v21  }
0x168: {  	[tilespmem:$0x11730] =	vst v26;
	v16 =	vadd.f32 v16, v17  }
0x169: {  	[tilespmem:$0x11750] =	vst v28;
	v17 =	vadd.f32 v47, v18  }
0x16a: {  	[tilespmem:$0x11760] =	vst v16  }
0x16b: {  	[tilespmem:$0x11770] =	vst v17  }
0x16c: {  	v16 =	vld.idx.msk [tilespmem:v0+s17+$0x0], $0xffff  }
0x16d: {  	v17 =	vld.idx.msk [tilespmem:v1+s17+$0x0], $0xffff  }
0x16e: {  	v48 =	vld.idx.msk [tilespmem:v2+s17+$0x0], $0xffff  }
0x16f: {  	v49 =	vld.idx.msk [tilespmem:v3+s17+$0x0], $0xffff  }
0x170: {  	v50 =	vld.idx.msk [tilespmem:v4+s17+$0x0], $0xffff  }
0x171: {  	v51 =	vld.idx.msk [tilespmem:v5+s17+$0x0], $0xffff  }
0x172: {  	v52 =	vld.idx.msk [tilespmem:v6+s17+$0x0], $0xffff  }
0x173: {  	v53 =	vld.idx.msk [tilespmem:v7+s17+$0x0], $0xffff  }
0x174: {  	v24 =	vld.idx.msk [tilespmem:v8+s17+$0x0], $0xffff  }
0x175: {  	v25 =	vld.idx.msk [tilespmem:v9+s17+$0x0], $0xffff  }
0x176: {  	v26 =	vld.idx.msk [tilespmem:v10+s17+$0x0], $0xffff  }
0x177: {  	v27 =	vld.idx.msk [tilespmem:v11+s17+$0x0], $0xffff  }
0x178: {  	v28 =	vld.idx.msk [tilespmem:v12+s17+$0x0], $0xffff  }
0x179: {  	v54 =	vld.idx.msk [tilespmem:v13+s17+$0x0], $0xffff  }
0x17a: {  	v30 =	vld.idx.msk [tilespmem:v14+s17+$0x0], $0xffff  }
0x17b: {  	v55 =	vld.idx.msk [tilespmem:v15+s17+$0x0], $0xffff;
	_ =	sdelay $0x1  }
0x17c: {  	v16 =	vadd.f32 v17, v16;
	v17 =	vadd.f32 v49, v48  }
0x17d: {  	v56 =	vadd.f32 v51, v50;
	v57 =	vadd.f32 v53, v52  }
0x17e: {  	v58 =	vadd.f32 v25, v24;
	v59 =	vadd.f32 v27, v26  }
0x17f: {  	v60 =	vadd.f32 v54, v28;
	v61 =	vadd.f32 v55, v30  }
0x180: {  	v16 =	vadd.f32 v17, v16;
	v17 =	vadd.f32 v57, v56  }
0x181: {  	v62 =	vadd.f32 v59, v58;
	v63 =	vadd.f32 v61, v60  }
0x182: {  	p0 =	sne.s32 s24, $0x9EC0  }
.Ltmp1:
0x183: {  	v16 =	vadd.f32 v17, v16;
	v17 =	vadd.f32 v63, v62;
	(pc) =	sbr.rel @p0 .LBB2_5-.Ltmp1, $3  }
0x184: {  	_ = 	snop  }
0x185: {  	v16 =	vadd.f32 v17, v16;
	_ =	sdelay $0x1  }
0x186: {  	s24 =	sadd.s32 $0x2000, s24;
	[tilespmem:s25+$0x0] =	vst v16;
	s25 =	sadd.s32 $0x10, s25  }
0x187: {  	s23 =	sadd.s32 $0x1, s23  }
0x188: {  	p0 =	sne.s32 s23, $0x3E  }
.Ltmp2:
0x189: {  	_ = 	snop;
	(pc) =	sbr.rel @p0 .LBB2_2-.Ltmp2, $2  }
0x18a: {  	_ =	sdelay $0x2  }
0x18b: {  	s22 =	sadd.s32 $0xA0, s22;
	s21 =	sadd.s32 $0xA0, s21  }
0x18c: {  	_ =	swait.ge [sflag:s16], $0x2800  }
0x18d: {  	[sflag:s16] =	ssyncset.done $0x0  }
0x18e: {  	[sflag:s16] =	ssyncadd.s32 $0xFFFFD800  }
0x18f: {  	_ =	swait.ge [sflag:s16], $0x2800  }
0x190: {  	[sflag:s16] =	ssyncset.done $0x0  }
0x191: {  	s21 =	simm.s32 $0x1EC0;
	s22 =	simm.s32 $0x75C0;
	[sflag:s16] =	ssyncadd.s32 $0xFFFFD800  }
.LBB2_8:
0x192: {  	s23 =	sshra.s32 s21, $0x2  }
0x193: {  	v16 =	vld [tilespmem:s23+$0x6ED0]  }
0x194: {  	v17 =	vld [tilespmem:s23+$0x96D0]  }
0x195: {  	v18 =	vld [tilespmem:s23+$0x6EE0]  }
0x196: {  	v19 =	vld [tilespmem:s23+$0x96E0]  }
0x197: {  	v20 =	vld [tilespmem:s23+$0x6EF0]  }
0x198: {  	v21 =	vld [tilespmem:s23+$0x96F0]  }
0x199: {  	v22 =	vld [tilespmem:s23+$0x6F00]  }
0x19a: {  	v23 =	vld [tilespmem:s23+$0x9700]  }
0x19b: {  	v24 =	vld [tilespmem:s23+$0x6F50]  }
0x19c: {  	v25 =	vld [tilespmem:s23+$0x9750]  }
0x19d: {  	v26 =	vld [tilespmem:s23+$0x6F60]  }
0x19e: {  	v27 =	vld [tilespmem:s23+$0x9760]  }
0x19f: {  	v28 =	vld [tilespmem:s23+$0x6F70]  }
0x1a0: {  	v29 =	vld [tilespmem:s23+$0x9770]  }
0x1a1: {  	v30 =	vld [tilespmem:s23+$0x6F80]  }
0x1a2: {  	v31 =	vld [tilespmem:s23+$0x9780]  }
0x1a3: {  	v32 =	vld [tilespmem:s23+$0x6FD0]  }
0x1a4: {  	v33 =	vld [tilespmem:s23+$0x97D0]  }
0x1a5: {  	v34 =	vld [tilespmem:s23+$0x6FE0]  }
0x1a6: {  	v35 =	vld [tilespmem:s23+$0x97E0]  }
0x1a7: {  	v36 =	vld [tilespmem:s23+$0x6FF0]  }
0x1a8: {  	v37 =	vld [tilespmem:s23+$0x97F0]  }
0x1a9: {  	v38 =	vld [tilespmem:s23+$0x7000]  }
0x1aa: {  	v39 =	vld [tilespmem:s23+$0x9800]  }
0x1ab: {  	v40 =	vld [tilespmem:s23+$0x7050]  }
0x1ac: {  	v41 =	vld [tilespmem:s23+$0x9850]  }
0x1ad: {  	v42 =	vld [tilespmem:s23+$0x7060]  }
0x1ae: {  	v43 =	vld [tilespmem:s23+$0x9860]  }
0x1af: {  	v44 =	vld [tilespmem:s23+$0x7070]  }
0x1b0: {  	v45 =	vld [tilespmem:s23+$0x9870]  }
0x1b1: {  	v46 =	vld [tilespmem:s23+$0x7080]  }
0x1b2: {  	v47 =	vld [tilespmem:s23+$0x9880]  }
0x1b3: {  	v50 =	vld [tilespmem:s23+$0x70F0]  }
0x1b4: {  	v51 =	vld [tilespmem:s23+$0x9960]  }
0x1b5: {  	v16 =	vmul.bf16 v17, v16;
	v17 =	vmul.bf16 v19, v18;
	v18 =	vld [tilespmem:s23+$0x70D0]  }
0x1b6: {  	v20 =	vmul.bf16 v21, v20;
	v21 =	vld [tilespmem:s23+$0x98D0]  }
0x1b7: {  	v22 =	vmul.bf16 v23, v22;
	v23 =	vld [tilespmem:s23+$0x70E0]  }
0x1b8: {  	v24 =	vmul.bf16 v25, v24;
	v25 =	vld [tilespmem:s23+$0x7100]  }
0x1b9: {  	v59 =	vmul.bf16 v29, v28;
	v28 =	vld [tilespmem:s23+$0x7150]  }
0x1ba: {  	v30 =	vmul.bf16 v31, v30;
	v31 =	vld [tilespmem:s23+$0x9950]  }
0x1bb: {  	v57 =	vmul.bf16 v27, v26;
	v29 =	vld [tilespmem:s23+$0x7160]  }
0x1bc: {  	v34 =	vmul.bf16 v35, v34;
	v35 =	vld [tilespmem:s23+$0x9980];
	v53 =	vmul.bf16 v37, v36  }
0x1bd: {  	v37 =	vld [tilespmem:s23+$0x99D0];
	v40 =	vmul.bf16 v41, v40;
	v46 =	vmul.bf16 v47, v46;
	v54 =	vunpack.i.u.bf16.f32 v16  }
0x1be: {  	v41 =	vld [tilespmem:s23+$0x99E0];
	v16 =	vunpack.i.l.bf16.f32 v16;
	v48 =	vunpack.i.u.bf16.f32 v17;
	v17 =	vunpack.i.l.bf16.f32 v17  }
0x1bf: {  	v47 =	vld [tilespmem:s23+$0x7200];
	v55 =	vunpack.i.u.bf16.f32 v20;
	v20 =	vunpack.i.l.bf16.f32 v20;
	v49 =	vunpack.i.u.bf16.f32 v22  }
0x1c0: {  	v22 =	vunpack.i.l.bf16.f32 v22;
	v58 =	vunpack.i.u.bf16.f32 v24;
	v17 =	vadd.f32 v17, v48;
	v48 =	vld [tilespmem:s23+$0x98E0]  }
0x1c1: {  	v24 =	vunpack.i.l.bf16.f32 v24;
	v60 =	vunpack.i.u.bf16.f32 v57;
	v56 =	vadd.f32 v22, v49;
	v22 =	vld [tilespmem:s23+$0x98F0]  }
0x1c2: {  	v62 =	vunpack.i.u.bf16.f32 v30;
	v30 =	vunpack.i.l.bf16.f32 v30;
	v19 =	vadd.f32 v20, v55;
	v20 =	vld [tilespmem:s23+$0x9900]  }
0x1c3: {  	v61 =	vunpack.i.u.bf16.f32 v59;
	v27 =	vunpack.i.l.bf16.f32 v59;
	v63 =	vadd.f32 v30, v62;
	v30 =	vld [tilespmem:s23+$0x7170]  }
0x1c4: {  	v59 =	vunpack.i.u.bf16.f32 v40;
	v16 =	vadd.f32 v16, v54;
	v26 =	vadd.f32 v27, v61;
	v27 =	vld [tilespmem:s23+$0x71D0]  }
0x1c5: {  	v40 =	vunpack.i.l.bf16.f32 v40;
	v24 =	vadd.f32 v24, v58;
	v55 =	vmul.bf16 v39, v38;
	v38 =	vld [tilespmem:s23+$0x71E0]  }
0x1c6: {  	v54 =	vunpack.i.u.bf16.f32 v34;
	v16 =	vadd.f32 v17, v16;
	v49 =	vadd.f32 v63, v26;
	v26 =	vld [tilespmem:s23+$0x7180]  }
0x1c7: {  	v39 =	vunpack.i.u.bf16.f32 v55;
	v36 =	vunpack.i.l.bf16.f32 v55;
	v18 =	vmul.bf16 v21, v18;
	v21 =	vld [tilespmem:s23+$0x7260]  }
0x1c8: {  	v17 =	vadd.f32 v56, v19;
	v19 =	vunpack.i.l.bf16.f32 v57;
	v57 =	vadd.f32 v36, v39;
	v39 =	vld [tilespmem:s23+$0x71F0]  }
0x1c9: {  	v34 =	vunpack.i.l.bf16.f32 v34;
	v19 =	vadd.f32 v19, v60;
	v60 =	vmul.bf16 v45, v44;
	v44 =	vld [tilespmem:s23+$0x99F0]  }
0x1ca: {  	v58 =	vmul.bf16 v43, v42;
	v56 =	vunpack.i.u.bf16.f32 v53;
	v63 =	vunpack.i.u.bf16.f32 v46;
	v45 =	vld [tilespmem:s23+$0x9A00]  }
0x1cb: {  	v46 =	vunpack.i.l.bf16.f32 v46;
	v16 =	vadd.f32 v17, v16;
	v17 =	vmul.bf16 v33, v32;
	v32 =	vld [tilespmem:s23+$0x9970]  }
0x1cc: {  	v19 =	vadd.f32 v19, v24;
	v24 =	vunpack.i.l.bf16.f32 v53;
	v53 =	vadd.f32 v46, v63;
	v46 =	vld [tilespmem:s23+$0x9A50]  }
0x1cd: {  	v40 =	vadd.f32 v40, v59;
	v61 =	vunpack.i.u.bf16.f32 v58;
	v20 =	vmul.bf16 v20, v25;
	v25 =	vld [tilespmem:s23+$0x9A70]  }
0x1ce: {  	v29 =	vmul.bf16 v51, v29;
	v36 =	vunpack.i.l.bf16.f32 v58;
	v23 =	vmul.bf16 v48, v23;
	v48 =	vld [tilespmem:s23+$0x72D0]  }
0x1cf: {  	v62 =	vunpack.i.u.bf16.f32 v60;
	v43 =	vunpack.i.l.bf16.f32 v60;
	v60 =	vmul.bf16 v31, v28;
	v28 =	vld [tilespmem:s23+$0x9AD0]  }
0x1d0: {  	v36 =	vadd.f32 v36, v61;
	v22 =	vmul.bf16 v22, v50;
	v31 =	vld [tilespmem:s23+$0x72E0];
	v63 =	vunpack.i.u.bf16.f32 v29  }
0x1d1: {  	v29 =	vunpack.i.l.bf16.f32 v29;
	v27 =	vmul.bf16 v37, v27;
	v37 =	vld [tilespmem:s23+$0x9B00];
	v52 =	vunpack.i.u.bf16.f32 v17  }
0x1d2: {  	v33 =	vunpack.i.l.bf16.f32 v17;
	v24 =	vadd.f32 v24, v56;
	v42 =	vadd.f32 v43, v62;
	v43 =	vld [tilespmem:s23+$0x7280]  }
0x1d3: {  	v56 =	vunpack.i.u.bf16.f32 v18;
	v17 =	vadd.f32 v49, v19;
	v19 =	vadd.f32 v33, v52;
	v52 =	vld [tilespmem:s23+$0x7250]  }
0x1d4: {  	v18 =	vunpack.i.l.bf16.f32 v18;
	v33 =	vadd.f32 v34, v54;
	v54 =	vadd.f32 v36, v40;
	v36 =	vld [tilespmem:s23+$0x9A60]  }
0x1d5: {  	v50 =	vmul.bf16 v41, v38;
	v29 =	vadd.f32 v29, v63;
	v40 =	vadd.f32 v18, v56;
	v49 =	vld [tilespmem:s23+$0x9A80]  }
0x1d6: {  	v58 =	vunpack.i.u.bf16.f32 v22;
	v22 =	vunpack.i.l.bf16.f32 v22;
	v59 =	vunpack.i.u.bf16.f32 v20;
	v34 =	vld [tilespmem:s23+$0x7300]  }
0x1d7: {  	v20 =	vunpack.i.l.bf16.f32 v20;
	v61 =	vunpack.i.u.bf16.f32 v60;
	v55 =	vadd.f32 v53, v42;
	v42 =	vld [tilespmem:s23+$0x7270]  }
0x1d8: {  	v26 =	vmul.bf16 v35, v26;
	v51 =	vunpack.i.u.bf16.f32 v27;
	v53 =	vmul.bf16 v45, v47;
	v45 =	vld [tilespmem:s23+$0x7360]  }
0x1d9: {  	v27 =	vunpack.i.l.bf16.f32 v27;
	v41 =	vunpack.i.u.bf16.f32 v50;
	v19 =	vadd.f32 v33, v19;
	v33 =	vld [tilespmem:s23+$0x9AE0]  }
0x1da: {  	v24 =	vadd.f32 v57, v24;
	v22 =	vadd.f32 v22, v58;
	v62 =	vmul.bf16 v32, v30;
	v32 =	vld [tilespmem:s23+$0x9AF0]  }
0x1db: {  	v35 =	vunpack.i.u.bf16.f32 v26;
	v26 =	vunpack.i.l.bf16.f32 v26;
	v30 =	vunpack.i.l.bf16.f32 v50;
	v50 =	vld [tilespmem:s23+$0x7370]  }
0x1dc: {  	v57 =	vunpack.i.u.bf16.f32 v23;
	v20 =	vadd.f32 v20, v59;
	v26 =	vadd.f32 v26, v35;
	v35 =	vld [tilespmem:s23+$0x7350]  }
0x1dd: {  	v39 =	vmul.bf16 v44, v39;
	v18 =	vadd.f32 v55, v54;
	v30 =	vadd.f32 v30, v41;
	v41 =	vld [tilespmem:s23+$0x9B60]  }
0x1de: {  	v47 =	vunpack.i.u.bf16.f32 v53;
	v44 =	vunpack.i.l.bf16.f32 v53;
	v63 =	vmul.bf16 v28, v48;
	v28 =	vld [tilespmem:s23+$0x7400]  }
0x1df: {  	v54 =	vunpack.i.u.bf16.f32 v39;
	v39 =	vunpack.i.l.bf16.f32 v39;
	v55 =	vadd.f32 v44, v47;
	v44 =	vld [tilespmem:s23+$0x9B70]  }
0x1e0: {  	v23 =	vunpack.i.l.bf16.f32 v23;
	v27 =	vadd.f32 v27, v51;
	v38 =	vadd.f32 v39, v54;
	v39 =	vld [tilespmem:s23+$0x73D0]  }
0x1e1: {  	v23 =	vadd.f32 v23, v57;
	v19 =	vadd.f32 v24, v19;
	v24 =	vunpack.i.l.bf16.f32 v60;
	v47 =	vld [tilespmem:s23+$0x73F0]  }
0x1e2: {  	v20 =	vadd.f32 v20, v22;
	v22 =	vadd.f32 v24, v61;
	v24 =	vld [tilespmem:s23+$0x72F0]  }
0x1e3: {  	v23 =	vadd.f32 v23, v40;
	v21 =	vmul.bf16 v36, v21;
	v36 =	vld [tilespmem:s23+$0x9B80]  }
0x1e4: {  	v40 =	vunpack.i.u.bf16.f32 v62;
	v56 =	vmul.bf16 v46, v52;
	v27 =	vadd.f32 v30, v27;
	v46 =	vld [tilespmem:s23+$0x9BD0]  }
0x1e5: {  	v43 =	vmul.bf16 v49, v43;
	v49 =	vld [tilespmem:s23+$0x9BE0];
	v48 =	vunpack.i.u.bf16.f32 v63;
	v51 =	vunpack.i.l.bf16.f32 v63  }
0x1e6: {  	v53 =	vmul.bf16 v37, v34;
	v34 =	vld [tilespmem:s23+$0x9C50];
	v20 =	vadd.f32 v20, v23;
	v23 =	vunpack.i.l.bf16.f32 v62  }
0x1e7: {  	v37 =	vld [tilespmem:s23+$0x7460];
	v57 =	vadd.f32 v55, v38;
	v25 =	vmul.bf16 v25, v42;
	v23 =	vadd.f32 v23, v40  }
0x1e8: {  	v42 =	vld [tilespmem:s23+$0x73E0];
	v22 =	vadd.f32 v29, v22;
	v58 =	vunpack.i.u.bf16.f32 v56;
	v59 =	vunpack.i.u.bf16.f32 v21  }
0x1e9: {  	v38 =	vld [tilespmem:s23+$0x7470];
	v21 =	vunpack.i.l.bf16.f32 v21;
	v62 =	vunpack.i.u.bf16.f32 v43;
	v43 =	vunpack.i.l.bf16.f32 v43  }
0x1ea: {  	v40 =	vld [tilespmem:s23+$0x9B50];
	v31 =	vmul.bf16 v33, v31;
	v55 =	vunpack.i.u.bf16.f32 v53;
	v60 =	vadd.f32 v21, v59  }
0x1eb: {  	v29 =	vld [tilespmem:s23+$0x7380];
	v61 =	vunpack.i.u.bf16.f32 v25;
	v25 =	vunpack.i.l.bf16.f32 v25;
	v43 =	vadd.f32 v43, v62  }
0x1ec: {  	v33 =	vld [tilespmem:s23+$0x9C00];
	v21 =	vadd.f32 v57, v27;
	v57 =	vmul.bf16 v41, v45;
	v23 =	vadd.f32 v26, v23  }
0x1ed: {  	v27 =	vld [tilespmem:s23+$0x9BF0];
	v26 =	vunpack.i.l.bf16.f32 v56;
	v25 =	vadd.f32 v25, v61;
	v52 =	vunpack.i.u.bf16.f32 v31  }
0x1ee: {  	v62 =	vld [tilespmem:s23+$0x9C80];
	v31 =	vunpack.i.l.bf16.f32 v31;
	v59 =	vmul.bf16 v44, v50;
	v26 =	vadd.f32 v26, v58  }
0x1ef: {  	v50 =	vld [tilespmem:s23+$0x74D0];
	v24 =	vmul.bf16 v32, v24;
	v30 =	vadd.f32 v31, v52;
	v32 =	vunpack.i.l.bf16.f32 v53  }
0x1f0: {  	v45 =	vunpack.i.u.bf16.f32 v57;
	v31 =	vld [tilespmem:s23+$0x74E0];
	v22 =	vadd.f32 v23, v22;
	v25 =	vadd.f32 v43, v25  }
0x1f1: {  	v56 =	vadd.f32 v32, v55;
	v32 =	vunpack.i.l.bf16.f32 v57;
	v52 =	vmul.bf16 v49, v42;
	v42 =	vld [tilespmem:s23+$0x74F0]  }
0x1f2: {  	v61 =	vunpack.i.u.bf16.f32 v59;
	v43 =	vunpack.i.l.bf16.f32 v59;
	v57 =	vld [tilespmem:s23+$0x9D00];
	v26 =	vadd.f32 v60, v26  }
0x1f3: {  	v49 =	vld [tilespmem:s23+$0x75F0];
	v54 =	vunpack.i.u.bf16.f32 v24;
	v24 =	vunpack.i.l.bf16.f32 v24;
	v35 =	vmul.bf16 v40, v35  }
0x1f4: {  	v40 =	vld [tilespmem:s23+$0x9C60];
	v29 =	vmul.bf16 v36, v29;
	v32 =	vadd.f32 v32, v45;
	v41 =	vadd.f32 v43, v61  }
0x1f5: {  	v60 =	vld [tilespmem:s23+$0x9C70];
	v28 =	vmul.bf16 v33, v28;
	v24 =	vadd.f32 v24, v54;
	v27 =	vmul.bf16 v27, v47  }
0x1f6: {  	v36 =	vld [tilespmem:s23+$0x7480];
	v54 =	vunpack.i.u.bf16.f32 v52;
	v23 =	vadd.f32 v25, v26;
	v25 =	vadd.f32 v51, v48  }
0x1f7: {  	v43 =	vld [tilespmem:s23+$0x9CD0];
	v58 =	vunpack.i.u.bf16.f32 v35;
	v35 =	vunpack.i.l.bf16.f32 v35;
	v63 =	vunpack.i.u.bf16.f32 v29  }
0x1f8: {  	v33 =	vld [tilespmem:s23+$0x9CF0];
	v29 =	vunpack.i.l.bf16.f32 v29;
	v51 =	vmul.bf16 v46, v39;
	v35 =	vadd.f32 v35, v58  }
0x1f9: {  	v61 =	vld [tilespmem:s23+$0x9D70];
	v29 =	vadd.f32 v29, v63;
	v24 =	vadd.f32 v56, v24;
	v55 =	vunpack.i.u.bf16.f32 v27  }
0x1fa: {  	v47 =	vld [tilespmem:s23+$0x75E0];
	v27 =	vunpack.i.l.bf16.f32 v27;
	v56 =	vunpack.i.u.bf16.f32 v28;
	v28 =	vunpack.i.l.bf16.f32 v28  }
0x1fb: {  	v26 =	vld [tilespmem:s23+$0x7450];
	v25 =	vadd.f32 v30, v25;
	v53 =	vunpack.i.u.bf16.f32 v51;
	v27 =	vadd.f32 v27, v55  }
0x1fc: {  	v39 =	vld [tilespmem:s23+$0x9CE0];
	v30 =	vunpack.i.l.bf16.f32 v51;
	v28 =	vadd.f32 v28, v56;
	v32 =	vadd.f32 v32, v35  }
0x1fd: {  	v46 =	vld [tilespmem:s23+$0x7500];
	v29 =	vadd.f32 v29, v41;
	v35 =	vunpack.i.l.bf16.f32 v52;
	v59 =	vmul.bf16 v40, v37  }
0x1fe: {  	v63 =	vld [tilespmem:s23+$0x7580];
	v30 =	vadd.f32 v30, v53;
	v60 =	vmul.bf16 v60, v38;
	v36 =	vmul.bf16 v62, v36  }
0x1ff: {  	v55 =	vld [tilespmem:s23+$0x9DD0];
	v43 =	vmul.bf16 v43, v50;
	v35 =	vadd.f32 v35, v54;
	v24 =	vadd.f32 v24, v25  }
0x200: {  	v41 =	vld [tilespmem:s23+$0x7550];
	v33 =	vmul.bf16 v33, v42;
	v27 =	vadd.f32 v28, v27;
	v25 =	vadd.f32 v29, v32  }
0x201: {  	v52 =	vld [tilespmem:s23+$0x9D80];
	v26 =	vmul.bf16 v34, v26;
	v37 =	vunpack.i.u.bf16.f32 v59;
	v34 =	vunpack.i.l.bf16.f32 v59  }
0x202: {  	v53 =	vld [tilespmem:s23+$0x75D0];
	v62 =	vunpack.i.u.bf16.f32 v60;
	v51 =	vunpack.i.u.bf16.f32 v36;
	v36 =	vunpack.i.l.bf16.f32 v36  }
0x203: {  	v38 =	vld [tilespmem:s23+$0x7650];
	v31 =	vmul.bf16 v39, v31;
	v54 =	vunpack.i.u.bf16.f32 v43;
	v43 =	vunpack.i.l.bf16.f32 v43  }
0x204: {  	v28 =	vld [tilespmem:s23+$0x7560];
	v46 =	vmul.bf16 v57, v46;
	v57 =	vunpack.i.u.bf16.f32 v33;
	v30 =	vadd.f32 v35, v30  }
0x205: {  	v29 =	vld [tilespmem:s23+$0x9D50];
	v33 =	vunpack.i.l.bf16.f32 v33;
	v34 =	vadd.f32 v34, v37;
	v36 =	vadd.f32 v36, v51  }
0x206: {  	v32 =	vld [tilespmem:s23+$0x7570];
	v39 =	vadd.f32 v43, v54;
	v33 =	vadd.f32 v33, v57;
	v58 =	vunpack.i.u.bf16.f32 v26  }
0x207: {  	v35 =	vld [tilespmem:s23+$0x9D60];
	v26 =	vunpack.i.l.bf16.f32 v26;
	v56 =	vunpack.i.u.bf16.f32 v31;
	v31 =	vunpack.i.l.bf16.f32 v31  }
0x208: {  	v51 =	vld [tilespmem:s23+$0x7670];
	v48 =	vunpack.i.u.bf16.f32 v46;
	v46 =	vunpack.i.l.bf16.f32 v46;
	v27 =	vadd.f32 v27, v30  }
0x209: {  	v54 =	vld [tilespmem:s23+$0x9E70];
	v26 =	vadd.f32 v26, v58;
	v30 =	vunpack.i.l.bf16.f32 v60;
	v31 =	vadd.f32 v31, v56  }
0x20a: {  	v58 =	vld [tilespmem:s23+$0x9DE0];
	v59 =	vadd.f32 v46, v48;
	v40 =	vmul.bf16 v52, v63;
	v53 =	vmul.bf16 v55, v53  }
0x20b: {  	v46 =	vld [tilespmem:s23+$0x9DF0];
	v30 =	vadd.f32 v30, v62;
	v26 =	vadd.f32 v34, v26;
	v29 =	vmul.bf16 v29, v41  }
0x20c: {  	v48 =	vld [tilespmem:s23+$0x9E60];
	v31 =	vadd.f32 v31, v39;
	v33 =	vadd.f32 v59, v33;
	v32 =	vmul.bf16 v61, v32  }
0x20d: {  	v56 =	vld [tilespmem:s23+$0x7680];
	v63 =	vunpack.i.u.bf16.f32 v40;
	v40 =	vunpack.i.l.bf16.f32 v40;
	v57 =	vunpack.i.u.bf16.f32 v53  }
0x20e: {  	v34 =	vld [tilespmem:s23+$0x7600];
	v30 =	vadd.f32 v36, v30;
	v28 =	vmul.bf16 v35, v28;
	v50 =	vadd.f32 v40, v63  }
0x20f: {  	v41 =	vld [tilespmem:s23+$0x9E50];
	v60 =	vunpack.i.u.bf16.f32 v29;
	v29 =	vunpack.i.l.bf16.f32 v29;
	v62 =	vunpack.i.u.bf16.f32 v32  }
0x210: {  	v39 =	vld [tilespmem:s23+$0x7660];
	v32 =	vunpack.i.l.bf16.f32 v32;
	v52 =	vadd.f32 v33, v31;
	v31 =	vunpack.i.l.bf16.f32 v53  }
0x211: {  	v59 =	vld [tilespmem:s23+$0x9E80];
	v33 =	vmul.bf16 v54, v51;
	v61 =	vunpack.i.u.bf16.f32 v28;
	v29 =	vadd.f32 v29, v60  }
0x212: {  	v35 =	vld [tilespmem:s23+$0x9E00];
	v28 =	vunpack.i.l.bf16.f32 v28;
	v32 =	vadd.f32 v32, v62;
	v26 =	vadd.f32 v30, v26  }
0x213: {  	v58 =	vmul.bf16 v58, v47;
	v60 =	vadd.f32 v31, v57;
	v28 =	vadd.f32 v28, v61  }
0x214: {  	[tilespmem:$0x11680] =	vst v16;
	v61 =	vmul.bf16 v46, v49;
	v42 =	vunpack.i.u.bf16.f32 v33;
	v43 =	vunpack.i.l.bf16.f32 v33  }
0x215: {  	[tilespmem:$0x11690] =	vst v17;
	v55 =	vadd.f32 v50, v32;
	v17 =	vunpack.i.u.bf16.f32 v58;
	v63 =	vmul.bf16 v41, v38  }
0x216: {  	[tilespmem:$0x116A0] =	vst v19;
	v62 =	vunpack.i.l.bf16.f32 v58;
	v37 =	vmul.bf16 v48, v39;
	v32 =	vmul.bf16 v59, v56  }
0x217: {  	[tilespmem:$0x116E0] =	vst v21;
	v21 =	vadd.f32 v43, v42;
	v28 =	vadd.f32 v28, v29;
	v16 =	vmul.bf16 v35, v34  }
0x218: {  	[tilespmem:$0x116B0] =	vst v18;
	v17 =	vadd.f32 v62, v17;
	v35 =	vunpack.i.u.bf16.f32 v61;
	v31 =	vunpack.i.l.bf16.f32 v61  }
0x219: {  	[tilespmem:$0x116C0] =	vst v20;
	v19 =	vadd.f32 v31, v35;
	v38 =	vunpack.i.u.bf16.f32 v63;
	v39 =	vunpack.i.l.bf16.f32 v63  }
0x21a: {  	[tilespmem:$0x116D0] =	vst v22;
	v41 =	vunpack.i.u.bf16.f32 v37;
	v18 =	vunpack.i.l.bf16.f32 v37;
	v44 =	vunpack.i.u.bf16.f32 v32  }
0x21b: {  	[tilespmem:$0x116F0] =	vst v23;
	v28 =	vadd.f32 v55, v28;
	v36 =	vunpack.i.u.bf16.f32 v16;
	v16 =	vunpack.i.l.bf16.f32 v16  }
0x21c: {  	[tilespmem:$0x11700] =	vst v24;
	v45 =	vunpack.i.l.bf16.f32 v32;
	v20 =	vadd.f32 v39, v38;
	v16 =	vadd.f32 v16, v36  }
0x21d: {  	[tilespmem:$0x11710] =	vst v25;
	v18 =	vadd.f32 v18, v41;
	v46 =	vadd.f32 v45, v44  }
0x21e: {  	[tilespmem:$0x11720] =	vst v27;
	v17 =	vadd.f32 v17, v60;
	v16 =	vadd.f32 v16, v19  }
0x21f: {  	[tilespmem:$0x11740] =	vst v52;
	v18 =	vadd.f32 v18, v20;
	v47 =	vadd.f32 v46, v21  }
0x220: {  	[tilespmem:$0x11730] =	vst v26;
	v16 =	vadd.f32 v16, v17  }
0x221: {  	[tilespmem:$0x11750] =	vst v28;
	v17 =	vadd.f32 v47, v18  }
0x222: {  	[tilespmem:$0x11760] =	vst v16  }
0x223: {  	[tilespmem:$0x11770] =	vst v17  }
0x224: {  	v16 =	vld.idx.msk [tilespmem:v0+s17+$0x0], $0xffff  }
0x225: {  	v17 =	vld.idx.msk [tilespmem:v1+s17+$0x0], $0xffff  }
0x226: {  	v48 =	vld.idx.msk [tilespmem:v2+s17+$0x0], $0xffff  }
0x227: {  	v49 =	vld.idx.msk [tilespmem:v3+s17+$0x0], $0xffff  }
0x228: {  	v50 =	vld.idx.msk [tilespmem:v4+s17+$0x0], $0xffff  }
0x229: {  	v51 =	vld.idx.msk [tilespmem:v5+s17+$0x0], $0xffff  }
0x22a: {  	v52 =	vld.idx.msk [tilespmem:v6+s17+$0x0], $0xffff  }
0x22b: {  	v53 =	vld.idx.msk [tilespmem:v7+s17+$0x0], $0xffff  }
0x22c: {  	v24 =	vld.idx.msk [tilespmem:v8+s17+$0x0], $0xffff  }
0x22d: {  	v25 =	vld.idx.msk [tilespmem:v9+s17+$0x0], $0xffff  }
0x22e: {  	v26 =	vld.idx.msk [tilespmem:v10+s17+$0x0], $0xffff  }
0x22f: {  	v27 =	vld.idx.msk [tilespmem:v11+s17+$0x0], $0xffff  }
0x230: {  	v28 =	vld.idx.msk [tilespmem:v12+s17+$0x0], $0xffff  }
0x231: {  	v54 =	vld.idx.msk [tilespmem:v13+s17+$0x0], $0xffff  }
0x232: {  	v30 =	vld.idx.msk [tilespmem:v14+s17+$0x0], $0xffff  }
0x233: {  	v55 =	vld.idx.msk [tilespmem:v15+s17+$0x0], $0xffff;
	_ =	sdelay $0x1  }
0x234: {  	v16 =	vadd.f32 v17, v16;
	v17 =	vadd.f32 v49, v48  }
0x235: {  	v56 =	vadd.f32 v51, v50;
	v57 =	vadd.f32 v53, v52  }
0x236: {  	v58 =	vadd.f32 v25, v24;
	v59 =	vadd.f32 v27, v26  }
0x237: {  	v60 =	vadd.f32 v54, v28;
	v61 =	vadd.f32 v55, v30  }
0x238: {  	v16 =	vadd.f32 v17, v16;
	v17 =	vadd.f32 v57, v56  }
0x239: {  	v62 =	vadd.f32 v59, v58;
	v63 =	vadd.f32 v61, v60  }
0x23a: {  	p0 =	sne.s32 s21, $0x9EC0  }
.Ltmp3:
0x23b: {  	v16 =	vadd.f32 v17, v16;
	v17 =	vadd.f32 v63, v62;
	(pc) =	sbr.rel @p0 .LBB2_8-.Ltmp3, $3  }
0x23c: {  	_ = 	snop  }
0x23d: {  	v16 =	vadd.f32 v17, v16;
	_ =	sdelay $0x1  }
0x23e: {  	s21 =	sadd.s32 $0x2000, s21;
	[tilespmem:s22+$0x0] =	vst v16;
	s22 =	sadd.s32 $0x10, s22  }
0x23f: {  	s20 =	sadd.s32 $0x1, s20  }
0x240: {  	p0 =	sne.s32 s20, s8  }
.Ltmp4:
0x241: {  	_ = 	snop;
	(pc) =	sbr.rel @p0 .LBB2_1-.Ltmp4, $4  }
0x242: {  	[hbm4b:s7+s2] =	stream.linear.scatter [tilespmem:s19], [sflag:$0x3], $0x2710, $0x38;
	[tilespmem:$0x11780] =	vst v63  }
0x243: {  	_ =	swait.ge [sflag:s9], $0x2710  }
0x244: {  	[sflag:s9] =	ssyncset.done $0x0  }
0x245: {  	[sflag:s9] =	ssyncadd.s32 $0xFFFFD8F0  }
0x246: {  	_ =	sfence.sel $0x180000  }
0x247: {  	[bflag:$0x0] =	sbarrier.arrive $0xFFFF  }
0x248: {  	p0 =	sne.s32 s0, $0x0;
	_ =	strace $0x90000047  }
0x249: {  	s0 =	sadd.s32 @!p0 $0x100000, s1;
	[bflag:$0x2] =	sbarrier.arrive $0xFFFF  }
0x24a: {  	[sflag:s0] =	ssyncadd.tile.s32 @!p0 $0x1;
	_ =	shalt  }
.Lfunc_end2:
_tile_overlayer_lowered:
.L_overlay_start_2:
0x24b: {  	(tag) =	ssettag $0x2  }
0x24c: {  	s0 =	rddreg [dreg:$0x0];
	s2 =	stileid.u32  }
0x24d: {  	s1 =	rddreg [dreg:$0x1];
	p0 =	sne.s32 s2, $0x0  }
0x24e: {  	s3 =	rddreg [dreg:$0x2];
	[bflag:$0x3] =	sbarrier.arrive $0xFFFF;
	s2 =	simm.s32 @!p0 $0x1C03  }
0x24f: {  	[timem:s3], [sflag:s2] =	dma.local @!p0 [hbm:s0], s1  }
0x250: {  	s0 =	simm.s32 @!p0 $0x3  }
0x251: {  	_ =	swait.ge @!p0 [sflag:s0], s1  }
0x252: {  	s1 =	ssub.s32 @!p0 $0x0, s1;
	[sflag:s0] =	ssyncset.done @!p0 $0x0  }
0x253: {  	[sflag:s0] =	ssyncadd.s32 @!p0 s1  }
0x254: {  	[bflag:$0x3] =	sbarrier.arrive $0xFFFF  }
0x255: {  	_ =	shalt  }

</sc_bundles>
